<compile_context>
chip_gen: v7x
topology: tpu7x:2x2x1
jax: 0.10.2.dev20260603
libtpu: 0.0.44.dev20260713+nightly
codegen_flags: <defaults>
</compile_context>

<pallas_src>
import functools

import jax
import jax.numpy as jnp
from jax import lax
from jax.experimental import pallas as pl
from jax.experimental.pallas import tpu as pltpu
from jax.experimental.pallas import tpu_sc as plsc

B, S, D_IN, D_OUT = 4, 32, 512, 512
N_ROWS = B * S
CAP = 96
BIG = 1e30
L = 16
NC, NS = 2, 16
TASKS_PER_SC = N_ROWS // NC
TASKS_PER_TILE = TASKS_PER_SC // NS
COLS_PER_TILE = D_OUT // NS


def _prep_body(w_ref, out_ref):
    out_ref[...] = jnp.full((8, 128), jnp.max(jnp.abs(w_ref[...])), jnp.float32)


def _wabs_max(W):
    return pl.pallas_call(
        _prep_body,
        out_shape=jax.ShapeDtypeStruct((8, 128), jnp.float32),
    )(W)


def _insert8(regs, v):
    out = []
    for r in regs:
        lo = jnp.minimum(r, v)
        v = jnp.maximum(r, v)
        out.append(lo)
    return out


def _shuffle(buf, v, idx):
    buf[...] = v
    return plsc.load_gather(buf, [idx])


def _sort16(buf, v):
    iota = lax.iota(jnp.int32, L)
    for k in (2, 4, 8, 16):
        j = k // 2
        while j >= 1:
            p = _shuffle(buf, v, iota ^ j)
            a_blk = (iota & k) == 0
            lower = (iota & j) == 0
            cond = a_blk == lower
            v = jnp.where(cond, jnp.minimum(v, p), jnp.maximum(v, p))
            j //= 2
    return v


def _prefix_sum16(buf, v):
    iota = lax.iota(jnp.int32, L)
    for d in (1, 2, 4, 8):
        sh = _shuffle(buf, v, jnp.maximum(iota - d, 0))
        v = v + jnp.where(iota >= d, sh, 0)
    return v


def _sum8(regs):
    s = regs[0]
    for r in regs[1:]:
        s = s + r
    return s * 0.125


def _sc_body(x_hbm, wt_hbm, stat_hbm, outp_hbm, outn_hbm,
             xv4, statv, sortv, ibuf, alist, slist, idxv,
             sh_a, sh_s, sh_i, sh_c,
             wtv, a2, s2, i2, c2, outpb, outnb, semw, semx):
    cid = lax.axis_index("c")
    sid = lax.axis_index("s")
    task_base = cid * TASKS_PER_SC + sid * TASKS_PER_TILE

    hw = pltpu.async_copy(
        wt_hbm.at[pl.ds(sid * COLS_PER_TILE * D_IN, COLS_PER_TILE * D_IN)],
        wtv, semw)
    hx = pltpu.async_copy(x_hbm.at[pl.ds(task_base, TASKS_PER_TILE)], xv4, semx)

    pltpu.sync_copy(stat_hbm, statv)
    spreadv = 2.0 * statv[...]
    iota = lax.iota(jnp.int32, L)
    idx7 = jnp.full((L,), 7, jnp.int32)
    idx15 = jnp.full((L,), 15, jnp.int32)
    zeros_i = jnp.zeros((L,), jnp.int32)
    bigv = jnp.full((L,), BIG, jnp.float32)
    onev = jnp.full((L,), 1.0, jnp.float32)

    hx.wait()

    for t in range(TASKS_PER_TILE):
        task_local = sid * TASKS_PER_TILE + t

        for k in range(CAP // L):
            idxv[pl.ds(k * L, L)] = zeros_i
            alist[pl.ds(k * L, L)] = bigv
            slist[pl.ds(k * L, L)] = onev

        def passa(j, lmin, t=t):
            xj = xv4[t, pl.ds(j * L, L)]
            lmin = jnp.minimum(lmin, jnp.maximum(3.0 + xj, 0.0))
            lmin = jnp.minimum(lmin, jnp.maximum(3.0 - xj, 0.0))
            return lmin

        lmin = plsc.parallel_loop(0, D_IN // L, unroll=2, carry=bigv)(passa)
        ks = _sort16(sortv, lmin)
        ub8 = _shuffle(sortv, ks, idx7)
        tauv = ub8 + spreadv

        def passb(j, offv, t=t):
            xj = xv4[t, pl.ds(j * L, L)]
            idx16 = iota + j * L
            for sgn in (1.0, -1.0):
                aval = jnp.maximum(3.0 + sgn * xj, 0.0)
                msk = aval <= tauv
                mi = msk.astype(jnp.int32)
                cs = _prefix_sum16(ibuf, mi)
                pos = offv + cs - mi
                okm = jnp.logical_and(msk, pos < CAP)
                plsc.store_scatter(alist, [pos], aval, mask=okm)
                plsc.store_scatter(slist, [pos],
                                   jnp.full((L,), sgn, jnp.float32), mask=okm)
                plsc.store_scatter(idxv, [pos], idx16, mask=okm)
                offv = offv + _shuffle(ibuf, cs, idx15)
            return offv

        offv = plsc.parallel_loop(0, D_IN // L, unroll=2, carry=zeros_i)(passb)
        ibuf[...] = jnp.minimum(offv, CAP)

        pltpu.sync_copy(alist, sh_a.at[pl.ds(task_local * CAP, CAP)])
        pltpu.sync_copy(slist, sh_s.at[pl.ds(task_local * CAP, CAP)])
        pltpu.sync_copy(idxv, sh_i.at[pl.ds(task_local * CAP, CAP)])
        pltpu.sync_copy(ibuf, sh_c.at[pl.ds(task_local * L, L)])

    plsc.subcore_barrier()

    pltpu.sync_copy(sh_a, a2)
    pltpu.sync_copy(sh_s, s2)
    pltpu.sync_copy(sh_i, i2)
    pltpu.sync_copy(sh_c, c2)
    hw.wait()

    colb0 = iota * D_IN
    colb1 = (iota + L) * D_IN

    def task_loop(tl, _):
        n_t = jnp.minimum(c2[pl.ds(tl * L, L)][0], CAP)

        def body(r, regs4):
            rsplat = jnp.broadcast_to(tl * CAP + r, (L,)).astype(jnp.int32)
            a16 = plsc.load_gather(a2, [rsplat])
            s16 = plsc.load_gather(s2, [rsplat])
            i16 = plsc.load_gather(i2, [rsplat])
            w0 = plsc.load_gather(wtv, [colb0 + i16])
            w1 = plsc.load_gather(wtv, [colb1 + i16])
            sw0 = s16 * w0
            sw1 = s16 * w1
            cp0 = a16 + jnp.maximum(3.0 + sw0, 0.0)
            cn0 = a16 + jnp.maximum(3.0 - sw0, 0.0)
            cp1 = a16 + jnp.maximum(3.0 + sw1, 0.0)
            cn1 = a16 + jnp.maximum(3.0 - sw1, 0.0)
            return (_insert8(regs4[0], cp0), _insert8(regs4[1], cn0),
                    _insert8(regs4[2], cp1), _insert8(regs4[3], cn1))

        init = ([bigv] * 8, [bigv] * 8, [bigv] * 8, [bigv] * 8)
        p0, n0, p1, n1 = plsc.parallel_loop(0, n_t, unroll=2, carry=init)(
            lambda r, regs4: body(r, regs4))
        outpb[tl, pl.ds(0, L)] = _sum8(p0)
        outnb[tl, pl.ds(0, L)] = _sum8(n0)
        outpb[tl, pl.ds(L, L)] = _sum8(p1)
        outnb[tl, pl.ds(L, L)] = _sum8(n1)
        return 0

    plsc.parallel_loop(0, TASKS_PER_SC)(lambda tl: task_loop(tl, 0))

    row0 = cid * TASKS_PER_SC
    cpad = sid * 128
    pltpu.sync_copy(outpb, outp_hbm.at[pl.ds(row0, TASKS_PER_SC),
                                       pl.ds(cpad, 128)])
    pltpu.sync_copy(outnb, outn_hbm.at[pl.ds(row0, TASKS_PER_SC),
                                       pl.ds(cpad, 128)])


def kernel(input, W):
    x2 = input.reshape(N_ROWS, D_IN)
    wt = W.T.reshape(-1)
    stat16 = _wabs_max(W)[0, :L]

    mesh = plsc.VectorSubcoreMesh(core_axis_name="c", subcore_axis_name="s",
                                  num_cores=NC)
    sc = functools.partial(
        pl.kernel,
        mesh=mesh,
        compiler_params=pltpu.CompilerParams(needs_layout_passes=False),
        out_type=[
            jax.ShapeDtypeStruct((N_ROWS, NS * 128), jnp.float32),
            jax.ShapeDtypeStruct((N_ROWS, NS * 128), jnp.float32),
        ],
        scratch_types=[
            pltpu.VMEM((TASKS_PER_TILE, D_IN), jnp.float32),
            pltpu.VMEM((L,), jnp.float32),
            pltpu.VMEM((L,), jnp.float32),
            pltpu.VMEM((L,), jnp.int32),
            pltpu.VMEM((CAP,), jnp.float32),
            pltpu.VMEM((CAP,), jnp.float32),
            pltpu.VMEM((CAP,), jnp.int32),
            pltpu.VMEM_SHARED((TASKS_PER_SC * CAP,), jnp.float32),
            pltpu.VMEM_SHARED((TASKS_PER_SC * CAP,), jnp.float32),
            pltpu.VMEM_SHARED((TASKS_PER_SC * CAP,), jnp.int32),
            pltpu.VMEM_SHARED((TASKS_PER_SC * L,), jnp.int32),
            pltpu.VMEM((COLS_PER_TILE * D_IN,), jnp.float32),
            pltpu.VMEM((TASKS_PER_SC * CAP,), jnp.float32),
            pltpu.VMEM((TASKS_PER_SC * CAP,), jnp.float32),
            pltpu.VMEM((TASKS_PER_SC * CAP,), jnp.int32),
            pltpu.VMEM((TASKS_PER_SC * L,), jnp.int32),
            pltpu.VMEM((TASKS_PER_SC, 128), jnp.float32),
            pltpu.VMEM((TASKS_PER_SC, 128), jnp.float32),
            pltpu.SemaphoreType.DMA,
            pltpu.SemaphoreType.DMA,
        ],
    )(_sc_body)
    outp, outn = sc(x2, wt, stat16)
    outp = outp.reshape(N_ROWS, NS, 128)[:, :, :COLS_PER_TILE]
    outn = outn.reshape(N_ROWS, NS, 128)[:, :, :COLS_PER_TILE]
    return outp.reshape(B, S, D_OUT), outn.reshape(B, S, D_OUT)

# --- scband reference (transcript-rebuilt; emitter-appended) ---
"""Pipeline reference for scband-k-layer-opt-15831249453133 (READ-ONLY COPY).

The authoritative reference and input builder live on the scoring server;
editing this copy changes nothing except your own understanding.
"""

import jax, jax.numpy as jnp
import numpy as np

GAMMA = 8
B, S, D_IN, D_OUT = 4, 32, 512, 512


def setup_inputs(seed: int = 0) -> dict:
    key = jax.random.key(seed)
    k1, k2 = jax.random.split(key)
    x = jax.random.normal(k1, (B, S, D_IN), dtype=jnp.float32)
    std = float(np.sqrt(2.0 / (D_IN + D_OUT)))  # xavier_normal_ gain=1.0
    W = jnp.clip(jax.random.normal(k2, (D_IN, D_OUT), dtype=jnp.float32) * std, -3.0, 3.0)
    return {"input": x, "W": W}


def _smallest_k(t, k):
    # torch.topk(..., dim=2, largest=False): k smallest values along axis 2.
    tt = jnp.moveaxis(t, 2, -1)
    neg_vals, _ = jax.lax.top_k(-tt, k)
    return jnp.moveaxis(-neg_vals, -1, 2)


def _spikeK(sorted_in, gamma):
    if gamma == 0 or gamma == 1:
        # torch.kthvalue(sorted_in, 1, dim=2) == min along dim 2
        return jnp.min(sorted_in, axis=2)
    thr = _smallest_k(sorted_in, gamma)
    return jnp.sum(thr, axis=2) / gamma


def reference(input, W):
    inp = input[..., None]              # [B, S, D_IN, 1]
    inputp = jax.nn.relu(3.0 + inp)
    inputn = jax.nn.relu(3.0 - inp)
    Wp = jax.nn.relu(3.0 + W)           # [D_IN, D_OUT]
    Wn = jax.nn.relu(3.0 - W)
    # gamma > 0 path (sparse=False)
    zpp = _smallest_k(inputp + Wp, GAMMA)   # [B, S, GAMMA, D_OUT]
    znp = _smallest_k(inputn + Wn, GAMMA)
    zpn = _smallest_k(inputp + Wn, GAMMA)
    znn = _smallest_k(inputn + Wp, GAMMA)
    zP = jnp.concatenate([zpp, znp], axis=2)  # [B, S, 2*GAMMA, D_OUT]
    zN = jnp.concatenate([zpn, znn], axis=2)
    tzP = _spikeK(zP, GAMMA)            # [B, S, D_OUT]
    tzN = _spikeK(zN, GAMMA)
    return (tzP, tzN)

if __name__ == "__main__":
    import jax
    _d = setup_inputs()
    print(jax.jit(kernel)(*tuple(_d.values())))

</pallas_src>

<mosaic_0001>
#map = affine_map<(d0, d1) -> (0, 0)>
#map1 = affine_map<(d0, d1) -> (0)>
module attributes {stable_mosaic.version = 14 : i64} {
  func.func @_sc_body(%arg0: i32, %arg1: i32, %arg2: memref<128x512xf32, #tpu.memory_space<hbm>>, %arg3: memref<262144xf32, #tpu.memory_space<hbm>>, %arg4: memref<16xf32, #tpu.memory_space<hbm>>, %arg5: memref<128x2048xf32, #tpu.memory_space<hbm>>, %arg6: memref<128x2048xf32, #tpu.memory_space<hbm>>, %arg7: memref<4x512xf32, #tpu.memory_space<vmem>>, %arg8: memref<16xf32, #tpu.memory_space<vmem>>, %arg9: memref<16xf32, #tpu.memory_space<vmem>>, %arg10: memref<16xi32, #tpu.memory_space<vmem>>, %arg11: memref<96xf32, #tpu.memory_space<vmem>>, %arg12: memref<96xf32, #tpu.memory_space<vmem>>, %arg13: memref<96xi32, #tpu.memory_space<vmem>>, %arg14: memref<6144xf32, #tpu.memory_space<vmem_shared>>, %arg15: memref<6144xf32, #tpu.memory_space<vmem_shared>>, %arg16: memref<6144xi32, #tpu.memory_space<vmem_shared>>, %arg17: memref<1024xi32, #tpu.memory_space<vmem_shared>>, %arg18: memref<16384xf32, #tpu.memory_space<vmem>>, %arg19: memref<6144xf32, #tpu.memory_space<vmem>>, %arg20: memref<6144xf32, #tpu.memory_space<vmem>>, %arg21: memref<6144xi32, #tpu.memory_space<vmem>>, %arg22: memref<1024xi32, #tpu.memory_space<vmem>>, %arg23: memref<64x128xf32, #tpu.memory_space<vmem>>, %arg24: memref<64x128xf32, #tpu.memory_space<vmem>>, %arg25: memref<!tpu.dma_semaphore, #tpu.memory_space<semaphore_mem>>, %arg26: memref<!tpu.dma_semaphore, #tpu.memory_space<semaphore_mem>>) attributes {dimension_semantics = [#tpu.dimension_semantics<core_parallel>, #tpu.dimension_semantics<subcore_parallel>], iteration_bounds = array<i64: 2, 16>, scalar_prefetch = 0 : i64, scratch_operands = 20 : i64, tpu.core_type = #tpu.core_type<sc_vector_subcore>, window_params = [{transform_indices = #map}, {transform_indices = #map1}, {transform_indices = #map1}, {transform_indices = #map}, {transform_indices = #map}]} {
    %mul3A = arith.constant 64 : i32
    %mul3A_0 = arith.muli %arg0, %mul3A : i32
    %mul3A_1 = arith.constant 4 : i32
    %mul3A_2 = arith.muli %arg1, %mul3A_1 : i32
    %add3A = arith.addi %mul3A_0, %mul3A_2 : i32
    %mul3A_3 = arith.constant 32 : i32
    %mul3A_4 = arith.muli %arg1, %mul3A_3 : i32
    %mul3A_5 = arith.constant 512 : i32
    %mul3A_6 = arith.muli %mul3A_4, %mul3A_5 : i32
    %dma_start3A = tpu.memref_slice %arg3[%mul3A_6] : memref<262144xf32, #tpu.memory_space<hbm>> -> memref<16384xf32, #tpu.memory_space<hbm>>
    %dma_start3A_7 = tpu.memref_slice %arg3[%mul3A_6] : memref<262144xf32, #tpu.memory_space<hbm>> -> memref<16384xf32, #tpu.memory_space<hbm>>
    tpu.enqueue_dma source(%dma_start3A_7 : memref<16384xf32, #tpu.memory_space<hbm>>) target(%arg18 : memref<16384xf32, #tpu.memory_space<vmem>>) target_semaphore(%arg25 : memref<!tpu.dma_semaphore, #tpu.memory_space<semaphore_mem>>)
    %dma_start3A_8 = arith.constant 0 : i32
    %dma_start3A_9 = tpu.memref_slice %arg2[%add3A, %dma_start3A_8] : memref<128x512xf32, #tpu.memory_space<hbm>> -> memref<4x512xf32, #tpu.memory_space<hbm>>
    %dma_start3A_10 = arith.constant 0 : i32
    %dma_start3A_11 = tpu.memref_slice %arg2[%add3A, %dma_start3A_10] : memref<128x512xf32, #tpu.memory_space<hbm>> -> memref<4x512xf32, #tpu.memory_space<hbm>>
    tpu.enqueue_dma source(%dma_start3A_11 : memref<4x512xf32, #tpu.memory_space<hbm>>) target(%arg7 : memref<4x512xf32, #tpu.memory_space<vmem>>) target_semaphore(%arg26 : memref<!tpu.dma_semaphore, #tpu.memory_space<semaphore_mem>>)
    "tpu.region"() ({
      %run_scoped3A = tpu.sem_alloc : memref<!tpu.dma_semaphore, #tpu.memory_space<semaphore_mem>>
      tpu.enqueue_dma source(%arg4 : memref<16xf32, #tpu.memory_space<hbm>>) target(%arg8 : memref<16xf32, #tpu.memory_space<vmem>>) target_semaphore(%run_scoped3A : memref<!tpu.dma_semaphore, #tpu.memory_space<semaphore_mem>>)
      tpu.wait_dma2 semaphore(%run_scoped3A : memref<!tpu.dma_semaphore, #tpu.memory_space<semaphore_mem>>) src(%arg4 : memref<16xf32, #tpu.memory_space<hbm>>) dst(%arg8 : memref<16xf32, #tpu.memory_space<vmem>>)
      tpu.yield
    }) : () -> ()
    %get3A = arith.constant 0 : index
    %get3A_12 = tpu.vector_load %arg8[%get3A] {strides = array<i32>} : memref<16xf32, #tpu.memory_space<vmem>>, vector<16xf32>,
    %mul3A_13 = arith.constant 2.000000e+00 : f32
    %mul3A_14 = vector.broadcast %mul3A_13 : f32 to vector<16xf32>
    %mul3A_15 = arith.mulf %mul3A_14, %get3A_12 : vector<16xf32>
    %iota3A = tpu.iota {dimensions = array<i32: 0>} : vector<16xi32>
    %broadcast_in_dim3A = arith.constant 7 : i32
    %broadcast_in_dim3A_16 = vector.broadcast %broadcast_in_dim3A : i32 to vector<16xi32>
    %broadcast_in_dim3A_17 = arith.constant 15 : i32
    %broadcast_in_dim3A_18 = vector.broadcast %broadcast_in_dim3A_17 : i32 to vector<16xi32>
    %broadcast_in_dim3A_19 = arith.constant 0 : i32
    %broadcast_in_dim3A_20 = vector.broadcast %broadcast_in_dim3A_19 : i32 to vector<16xi32>
    %broadcast_in_dim3A_21 = arith.constant 1.000000e+30 : f32
    %broadcast_in_dim3A_22 = vector.broadcast %broadcast_in_dim3A_21 : f32 to vector<16xf32>
    %broadcast_in_dim3A_23 = arith.constant 1.000000e+00 : f32
    %broadcast_in_dim3A_24 = vector.broadcast %broadcast_in_dim3A_23 : f32 to vector<16xf32>
    %dma_wait3A = arith.constant 0 : i32
    %dma_wait3A_25 = tpu.memref_slice %arg2[%add3A, %dma_wait3A] : memref<128x512xf32, #tpu.memory_space<hbm>> -> memref<4x512xf32, #tpu.memory_space<hbm>>
    %dma_wait3A_26 = arith.constant 0 : i32
    %dma_wait3A_27 = tpu.memref_slice %arg2[%add3A, %dma_wait3A_26] : memref<128x512xf32, #tpu.memory_space<hbm>> -> memref<4x512xf32, #tpu.memory_space<hbm>>
    tpu.wait_dma2 semaphore(%arg26 : memref<!tpu.dma_semaphore, #tpu.memory_space<semaphore_mem>>) src(%dma_wait3A_27 : memref<4x512xf32, #tpu.memory_space<hbm>>) dst(%arg7 : memref<4x512xf32, #tpu.memory_space<vmem>>)
    %mul3A_28 = arith.constant 4 : i32
    %mul3A_29 = arith.muli %arg1, %mul3A_28 : i32
    %add3A_30 = arith.constant 0 : i32
    %add3A_31 = arith.addi %mul3A_29, %add3A_30 : i32
    %swap3A = arith.constant 0 : index
    %swap3A_32 = tpu.vector_load %arg13[%swap3A] {strides = array<i32>} : memref<96xi32, #tpu.memory_space<vmem>>, vector<16xi32>,
    tpu.vector_store %arg13[%swap3A], %broadcast_in_dim3A_20 {strides = array<i32>} : memref<96xi32, #tpu.memory_space<vmem>>, vector<16xi32>,
    %swap3A_33 = arith.constant 0 : index
    %swap3A_34 = tpu.vector_load %arg11[%swap3A_33] {strides = array<i32>} : memref<96xf32, #tpu.memory_space<vmem>>, vector<16xf32>,
    tpu.vector_store %arg11[%swap3A_33], %broadcast_in_dim3A_22 {strides = array<i32>} : memref<96xf32, #tpu.memory_space<vmem>>, vector<16xf32>,
    %swap3A_35 = arith.constant 0 : index
    %swap3A_36 = tpu.vector_load %arg12[%swap3A_35] {strides = array<i32>} : memref<96xf32, #tpu.memory_space<vmem>>, vector<16xf32>,
    tpu.vector_store %arg12[%swap3A_35], %broadcast_in_dim3A_24 {strides = array<i32>} : memref<96xf32, #tpu.memory_space<vmem>>, vector<16xf32>,
    %swap3A_37 = arith.constant 16 : index
    %swap3A_38 = tpu.vector_load %arg13[%swap3A_37] {strides = array<i32>} : memref<96xi32, #tpu.memory_space<vmem>>, vector<16xi32>,
    tpu.vector_store %arg13[%swap3A_37], %broadcast_in_dim3A_20 {strides = array<i32>} : memref<96xi32, #tpu.memory_space<vmem>>, vector<16xi32>,
    %swap3A_39 = arith.constant 16 : index
    %swap3A_40 = tpu.vector_load %arg11[%swap3A_39] {strides = array<i32>} : memref<96xf32, #tpu.memory_space<vmem>>, vector<16xf32>,
    tpu.vector_store %arg11[%swap3A_39], %broadcast_in_dim3A_22 {strides = array<i32>} : memref<96xf32, #tpu.memory_space<vmem>>, vector<16xf32>,
    %swap3A_41 = arith.constant 16 : index
    %swap3A_42 = tpu.vector_load %arg12[%swap3A_41] {strides = array<i32>} : memref<96xf32, #tpu.memory_space<vmem>>, vector<16xf32>,
    tpu.vector_store %arg12[%swap3A_41], %broadcast_in_dim3A_24 {strides = array<i32>} : memref<96xf32, #tpu.memory_space<vmem>>, vector<16xf32>,
    %swap3A_43 = arith.constant 32 : index
    %swap3A_44 = tpu.vector_load %arg13[%swap3A_43] {strides = array<i32>} : memref<96xi32, #tpu.memory_space<vmem>>, vector<16xi32>,
    tpu.vector_store %arg13[%swap3A_43], %broadcast_in_dim3A_20 {strides = array<i32>} : memref<96xi32, #tpu.memory_space<vmem>>, vector<16xi32>,
    %swap3A_45 = arith.constant 32 : index
    %swap3A_46 = tpu.vector_load %arg11[%swap3A_45] {strides = array<i32>} : memref<96xf32, #tpu.memory_space<vmem>>, vector<16xf32>,
    tpu.vector_store %arg11[%swap3A_45], %broadcast_in_dim3A_22 {strides = array<i32>} : memref<96xf32, #tpu.memory_space<vmem>>, vector<16xf32>,
    %swap3A_47 = arith.constant 32 : index
    %swap3A_48 = tpu.vector_load %arg12[%swap3A_47] {strides = array<i32>} : memref<96xf32, #tpu.memory_space<vmem>>, vector<16xf32>,
    tpu.vector_store %arg12[%swap3A_47], %broadcast_in_dim3A_24 {strides = array<i32>} : memref<96xf32, #tpu.memory_space<vmem>>, vector<16xf32>,
    %swap3A_49 = arith.constant 48 : index
    %swap3A_50 = tpu.vector_load %arg13[%swap3A_49] {strides = array<i32>} : memref<96xi32, #tpu.memory_space<vmem>>, vector<16xi32>,
    tpu.vector_store %arg13[%swap3A_49], %broadcast_in_dim3A_20 {strides = array<i32>} : memref<96xi32, #tpu.memory_space<vmem>>, vector<16xi32>,
    %swap3A_51 = arith.constant 48 : index
    %swap3A_52 = tpu.vector_load %arg11[%swap3A_51] {strides = array<i32>} : memref<96xf32, #tpu.memory_space<vmem>>, vector<16xf32>,
    tpu.vector_store %arg11[%swap3A_51], %broadcast_in_dim3A_22 {strides = array<i32>} : memref<96xf32, #tpu.memory_space<vmem>>, vector<16xf32>,
    %swap3A_53 = arith.constant 48 : index
    %swap3A_54 = tpu.vector_load %arg12[%swap3A_53] {strides = array<i32>} : memref<96xf32, #tpu.memory_space<vmem>>, vector<16xf32>,
    tpu.vector_store %arg12[%swap3A_53], %broadcast_in_dim3A_24 {strides = array<i32>} : memref<96xf32, #tpu.memory_space<vmem>>, vector<16xf32>,
    %swap3A_55 = arith.constant 64 : index
    %swap3A_56 = tpu.vector_load %arg13[%swap3A_55] {strides = array<i32>} : memref<96xi32, #tpu.memory_space<vmem>>, vector<16xi32>,
    tpu.vector_store %arg13[%swap3A_55], %broadcast_in_dim3A_20 {strides = array<i32>} : memref<96xi32, #tpu.memory_space<vmem>>, vector<16xi32>,
    %swap3A_57 = arith.constant 64 : index
    %swap3A_58 = tpu.vector_load %arg11[%swap3A_57] {strides = array<i32>} : memref<96xf32, #tpu.memory_space<vmem>>, vector<16xf32>,
    tpu.vector_store %arg11[%swap3A_57], %broadcast_in_dim3A_22 {strides = array<i32>} : memref<96xf32, #tpu.memory_space<vmem>>, vector<16xf32>,
    %swap3A_59 = arith.constant 64 : index
    %swap3A_60 = tpu.vector_load %arg12[%swap3A_59] {strides = array<i32>} : memref<96xf32, #tpu.memory_space<vmem>>, vector<16xf32>,
    tpu.vector_store %arg12[%swap3A_59], %broadcast_in_dim3A_24 {strides = array<i32>} : memref<96xf32, #tpu.memory_space<vmem>>, vector<16xf32>,
    %swap3A_61 = arith.constant 80 : index
    %swap3A_62 = tpu.vector_load %arg13[%swap3A_61] {strides = array<i32>} : memref<96xi32, #tpu.memory_space<vmem>>, vector<16xi32>,
    tpu.vector_store %arg13[%swap3A_61], %broadcast_in_dim3A_20 {strides = array<i32>} : memref<96xi32, #tpu.memory_space<vmem>>, vector<16xi32>,
    %swap3A_63 = arith.constant 80 : index
    %swap3A_64 = tpu.vector_load %arg11[%swap3A_63] {strides = array<i32>} : memref<96xf32, #tpu.memory_space<vmem>>, vector<16xf32>,
    tpu.vector_store %arg11[%swap3A_63], %broadcast_in_dim3A_22 {strides = array<i32>} : memref<96xf32, #tpu.memory_space<vmem>>, vector<16xf32>,
    %swap3A_65 = arith.constant 80 : index
    %swap3A_66 = tpu.vector_load %arg12[%swap3A_65] {strides = array<i32>} : memref<96xf32, #tpu.memory_space<vmem>>, vector<16xf32>,
    tpu.vector_store %arg12[%swap3A_65], %broadcast_in_dim3A_24 {strides = array<i32>} : memref<96xf32, #tpu.memory_space<vmem>>, vector<16xf32>,
    %parallel_loop3A = arith.constant 0 : i32
    %parallel_loop3A_67 = arith.constant 32 : i32
    %parallel_loop3A_68 = arith.constant 1 : i32
    %parallel_loop3A_69 = scf.for %parallel_loop3A_1261 = %parallel_loop3A to %parallel_loop3A_67 step %parallel_loop3A_68 iter_args(%parallel_loop3A_1262 = %broadcast_in_dim3A_22) -> (vector<16xf32>)  : i32 {
      %parallel_loop3A_1263 = arith.constant 16 : i32
      %parallel_loop3A_1264 = arith.muli %parallel_loop3A_1261, %parallel_loop3A_1263 : i32
      %parallel_loop3A_1265 = arith.constant 0 : i32
      %parallel_loop3A_1266 = arith.index_cast %parallel_loop3A_1265 : i32 to index
      %parallel_loop3A_1267 = arith.index_cast %parallel_loop3A_1264 : i32 to index
      %parallel_loop3A_1268 = tpu.vector_load %arg7[%parallel_loop3A_1266, %parallel_loop3A_1267] {strides = array<i32>} : memref<4x512xf32, #tpu.memory_space<vmem>>, vector<16xf32>,
      %parallel_loop3A_1269 = arith.constant 3.000000e+00 : f32
      %parallel_loop3A_1270 = vector.broadcast %parallel_loop3A_1269 : f32 to vector<16xf32>
      %parallel_loop3A_1271 = arith.addf %parallel_loop3A_1270, %parallel_loop3A_1268 : vector<16xf32>
      %parallel_loop3A_1272 = arith.constant 0.000000e+00 : f32
      %parallel_loop3A_1273 = vector.broadcast %parallel_loop3A_1272 : f32 to vector<16xf32>
      %parallel_loop3A_1274 = arith.maximumf %parallel_loop3A_1271, %parallel_loop3A_1273 : vector<16xf32>
      %parallel_loop3A_1275 = arith.minimumf %parallel_loop3A_1262, %parallel_loop3A_1274 : vector<16xf32>
      %parallel_loop3A_1276 = arith.constant 3.000000e+00 : f32
      %parallel_loop3A_1277 = vector.broadcast %parallel_loop3A_1276 : f32 to vector<16xf32>
      %parallel_loop3A_1278 = arith.subf %parallel_loop3A_1277, %parallel_loop3A_1268 : vector<16xf32>
      %parallel_loop3A_1279 = arith.constant 0.000000e+00 : f32
      %parallel_loop3A_1280 = vector.broadcast %parallel_loop3A_1279 : f32 to vector<16xf32>
      %parallel_loop3A_1281 = arith.maximumf %parallel_loop3A_1278, %parallel_loop3A_1280 : vector<16xf32>
      %parallel_loop3A_1282 = arith.minimumf %parallel_loop3A_1275, %parallel_loop3A_1281 : vector<16xf32>
      scf.yield %parallel_loop3A_1282 : vector<16xf32>
    } {sc.loop_unroll_factor = 2 : i64, sc.parallel_access}
    %iota3A_70 = tpu.iota {dimensions = array<i32: 0>} : vector<16xi32>
    %xor3A = arith.constant 1 : i32
    %xor3A_71 = vector.broadcast %xor3A : i32 to vector<16xi32>
    %xor3A_72 = arith.xori %iota3A_70, %xor3A_71 : vector<16xi32>
    %swap3A_73 = arith.constant 0 : index
    %swap3A_74 = tpu.vector_load %arg9[%swap3A_73] {strides = array<i32>} : memref<16xf32, #tpu.memory_space<vmem>>, vector<16xf32>,
    tpu.vector_store %arg9[%swap3A_73], %parallel_loop3A_69 {strides = array<i32>} : memref<16xf32, #tpu.memory_space<vmem>>, vector<16xf32>,
    %gather3A = tpu.vector_load_idx %arg9[%xor3A_72] : memref<16xf32, #tpu.memory_space<vmem>>[vector<16xi32>], vector<16xf32>,
    %and3A = arith.constant 2 : i32
    %and3A_75 = vector.broadcast %and3A : i32 to vector<16xi32>
    %and3A_76 = arith.andi %iota3A_70, %and3A_75 : vector<16xi32>
    %eq3A = arith.constant 0 : i32
    %eq3A_77 = vector.broadcast %eq3A : i32 to vector<16xi32>
    %eq3A_78 = arith.cmpi eq, %and3A_76, %eq3A_77 : vector<16xi32>
    %and3A_79 = arith.constant 1 : i32
    %and3A_80 = vector.broadcast %and3A_79 : i32 to vector<16xi32>
    %and3A_81 = arith.andi %iota3A_70, %and3A_80 : vector<16xi32>
    %eq3A_82 = arith.constant 0 : i32
    %eq3A_83 = vector.broadcast %eq3A_82 : i32 to vector<16xi32>
    %eq3A_84 = arith.cmpi eq, %and3A_81, %eq3A_83 : vector<16xi32>
    %eq3A_85 = arith.xori %eq3A_78, %eq3A_84 : vector<16xi1>
    %eq3A_86 = arith.constant dense<true> : vector<16xi1>
    %eq3A_87 = arith.xori %eq3A_85, %eq3A_86 : vector<16xi1>
    %min3A = arith.minimumf %parallel_loop3A_69, %gather3A : vector<16xf32>
    %max3A = arith.maximumf %parallel_loop3A_69, %gather3A : vector<16xf32>
    %select_n3A = arith.select %eq3A_87, %min3A, %max3A : vector<16xi1>, vector<16xf32>
    %xor3A_88 = arith.constant 2 : i32
    %xor3A_89 = vector.broadcast %xor3A_88 : i32 to vector<16xi32>
    %xor3A_90 = arith.xori %iota3A_70, %xor3A_89 : vector<16xi32>
    %swap3A_91 = arith.constant 0 : index
    %swap3A_92 = tpu.vector_load %arg9[%swap3A_91] {strides = array<i32>} : memref<16xf32, #tpu.memory_space<vmem>>, vector<16xf32>,
    tpu.vector_store %arg9[%swap3A_91], %select_n3A {strides = array<i32>} : memref<16xf32, #tpu.memory_space<vmem>>, vector<16xf32>,
    %gather3A_93 = tpu.vector_load_idx %arg9[%xor3A_90] : memref<16xf32, #tpu.memory_space<vmem>>[vector<16xi32>], vector<16xf32>,
    %and3A_94 = arith.constant 4 : i32
    %and3A_95 = vector.broadcast %and3A_94 : i32 to vector<16xi32>
    %and3A_96 = arith.andi %iota3A_70, %and3A_95 : vector<16xi32>
    %eq3A_97 = arith.constant 0 : i32
    %eq3A_98 = vector.broadcast %eq3A_97 : i32 to vector<16xi32>
    %eq3A_99 = arith.cmpi eq, %and3A_96, %eq3A_98 : vector<16xi32>
    %and3A_100 = arith.constant 2 : i32
    %and3A_101 = vector.broadcast %and3A_100 : i32 to vector<16xi32>
    %and3A_102 = arith.andi %iota3A_70, %and3A_101 : vector<16xi32>
    %eq3A_103 = arith.constant 0 : i32
    %eq3A_104 = vector.broadcast %eq3A_103 : i32 to vector<16xi32>
    %eq3A_105 = arith.cmpi eq, %and3A_102, %eq3A_104 : vector<16xi32>
    %eq3A_106 = arith.xori %eq3A_99, %eq3A_105 : vector<16xi1>
    %eq3A_107 = arith.constant dense<true> : vector<16xi1>
    %eq3A_108 = arith.xori %eq3A_106, %eq3A_107 : vector<16xi1>
    %min3A_109 = arith.minimumf %select_n3A, %gather3A_93 : vector<16xf32>
    %max3A_110 = arith.maximumf %select_n3A, %gather3A_93 : vector<16xf32>
    %select_n3A_111 = arith.select %eq3A_108, %min3A_109, %max3A_110 : vector<16xi1>, vector<16xf32>
    %xor3A_112 = arith.constant 1 : i32
    %xor3A_113 = vector.broadcast %xor3A_112 : i32 to vector<16xi32>
    %xor3A_114 = arith.xori %iota3A_70, %xor3A_113 : vector<16xi32>
    %swap3A_115 = arith.constant 0 : index
    %swap3A_116 = tpu.vector_load %arg9[%swap3A_115] {strides = array<i32>} : memref<16xf32, #tpu.memory_space<vmem>>, vector<16xf32>,
    tpu.vector_store %arg9[%swap3A_115], %select_n3A_111 {strides = array<i32>} : memref<16xf32, #tpu.memory_space<vmem>>, vector<16xf32>,
    %gather3A_117 = tpu.vector_load_idx %arg9[%xor3A_114] : memref<16xf32, #tpu.memory_space<vmem>>[vector<16xi32>], vector<16xf32>,
    %and3A_118 = arith.constant 4 : i32
    %and3A_119 = vector.broadcast %and3A_118 : i32 to vector<16xi32>
    %and3A_120 = arith.andi %iota3A_70, %and3A_119 : vector<16xi32>
    %eq3A_121 = arith.constant 0 : i32
    %eq3A_122 = vector.broadcast %eq3A_121 : i32 to vector<16xi32>
    %eq3A_123 = arith.cmpi eq, %and3A_120, %eq3A_122 : vector<16xi32>
    %and3A_124 = arith.constant 1 : i32
    %and3A_125 = vector.broadcast %and3A_124 : i32 to vector<16xi32>
    %and3A_126 = arith.andi %iota3A_70, %and3A_125 : vector<16xi32>
    %eq3A_127 = arith.constant 0 : i32
    %eq3A_128 = vector.broadcast %eq3A_127 : i32 to vector<16xi32>
    %eq3A_129 = arith.cmpi eq, %and3A_126, %eq3A_128 : vector<16xi32>
    %eq3A_130 = arith.xori %eq3A_123, %eq3A_129 : vector<16xi1>
    %eq3A_131 = arith.constant dense<true> : vector<16xi1>
    %eq3A_132 = arith.xori %eq3A_130, %eq3A_131 : vector<16xi1>
    %min3A_133 = arith.minimumf %select_n3A_111, %gather3A_117 : vector<16xf32>
    %max3A_134 = arith.maximumf %select_n3A_111, %gather3A_117 : vector<16xf32>
    %select_n3A_135 = arith.select %eq3A_132, %min3A_133, %max3A_134 : vector<16xi1>, vector<16xf32>
    %xor3A_136 = arith.constant 4 : i32
    %xor3A_137 = vector.broadcast %xor3A_136 : i32 to vector<16xi32>
    %xor3A_138 = arith.xori %iota3A_70, %xor3A_137 : vector<16xi32>
    %swap3A_139 = arith.constant 0 : index
    %swap3A_140 = tpu.vector_load %arg9[%swap3A_139] {strides = array<i32>} : memref<16xf32, #tpu.memory_space<vmem>>, vector<16xf32>,
    tpu.vector_store %arg9[%swap3A_139], %select_n3A_135 {strides = array<i32>} : memref<16xf32, #tpu.memory_space<vmem>>, vector<16xf32>,
    %gather3A_141 = tpu.vector_load_idx %arg9[%xor3A_138] : memref<16xf32, #tpu.memory_space<vmem>>[vector<16xi32>], vector<16xf32>,
    %and3A_142 = arith.constant 8 : i32
    %and3A_143 = vector.broadcast %and3A_142 : i32 to vector<16xi32>
    %and3A_144 = arith.andi %iota3A_70, %and3A_143 : vector<16xi32>
    %eq3A_145 = arith.constant 0 : i32
    %eq3A_146 = vector.broadcast %eq3A_145 : i32 to vector<16xi32>
    %eq3A_147 = arith.cmpi eq, %and3A_144, %eq3A_146 : vector<16xi32>
    %and3A_148 = arith.constant 4 : i32
    %and3A_149 = vector.broadcast %and3A_148 : i32 to vector<16xi32>
    %and3A_150 = arith.andi %iota3A_70, %and3A_149 : vector<16xi32>
    %eq3A_151 = arith.constant 0 : i32
    %eq3A_152 = vector.broadcast %eq3A_151 : i32 to vector<16xi32>
    %eq3A_153 = arith.cmpi eq, %and3A_150, %eq3A_152 : vector<16xi32>
    %eq3A_154 = arith.xori %eq3A_147, %eq3A_153 : vector<16xi1>
    %eq3A_155 = arith.constant dense<true> : vector<16xi1>
    %eq3A_156 = arith.xori %eq3A_154, %eq3A_155 : vector<16xi1>
    %min3A_157 = arith.minimumf %select_n3A_135, %gather3A_141 : vector<16xf32>
    %max3A_158 = arith.maximumf %select_n3A_135, %gather3A_141 : vector<16xf32>
    %select_n3A_159 = arith.select %eq3A_156, %min3A_157, %max3A_158 : vector<16xi1>, vector<16xf32>
    %xor3A_160 = arith.constant 2 : i32
    %xor3A_161 = vector.broadcast %xor3A_160 : i32 to vector<16xi32>
    %xor3A_162 = arith.xori %iota3A_70, %xor3A_161 : vector<16xi32>
    %swap3A_163 = arith.constant 0 : index
    %swap3A_164 = tpu.vector_load %arg9[%swap3A_163] {strides = array<i32>} : memref<16xf32, #tpu.memory_space<vmem>>, vector<16xf32>,
    tpu.vector_store %arg9[%swap3A_163], %select_n3A_159 {strides = array<i32>} : memref<16xf32, #tpu.memory_space<vmem>>, vector<16xf32>,
    %gather3A_165 = tpu.vector_load_idx %arg9[%xor3A_162] : memref<16xf32, #tpu.memory_space<vmem>>[vector<16xi32>], vector<16xf32>,
    %and3A_166 = arith.constant 8 : i32
    %and3A_167 = vector.broadcast %and3A_166 : i32 to vector<16xi32>
    %and3A_168 = arith.andi %iota3A_70, %and3A_167 : vector<16xi32>
    %eq3A_169 = arith.constant 0 : i32
    %eq3A_170 = vector.broadcast %eq3A_169 : i32 to vector<16xi32>
    %eq3A_171 = arith.cmpi eq, %and3A_168, %eq3A_170 : vector<16xi32>
    %and3A_172 = arith.constant 2 : i32
    %and3A_173 = vector.broadcast %and3A_172 : i32 to vector<16xi32>
    %and3A_174 = arith.andi %iota3A_70, %and3A_173 : vector<16xi32>
    %eq3A_175 = arith.constant 0 : i32
    %eq3A_176 = vector.broadcast %eq3A_175 : i32 to vector<16xi32>
    %eq3A_177 = arith.cmpi eq, %and3A_174, %eq3A_176 : vector<16xi32>
    %eq3A_178 = arith.xori %eq3A_171, %eq3A_177 : vector<16xi1>
    %eq3A_179 = arith.constant dense<true> : vector<16xi1>
    %eq3A_180 = arith.xori %eq3A_178, %eq3A_179 : vector<16xi1>
    %min3A_181 = arith.minimumf %select_n3A_159, %gather3A_165 : vector<16xf32>
    %max3A_182 = arith.maximumf %select_n3A_159, %gather3A_165 : vector<16xf32>
    %select_n3A_183 = arith.select %eq3A_180, %min3A_181, %max3A_182 : vector<16xi1>, vector<16xf32>
    %xor3A_184 = arith.constant 1 : i32
    %xor3A_185 = vector.broadcast %xor3A_184 : i32 to vector<16xi32>
    %xor3A_186 = arith.xori %iota3A_70, %xor3A_185 : vector<16xi32>
    %swap3A_187 = arith.constant 0 : index
    %swap3A_188 = tpu.vector_load %arg9[%swap3A_187] {strides = array<i32>} : memref<16xf32, #tpu.memory_space<vmem>>, vector<16xf32>,
    tpu.vector_store %arg9[%swap3A_187], %select_n3A_183 {strides = array<i32>} : memref<16xf32, #tpu.memory_space<vmem>>, vector<16xf32>,
    %gather3A_189 = tpu.vector_load_idx %arg9[%xor3A_186] : memref<16xf32, #tpu.memory_space<vmem>>[vector<16xi32>], vector<16xf32>,
    %and3A_190 = arith.constant 8 : i32
    %and3A_191 = vector.broadcast %and3A_190 : i32 to vector<16xi32>
    %and3A_192 = arith.andi %iota3A_70, %and3A_191 : vector<16xi32>
    %eq3A_193 = arith.constant 0 : i32
    %eq3A_194 = vector.broadcast %eq3A_193 : i32 to vector<16xi32>
    %eq3A_195 = arith.cmpi eq, %and3A_192, %eq3A_194 : vector<16xi32>
    %and3A_196 = arith.constant 1 : i32
    %and3A_197 = vector.broadcast %and3A_196 : i32 to vector<16xi32>
    %and3A_198 = arith.andi %iota3A_70, %and3A_197 : vector<16xi32>
    %eq3A_199 = arith.constant 0 : i32
    %eq3A_200 = vector.broadcast %eq3A_199 : i32 to vector<16xi32>
    %eq3A_201 = arith.cmpi eq, %and3A_198, %eq3A_200 : vector<16xi32>
    %eq3A_202 = arith.xori %eq3A_195, %eq3A_201 : vector<16xi1>
    %eq3A_203 = arith.constant dense<true> : vector<16xi1>
    %eq3A_204 = arith.xori %eq3A_202, %eq3A_203 : vector<16xi1>
    %min3A_205 = arith.minimumf %select_n3A_183, %gather3A_189 : vector<16xf32>
    %max3A_206 = arith.maximumf %select_n3A_183, %gather3A_189 : vector<16xf32>
    %select_n3A_207 = arith.select %eq3A_204, %min3A_205, %max3A_206 : vector<16xi1>, vector<16xf32>
    %xor3A_208 = arith.constant 8 : i32
    %xor3A_209 = vector.broadcast %xor3A_208 : i32 to vector<16xi32>
    %xor3A_210 = arith.xori %iota3A_70, %xor3A_209 : vector<16xi32>
    %swap3A_211 = arith.constant 0 : index
    %swap3A_212 = tpu.vector_load %arg9[%swap3A_211] {strides = array<i32>} : memref<16xf32, #tpu.memory_space<vmem>>, vector<16xf32>,
    tpu.vector_store %arg9[%swap3A_211], %select_n3A_207 {strides = array<i32>} : memref<16xf32, #tpu.memory_space<vmem>>, vector<16xf32>,
    %gather3A_213 = tpu.vector_load_idx %arg9[%xor3A_210] : memref<16xf32, #tpu.memory_space<vmem>>[vector<16xi32>], vector<16xf32>,
    %and3A_214 = arith.constant 16 : i32
    %and3A_215 = vector.broadcast %and3A_214 : i32 to vector<16xi32>
    %and3A_216 = arith.andi %iota3A_70, %and3A_215 : vector<16xi32>
    %eq3A_217 = arith.constant 0 : i32
    %eq3A_218 = vector.broadcast %eq3A_217 : i32 to vector<16xi32>
    %eq3A_219 = arith.cmpi eq, %and3A_216, %eq3A_218 : vector<16xi32>
    %and3A_220 = arith.constant 8 : i32
    %and3A_221 = vector.broadcast %and3A_220 : i32 to vector<16xi32>
    %and3A_222 = arith.andi %iota3A_70, %and3A_221 : vector<16xi32>
    %eq3A_223 = arith.constant 0 : i32
    %eq3A_224 = vector.broadcast %eq3A_223 : i32 to vector<16xi32>
    %eq3A_225 = arith.cmpi eq, %and3A_222, %eq3A_224 : vector<16xi32>
    %eq3A_226 = arith.xori %eq3A_219, %eq3A_225 : vector<16xi1>
    %eq3A_227 = arith.constant dense<true> : vector<16xi1>
    %eq3A_228 = arith.xori %eq3A_226, %eq3A_227 : vector<16xi1>
    %min3A_229 = arith.minimumf %select_n3A_207, %gather3A_213 : vector<16xf32>
    %max3A_230 = arith.maximumf %select_n3A_207, %gather3A_213 : vector<16xf32>
    %select_n3A_231 = arith.select %eq3A_228, %min3A_229, %max3A_230 : vector<16xi1>, vector<16xf32>
    %xor3A_232 = arith.constant 4 : i32
    %xor3A_233 = vector.broadcast %xor3A_232 : i32 to vector<16xi32>
    %xor3A_234 = arith.xori %iota3A_70, %xor3A_233 : vector<16xi32>
    %swap3A_235 = arith.constant 0 : index
    %swap3A_236 = tpu.vector_load %arg9[%swap3A_235] {strides = array<i32>} : memref<16xf32, #tpu.memory_space<vmem>>, vector<16xf32>,
    tpu.vector_store %arg9[%swap3A_235], %select_n3A_231 {strides = array<i32>} : memref<16xf32, #tpu.memory_space<vmem>>, vector<16xf32>,
    %gather3A_237 = tpu.vector_load_idx %arg9[%xor3A_234] : memref<16xf32, #tpu.memory_space<vmem>>[vector<16xi32>], vector<16xf32>,
    %and3A_238 = arith.constant 16 : i32
    %and3A_239 = vector.broadcast %and3A_238 : i32 to vector<16xi32>
    %and3A_240 = arith.andi %iota3A_70, %and3A_239 : vector<16xi32>
    %eq3A_241 = arith.constant 0 : i32
    %eq3A_242 = vector.broadcast %eq3A_241 : i32 to vector<16xi32>
    %eq3A_243 = arith.cmpi eq, %and3A_240, %eq3A_242 : vector<16xi32>
    %and3A_244 = arith.constant 4 : i32
    %and3A_245 = vector.broadcast %and3A_244 : i32 to vector<16xi32>
    %and3A_246 = arith.andi %iota3A_70, %and3A_245 : vector<16xi32>
    %eq3A_247 = arith.constant 0 : i32
    %eq3A_248 = vector.broadcast %eq3A_247 : i32 to vector<16xi32>
    %eq3A_249 = arith.cmpi eq, %and3A_246, %eq3A_248 : vector<16xi32>
    %eq3A_250 = arith.xori %eq3A_243, %eq3A_249 : vector<16xi1>
    %eq3A_251 = arith.constant dense<true> : vector<16xi1>
    %eq3A_252 = arith.xori %eq3A_250, %eq3A_251 : vector<16xi1>
    %min3A_253 = arith.minimumf %select_n3A_231, %gather3A_237 : vector<16xf32>
    %max3A_254 = arith.maximumf %select_n3A_231, %gather3A_237 : vector<16xf32>
    %select_n3A_255 = arith.select %eq3A_252, %min3A_253, %max3A_254 : vector<16xi1>, vector<16xf32>
    %xor3A_256 = arith.constant 2 : i32
    %xor3A_257 = vector.broadcast %xor3A_256 : i32 to vector<16xi32>
    %xor3A_258 = arith.xori %iota3A_70, %xor3A_257 : vector<16xi32>
    %swap3A_259 = arith.constant 0 : index
    %swap3A_260 = tpu.vector_load %arg9[%swap3A_259] {strides = array<i32>} : memref<16xf32, #tpu.memory_space<vmem>>, vector<16xf32>,
    tpu.vector_store %arg9[%swap3A_259], %select_n3A_255 {strides = array<i32>} : memref<16xf32, #tpu.memory_space<vmem>>, vector<16xf32>,
    %gather3A_261 = tpu.vector_load_idx %arg9[%xor3A_258] : memref<16xf32, #tpu.memory_space<vmem>>[vector<16xi32>], vector<16xf32>,
    %and3A_262 = arith.constant 16 : i32
    %and3A_263 = vector.broadcast %and3A_262 : i32 to vector<16xi32>
    %and3A_264 = arith.andi %iota3A_70, %and3A_263 : vector<16xi32>
    %eq3A_265 = arith.constant 0 : i32
    %eq3A_266 = vector.broadcast %eq3A_265 : i32 to vector<16xi32>
    %eq3A_267 = arith.cmpi eq, %and3A_264, %eq3A_266 : vector<16xi32>
    %and3A_268 = arith.constant 2 : i32
    %and3A_269 = vector.broadcast %and3A_268 : i32 to vector<16xi32>
    %and3A_270 = arith.andi %iota3A_70, %and3A_269 : vector<16xi32>
    %eq3A_271 = arith.constant 0 : i32
    %eq3A_272 = vector.broadcast %eq3A_271 : i32 to vector<16xi32>
    %eq3A_273 = arith.cmpi eq, %and3A_270, %eq3A_272 : vector<16xi32>
    %eq3A_274 = arith.xori %eq3A_267, %eq3A_273 : vector<16xi1>
    %eq3A_275 = arith.constant dense<true> : vector<16xi1>
    %eq3A_276 = arith.xori %eq3A_274, %eq3A_275 : vector<16xi1>
    %min3A_277 = arith.minimumf %select_n3A_255, %gather3A_261 : vector<16xf32>
    %max3A_278 = arith.maximumf %select_n3A_255, %gather3A_261 : vector<16xf32>
    %select_n3A_279 = arith.select %eq3A_276, %min3A_277, %max3A_278 : vector<16xi1>, vector<16xf32>
    %xor3A_280 = arith.constant 1 : i32
    %xor3A_281 = vector.broadcast %xor3A_280 : i32 to vector<16xi32>
    %xor3A_282 = arith.xori %iota3A_70, %xor3A_281 : vector<16xi32>
    %swap3A_283 = arith.constant 0 : index
    %swap3A_284 = tpu.vector_load %arg9[%swap3A_283] {strides = array<i32>} : memref<16xf32, #tpu.memory_space<vmem>>, vector<16xf32>,
    tpu.vector_store %arg9[%swap3A_283], %select_n3A_279 {strides = array<i32>} : memref<16xf32, #tpu.memory_space<vmem>>, vector<16xf32>,
    %gather3A_285 = tpu.vector_load_idx %arg9[%xor3A_282] : memref<16xf32, #tpu.memory_space<vmem>>[vector<16xi32>], vector<16xf32>,
    %and3A_286 = arith.constant 16 : i32
    %and3A_287 = vector.broadcast %and3A_286 : i32 to vector<16xi32>
    %and3A_288 = arith.andi %iota3A_70, %and3A_287 : vector<16xi32>
    %eq3A_289 = arith.constant 0 : i32
    %eq3A_290 = vector.broadcast %eq3A_289 : i32 to vector<16xi32>
    %eq3A_291 = arith.cmpi eq, %and3A_288, %eq3A_290 : vector<16xi32>
    %and3A_292 = arith.constant 1 : i32
    %and3A_293 = vector.broadcast %and3A_292 : i32 to vector<16xi32>
    %and3A_294 = arith.andi %iota3A_70, %and3A_293 : vector<16xi32>
    %eq3A_295 = arith.constant 0 : i32
    %eq3A_296 = vector.broadcast %eq3A_295 : i32 to vector<16xi32>
    %eq3A_297 = arith.cmpi eq, %and3A_294, %eq3A_296 : vector<16xi32>
    %eq3A_298 = arith.xori %eq3A_291, %eq3A_297 : vector<16xi1>
    %eq3A_299 = arith.constant dense<true> : vector<16xi1>
    %eq3A_300 = arith.xori %eq3A_298, %eq3A_299 : vector<16xi1>
    %min3A_301 = arith.minimumf %select_n3A_279, %gather3A_285 : vector<16xf32>
    %max3A_302 = arith.maximumf %select_n3A_279, %gather3A_285 : vector<16xf32>
    %select_n3A_303 = arith.select %eq3A_300, %min3A_301, %max3A_302 : vector<16xi1>, vector<16xf32>
    %swap3A_304 = arith.constant 0 : index
    %swap3A_305 = tpu.vector_load %arg9[%swap3A_304] {strides = array<i32>} : memref<16xf32, #tpu.memory_space<vmem>>, vector<16xf32>,
    tpu.vector_store %arg9[%swap3A_304], %select_n3A_303 {strides = array<i32>} : memref<16xf32, #tpu.memory_space<vmem>>, vector<16xf32>,
    %gather3A_306 = tpu.vector_load_idx %arg9[%broadcast_in_dim3A_16] : memref<16xf32, #tpu.memory_space<vmem>>[vector<16xi32>], vector<16xf32>,
    %add3A_307 = arith.addf %gather3A_306, %mul3A_15 : vector<16xf32>
    %parallel_loop3A_308 = arith.constant 0 : i32
    %parallel_loop3A_309 = arith.constant 32 : i32
    %parallel_loop3A_310 = arith.constant 1 : i32
    %parallel_loop3A_311 = scf.for %parallel_loop3A_1261 = %parallel_loop3A_308 to %parallel_loop3A_309 step %parallel_loop3A_310 iter_args(%parallel_loop3A_1262 = %broadcast_in_dim3A_20) -> (vector<16xi32>)  : i32 {
      %parallel_loop3A_1263 = arith.constant 16 : i32
      %parallel_loop3A_1264 = arith.muli %parallel_loop3A_1261, %parallel_loop3A_1263 : i32
      %parallel_loop3A_1265 = arith.constant 0 : i32
      %parallel_loop3A_1266 = arith.index_cast %parallel_loop3A_1265 : i32 to index
      %parallel_loop3A_1267 = arith.index_cast %parallel_loop3A_1264 : i32 to index
      %parallel_loop3A_1268 = tpu.vector_load %arg7[%parallel_loop3A_1266, %parallel_loop3A_1267] {strides = array<i32>} : memref<4x512xf32, #tpu.memory_space<vmem>>, vector<16xf32>,
      %parallel_loop3A_1269 = arith.constant 16 : i32
      %parallel_loop3A_1270 = arith.muli %parallel_loop3A_1261, %parallel_loop3A_1269 : i32
      %parallel_loop3A_1271 = vector.broadcast %parallel_loop3A_1270 : i32 to vector<16xi32>
      %parallel_loop3A_1272 = arith.addi %iota3A, %parallel_loop3A_1271 : vector<16xi32>
      %parallel_loop3A_1273 = arith.constant 1.000000e+00 : f32
      %parallel_loop3A_1274 = vector.broadcast %parallel_loop3A_1273 : f32 to vector<16xf32>
      %parallel_loop3A_1275 = arith.mulf %parallel_loop3A_1274, %parallel_loop3A_1268 : vector<16xf32>
      %parallel_loop3A_1276 = arith.constant 3.000000e+00 : f32
      %parallel_loop3A_1277 = vector.broadcast %parallel_loop3A_1276 : f32 to vector<16xf32>
      %parallel_loop3A_1278 = arith.addf %parallel_loop3A_1277, %parallel_loop3A_1275 : vector<16xf32>
      %parallel_loop3A_1279 = arith.constant 0.000000e+00 : f32
      %parallel_loop3A_1280 = vector.broadcast %parallel_loop3A_1279 : f32 to vector<16xf32>
      %parallel_loop3A_1281 = arith.maximumf %parallel_loop3A_1278, %parallel_loop3A_1280 : vector<16xf32>
      %parallel_loop3A_1282 = arith.cmpf ole, %parallel_loop3A_1281, %add3A_307 : vector<16xf32>
      %parallel_loop3A_1283 = arith.extui %parallel_loop3A_1282 : vector<16xi1> to vector<16xi32>
      %parallel_loop3A_1284 = tpu.iota {dimensions = array<i32: 0>} : vector<16xi32>
      %parallel_loop3A_1285 = arith.constant 1 : i32
      %parallel_loop3A_1286 = vector.broadcast %parallel_loop3A_1285 : i32 to vector<16xi32>
      %parallel_loop3A_1287 = arith.subi %parallel_loop3A_1284, %parallel_loop3A_1286 : vector<16xi32>
      %parallel_loop3A_1288 = arith.constant 0 : i32
      %parallel_loop3A_1289 = vector.broadcast %parallel_loop3A_1288 : i32 to vector<16xi32>
      %parallel_loop3A_1290 = arith.maxsi %parallel_loop3A_1287, %parallel_loop3A_1289 : vector<16xi32>
      %parallel_loop3A_1291 = arith.constant 0 : index
      %parallel_loop3A_1292 = tpu.vector_load %arg10[%parallel_loop3A_1291] {strides = array<i32>} : memref<16xi32, #tpu.memory_space<vmem>>, vector<16xi32>,
      tpu.vector_store %arg10[%parallel_loop3A_1291], %parallel_loop3A_1283 {strides = array<i32>} : memref<16xi32, #tpu.memory_space<vmem>>, vector<16xi32>,
      %parallel_loop3A_1293 = tpu.vector_load_idx %arg10[%parallel_loop3A_1290] : memref<16xi32, #tpu.memory_space<vmem>>[vector<16xi32>], vector<16xi32>,
      %parallel_loop3A_1294 = arith.constant 1 : i32
      %parallel_loop3A_1295 = vector.broadcast %parallel_loop3A_1294 : i32 to vector<16xi32>
      %parallel_loop3A_1296 = arith.cmpi sge, %parallel_loop3A_1284, %parallel_loop3A_1295 : vector<16xi32>
      %parallel_loop3A_1297 = arith.constant 0 : i32
      %parallel_loop3A_1298 = vector.broadcast %parallel_loop3A_1297 : i32 to vector<16xi32>
      %parallel_loop3A_1299 = arith.select %parallel_loop3A_1296, %parallel_loop3A_1293, %parallel_loop3A_1298 : vector<16xi1>, vector<16xi32>
      %parallel_loop3A_1300 = arith.addi %parallel_loop3A_1283, %parallel_loop3A_1299 : vector<16xi32>
      %parallel_loop3A_1301 = arith.constant 2 : i32
      %parallel_loop3A_1302 = vector.broadcast %parallel_loop3A_1301 : i32 to vector<16xi32>
      %parallel_loop3A_1303 = arith.subi %parallel_loop3A_1284, %parallel_loop3A_1302 : vector<16xi32>
      %parallel_loop3A_1304 = arith.constant 0 : i32
      %parallel_loop3A_1305 = vector.broadcast %parallel_loop3A_1304 : i32 to vector<16xi32>
      %parallel_loop3A_1306 = arith.maxsi %parallel_loop3A_1303, %parallel_loop3A_1305 : vector<16xi32>
      %parallel_loop3A_1307 = arith.constant 0 : index
      %parallel_loop3A_1308 = tpu.vector_load %arg10[%parallel_loop3A_1307] {strides = array<i32>} : memref<16xi32, #tpu.memory_space<vmem>>, vector<16xi32>,
      tpu.vector_store %arg10[%parallel_loop3A_1307], %parallel_loop3A_1300 {strides = array<i32>} : memref<16xi32, #tpu.memory_space<vmem>>, vector<16xi32>,
      %parallel_loop3A_1309 = tpu.vector_load_idx %arg10[%parallel_loop3A_1306] : memref<16xi32, #tpu.memory_space<vmem>>[vector<16xi32>], vector<16xi32>,
      %parallel_loop3A_1310 = arith.constant 2 : i32
      %parallel_loop3A_1311 = vector.broadcast %parallel_loop3A_1310 : i32 to vector<16xi32>
      %parallel_loop3A_1312 = arith.cmpi sge, %parallel_loop3A_1284, %parallel_loop3A_1311 : vector<16xi32>
      %parallel_loop3A_1313 = arith.constant 0 : i32
      %parallel_loop3A_1314 = vector.broadcast %parallel_loop3A_1313 : i32 to vector<16xi32>
      %parallel_loop3A_1315 = arith.select %parallel_loop3A_1312, %parallel_loop3A_1309, %parallel_loop3A_1314 : vector<16xi1>, vector<16xi32>
      %parallel_loop3A_1316 = arith.addi %parallel_loop3A_1300, %parallel_loop3A_1315 : vector<16xi32>
      %parallel_loop3A_1317 = arith.constant 4 : i32
      %parallel_loop3A_1318 = vector.broadcast %parallel_loop3A_1317 : i32 to vector<16xi32>
      %parallel_loop3A_1319 = arith.subi %parallel_loop3A_1284, %parallel_loop3A_1318 : vector<16xi32>
      %parallel_loop3A_1320 = arith.constant 0 : i32
      %parallel_loop3A_1321 = vector.broadcast %parallel_loop3A_1320 : i32 to vector<16xi32>
      %parallel_loop3A_1322 = arith.maxsi %parallel_loop3A_1319, %parallel_loop3A_1321 : vector<16xi32>
      %parallel_loop3A_1323 = arith.constant 0 : index
      %parallel_loop3A_1324 = tpu.vector_load %arg10[%parallel_loop3A_1323] {strides = array<i32>} : memref<16xi32, #tpu.memory_space<vmem>>, vector<16xi32>,
      tpu.vector_store %arg10[%parallel_loop3A_1323], %parallel_loop3A_1316 {strides = array<i32>} : memref<16xi32, #tpu.memory_space<vmem>>, vector<16xi32>,
      %parallel_loop3A_1325 = tpu.vector_load_idx %arg10[%parallel_loop3A_1322] : memref<16xi32, #tpu.memory_space<vmem>>[vector<16xi32>], vector<16xi32>,
      %parallel_loop3A_1326 = arith.constant 4 : i32
      %parallel_loop3A_1327 = vector.broadcast %parallel_loop3A_1326 : i32 to vector<16xi32>
      %parallel_loop3A_1328 = arith.cmpi sge, %parallel_loop3A_1284, %parallel_loop3A_1327 : vector<16xi32>
      %parallel_loop3A_1329 = arith.constant 0 : i32
      %parallel_loop3A_1330 = vector.broadcast %parallel_loop3A_1329 : i32 to vector<16xi32>
      %parallel_loop3A_1331 = arith.select %parallel_loop3A_1328, %parallel_loop3A_1325, %parallel_loop3A_1330 : vector<16xi1>, vector<16xi32>
      %parallel_loop3A_1332 = arith.addi %parallel_loop3A_1316, %parallel_loop3A_1331 : vector<16xi32>
      %parallel_loop3A_1333 = arith.constant 8 : i32
      %parallel_loop3A_1334 = vector.broadcast %parallel_loop3A_1333 : i32 to vector<16xi32>
      %parallel_loop3A_1335 = arith.subi %parallel_loop3A_1284, %parallel_loop3A_1334 : vector<16xi32>
      %parallel_loop3A_1336 = arith.constant 0 : i32
      %parallel_loop3A_1337 = vector.broadcast %parallel_loop3A_1336 : i32 to vector<16xi32>
      %parallel_loop3A_1338 = arith.maxsi %parallel_loop3A_1335, %parallel_loop3A_1337 : vector<16xi32>
      %parallel_loop3A_1339 = arith.constant 0 : index
      %parallel_loop3A_1340 = tpu.vector_load %arg10[%parallel_loop3A_1339] {strides = array<i32>} : memref<16xi32, #tpu.memory_space<vmem>>, vector<16xi32>,
      tpu.vector_store %arg10[%parallel_loop3A_1339], %parallel_loop3A_1332 {strides = array<i32>} : memref<16xi32, #tpu.memory_space<vmem>>, vector<16xi32>,
      %parallel_loop3A_1341 = tpu.vector_load_idx %arg10[%parallel_loop3A_1338] : memref<16xi32, #tpu.memory_space<vmem>>[vector<16xi32>], vector<16xi32>,
      %parallel_loop3A_1342 = arith.constant 8 : i32
      %parallel_loop3A_1343 = vector.broadcast %parallel_loop3A_1342 : i32 to vector<16xi32>
      %parallel_loop3A_1344 = arith.cmpi sge, %parallel_loop3A_1284, %parallel_loop3A_1343 : vector<16xi32>
      %parallel_loop3A_1345 = arith.constant 0 : i32
      %parallel_loop3A_1346 = vector.broadcast %parallel_loop3A_1345 : i32 to vector<16xi32>
      %parallel_loop3A_1347 = arith.select %parallel_loop3A_1344, %parallel_loop3A_1341, %parallel_loop3A_1346 : vector<16xi1>, vector<16xi32>
      %parallel_loop3A_1348 = arith.addi %parallel_loop3A_1332, %parallel_loop3A_1347 : vector<16xi32>
      %parallel_loop3A_1349 = arith.addi %parallel_loop3A_1262, %parallel_loop3A_1348 : vector<16xi32>
      %parallel_loop3A_1350 = arith.subi %parallel_loop3A_1349, %parallel_loop3A_1283 : vector<16xi32>
      %parallel_loop3A_1351 = arith.constant 96 : i32
      %parallel_loop3A_1352 = vector.broadcast %parallel_loop3A_1351 : i32 to vector<16xi32>
      %parallel_loop3A_1353 = arith.cmpi slt, %parallel_loop3A_1350, %parallel_loop3A_1352 : vector<16xi32>
      %parallel_loop3A_1354 = arith.andi %parallel_loop3A_1282, %parallel_loop3A_1353 : vector<16xi1>
      tpu.vector_store_idx %arg11[%parallel_loop3A_1350], %parallel_loop3A_1281 masked %parallel_loop3A_1354 : memref<96xf32, #tpu.memory_space<vmem>>[vector<16xi32>], vector<16xf32>, vector<16xi1>
      %parallel_loop3A_1355 = arith.constant 1.000000e+00 : f32
      %parallel_loop3A_1356 = vector.broadcast %parallel_loop3A_1355 : f32 to vector<16xf32>
      tpu.vector_store_idx %arg12[%parallel_loop3A_1350], %parallel_loop3A_1356 masked %parallel_loop3A_1354 : memref<96xf32, #tpu.memory_space<vmem>>[vector<16xi32>], vector<16xf32>, vector<16xi1>
      tpu.vector_store_idx %arg13[%parallel_loop3A_1350], %parallel_loop3A_1272 masked %parallel_loop3A_1354 : memref<96xi32, #tpu.memory_space<vmem>>[vector<16xi32>], vector<16xi32>, vector<16xi1>
      %parallel_loop3A_1357 = arith.constant 0 : index
      %parallel_loop3A_1358 = tpu.vector_load %arg10[%parallel_loop3A_1357] {strides = array<i32>} : memref<16xi32, #tpu.memory_space<vmem>>, vector<16xi32>,
      tpu.vector_store %arg10[%parallel_loop3A_1357], %parallel_loop3A_1348 {strides = array<i32>} : memref<16xi32, #tpu.memory_space<vmem>>, vector<16xi32>,
      %parallel_loop3A_1359 = tpu.vector_load_idx %arg10[%broadcast_in_dim3A_18] : memref<16xi32, #tpu.memory_space<vmem>>[vector<16xi32>], vector<16xi32>,
      %parallel_loop3A_1360 = arith.addi %parallel_loop3A_1262, %parallel_loop3A_1359 : vector<16xi32>
      %parallel_loop3A_1361 = arith.constant -1.000000e+00 : f32
      %parallel_loop3A_1362 = vector.broadcast %parallel_loop3A_1361 : f32 to vector<16xf32>
      %parallel_loop3A_1363 = arith.mulf %parallel_loop3A_1362, %parallel_loop3A_1268 : vector<16xf32>
      %parallel_loop3A_1364 = arith.constant 3.000000e+00 : f32
      %parallel_loop3A_1365 = vector.broadcast %parallel_loop3A_1364 : f32 to vector<16xf32>
      %parallel_loop3A_1366 = arith.addf %parallel_loop3A_1365, %parallel_loop3A_1363 : vector<16xf32>
      %parallel_loop3A_1367 = arith.constant 0.000000e+00 : f32
      %parallel_loop3A_1368 = vector.broadcast %parallel_loop3A_1367 : f32 to vector<16xf32>
      %parallel_loop3A_1369 = arith.maximumf %parallel_loop3A_1366, %parallel_loop3A_1368 : vector<16xf32>
      %parallel_loop3A_1370 = arith.cmpf ole, %parallel_loop3A_1369, %add3A_307 : vector<16xf32>
      %parallel_loop3A_1371 = arith.extui %parallel_loop3A_1370 : vector<16xi1> to vector<16xi32>
      %parallel_loop3A_1372 = tpu.iota {dimensions = array<i32: 0>} : vector<16xi32>
      %parallel_loop3A_1373 = arith.constant 1 : i32
      %parallel_loop3A_1374 = vector.broadcast %parallel_loop3A_1373 : i32 to vector<16xi32>
      %parallel_loop3A_1375 = arith.subi %parallel_loop3A_1372, %parallel_loop3A_1374 : vector<16xi32>
      %parallel_loop3A_1376 = arith.constant 0 : i32
      %parallel_loop3A_1377 = vector.broadcast %parallel_loop3A_1376 : i32 to vector<16xi32>
      %parallel_loop3A_1378 = arith.maxsi %parallel_loop3A_1375, %parallel_loop3A_1377 : vector<16xi32>
      %parallel_loop3A_1379 = arith.constant 0 : index
      %parallel_loop3A_1380 = tpu.vector_load %arg10[%parallel_loop3A_1379] {strides = array<i32>} : memref<16xi32, #tpu.memory_space<vmem>>, vector<16xi32>,
      tpu.vector_store %arg10[%parallel_loop3A_1379], %parallel_loop3A_1371 {strides = array<i32>} : memref<16xi32, #tpu.memory_space<vmem>>, vector<16xi32>,
      %parallel_loop3A_1381 = tpu.vector_load_idx %arg10[%parallel_loop3A_1378] : memref<16xi32, #tpu.memory_space<vmem>>[vector<16xi32>], vector<16xi32>,
      %parallel_loop3A_1382 = arith.constant 1 : i32
      %parallel_loop3A_1383 = vector.broadcast %parallel_loop3A_1382 : i32 to vector<16xi32>
      %parallel_loop3A_1384 = arith.cmpi sge, %parallel_loop3A_1372, %parallel_loop3A_1383 : vector<16xi32>
      %parallel_loop3A_1385 = arith.constant 0 : i32
      %parallel_loop3A_1386 = vector.broadcast %parallel_loop3A_1385 : i32 to vector<16xi32>
      %parallel_loop3A_1387 = arith.select %parallel_loop3A_1384, %parallel_loop3A_1381, %parallel_loop3A_1386 : vector<16xi1>, vector<16xi32>
      %parallel_loop3A_1388 = arith.addi %parallel_loop3A_1371, %parallel_loop3A_1387 : vector<16xi32>
      %parallel_loop3A_1389 = arith.constant 2 : i32
      %parallel_loop3A_1390 = vector.broadcast %parallel_loop3A_1389 : i32 to vector<16xi32>
      %parallel_loop3A_1391 = arith.subi %parallel_loop3A_1372, %parallel_loop3A_1390 : vector<16xi32>
      %parallel_loop3A_1392 = arith.constant 0 : i32
      %parallel_loop3A_1393 = vector.broadcast %parallel_loop3A_1392 : i32 to vector<16xi32>
      %parallel_loop3A_1394 = arith.maxsi %parallel_loop3A_1391, %parallel_loop3A_1393 : vector<16xi32>
      %parallel_loop3A_1395 = arith.constant 0 : index
      %parallel_loop3A_1396 = tpu.vector_load %arg10[%parallel_loop3A_1395] {strides = array<i32>} : memref<16xi32, #tpu.memory_space<vmem>>, vector<16xi32>,
      tpu.vector_store %arg10[%parallel_loop3A_1395], %parallel_loop3A_1388 {strides = array<i32>} : memref<16xi32, #tpu.memory_space<vmem>>, vector<16xi32>,
      %parallel_loop3A_1397 = tpu.vector_load_idx %arg10[%parallel_loop3A_1394] : memref<16xi32, #tpu.memory_space<vmem>>[vector<16xi32>], vector<16xi32>,
      %parallel_loop3A_1398 = arith.constant 2 : i32
      %parallel_loop3A_1399 = vector.broadcast %parallel_loop3A_1398 : i32 to vector<16xi32>
      %parallel_loop3A_1400 = arith.cmpi sge, %parallel_loop3A_1372, %parallel_loop3A_1399 : vector<16xi32>
      %parallel_loop3A_1401 = arith.constant 0 : i32
      %parallel_loop3A_1402 = vector.broadcast %parallel_loop3A_1401 : i32 to vector<16xi32>
      %parallel_loop3A_1403 = arith.select %parallel_loop3A_1400, %parallel_loop3A_1397, %parallel_loop3A_1402 : vector<16xi1>, vector<16xi32>
      %parallel_loop3A_1404 = arith.addi %parallel_loop3A_1388, %parallel_loop3A_1403 : vector<16xi32>
      %parallel_loop3A_1405 = arith.constant 4 : i32
      %parallel_loop3A_1406 = vector.broadcast %parallel_loop3A_1405 : i32 to vector<16xi32>
      %parallel_loop3A_1407 = arith.subi %parallel_loop3A_1372, %parallel_loop3A_1406 : vector<16xi32>
      %parallel_loop3A_1408 = arith.constant 0 : i32
      %parallel_loop3A_1409 = vector.broadcast %parallel_loop3A_1408 : i32 to vector<16xi32>
      %parallel_loop3A_1410 = arith.maxsi %parallel_loop3A_1407, %parallel_loop3A_1409 : vector<16xi32>
      %parallel_loop3A_1411 = arith.constant 0 : index
      %parallel_loop3A_1412 = tpu.vector_load %arg10[%parallel_loop3A_1411] {strides = array<i32>} : memref<16xi32, #tpu.memory_space<vmem>>, vector<16xi32>,
      tpu.vector_store %arg10[%parallel_loop3A_1411], %parallel_loop3A_1404 {strides = array<i32>} : memref<16xi32, #tpu.memory_space<vmem>>, vector<16xi32>,
      %parallel_loop3A_1413 = tpu.vector_load_idx %arg10[%parallel_loop3A_1410] : memref<16xi32, #tpu.memory_space<vmem>>[vector<16xi32>], vector<16xi32>,
      %parallel_loop3A_1414 = arith.constant 4 : i32
      %parallel_loop3A_1415 = vector.broadcast %parallel_loop3A_1414 : i32 to vector<16xi32>
      %parallel_loop3A_1416 = arith.cmpi sge, %parallel_loop3A_1372, %parallel_loop3A_1415 : vector<16xi32>
      %parallel_loop3A_1417 = arith.constant 0 : i32
      %parallel_loop3A_1418 = vector.broadcast %parallel_loop3A_1417 : i32 to vector<16xi32>
      %parallel_loop3A_1419 = arith.select %parallel_loop3A_1416, %parallel_loop3A_1413, %parallel_loop3A_1418 : vector<16xi1>, vector<16xi32>
      %parallel_loop3A_1420 = arith.addi %parallel_loop3A_1404, %parallel_loop3A_1419 : vector<16xi32>
      %parallel_loop3A_1421 = arith.constant 8 : i32
      %parallel_loop3A_1422 = vector.broadcast %parallel_loop3A_1421 : i32 to vector<16xi32>
      %parallel_loop3A_1423 = arith.subi %parallel_loop3A_1372, %parallel_loop3A_1422 : vector<16xi32>
      %parallel_loop3A_1424 = arith.constant 0 : i32
      %parallel_loop3A_1425 = vector.broadcast %parallel_loop3A_1424 : i32 to vector<16xi32>
      %parallel_loop3A_1426 = arith.maxsi %parallel_loop3A_1423, %parallel_loop3A_1425 : vector<16xi32>
      %parallel_loop3A_1427 = arith.constant 0 : index
      %parallel_loop3A_1428 = tpu.vector_load %arg10[%parallel_loop3A_1427] {strides = array<i32>} : memref<16xi32, #tpu.memory_space<vmem>>, vector<16xi32>,
      tpu.vector_store %arg10[%parallel_loop3A_1427], %parallel_loop3A_1420 {strides = array<i32>} : memref<16xi32, #tpu.memory_space<vmem>>, vector<16xi32>,
      %parallel_loop3A_1429 = tpu.vector_load_idx %arg10[%parallel_loop3A_1426] : memref<16xi32, #tpu.memory_space<vmem>>[vector<16xi32>], vector<16xi32>,
      %parallel_loop3A_1430 = arith.constant 8 : i32
      %parallel_loop3A_1431 = vector.broadcast %parallel_loop3A_1430 : i32 to vector<16xi32>
      %parallel_loop3A_1432 = arith.cmpi sge, %parallel_loop3A_1372, %parallel_loop3A_1431 : vector<16xi32>
      %parallel_loop3A_1433 = arith.constant 0 : i32
      %parallel_loop3A_1434 = vector.broadcast %parallel_loop3A_1433 : i32 to vector<16xi32>
      %parallel_loop3A_1435 = arith.select %parallel_loop3A_1432, %parallel_loop3A_1429, %parallel_loop3A_1434 : vector<16xi1>, vector<16xi32>
      %parallel_loop3A_1436 = arith.addi %parallel_loop3A_1420, %parallel_loop3A_1435 : vector<16xi32>
      %parallel_loop3A_1437 = arith.addi %parallel_loop3A_1360, %parallel_loop3A_1436 : vector<16xi32>
      %parallel_loop3A_1438 = arith.subi %parallel_loop3A_1437, %parallel_loop3A_1371 : vector<16xi32>
      %parallel_loop3A_1439 = arith.constant 96 : i32
      %parallel_loop3A_1440 = vector.broadcast %parallel_loop3A_1439 : i32 to vector<16xi32>
      %parallel_loop3A_1441 = arith.cmpi slt, %parallel_loop3A_1438, %parallel_loop3A_1440 : vector<16xi32>
      %parallel_loop3A_1442 = arith.andi %parallel_loop3A_1370, %parallel_loop3A_1441 : vector<16xi1>
      tpu.vector_store_idx %arg11[%parallel_loop3A_1438], %parallel_loop3A_1369 masked %parallel_loop3A_1442 : memref<96xf32, #tpu.memory_space<vmem>>[vector<16xi32>], vector<16xf32>, vector<16xi1>
      %parallel_loop3A_1443 = arith.constant -1.000000e+00 : f32
      %parallel_loop3A_1444 = vector.broadcast %parallel_loop3A_1443 : f32 to vector<16xf32>
      tpu.vector_store_idx %arg12[%parallel_loop3A_1438], %parallel_loop3A_1444 masked %parallel_loop3A_1442 : memref<96xf32, #tpu.memory_space<vmem>>[vector<16xi32>], vector<16xf32>, vector<16xi1>
      tpu.vector_store_idx %arg13[%parallel_loop3A_1438], %parallel_loop3A_1272 masked %parallel_loop3A_1442 : memref<96xi32, #tpu.memory_space<vmem>>[vector<16xi32>], vector<16xi32>, vector<16xi1>
      %parallel_loop3A_1445 = arith.constant 0 : index
      %parallel_loop3A_1446 = tpu.vector_load %arg10[%parallel_loop3A_1445] {strides = array<i32>} : memref<16xi32, #tpu.memory_space<vmem>>, vector<16xi32>,
      tpu.vector_store %arg10[%parallel_loop3A_1445], %parallel_loop3A_1436 {strides = array<i32>} : memref<16xi32, #tpu.memory_space<vmem>>, vector<16xi32>,
      %parallel_loop3A_1447 = tpu.vector_load_idx %arg10[%broadcast_in_dim3A_18] : memref<16xi32, #tpu.memory_space<vmem>>[vector<16xi32>], vector<16xi32>,
      %parallel_loop3A_1448 = arith.addi %parallel_loop3A_1360, %parallel_loop3A_1447 : vector<16xi32>
      scf.yield %parallel_loop3A_1448 : vector<16xi32>
    } {sc.loop_unroll_factor = 2 : i64, sc.parallel_access}
    %min3A_312 = arith.constant 96 : i32
    %min3A_313 = vector.broadcast %min3A_312 : i32 to vector<16xi32>
    %min3A_314 = arith.minsi %parallel_loop3A_311, %min3A_313 : vector<16xi32>
    %swap3A_315 = arith.constant 0 : index
    %swap3A_316 = tpu.vector_load %arg10[%swap3A_315] {strides = array<i32>} : memref<16xi32, #tpu.memory_space<vmem>>, vector<16xi32>,
    tpu.vector_store %arg10[%swap3A_315], %min3A_314 {strides = array<i32>} : memref<16xi32, #tpu.memory_space<vmem>>, vector<16xi32>,
    %mul3A_317 = arith.constant 96 : i32
    %mul3A_318 = arith.muli %add3A_31, %mul3A_317 : i32
    "tpu.region"() ({
      %run_scoped3A = tpu.sem_alloc : memref<!tpu.dma_semaphore, #tpu.memory_space<semaphore_mem>>
      %dma_start3A_1261 = tpu.memref_slice %arg14[%mul3A_318] : memref<6144xf32, #tpu.memory_space<vmem_shared>> -> memref<96xf32, #tpu.memory_space<vmem_shared>>
      %dma_start3A_1262 = tpu.memref_slice %arg14[%mul3A_318] : memref<6144xf32, #tpu.memory_space<vmem_shared>> -> memref<96xf32, #tpu.memory_space<vmem_shared>>
      tpu.enqueue_dma source(%arg11 : memref<96xf32, #tpu.memory_space<vmem>>) target(%dma_start3A_1262 : memref<96xf32, #tpu.memory_space<vmem_shared>>) target_semaphore(%run_scoped3A : memref<!tpu.dma_semaphore, #tpu.memory_space<semaphore_mem>>)
      %dma_wait3A_1263 = tpu.memref_slice %arg14[%mul3A_318] : memref<6144xf32, #tpu.memory_space<vmem_shared>> -> memref<96xf32, #tpu.memory_space<vmem_shared>>
      %dma_wait3A_1264 = tpu.memref_slice %arg14[%mul3A_318] : memref<6144xf32, #tpu.memory_space<vmem_shared>> -> memref<96xf32, #tpu.memory_space<vmem_shared>>
      tpu.wait_dma2 semaphore(%run_scoped3A : memref<!tpu.dma_semaphore, #tpu.memory_space<semaphore_mem>>) src(%arg11 : memref<96xf32, #tpu.memory_space<vmem>>) dst(%dma_wait3A_1264 : memref<96xf32, #tpu.memory_space<vmem_shared>>)
      tpu.yield
    }) : () -> ()
    %mul3A_319 = arith.constant 96 : i32
    %mul3A_320 = arith.muli %add3A_31, %mul3A_319 : i32
    "tpu.region"() ({
      %run_scoped3A = tpu.sem_alloc : memref<!tpu.dma_semaphore, #tpu.memory_space<semaphore_mem>>
      %dma_start3A_1261 = tpu.memref_slice %arg15[%mul3A_320] : memref<6144xf32, #tpu.memory_space<vmem_shared>> -> memref<96xf32, #tpu.memory_space<vmem_shared>>
      %dma_start3A_1262 = tpu.memref_slice %arg15[%mul3A_320] : memref<6144xf32, #tpu.memory_space<vmem_shared>> -> memref<96xf32, #tpu.memory_space<vmem_shared>>
      tpu.enqueue_dma source(%arg12 : memref<96xf32, #tpu.memory_space<vmem>>) target(%dma_start3A_1262 : memref<96xf32, #tpu.memory_space<vmem_shared>>) target_semaphore(%run_scoped3A : memref<!tpu.dma_semaphore, #tpu.memory_space<semaphore_mem>>)
      %dma_wait3A_1263 = tpu.memref_slice %arg15[%mul3A_320] : memref<6144xf32, #tpu.memory_space<vmem_shared>> -> memref<96xf32, #tpu.memory_space<vmem_shared>>
      %dma_wait3A_1264 = tpu.memref_slice %arg15[%mul3A_320] : memref<6144xf32, #tpu.memory_space<vmem_shared>> -> memref<96xf32, #tpu.memory_space<vmem_shared>>
      tpu.wait_dma2 semaphore(%run_scoped3A : memref<!tpu.dma_semaphore, #tpu.memory_space<semaphore_mem>>) src(%arg12 : memref<96xf32, #tpu.memory_space<vmem>>) dst(%dma_wait3A_1264 : memref<96xf32, #tpu.memory_space<vmem_shared>>)
      tpu.yield
    }) : () -> ()
    %mul3A_321 = arith.constant 96 : i32
    %mul3A_322 = arith.muli %add3A_31, %mul3A_321 : i32
    "tpu.region"() ({
      %run_scoped3A = tpu.sem_alloc : memref<!tpu.dma_semaphore, #tpu.memory_space<semaphore_mem>>
      %dma_start3A_1261 = tpu.memref_slice %arg16[%mul3A_322] : memref<6144xi32, #tpu.memory_space<vmem_shared>> -> memref<96xi32, #tpu.memory_space<vmem_shared>>
      %dma_start3A_1262 = tpu.memref_slice %arg16[%mul3A_322] : memref<6144xi32, #tpu.memory_space<vmem_shared>> -> memref<96xi32, #tpu.memory_space<vmem_shared>>
      tpu.enqueue_dma source(%arg13 : memref<96xi32, #tpu.memory_space<vmem>>) target(%dma_start3A_1262 : memref<96xi32, #tpu.memory_space<vmem_shared>>) target_semaphore(%run_scoped3A : memref<!tpu.dma_semaphore, #tpu.memory_space<semaphore_mem>>)
      %dma_wait3A_1263 = tpu.memref_slice %arg16[%mul3A_322] : memref<6144xi32, #tpu.memory_space<vmem_shared>> -> memref<96xi32, #tpu.memory_space<vmem_shared>>
      %dma_wait3A_1264 = tpu.memref_slice %arg16[%mul3A_322] : memref<6144xi32, #tpu.memory_space<vmem_shared>> -> memref<96xi32, #tpu.memory_space<vmem_shared>>
      tpu.wait_dma2 semaphore(%run_scoped3A : memref<!tpu.dma_semaphore, #tpu.memory_space<semaphore_mem>>) src(%arg13 : memref<96xi32, #tpu.memory_space<vmem>>) dst(%dma_wait3A_1264 : memref<96xi32, #tpu.memory_space<vmem_shared>>)
      tpu.yield
    }) : () -> ()
    %mul3A_323 = arith.constant 16 : i32
    %mul3A_324 = arith.muli %add3A_31, %mul3A_323 : i32
    "tpu.region"() ({
      %run_scoped3A = tpu.sem_alloc : memref<!tpu.dma_semaphore, #tpu.memory_space<semaphore_mem>>
      %dma_start3A_1261 = tpu.memref_slice %arg17[%mul3A_324] : memref<1024xi32, #tpu.memory_space<vmem_shared>> -> memref<16xi32, #tpu.memory_space<vmem_shared>>
      %dma_start3A_1262 = tpu.memref_slice %arg17[%mul3A_324] : memref<1024xi32, #tpu.memory_space<vmem_shared>> -> memref<16xi32, #tpu.memory_space<vmem_shared>>
      tpu.enqueue_dma source(%arg10 : memref<16xi32, #tpu.memory_space<vmem>>) target(%dma_start3A_1262 : memref<16xi32, #tpu.memory_space<vmem_shared>>) target_semaphore(%run_scoped3A : memref<!tpu.dma_semaphore, #tpu.memory_space<semaphore_mem>>)
      %dma_wait3A_1263 = tpu.memref_slice %arg17[%mul3A_324] : memref<1024xi32, #tpu.memory_space<vmem_shared>> -> memref<16xi32, #tpu.memory_space<vmem_shared>>
      %dma_wait3A_1264 = tpu.memref_slice %arg17[%mul3A_324] : memref<1024xi32, #tpu.memory_space<vmem_shared>> -> memref<16xi32, #tpu.memory_space<vmem_shared>>
      tpu.wait_dma2 semaphore(%run_scoped3A : memref<!tpu.dma_semaphore, #tpu.memory_space<semaphore_mem>>) src(%arg10 : memref<16xi32, #tpu.memory_space<vmem>>) dst(%dma_wait3A_1264 : memref<16xi32, #tpu.memory_space<vmem_shared>>)
      tpu.yield
    }) : () -> ()
    %mul3A_325 = arith.constant 4 : i32
    %mul3A_326 = arith.muli %arg1, %mul3A_325 : i32
    %add3A_327 = arith.constant 1 : i32
    %add3A_328 = arith.addi %mul3A_326, %add3A_327 : i32
    %swap3A_329 = arith.constant 0 : index
    %swap3A_330 = tpu.vector_load %arg13[%swap3A_329] {strides = array<i32>} : memref<96xi32, #tpu.memory_space<vmem>>, vector<16xi32>,
    tpu.vector_store %arg13[%swap3A_329], %broadcast_in_dim3A_20 {strides = array<i32>} : memref<96xi32, #tpu.memory_space<vmem>>, vector<16xi32>,
    %swap3A_331 = arith.constant 0 : index
    %swap3A_332 = tpu.vector_load %arg11[%swap3A_331] {strides = array<i32>} : memref<96xf32, #tpu.memory_space<vmem>>, vector<16xf32>,
    tpu.vector_store %arg11[%swap3A_331], %broadcast_in_dim3A_22 {strides = array<i32>} : memref<96xf32, #tpu.memory_space<vmem>>, vector<16xf32>,
    %swap3A_333 = arith.constant 0 : index
    %swap3A_334 = tpu.vector_load %arg12[%swap3A_333] {strides = array<i32>} : memref<96xf32, #tpu.memory_space<vmem>>, vector<16xf32>,
    tpu.vector_store %arg12[%swap3A_333], %broadcast_in_dim3A_24 {strides = array<i32>} : memref<96xf32, #tpu.memory_space<vmem>>, vector<16xf32>,
    %swap3A_335 = arith.constant 16 : index
    %swap3A_336 = tpu.vector_load %arg13[%swap3A_335] {strides = array<i32>} : memref<96xi32, #tpu.memory_space<vmem>>, vector<16xi32>,
    tpu.vector_store %arg13[%swap3A_335], %broadcast_in_dim3A_20 {strides = array<i32>} : memref<96xi32, #tpu.memory_space<vmem>>, vector<16xi32>,
    %swap3A_337 = arith.constant 16 : index
    %swap3A_338 = tpu.vector_load %arg11[%swap3A_337] {strides = array<i32>} : memref<96xf32, #tpu.memory_space<vmem>>, vector<16xf32>,
    tpu.vector_store %arg11[%swap3A_337], %broadcast_in_dim3A_22 {strides = array<i32>} : memref<96xf32, #tpu.memory_space<vmem>>, vector<16xf32>,
    %swap3A_339 = arith.constant 16 : index
    %swap3A_340 = tpu.vector_load %arg12[%swap3A_339] {strides = array<i32>} : memref<96xf32, #tpu.memory_space<vmem>>, vector<16xf32>,
    tpu.vector_store %arg12[%swap3A_339], %broadcast_in_dim3A_24 {strides = array<i32>} : memref<96xf32, #tpu.memory_space<vmem>>, vector<16xf32>,
    %swap3A_341 = arith.constant 32 : index
    %swap3A_342 = tpu.vector_load %arg13[%swap3A_341] {strides = array<i32>} : memref<96xi32, #tpu.memory_space<vmem>>, vector<16xi32>,
    tpu.vector_store %arg13[%swap3A_341], %broadcast_in_dim3A_20 {strides = array<i32>} : memref<96xi32, #tpu.memory_space<vmem>>, vector<16xi32>,
    %swap3A_343 = arith.constant 32 : index
    %swap3A_344 = tpu.vector_load %arg11[%swap3A_343] {strides = array<i32>} : memref<96xf32, #tpu.memory_space<vmem>>, vector<16xf32>,
    tpu.vector_store %arg11[%swap3A_343], %broadcast_in_dim3A_22 {strides = array<i32>} : memref<96xf32, #tpu.memory_space<vmem>>, vector<16xf32>,
    %swap3A_345 = arith.constant 32 : index
    %swap3A_346 = tpu.vector_load %arg12[%swap3A_345] {strides = array<i32>} : memref<96xf32, #tpu.memory_space<vmem>>, vector<16xf32>,
    tpu.vector_store %arg12[%swap3A_345], %broadcast_in_dim3A_24 {strides = array<i32>} : memref<96xf32, #tpu.memory_space<vmem>>, vector<16xf32>,
    %swap3A_347 = arith.constant 48 : index
    %swap3A_348 = tpu.vector_load %arg13[%swap3A_347] {strides = array<i32>} : memref<96xi32, #tpu.memory_space<vmem>>, vector<16xi32>,
    tpu.vector_store %arg13[%swap3A_347], %broadcast_in_dim3A_20 {strides = array<i32>} : memref<96xi32, #tpu.memory_space<vmem>>, vector<16xi32>,
    %swap3A_349 = arith.constant 48 : index
    %swap3A_350 = tpu.vector_load %arg11[%swap3A_349] {strides = array<i32>} : memref<96xf32, #tpu.memory_space<vmem>>, vector<16xf32>,
    tpu.vector_store %arg11[%swap3A_349], %broadcast_in_dim3A_22 {strides = array<i32>} : memref<96xf32, #tpu.memory_space<vmem>>, vector<16xf32>,
    %swap3A_351 = arith.constant 48 : index
    %swap3A_352 = tpu.vector_load %arg12[%swap3A_351] {strides = array<i32>} : memref<96xf32, #tpu.memory_space<vmem>>, vector<16xf32>,
    tpu.vector_store %arg12[%swap3A_351], %broadcast_in_dim3A_24 {strides = array<i32>} : memref<96xf32, #tpu.memory_space<vmem>>, vector<16xf32>,
    %swap3A_353 = arith.constant 64 : index
    %swap3A_354 = tpu.vector_load %arg13[%swap3A_353] {strides = array<i32>} : memref<96xi32, #tpu.memory_space<vmem>>, vector<16xi32>,
    tpu.vector_store %arg13[%swap3A_353], %broadcast_in_dim3A_20 {strides = array<i32>} : memref<96xi32, #tpu.memory_space<vmem>>, vector<16xi32>,
    %swap3A_355 = arith.constant 64 : index
    %swap3A_356 = tpu.vector_load %arg11[%swap3A_355] {strides = array<i32>} : memref<96xf32, #tpu.memory_space<vmem>>, vector<16xf32>,
    tpu.vector_store %arg11[%swap3A_355], %broadcast_in_dim3A_22 {strides = array<i32>} : memref<96xf32, #tpu.memory_space<vmem>>, vector<16xf32>,
    %swap3A_357 = arith.constant 64 : index
    %swap3A_358 = tpu.vector_load %arg12[%swap3A_357] {strides = array<i32>} : memref<96xf32, #tpu.memory_space<vmem>>, vector<16xf32>,
    tpu.vector_store %arg12[%swap3A_357], %broadcast_in_dim3A_24 {strides = array<i32>} : memref<96xf32, #tpu.memory_space<vmem>>, vector<16xf32>,
    %swap3A_359 = arith.constant 80 : index
    %swap3A_360 = tpu.vector_load %arg13[%swap3A_359] {strides = array<i32>} : memref<96xi32, #tpu.memory_space<vmem>>, vector<16xi32>,
    tpu.vector_store %arg13[%swap3A_359], %broadcast_in_dim3A_20 {strides = array<i32>} : memref<96xi32, #tpu.memory_space<vmem>>, vector<16xi32>,
    %swap3A_361 = arith.constant 80 : index
    %swap3A_362 = tpu.vector_load %arg11[%swap3A_361] {strides = array<i32>} : memref<96xf32, #tpu.memory_space<vmem>>, vector<16xf32>,
    tpu.vector_store %arg11[%swap3A_361], %broadcast_in_dim3A_22 {strides = array<i32>} : memref<96xf32, #tpu.memory_space<vmem>>, vector<16xf32>,
    %swap3A_363 = arith.constant 80 : index
    %swap3A_364 = tpu.vector_load %arg12[%swap3A_363] {strides = array<i32>} : memref<96xf32, #tpu.memory_space<vmem>>, vector<16xf32>,
    tpu.vector_store %arg12[%swap3A_363], %broadcast_in_dim3A_24 {strides = array<i32>} : memref<96xf32, #tpu.memory_space<vmem>>, vector<16xf32>,
    %parallel_loop3A_365 = arith.constant 0 : i32
    %parallel_loop3A_366 = arith.constant 32 : i32
    %parallel_loop3A_367 = arith.constant 1 : i32
    %parallel_loop3A_368 = scf.for %parallel_loop3A_1261 = %parallel_loop3A_365 to %parallel_loop3A_366 step %parallel_loop3A_367 iter_args(%parallel_loop3A_1262 = %broadcast_in_dim3A_22) -> (vector<16xf32>)  : i32 {
      %parallel_loop3A_1263 = arith.constant 16 : i32
      %parallel_loop3A_1264 = arith.muli %parallel_loop3A_1261, %parallel_loop3A_1263 : i32
      %parallel_loop3A_1265 = arith.constant 1 : i32
      %parallel_loop3A_1266 = arith.index_cast %parallel_loop3A_1265 : i32 to index
      %parallel_loop3A_1267 = arith.index_cast %parallel_loop3A_1264 : i32 to index
      %parallel_loop3A_1268 = tpu.vector_load %arg7[%parallel_loop3A_1266, %parallel_loop3A_1267] {strides = array<i32>} : memref<4x512xf32, #tpu.memory_space<vmem>>, vector<16xf32>,
      %parallel_loop3A_1269 = arith.constant 3.000000e+00 : f32
      %parallel_loop3A_1270 = vector.broadcast %parallel_loop3A_1269 : f32 to vector<16xf32>
      %parallel_loop3A_1271 = arith.addf %parallel_loop3A_1270, %parallel_loop3A_1268 : vector<16xf32>
      %parallel_loop3A_1272 = arith.constant 0.000000e+00 : f32
      %parallel_loop3A_1273 = vector.broadcast %parallel_loop3A_1272 : f32 to vector<16xf32>
      %parallel_loop3A_1274 = arith.maximumf %parallel_loop3A_1271, %parallel_loop3A_1273 : vector<16xf32>
      %parallel_loop3A_1275 = arith.minimumf %parallel_loop3A_1262, %parallel_loop3A_1274 : vector<16xf32>
      %parallel_loop3A_1276 = arith.constant 3.000000e+00 : f32
      %parallel_loop3A_1277 = vector.broadcast %parallel_loop3A_1276 : f32 to vector<16xf32>
      %parallel_loop3A_1278 = arith.subf %parallel_loop3A_1277, %parallel_loop3A_1268 : vector<16xf32>
      %parallel_loop3A_1279 = arith.constant 0.000000e+00 : f32
      %parallel_loop3A_1280 = vector.broadcast %parallel_loop3A_1279 : f32 to vector<16xf32>
      %parallel_loop3A_1281 = arith.maximumf %parallel_loop3A_1278, %parallel_loop3A_1280 : vector<16xf32>
      %parallel_loop3A_1282 = arith.minimumf %parallel_loop3A_1275, %parallel_loop3A_1281 : vector<16xf32>
      scf.yield %parallel_loop3A_1282 : vector<16xf32>
    } {sc.loop_unroll_factor = 2 : i64, sc.parallel_access}
    %iota3A_369 = tpu.iota {dimensions = array<i32: 0>} : vector<16xi32>
    %xor3A_370 = arith.constant 1 : i32
    %xor3A_371 = vector.broadcast %xor3A_370 : i32 to vector<16xi32>
    %xor3A_372 = arith.xori %iota3A_369, %xor3A_371 : vector<16xi32>
    %swap3A_373 = arith.constant 0 : index
    %swap3A_374 = tpu.vector_load %arg9[%swap3A_373] {strides = array<i32>} : memref<16xf32, #tpu.memory_space<vmem>>, vector<16xf32>,
    tpu.vector_store %arg9[%swap3A_373], %parallel_loop3A_368 {strides = array<i32>} : memref<16xf32, #tpu.memory_space<vmem>>, vector<16xf32>,
    %gather3A_375 = tpu.vector_load_idx %arg9[%xor3A_372] : memref<16xf32, #tpu.memory_space<vmem>>[vector<16xi32>], vector<16xf32>,
    %and3A_376 = arith.constant 2 : i32
    %and3A_377 = vector.broadcast %and3A_376 : i32 to vector<16xi32>
    %and3A_378 = arith.andi %iota3A_369, %and3A_377 : vector<16xi32>
    %eq3A_379 = arith.constant 0 : i32
    %eq3A_380 = vector.broadcast %eq3A_379 : i32 to vector<16xi32>
    %eq3A_381 = arith.cmpi eq, %and3A_378, %eq3A_380 : vector<16xi32>
    %and3A_382 = arith.constant 1 : i32
    %and3A_383 = vector.broadcast %and3A_382 : i32 to vector<16xi32>
    %and3A_384 = arith.andi %iota3A_369, %and3A_383 : vector<16xi32>
    %eq3A_385 = arith.constant 0 : i32
    %eq3A_386 = vector.broadcast %eq3A_385 : i32 to vector<16xi32>
    %eq3A_387 = arith.cmpi eq, %and3A_384, %eq3A_386 : vector<16xi32>
    %eq3A_388 = arith.xori %eq3A_381, %eq3A_387 : vector<16xi1>
    %eq3A_389 = arith.constant dense<true> : vector<16xi1>
    %eq3A_390 = arith.xori %eq3A_388, %eq3A_389 : vector<16xi1>
    %min3A_391 = arith.minimumf %parallel_loop3A_368, %gather3A_375 : vector<16xf32>
    %max3A_392 = arith.maximumf %parallel_loop3A_368, %gather3A_375 : vector<16xf32>
    %select_n3A_393 = arith.select %eq3A_390, %min3A_391, %max3A_392 : vector<16xi1>, vector<16xf32>
    %xor3A_394 = arith.constant 2 : i32
    %xor3A_395 = vector.broadcast %xor3A_394 : i32 to vector<16xi32>
    %xor3A_396 = arith.xori %iota3A_369, %xor3A_395 : vector<16xi32>
    %swap3A_397 = arith.constant 0 : index
    %swap3A_398 = tpu.vector_load %arg9[%swap3A_397] {strides = array<i32>} : memref<16xf32, #tpu.memory_space<vmem>>, vector<16xf32>,
    tpu.vector_store %arg9[%swap3A_397], %select_n3A_393 {strides = array<i32>} : memref<16xf32, #tpu.memory_space<vmem>>, vector<16xf32>,
    %gather3A_399 = tpu.vector_load_idx %arg9[%xor3A_396] : memref<16xf32, #tpu.memory_space<vmem>>[vector<16xi32>], vector<16xf32>,
    %and3A_400 = arith.constant 4 : i32
    %and3A_401 = vector.broadcast %and3A_400 : i32 to vector<16xi32>
    %and3A_402 = arith.andi %iota3A_369, %and3A_401 : vector<16xi32>
    %eq3A_403 = arith.constant 0 : i32
    %eq3A_404 = vector.broadcast %eq3A_403 : i32 to vector<16xi32>
    %eq3A_405 = arith.cmpi eq, %and3A_402, %eq3A_404 : vector<16xi32>
    %and3A_406 = arith.constant 2 : i32
    %and3A_407 = vector.broadcast %and3A_406 : i32 to vector<16xi32>
    %and3A_408 = arith.andi %iota3A_369, %and3A_407 : vector<16xi32>
    %eq3A_409 = arith.constant 0 : i32
    %eq3A_410 = vector.broadcast %eq3A_409 : i32 to vector<16xi32>
    %eq3A_411 = arith.cmpi eq, %and3A_408, %eq3A_410 : vector<16xi32>
    %eq3A_412 = arith.xori %eq3A_405, %eq3A_411 : vector<16xi1>
    %eq3A_413 = arith.constant dense<true> : vector<16xi1>
    %eq3A_414 = arith.xori %eq3A_412, %eq3A_413 : vector<16xi1>
    %min3A_415 = arith.minimumf %select_n3A_393, %gather3A_399 : vector<16xf32>
    %max3A_416 = arith.maximumf %select_n3A_393, %gather3A_399 : vector<16xf32>
    %select_n3A_417 = arith.select %eq3A_414, %min3A_415, %max3A_416 : vector<16xi1>, vector<16xf32>
    %xor3A_418 = arith.constant 1 : i32
    %xor3A_419 = vector.broadcast %xor3A_418 : i32 to vector<16xi32>
    %xor3A_420 = arith.xori %iota3A_369, %xor3A_419 : vector<16xi32>
    %swap3A_421 = arith.constant 0 : index
    %swap3A_422 = tpu.vector_load %arg9[%swap3A_421] {strides = array<i32>} : memref<16xf32, #tpu.memory_space<vmem>>, vector<16xf32>,
    tpu.vector_store %arg9[%swap3A_421], %select_n3A_417 {strides = array<i32>} : memref<16xf32, #tpu.memory_space<vmem>>, vector<16xf32>,
    %gather3A_423 = tpu.vector_load_idx %arg9[%xor3A_420] : memref<16xf32, #tpu.memory_space<vmem>>[vector<16xi32>], vector<16xf32>,
    %and3A_424 = arith.constant 4 : i32
    %and3A_425 = vector.broadcast %and3A_424 : i32 to vector<16xi32>
    %and3A_426 = arith.andi %iota3A_369, %and3A_425 : vector<16xi32>
    %eq3A_427 = arith.constant 0 : i32
    %eq3A_428 = vector.broadcast %eq3A_427 : i32 to vector<16xi32>
    %eq3A_429 = arith.cmpi eq, %and3A_426, %eq3A_428 : vector<16xi32>
    %and3A_430 = arith.constant 1 : i32
    %and3A_431 = vector.broadcast %and3A_430 : i32 to vector<16xi32>
    %and3A_432 = arith.andi %iota3A_369, %and3A_431 : vector<16xi32>
    %eq3A_433 = arith.constant 0 : i32
    %eq3A_434 = vector.broadcast %eq3A_433 : i32 to vector<16xi32>
    %eq3A_435 = arith.cmpi eq, %and3A_432, %eq3A_434 : vector<16xi32>
    %eq3A_436 = arith.xori %eq3A_429, %eq3A_435 : vector<16xi1>
    %eq3A_437 = arith.constant dense<true> : vector<16xi1>
    %eq3A_438 = arith.xori %eq3A_436, %eq3A_437 : vector<16xi1>
    %min3A_439 = arith.minimumf %select_n3A_417, %gather3A_423 : vector<16xf32>
    %max3A_440 = arith.maximumf %select_n3A_417, %gather3A_423 : vector<16xf32>
    %select_n3A_441 = arith.select %eq3A_438, %min3A_439, %max3A_440 : vector<16xi1>, vector<16xf32>
    %xor3A_442 = arith.constant 4 : i32
    %xor3A_443 = vector.broadcast %xor3A_442 : i32 to vector<16xi32>
    %xor3A_444 = arith.xori %iota3A_369, %xor3A_443 : vector<16xi32>
    %swap3A_445 = arith.constant 0 : index
    %swap3A_446 = tpu.vector_load %arg9[%swap3A_445] {strides = array<i32>} : memref<16xf32, #tpu.memory_space<vmem>>, vector<16xf32>,
    tpu.vector_store %arg9[%swap3A_445], %select_n3A_441 {strides = array<i32>} : memref<16xf32, #tpu.memory_space<vmem>>, vector<16xf32>,
    %gather3A_447 = tpu.vector_load_idx %arg9[%xor3A_444] : memref<16xf32, #tpu.memory_space<vmem>>[vector<16xi32>], vector<16xf32>,
    %and3A_448 = arith.constant 8 : i32
    %and3A_449 = vector.broadcast %and3A_448 : i32 to vector<16xi32>
    %and3A_450 = arith.andi %iota3A_369, %and3A_449 : vector<16xi32>
    %eq3A_451 = arith.constant 0 : i32
    %eq3A_452 = vector.broadcast %eq3A_451 : i32 to vector<16xi32>
    %eq3A_453 = arith.cmpi eq, %and3A_450, %eq3A_452 : vector<16xi32>
    %and3A_454 = arith.constant 4 : i32
    %and3A_455 = vector.broadcast %and3A_454 : i32 to vector<16xi32>
    %and3A_456 = arith.andi %iota3A_369, %and3A_455 : vector<16xi32>
    %eq3A_457 = arith.constant 0 : i32
    %eq3A_458 = vector.broadcast %eq3A_457 : i32 to vector<16xi32>
    %eq3A_459 = arith.cmpi eq, %and3A_456, %eq3A_458 : vector<16xi32>
    %eq3A_460 = arith.xori %eq3A_453, %eq3A_459 : vector<16xi1>
    %eq3A_461 = arith.constant dense<true> : vector<16xi1>
    %eq3A_462 = arith.xori %eq3A_460, %eq3A_461 : vector<16xi1>
    %min3A_463 = arith.minimumf %select_n3A_441, %gather3A_447 : vector<16xf32>
    %max3A_464 = arith.maximumf %select_n3A_441, %gather3A_447 : vector<16xf32>
    %select_n3A_465 = arith.select %eq3A_462, %min3A_463, %max3A_464 : vector<16xi1>, vector<16xf32>
    %xor3A_466 = arith.constant 2 : i32
    %xor3A_467 = vector.broadcast %xor3A_466 : i32 to vector<16xi32>
    %xor3A_468 = arith.xori %iota3A_369, %xor3A_467 : vector<16xi32>
    %swap3A_469 = arith.constant 0 : index
    %swap3A_470 = tpu.vector_load %arg9[%swap3A_469] {strides = array<i32>} : memref<16xf32, #tpu.memory_space<vmem>>, vector<16xf32>,
    tpu.vector_store %arg9[%swap3A_469], %select_n3A_465 {strides = array<i32>} : memref<16xf32, #tpu.memory_space<vmem>>, vector<16xf32>,
    %gather3A_471 = tpu.vector_load_idx %arg9[%xor3A_468] : memref<16xf32, #tpu.memory_space<vmem>>[vector<16xi32>], vector<16xf32>,
    %and3A_472 = arith.constant 8 : i32
    %and3A_473 = vector.broadcast %and3A_472 : i32 to vector<16xi32>
    %and3A_474 = arith.andi %iota3A_369, %and3A_473 : vector<16xi32>
    %eq3A_475 = arith.constant 0 : i32
    %eq3A_476 = vector.broadcast %eq3A_475 : i32 to vector<16xi32>
    %eq3A_477 = arith.cmpi eq, %and3A_474, %eq3A_476 : vector<16xi32>
    %and3A_478 = arith.constant 2 : i32
    %and3A_479 = vector.broadcast %and3A_478 : i32 to vector<16xi32>
    %and3A_480 = arith.andi %iota3A_369, %and3A_479 : vector<16xi32>
    %eq3A_481 = arith.constant 0 : i32
    %eq3A_482 = vector.broadcast %eq3A_481 : i32 to vector<16xi32>
    %eq3A_483 = arith.cmpi eq, %and3A_480, %eq3A_482 : vector<16xi32>
    %eq3A_484 = arith.xori %eq3A_477, %eq3A_483 : vector<16xi1>
    %eq3A_485 = arith.constant dense<true> : vector<16xi1>
    %eq3A_486 = arith.xori %eq3A_484, %eq3A_485 : vector<16xi1>
    %min3A_487 = arith.minimumf %select_n3A_465, %gather3A_471 : vector<16xf32>
    %max3A_488 = arith.maximumf %select_n3A_465, %gather3A_471 : vector<16xf32>
    %select_n3A_489 = arith.select %eq3A_486, %min3A_487, %max3A_488 : vector<16xi1>, vector<16xf32>
    %xor3A_490 = arith.constant 1 : i32
    %xor3A_491 = vector.broadcast %xor3A_490 : i32 to vector<16xi32>
    %xor3A_492 = arith.xori %iota3A_369, %xor3A_491 : vector<16xi32>
    %swap3A_493 = arith.constant 0 : index
    %swap3A_494 = tpu.vector_load %arg9[%swap3A_493] {strides = array<i32>} : memref<16xf32, #tpu.memory_space<vmem>>, vector<16xf32>,
    tpu.vector_store %arg9[%swap3A_493], %select_n3A_489 {strides = array<i32>} : memref<16xf32, #tpu.memory_space<vmem>>, vector<16xf32>,
    %gather3A_495 = tpu.vector_load_idx %arg9[%xor3A_492] : memref<16xf32, #tpu.memory_space<vmem>>[vector<16xi32>], vector<16xf32>,
    %and3A_496 = arith.constant 8 : i32
    %and3A_497 = vector.broadcast %and3A_496 : i32 to vector<16xi32>
    %and3A_498 = arith.andi %iota3A_369, %and3A_497 : vector<16xi32>
    %eq3A_499 = arith.constant 0 : i32
    %eq3A_500 = vector.broadcast %eq3A_499 : i32 to vector<16xi32>
    %eq3A_501 = arith.cmpi eq, %and3A_498, %eq3A_500 : vector<16xi32>
    %and3A_502 = arith.constant 1 : i32
    %and3A_503 = vector.broadcast %and3A_502 : i32 to vector<16xi32>
    %and3A_504 = arith.andi %iota3A_369, %and3A_503 : vector<16xi32>
    %eq3A_505 = arith.constant 0 : i32
    %eq3A_506 = vector.broadcast %eq3A_505 : i32 to vector<16xi32>
    %eq3A_507 = arith.cmpi eq, %and3A_504, %eq3A_506 : vector<16xi32>
    %eq3A_508 = arith.xori %eq3A_501, %eq3A_507 : vector<16xi1>
    %eq3A_509 = arith.constant dense<true> : vector<16xi1>
    %eq3A_510 = arith.xori %eq3A_508, %eq3A_509 : vector<16xi1>
    %min3A_511 = arith.minimumf %select_n3A_489, %gather3A_495 : vector<16xf32>
    %max3A_512 = arith.maximumf %select_n3A_489, %gather3A_495 : vector<16xf32>
    %select_n3A_513 = arith.select %eq3A_510, %min3A_511, %max3A_512 : vector<16xi1>, vector<16xf32>
    %xor3A_514 = arith.constant 8 : i32
    %xor3A_515 = vector.broadcast %xor3A_514 : i32 to vector<16xi32>
    %xor3A_516 = arith.xori %iota3A_369, %xor3A_515 : vector<16xi32>
    %swap3A_517 = arith.constant 0 : index
    %swap3A_518 = tpu.vector_load %arg9[%swap3A_517] {strides = array<i32>} : memref<16xf32, #tpu.memory_space<vmem>>, vector<16xf32>,
    tpu.vector_store %arg9[%swap3A_517], %select_n3A_513 {strides = array<i32>} : memref<16xf32, #tpu.memory_space<vmem>>, vector<16xf32>,
    %gather3A_519 = tpu.vector_load_idx %arg9[%xor3A_516] : memref<16xf32, #tpu.memory_space<vmem>>[vector<16xi32>], vector<16xf32>,
    %and3A_520 = arith.constant 16 : i32
    %and3A_521 = vector.broadcast %and3A_520 : i32 to vector<16xi32>
    %and3A_522 = arith.andi %iota3A_369, %and3A_521 : vector<16xi32>
    %eq3A_523 = arith.constant 0 : i32
    %eq3A_524 = vector.broadcast %eq3A_523 : i32 to vector<16xi32>
    %eq3A_525 = arith.cmpi eq, %and3A_522, %eq3A_524 : vector<16xi32>
    %and3A_526 = arith.constant 8 : i32
    %and3A_527 = vector.broadcast %and3A_526 : i32 to vector<16xi32>
    %and3A_528 = arith.andi %iota3A_369, %and3A_527 : vector<16xi32>
    %eq3A_529 = arith.constant 0 : i32
    %eq3A_530 = vector.broadcast %eq3A_529 : i32 to vector<16xi32>
    %eq3A_531 = arith.cmpi eq, %and3A_528, %eq3A_530 : vector<16xi32>
    %eq3A_532 = arith.xori %eq3A_525, %eq3A_531 : vector<16xi1>
    %eq3A_533 = arith.constant dense<true> : vector<16xi1>
    %eq3A_534 = arith.xori %eq3A_532, %eq3A_533 : vector<16xi1>
    %min3A_535 = arith.minimumf %select_n3A_513, %gather3A_519 : vector<16xf32>
    %max3A_536 = arith.maximumf %select_n3A_513, %gather3A_519 : vector<16xf32>
    %select_n3A_537 = arith.select %eq3A_534, %min3A_535, %max3A_536 : vector<16xi1>, vector<16xf32>
    %xor3A_538 = arith.constant 4 : i32
    %xor3A_539 = vector.broadcast %xor3A_538 : i32 to vector<16xi32>
    %xor3A_540 = arith.xori %iota3A_369, %xor3A_539 : vector<16xi32>
    %swap3A_541 = arith.constant 0 : index
    %swap3A_542 = tpu.vector_load %arg9[%swap3A_541] {strides = array<i32>} : memref<16xf32, #tpu.memory_space<vmem>>, vector<16xf32>,
    tpu.vector_store %arg9[%swap3A_541], %select_n3A_537 {strides = array<i32>} : memref<16xf32, #tpu.memory_space<vmem>>, vector<16xf32>,
    %gather3A_543 = tpu.vector_load_idx %arg9[%xor3A_540] : memref<16xf32, #tpu.memory_space<vmem>>[vector<16xi32>], vector<16xf32>,
    %and3A_544 = arith.constant 16 : i32
    %and3A_545 = vector.broadcast %and3A_544 : i32 to vector<16xi32>
    %and3A_546 = arith.andi %iota3A_369, %and3A_545 : vector<16xi32>
    %eq3A_547 = arith.constant 0 : i32
    %eq3A_548 = vector.broadcast %eq3A_547 : i32 to vector<16xi32>
    %eq3A_549 = arith.cmpi eq, %and3A_546, %eq3A_548 : vector<16xi32>
    %and3A_550 = arith.constant 4 : i32
    %and3A_551 = vector.broadcast %and3A_550 : i32 to vector<16xi32>
    %and3A_552 = arith.andi %iota3A_369, %and3A_551 : vector<16xi32>
    %eq3A_553 = arith.constant 0 : i32
    %eq3A_554 = vector.broadcast %eq3A_553 : i32 to vector<16xi32>
    %eq3A_555 = arith.cmpi eq, %and3A_552, %eq3A_554 : vector<16xi32>
    %eq3A_556 = arith.xori %eq3A_549, %eq3A_555 : vector<16xi1>
    %eq3A_557 = arith.constant dense<true> : vector<16xi1>
    %eq3A_558 = arith.xori %eq3A_556, %eq3A_557 : vector<16xi1>
    %min3A_559 = arith.minimumf %select_n3A_537, %gather3A_543 : vector<16xf32>
    %max3A_560 = arith.maximumf %select_n3A_537, %gather3A_543 : vector<16xf32>
    %select_n3A_561 = arith.select %eq3A_558, %min3A_559, %max3A_560 : vector<16xi1>, vector<16xf32>
    %xor3A_562 = arith.constant 2 : i32
    %xor3A_563 = vector.broadcast %xor3A_562 : i32 to vector<16xi32>
    %xor3A_564 = arith.xori %iota3A_369, %xor3A_563 : vector<16xi32>
    %swap3A_565 = arith.constant 0 : index
    %swap3A_566 = tpu.vector_load %arg9[%swap3A_565] {strides = array<i32>} : memref<16xf32, #tpu.memory_space<vmem>>, vector<16xf32>,
    tpu.vector_store %arg9[%swap3A_565], %select_n3A_561 {strides = array<i32>} : memref<16xf32, #tpu.memory_space<vmem>>, vector<16xf32>,
    %gather3A_567 = tpu.vector_load_idx %arg9[%xor3A_564] : memref<16xf32, #tpu.memory_space<vmem>>[vector<16xi32>], vector<16xf32>,
    %and3A_568 = arith.constant 16 : i32
    %and3A_569 = vector.broadcast %and3A_568 : i32 to vector<16xi32>
    %and3A_570 = arith.andi %iota3A_369, %and3A_569 : vector<16xi32>
    %eq3A_571 = arith.constant 0 : i32
    %eq3A_572 = vector.broadcast %eq3A_571 : i32 to vector<16xi32>
    %eq3A_573 = arith.cmpi eq, %and3A_570, %eq3A_572 : vector<16xi32>
    %and3A_574 = arith.constant 2 : i32
    %and3A_575 = vector.broadcast %and3A_574 : i32 to vector<16xi32>
    %and3A_576 = arith.andi %iota3A_369, %and3A_575 : vector<16xi32>
    %eq3A_577 = arith.constant 0 : i32
    %eq3A_578 = vector.broadcast %eq3A_577 : i32 to vector<16xi32>
    %eq3A_579 = arith.cmpi eq, %and3A_576, %eq3A_578 : vector<16xi32>
    %eq3A_580 = arith.xori %eq3A_573, %eq3A_579 : vector<16xi1>
    %eq3A_581 = arith.constant dense<true> : vector<16xi1>
    %eq3A_582 = arith.xori %eq3A_580, %eq3A_581 : vector<16xi1>
    %min3A_583 = arith.minimumf %select_n3A_561, %gather3A_567 : vector<16xf32>
    %max3A_584 = arith.maximumf %select_n3A_561, %gather3A_567 : vector<16xf32>
    %select_n3A_585 = arith.select %eq3A_582, %min3A_583, %max3A_584 : vector<16xi1>, vector<16xf32>
    %xor3A_586 = arith.constant 1 : i32
    %xor3A_587 = vector.broadcast %xor3A_586 : i32 to vector<16xi32>
    %xor3A_588 = arith.xori %iota3A_369, %xor3A_587 : vector<16xi32>
    %swap3A_589 = arith.constant 0 : index
    %swap3A_590 = tpu.vector_load %arg9[%swap3A_589] {strides = array<i32>} : memref<16xf32, #tpu.memory_space<vmem>>, vector<16xf32>,
    tpu.vector_store %arg9[%swap3A_589], %select_n3A_585 {strides = array<i32>} : memref<16xf32, #tpu.memory_space<vmem>>, vector<16xf32>,
    %gather3A_591 = tpu.vector_load_idx %arg9[%xor3A_588] : memref<16xf32, #tpu.memory_space<vmem>>[vector<16xi32>], vector<16xf32>,
    %and3A_592 = arith.constant 16 : i32
    %and3A_593 = vector.broadcast %and3A_592 : i32 to vector<16xi32>
    %and3A_594 = arith.andi %iota3A_369, %and3A_593 : vector<16xi32>
    %eq3A_595 = arith.constant 0 : i32
    %eq3A_596 = vector.broadcast %eq3A_595 : i32 to vector<16xi32>
    %eq3A_597 = arith.cmpi eq, %and3A_594, %eq3A_596 : vector<16xi32>
    %and3A_598 = arith.constant 1 : i32
    %and3A_599 = vector.broadcast %and3A_598 : i32 to vector<16xi32>
    %and3A_600 = arith.andi %iota3A_369, %and3A_599 : vector<16xi32>
    %eq3A_601 = arith.constant 0 : i32
    %eq3A_602 = vector.broadcast %eq3A_601 : i32 to vector<16xi32>
    %eq3A_603 = arith.cmpi eq, %and3A_600, %eq3A_602 : vector<16xi32>
    %eq3A_604 = arith.xori %eq3A_597, %eq3A_603 : vector<16xi1>
    %eq3A_605 = arith.constant dense<true> : vector<16xi1>
    %eq3A_606 = arith.xori %eq3A_604, %eq3A_605 : vector<16xi1>
    %min3A_607 = arith.minimumf %select_n3A_585, %gather3A_591 : vector<16xf32>
    %max3A_608 = arith.maximumf %select_n3A_585, %gather3A_591 : vector<16xf32>
    %select_n3A_609 = arith.select %eq3A_606, %min3A_607, %max3A_608 : vector<16xi1>, vector<16xf32>
    %swap3A_610 = arith.constant 0 : index
    %swap3A_611 = tpu.vector_load %arg9[%swap3A_610] {strides = array<i32>} : memref<16xf32, #tpu.memory_space<vmem>>, vector<16xf32>,
    tpu.vector_store %arg9[%swap3A_610], %select_n3A_609 {strides = array<i32>} : memref<16xf32, #tpu.memory_space<vmem>>, vector<16xf32>,
    %gather3A_612 = tpu.vector_load_idx %arg9[%broadcast_in_dim3A_16] : memref<16xf32, #tpu.memory_space<vmem>>[vector<16xi32>], vector<16xf32>,
    %add3A_613 = arith.addf %gather3A_612, %mul3A_15 : vector<16xf32>
    %parallel_loop3A_614 = arith.constant 0 : i32
    %parallel_loop3A_615 = arith.constant 32 : i32
    %parallel_loop3A_616 = arith.constant 1 : i32
    %parallel_loop3A_617 = scf.for %parallel_loop3A_1261 = %parallel_loop3A_614 to %parallel_loop3A_615 step %parallel_loop3A_616 iter_args(%parallel_loop3A_1262 = %broadcast_in_dim3A_20) -> (vector<16xi32>)  : i32 {
      %parallel_loop3A_1263 = arith.constant 16 : i32
      %parallel_loop3A_1264 = arith.muli %parallel_loop3A_1261, %parallel_loop3A_1263 : i32
      %parallel_loop3A_1265 = arith.constant 1 : i32
      %parallel_loop3A_1266 = arith.index_cast %parallel_loop3A_1265 : i32 to index
      %parallel_loop3A_1267 = arith.index_cast %parallel_loop3A_1264 : i32 to index
      %parallel_loop3A_1268 = tpu.vector_load %arg7[%parallel_loop3A_1266, %parallel_loop3A_1267] {strides = array<i32>} : memref<4x512xf32, #tpu.memory_space<vmem>>, vector<16xf32>,
      %parallel_loop3A_1269 = arith.constant 16 : i32
      %parallel_loop3A_1270 = arith.muli %parallel_loop3A_1261, %parallel_loop3A_1269 : i32
      %parallel_loop3A_1271 = vector.broadcast %parallel_loop3A_1270 : i32 to vector<16xi32>
      %parallel_loop3A_1272 = arith.addi %iota3A, %parallel_loop3A_1271 : vector<16xi32>
      %parallel_loop3A_1273 = arith.constant 1.000000e+00 : f32
      %parallel_loop3A_1274 = vector.broadcast %parallel_loop3A_1273 : f32 to vector<16xf32>
      %parallel_loop3A_1275 = arith.mulf %parallel_loop3A_1274, %parallel_loop3A_1268 : vector<16xf32>
      %parallel_loop3A_1276 = arith.constant 3.000000e+00 : f32
      %parallel_loop3A_1277 = vector.broadcast %parallel_loop3A_1276 : f32 to vector<16xf32>
      %parallel_loop3A_1278 = arith.addf %parallel_loop3A_1277, %parallel_loop3A_1275 : vector<16xf32>
      %parallel_loop3A_1279 = arith.constant 0.000000e+00 : f32
      %parallel_loop3A_1280 = vector.broadcast %parallel_loop3A_1279 : f32 to vector<16xf32>
      %parallel_loop3A_1281 = arith.maximumf %parallel_loop3A_1278, %parallel_loop3A_1280 : vector<16xf32>
      %parallel_loop3A_1282 = arith.cmpf ole, %parallel_loop3A_1281, %add3A_613 : vector<16xf32>
      %parallel_loop3A_1283 = arith.extui %parallel_loop3A_1282 : vector<16xi1> to vector<16xi32>
      %parallel_loop3A_1284 = tpu.iota {dimensions = array<i32: 0>} : vector<16xi32>
      %parallel_loop3A_1285 = arith.constant 1 : i32
      %parallel_loop3A_1286 = vector.broadcast %parallel_loop3A_1285 : i32 to vector<16xi32>
      %parallel_loop3A_1287 = arith.subi %parallel_loop3A_1284, %parallel_loop3A_1286 : vector<16xi32>
      %parallel_loop3A_1288 = arith.constant 0 : i32
      %parallel_loop3A_1289 = vector.broadcast %parallel_loop3A_1288 : i32 to vector<16xi32>
      %parallel_loop3A_1290 = arith.maxsi %parallel_loop3A_1287, %parallel_loop3A_1289 : vector<16xi32>
      %parallel_loop3A_1291 = arith.constant 0 : index
      %parallel_loop3A_1292 = tpu.vector_load %arg10[%parallel_loop3A_1291] {strides = array<i32>} : memref<16xi32, #tpu.memory_space<vmem>>, vector<16xi32>,
      tpu.vector_store %arg10[%parallel_loop3A_1291], %parallel_loop3A_1283 {strides = array<i32>} : memref<16xi32, #tpu.memory_space<vmem>>, vector<16xi32>,
      %parallel_loop3A_1293 = tpu.vector_load_idx %arg10[%parallel_loop3A_1290] : memref<16xi32, #tpu.memory_space<vmem>>[vector<16xi32>], vector<16xi32>,
      %parallel_loop3A_1294 = arith.constant 1 : i32
      %parallel_loop3A_1295 = vector.broadcast %parallel_loop3A_1294 : i32 to vector<16xi32>
      %parallel_loop3A_1296 = arith.cmpi sge, %parallel_loop3A_1284, %parallel_loop3A_1295 : vector<16xi32>
      %parallel_loop3A_1297 = arith.constant 0 : i32
      %parallel_loop3A_1298 = vector.broadcast %parallel_loop3A_1297 : i32 to vector<16xi32>
      %parallel_loop3A_1299 = arith.select %parallel_loop3A_1296, %parallel_loop3A_1293, %parallel_loop3A_1298 : vector<16xi1>, vector<16xi32>
      %parallel_loop3A_1300 = arith.addi %parallel_loop3A_1283, %parallel_loop3A_1299 : vector<16xi32>
      %parallel_loop3A_1301 = arith.constant 2 : i32
      %parallel_loop3A_1302 = vector.broadcast %parallel_loop3A_1301 : i32 to vector<16xi32>
      %parallel_loop3A_1303 = arith.subi %parallel_loop3A_1284, %parallel_loop3A_1302 : vector<16xi32>
      %parallel_loop3A_1304 = arith.constant 0 : i32
      %parallel_loop3A_1305 = vector.broadcast %parallel_loop3A_1304 : i32 to vector<16xi32>
      %parallel_loop3A_1306 = arith.maxsi %parallel_loop3A_1303, %parallel_loop3A_1305 : vector<16xi32>
      %parallel_loop3A_1307 = arith.constant 0 : index
      %parallel_loop3A_1308 = tpu.vector_load %arg10[%parallel_loop3A_1307] {strides = array<i32>} : memref<16xi32, #tpu.memory_space<vmem>>, vector<16xi32>,
      tpu.vector_store %arg10[%parallel_loop3A_1307], %parallel_loop3A_1300 {strides = array<i32>} : memref<16xi32, #tpu.memory_space<vmem>>, vector<16xi32>,
      %parallel_loop3A_1309 = tpu.vector_load_idx %arg10[%parallel_loop3A_1306] : memref<16xi32, #tpu.memory_space<vmem>>[vector<16xi32>], vector<16xi32>,
      %parallel_loop3A_1310 = arith.constant 2 : i32
      %parallel_loop3A_1311 = vector.broadcast %parallel_loop3A_1310 : i32 to vector<16xi32>
      %parallel_loop3A_1312 = arith.cmpi sge, %parallel_loop3A_1284, %parallel_loop3A_1311 : vector<16xi32>
      %parallel_loop3A_1313 = arith.constant 0 : i32
      %parallel_loop3A_1314 = vector.broadcast %parallel_loop3A_1313 : i32 to vector<16xi32>
      %parallel_loop3A_1315 = arith.select %parallel_loop3A_1312, %parallel_loop3A_1309, %parallel_loop3A_1314 : vector<16xi1>, vector<16xi32>
      %parallel_loop3A_1316 = arith.addi %parallel_loop3A_1300, %parallel_loop3A_1315 : vector<16xi32>
      %parallel_loop3A_1317 = arith.constant 4 : i32
      %parallel_loop3A_1318 = vector.broadcast %parallel_loop3A_1317 : i32 to vector<16xi32>
      %parallel_loop3A_1319 = arith.subi %parallel_loop3A_1284, %parallel_loop3A_1318 : vector<16xi32>
      %parallel_loop3A_1320 = arith.constant 0 : i32
      %parallel_loop3A_1321 = vector.broadcast %parallel_loop3A_1320 : i32 to vector<16xi32>
      %parallel_loop3A_1322 = arith.maxsi %parallel_loop3A_1319, %parallel_loop3A_1321 : vector<16xi32>
      %parallel_loop3A_1323 = arith.constant 0 : index
      %parallel_loop3A_1324 = tpu.vector_load %arg10[%parallel_loop3A_1323] {strides = array<i32>} : memref<16xi32, #tpu.memory_space<vmem>>, vector<16xi32>,
      tpu.vector_store %arg10[%parallel_loop3A_1323], %parallel_loop3A_1316 {strides = array<i32>} : memref<16xi32, #tpu.memory_space<vmem>>, vector<16xi32>,
      %parallel_loop3A_1325 = tpu.vector_load_idx %arg10[%parallel_loop3A_1322] : memref<16xi32, #tpu.memory_space<vmem>>[vector<16xi32>], vector<16xi32>,
      %parallel_loop3A_1326 = arith.constant 4 : i32
      %parallel_loop3A_1327 = vector.broadcast %parallel_loop3A_1326 : i32 to vector<16xi32>
      %parallel_loop3A_1328 = arith.cmpi sge, %parallel_loop3A_1284, %parallel_loop3A_1327 : vector<16xi32>
      %parallel_loop3A_1329 = arith.constant 0 : i32
      %parallel_loop3A_1330 = vector.broadcast %parallel_loop3A_1329 : i32 to vector<16xi32>
      %parallel_loop3A_1331 = arith.select %parallel_loop3A_1328, %parallel_loop3A_1325, %parallel_loop3A_1330 : vector<16xi1>, vector<16xi32>
      %parallel_loop3A_1332 = arith.addi %parallel_loop3A_1316, %parallel_loop3A_1331 : vector<16xi32>
      %parallel_loop3A_1333 = arith.constant 8 : i32
      %parallel_loop3A_1334 = vector.broadcast %parallel_loop3A_1333 : i32 to vector<16xi32>
      %parallel_loop3A_1335 = arith.subi %parallel_loop3A_1284, %parallel_loop3A_1334 : vector<16xi32>
      %parallel_loop3A_1336 = arith.constant 0 : i32
      %parallel_loop3A_1337 = vector.broadcast %parallel_loop3A_1336 : i32 to vector<16xi32>
      %parallel_loop3A_1338 = arith.maxsi %parallel_loop3A_1335, %parallel_loop3A_1337 : vector<16xi32>
      %parallel_loop3A_1339 = arith.constant 0 : index
      %parallel_loop3A_1340 = tpu.vector_load %arg10[%parallel_loop3A_1339] {strides = array<i32>} : memref<16xi32, #tpu.memory_space<vmem>>, vector<16xi32>,
      tpu.vector_store %arg10[%parallel_loop3A_1339], %parallel_loop3A_1332 {strides = array<i32>} : memref<16xi32, #tpu.memory_space<vmem>>, vector<16xi32>,
      %parallel_loop3A_1341 = tpu.vector_load_idx %arg10[%parallel_loop3A_1338] : memref<16xi32, #tpu.memory_space<vmem>>[vector<16xi32>], vector<16xi32>,
      %parallel_loop3A_1342 = arith.constant 8 : i32
      %parallel_loop3A_1343 = vector.broadcast %parallel_loop3A_1342 : i32 to vector<16xi32>
      %parallel_loop3A_1344 = arith.cmpi sge, %parallel_loop3A_1284, %parallel_loop3A_1343 : vector<16xi32>
      %parallel_loop3A_1345 = arith.constant 0 : i32
      %parallel_loop3A_1346 = vector.broadcast %parallel_loop3A_1345 : i32 to vector<16xi32>
      %parallel_loop3A_1347 = arith.select %parallel_loop3A_1344, %parallel_loop3A_1341, %parallel_loop3A_1346 : vector<16xi1>, vector<16xi32>
      %parallel_loop3A_1348 = arith.addi %parallel_loop3A_1332, %parallel_loop3A_1347 : vector<16xi32>
      %parallel_loop3A_1349 = arith.addi %parallel_loop3A_1262, %parallel_loop3A_1348 : vector<16xi32>
      %parallel_loop3A_1350 = arith.subi %parallel_loop3A_1349, %parallel_loop3A_1283 : vector<16xi32>
      %parallel_loop3A_1351 = arith.constant 96 : i32
      %parallel_loop3A_1352 = vector.broadcast %parallel_loop3A_1351 : i32 to vector<16xi32>
      %parallel_loop3A_1353 = arith.cmpi slt, %parallel_loop3A_1350, %parallel_loop3A_1352 : vector<16xi32>
      %parallel_loop3A_1354 = arith.andi %parallel_loop3A_1282, %parallel_loop3A_1353 : vector<16xi1>
      tpu.vector_store_idx %arg11[%parallel_loop3A_1350], %parallel_loop3A_1281 masked %parallel_loop3A_1354 : memref<96xf32, #tpu.memory_space<vmem>>[vector<16xi32>], vector<16xf32>, vector<16xi1>
      %parallel_loop3A_1355 = arith.constant 1.000000e+00 : f32
      %parallel_loop3A_1356 = vector.broadcast %parallel_loop3A_1355 : f32 to vector<16xf32>
      tpu.vector_store_idx %arg12[%parallel_loop3A_1350], %parallel_loop3A_1356 masked %parallel_loop3A_1354 : memref<96xf32, #tpu.memory_space<vmem>>[vector<16xi32>], vector<16xf32>, vector<16xi1>
      tpu.vector_store_idx %arg13[%parallel_loop3A_1350], %parallel_loop3A_1272 masked %parallel_loop3A_1354 : memref<96xi32, #tpu.memory_space<vmem>>[vector<16xi32>], vector<16xi32>, vector<16xi1>
      %parallel_loop3A_1357 = arith.constant 0 : index
      %parallel_loop3A_1358 = tpu.vector_load %arg10[%parallel_loop3A_1357] {strides = array<i32>} : memref<16xi32, #tpu.memory_space<vmem>>, vector<16xi32>,
      tpu.vector_store %arg10[%parallel_loop3A_1357], %parallel_loop3A_1348 {strides = array<i32>} : memref<16xi32, #tpu.memory_space<vmem>>, vector<16xi32>,
      %parallel_loop3A_1359 = tpu.vector_load_idx %arg10[%broadcast_in_dim3A_18] : memref<16xi32, #tpu.memory_space<vmem>>[vector<16xi32>], vector<16xi32>,
      %parallel_loop3A_1360 = arith.addi %parallel_loop3A_1262, %parallel_loop3A_1359 : vector<16xi32>
      %parallel_loop3A_1361 = arith.constant -1.000000e+00 : f32
      %parallel_loop3A_1362 = vector.broadcast %parallel_loop3A_1361 : f32 to vector<16xf32>
      %parallel_loop3A_1363 = arith.mulf %parallel_loop3A_1362, %parallel_loop3A_1268 : vector<16xf32>
      %parallel_loop3A_1364 = arith.constant 3.000000e+00 : f32
      %parallel_loop3A_1365 = vector.broadcast %parallel_loop3A_1364 : f32 to vector<16xf32>
      %parallel_loop3A_1366 = arith.addf %parallel_loop3A_1365, %parallel_loop3A_1363 : vector<16xf32>
      %parallel_loop3A_1367 = arith.constant 0.000000e+00 : f32
      %parallel_loop3A_1368 = vector.broadcast %parallel_loop3A_1367 : f32 to vector<16xf32>
      %parallel_loop3A_1369 = arith.maximumf %parallel_loop3A_1366, %parallel_loop3A_1368 : vector<16xf32>
      %parallel_loop3A_1370 = arith.cmpf ole, %parallel_loop3A_1369, %add3A_613 : vector<16xf32>
      %parallel_loop3A_1371 = arith.extui %parallel_loop3A_1370 : vector<16xi1> to vector<16xi32>
      %parallel_loop3A_1372 = tpu.iota {dimensions = array<i32: 0>} : vector<16xi32>
      %parallel_loop3A_1373 = arith.constant 1 : i32
      %parallel_loop3A_1374 = vector.broadcast %parallel_loop3A_1373 : i32 to vector<16xi32>
      %parallel_loop3A_1375 = arith.subi %parallel_loop3A_1372, %parallel_loop3A_1374 : vector<16xi32>
      %parallel_loop3A_1376 = arith.constant 0 : i32
      %parallel_loop3A_1377 = vector.broadcast %parallel_loop3A_1376 : i32 to vector<16xi32>
      %parallel_loop3A_1378 = arith.maxsi %parallel_loop3A_1375, %parallel_loop3A_1377 : vector<16xi32>
      %parallel_loop3A_1379 = arith.constant 0 : index
      %parallel_loop3A_1380 = tpu.vector_load %arg10[%parallel_loop3A_1379] {strides = array<i32>} : memref<16xi32, #tpu.memory_space<vmem>>, vector<16xi32>,
      tpu.vector_store %arg10[%parallel_loop3A_1379], %parallel_loop3A_1371 {strides = array<i32>} : memref<16xi32, #tpu.memory_space<vmem>>, vector<16xi32>,
      %parallel_loop3A_1381 = tpu.vector_load_idx %arg10[%parallel_loop3A_1378] : memref<16xi32, #tpu.memory_space<vmem>>[vector<16xi32>], vector<16xi32>,
      %parallel_loop3A_1382 = arith.constant 1 : i32
      %parallel_loop3A_1383 = vector.broadcast %parallel_loop3A_1382 : i32 to vector<16xi32>
      %parallel_loop3A_1384 = arith.cmpi sge, %parallel_loop3A_1372, %parallel_loop3A_1383 : vector<16xi32>
      %parallel_loop3A_1385 = arith.constant 0 : i32
      %parallel_loop3A_1386 = vector.broadcast %parallel_loop3A_1385 : i32 to vector<16xi32>
      %parallel_loop3A_1387 = arith.select %parallel_loop3A_1384, %parallel_loop3A_1381, %parallel_loop3A_1386 : vector<16xi1>, vector<16xi32>
      %parallel_loop3A_1388 = arith.addi %parallel_loop3A_1371, %parallel_loop3A_1387 : vector<16xi32>
      %parallel_loop3A_1389 = arith.constant 2 : i32
      %parallel_loop3A_1390 = vector.broadcast %parallel_loop3A_1389 : i32 to vector<16xi32>
      %parallel_loop3A_1391 = arith.subi %parallel_loop3A_1372, %parallel_loop3A_1390 : vector<16xi32>
      %parallel_loop3A_1392 = arith.constant 0 : i32
      %parallel_loop3A_1393 = vector.broadcast %parallel_loop3A_1392 : i32 to vector<16xi32>
      %parallel_loop3A_1394 = arith.maxsi %parallel_loop3A_1391, %parallel_loop3A_1393 : vector<16xi32>
      %parallel_loop3A_1395 = arith.constant 0 : index
      %parallel_loop3A_1396 = tpu.vector_load %arg10[%parallel_loop3A_1395] {strides = array<i32>} : memref<16xi32, #tpu.memory_space<vmem>>, vector<16xi32>,
      tpu.vector_store %arg10[%parallel_loop3A_1395], %parallel_loop3A_1388 {strides = array<i32>} : memref<16xi32, #tpu.memory_space<vmem>>, vector<16xi32>,
      %parallel_loop3A_1397 = tpu.vector_load_idx %arg10[%parallel_loop3A_1394] : memref<16xi32, #tpu.memory_space<vmem>>[vector<16xi32>], vector<16xi32>,
      %parallel_loop3A_1398 = arith.constant 2 : i32
      %parallel_loop3A_1399 = vector.broadcast %parallel_loop3A_1398 : i32 to vector<16xi32>
      %parallel_loop3A_1400 = arith.cmpi sge, %parallel_loop3A_1372, %parallel_loop3A_1399 : vector<16xi32>
      %parallel_loop3A_1401 = arith.constant 0 : i32
      %parallel_loop3A_1402 = vector.broadcast %parallel_loop3A_1401 : i32 to vector<16xi32>
      %parallel_loop3A_1403 = arith.select %parallel_loop3A_1400, %parallel_loop3A_1397, %parallel_loop3A_1402 : vector<16xi1>, vector<16xi32>
      %parallel_loop3A_1404 = arith.addi %parallel_loop3A_1388, %parallel_loop3A_1403 : vector<16xi32>
      %parallel_loop3A_1405 = arith.constant 4 : i32
      %parallel_loop3A_1406 = vector.broadcast %parallel_loop3A_1405 : i32 to vector<16xi32>
      %parallel_loop3A_1407 = arith.subi %parallel_loop3A_1372, %parallel_loop3A_1406 : vector<16xi32>
      %parallel_loop3A_1408 = arith.constant 0 : i32
      %parallel_loop3A_1409 = vector.broadcast %parallel_loop3A_1408 : i32 to vector<16xi32>
      %parallel_loop3A_1410 = arith.maxsi %parallel_loop3A_1407, %parallel_loop3A_1409 : vector<16xi32>
      %parallel_loop3A_1411 = arith.constant 0 : index
      %parallel_loop3A_1412 = tpu.vector_load %arg10[%parallel_loop3A_1411] {strides = array<i32>} : memref<16xi32, #tpu.memory_space<vmem>>, vector<16xi32>,
      tpu.vector_store %arg10[%parallel_loop3A_1411], %parallel_loop3A_1404 {strides = array<i32>} : memref<16xi32, #tpu.memory_space<vmem>>, vector<16xi32>,
      %parallel_loop3A_1413 = tpu.vector_load_idx %arg10[%parallel_loop3A_1410] : memref<16xi32, #tpu.memory_space<vmem>>[vector<16xi32>], vector<16xi32>,
      %parallel_loop3A_1414 = arith.constant 4 : i32
      %parallel_loop3A_1415 = vector.broadcast %parallel_loop3A_1414 : i32 to vector<16xi32>
      %parallel_loop3A_1416 = arith.cmpi sge, %parallel_loop3A_1372, %parallel_loop3A_1415 : vector<16xi32>
      %parallel_loop3A_1417 = arith.constant 0 : i32
      %parallel_loop3A_1418 = vector.broadcast %parallel_loop3A_1417 : i32 to vector<16xi32>
      %parallel_loop3A_1419 = arith.select %parallel_loop3A_1416, %parallel_loop3A_1413, %parallel_loop3A_1418 : vector<16xi1>, vector<16xi32>
      %parallel_loop3A_1420 = arith.addi %parallel_loop3A_1404, %parallel_loop3A_1419 : vector<16xi32>
      %parallel_loop3A_1421 = arith.constant 8 : i32
      %parallel_loop3A_1422 = vector.broadcast %parallel_loop3A_1421 : i32 to vector<16xi32>
      %parallel_loop3A_1423 = arith.subi %parallel_loop3A_1372, %parallel_loop3A_1422 : vector<16xi32>
      %parallel_loop3A_1424 = arith.constant 0 : i32
      %parallel_loop3A_1425 = vector.broadcast %parallel_loop3A_1424 : i32 to vector<16xi32>
      %parallel_loop3A_1426 = arith.maxsi %parallel_loop3A_1423, %parallel_loop3A_1425 : vector<16xi32>
      %parallel_loop3A_1427 = arith.constant 0 : index
      %parallel_loop3A_1428 = tpu.vector_load %arg10[%parallel_loop3A_1427] {strides = array<i32>} : memref<16xi32, #tpu.memory_space<vmem>>, vector<16xi32>,
      tpu.vector_store %arg10[%parallel_loop3A_1427], %parallel_loop3A_1420 {strides = array<i32>} : memref<16xi32, #tpu.memory_space<vmem>>, vector<16xi32>,
      %parallel_loop3A_1429 = tpu.vector_load_idx %arg10[%parallel_loop3A_1426] : memref<16xi32, #tpu.memory_space<vmem>>[vector<16xi32>], vector<16xi32>,
      %parallel_loop3A_1430 = arith.constant 8 : i32
      %parallel_loop3A_1431 = vector.broadcast %parallel_loop3A_1430 : i32 to vector<16xi32>
      %parallel_loop3A_1432 = arith.cmpi sge, %parallel_loop3A_1372, %parallel_loop3A_1431 : vector<16xi32>
      %parallel_loop3A_1433 = arith.constant 0 : i32
      %parallel_loop3A_1434 = vector.broadcast %parallel_loop3A_1433 : i32 to vector<16xi32>
      %parallel_loop3A_1435 = arith.select %parallel_loop3A_1432, %parallel_loop3A_1429, %parallel_loop3A_1434 : vector<16xi1>, vector<16xi32>
      %parallel_loop3A_1436 = arith.addi %parallel_loop3A_1420, %parallel_loop3A_1435 : vector<16xi32>
      %parallel_loop3A_1437 = arith.addi %parallel_loop3A_1360, %parallel_loop3A_1436 : vector<16xi32>
      %parallel_loop3A_1438 = arith.subi %parallel_loop3A_1437, %parallel_loop3A_1371 : vector<16xi32>
      %parallel_loop3A_1439 = arith.constant 96 : i32
      %parallel_loop3A_1440 = vector.broadcast %parallel_loop3A_1439 : i32 to vector<16xi32>
      %parallel_loop3A_1441 = arith.cmpi slt, %parallel_loop3A_1438, %parallel_loop3A_1440 : vector<16xi32>
      %parallel_loop3A_1442 = arith.andi %parallel_loop3A_1370, %parallel_loop3A_1441 : vector<16xi1>
      tpu.vector_store_idx %arg11[%parallel_loop3A_1438], %parallel_loop3A_1369 masked %parallel_loop3A_1442 : memref<96xf32, #tpu.memory_space<vmem>>[vector<16xi32>], vector<16xf32>, vector<16xi1>
      %parallel_loop3A_1443 = arith.constant -1.000000e+00 : f32
      %parallel_loop3A_1444 = vector.broadcast %parallel_loop3A_1443 : f32 to vector<16xf32>
      tpu.vector_store_idx %arg12[%parallel_loop3A_1438], %parallel_loop3A_1444 masked %parallel_loop3A_1442 : memref<96xf32, #tpu.memory_space<vmem>>[vector<16xi32>], vector<16xf32>, vector<16xi1>
      tpu.vector_store_idx %arg13[%parallel_loop3A_1438], %parallel_loop3A_1272 masked %parallel_loop3A_1442 : memref<96xi32, #tpu.memory_space<vmem>>[vector<16xi32>], vector<16xi32>, vector<16xi1>
      %parallel_loop3A_1445 = arith.constant 0 : index
      %parallel_loop3A_1446 = tpu.vector_load %arg10[%parallel_loop3A_1445] {strides = array<i32>} : memref<16xi32, #tpu.memory_space<vmem>>, vector<16xi32>,
      tpu.vector_store %arg10[%parallel_loop3A_1445], %parallel_loop3A_1436 {strides = array<i32>} : memref<16xi32, #tpu.memory_space<vmem>>, vector<16xi32>,
      %parallel_loop3A_1447 = tpu.vector_load_idx %arg10[%broadcast_in_dim3A_18] : memref<16xi32, #tpu.memory_space<vmem>>[vector<16xi32>], vector<16xi32>,
      %parallel_loop3A_1448 = arith.addi %parallel_loop3A_1360, %parallel_loop3A_1447 : vector<16xi32>
      scf.yield %parallel_loop3A_1448 : vector<16xi32>
    } {sc.loop_unroll_factor = 2 : i64, sc.parallel_access}
    %min3A_618 = arith.constant 96 : i32
    %min3A_619 = vector.broadcast %min3A_618 : i32 to vector<16xi32>
    %min3A_620 = arith.minsi %parallel_loop3A_617, %min3A_619 : vector<16xi32>
    %swap3A_621 = arith.constant 0 : index
    %swap3A_622 = tpu.vector_load %arg10[%swap3A_621] {strides = array<i32>} : memref<16xi32, #tpu.memory_space<vmem>>, vector<16xi32>,
    tpu.vector_store %arg10[%swap3A_621], %min3A_620 {strides = array<i32>} : memref<16xi32, #tpu.memory_space<vmem>>, vector<16xi32>,
    %mul3A_623 = arith.constant 96 : i32
    %mul3A_624 = arith.muli %add3A_328, %mul3A_623 : i32
    "tpu.region"() ({
      %run_scoped3A = tpu.sem_alloc : memref<!tpu.dma_semaphore, #tpu.memory_space<semaphore_mem>>
      %dma_start3A_1261 = tpu.memref_slice %arg14[%mul3A_624] : memref<6144xf32, #tpu.memory_space<vmem_shared>> -> memref<96xf32, #tpu.memory_space<vmem_shared>>
      %dma_start3A_1262 = tpu.memref_slice %arg14[%mul3A_624] : memref<6144xf32, #tpu.memory_space<vmem_shared>> -> memref<96xf32, #tpu.memory_space<vmem_shared>>
      tpu.enqueue_dma source(%arg11 : memref<96xf32, #tpu.memory_space<vmem>>) target(%dma_start3A_1262 : memref<96xf32, #tpu.memory_space<vmem_shared>>) target_semaphore(%run_scoped3A : memref<!tpu.dma_semaphore, #tpu.memory_space<semaphore_mem>>)
      %dma_wait3A_1263 = tpu.memref_slice %arg14[%mul3A_624] : memref<6144xf32, #tpu.memory_space<vmem_shared>> -> memref<96xf32, #tpu.memory_space<vmem_shared>>
      %dma_wait3A_1264 = tpu.memref_slice %arg14[%mul3A_624] : memref<6144xf32, #tpu.memory_space<vmem_shared>> -> memref<96xf32, #tpu.memory_space<vmem_shared>>
      tpu.wait_dma2 semaphore(%run_scoped3A : memref<!tpu.dma_semaphore, #tpu.memory_space<semaphore_mem>>) src(%arg11 : memref<96xf32, #tpu.memory_space<vmem>>) dst(%dma_wait3A_1264 : memref<96xf32, #tpu.memory_space<vmem_shared>>)
      tpu.yield
    }) : () -> ()
    %mul3A_625 = arith.constant 96 : i32
    %mul3A_626 = arith.muli %add3A_328, %mul3A_625 : i32
    "tpu.region"() ({
      %run_scoped3A = tpu.sem_alloc : memref<!tpu.dma_semaphore, #tpu.memory_space<semaphore_mem>>
      %dma_start3A_1261 = tpu.memref_slice %arg15[%mul3A_626] : memref<6144xf32, #tpu.memory_space<vmem_shared>> -> memref<96xf32, #tpu.memory_space<vmem_shared>>
      %dma_start3A_1262 = tpu.memref_slice %arg15[%mul3A_626] : memref<6144xf32, #tpu.memory_space<vmem_shared>> -> memref<96xf32, #tpu.memory_space<vmem_shared>>
      tpu.enqueue_dma source(%arg12 : memref<96xf32, #tpu.memory_space<vmem>>) target(%dma_start3A_1262 : memref<96xf32, #tpu.memory_space<vmem_shared>>) target_semaphore(%run_scoped3A : memref<!tpu.dma_semaphore, #tpu.memory_space<semaphore_mem>>)
      %dma_wait3A_1263 = tpu.memref_slice %arg15[%mul3A_626] : memref<6144xf32, #tpu.memory_space<vmem_shared>> -> memref<96xf32, #tpu.memory_space<vmem_shared>>
      %dma_wait3A_1264 = tpu.memref_slice %arg15[%mul3A_626] : memref<6144xf32, #tpu.memory_space<vmem_shared>> -> memref<96xf32, #tpu.memory_space<vmem_shared>>
      tpu.wait_dma2 semaphore(%run_scoped3A : memref<!tpu.dma_semaphore, #tpu.memory_space<semaphore_mem>>) src(%arg12 : memref<96xf32, #tpu.memory_space<vmem>>) dst(%dma_wait3A_1264 : memref<96xf32, #tpu.memory_space<vmem_shared>>)
      tpu.yield
    }) : () -> ()
    %mul3A_627 = arith.constant 96 : i32
    %mul3A_628 = arith.muli %add3A_328, %mul3A_627 : i32
    "tpu.region"() ({
      %run_scoped3A = tpu.sem_alloc : memref<!tpu.dma_semaphore, #tpu.memory_space<semaphore_mem>>
      %dma_start3A_1261 = tpu.memref_slice %arg16[%mul3A_628] : memref<6144xi32, #tpu.memory_space<vmem_shared>> -> memref<96xi32, #tpu.memory_space<vmem_shared>>
      %dma_start3A_1262 = tpu.memref_slice %arg16[%mul3A_628] : memref<6144xi32, #tpu.memory_space<vmem_shared>> -> memref<96xi32, #tpu.memory_space<vmem_shared>>
      tpu.enqueue_dma source(%arg13 : memref<96xi32, #tpu.memory_space<vmem>>) target(%dma_start3A_1262 : memref<96xi32, #tpu.memory_space<vmem_shared>>) target_semaphore(%run_scoped3A : memref<!tpu.dma_semaphore, #tpu.memory_space<semaphore_mem>>)
      %dma_wait3A_1263 = tpu.memref_slice %arg16[%mul3A_628] : memref<6144xi32, #tpu.memory_space<vmem_shared>> -> memref<96xi32, #tpu.memory_space<vmem_shared>>
      %dma_wait3A_1264 = tpu.memref_slice %arg16[%mul3A_628] : memref<6144xi32, #tpu.memory_space<vmem_shared>> -> memref<96xi32, #tpu.memory_space<vmem_shared>>
      tpu.wait_dma2 semaphore(%run_scoped3A : memref<!tpu.dma_semaphore, #tpu.memory_space<semaphore_mem>>) src(%arg13 : memref<96xi32, #tpu.memory_space<vmem>>) dst(%dma_wait3A_1264 : memref<96xi32, #tpu.memory_space<vmem_shared>>)
      tpu.yield
    }) : () -> ()
    %mul3A_629 = arith.constant 16 : i32
    %mul3A_630 = arith.muli %add3A_328, %mul3A_629 : i32
    "tpu.region"() ({
      %run_scoped3A = tpu.sem_alloc : memref<!tpu.dma_semaphore, #tpu.memory_space<semaphore_mem>>
      %dma_start3A_1261 = tpu.memref_slice %arg17[%mul3A_630] : memref<1024xi32, #tpu.memory_space<vmem_shared>> -> memref<16xi32, #tpu.memory_space<vmem_shared>>
      %dma_start3A_1262 = tpu.memref_slice %arg17[%mul3A_630] : memref<1024xi32, #tpu.memory_space<vmem_shared>> -> memref<16xi32, #tpu.memory_space<vmem_shared>>
      tpu.enqueue_dma source(%arg10 : memref<16xi32, #tpu.memory_space<vmem>>) target(%dma_start3A_1262 : memref<16xi32, #tpu.memory_space<vmem_shared>>) target_semaphore(%run_scoped3A : memref<!tpu.dma_semaphore, #tpu.memory_space<semaphore_mem>>)
      %dma_wait3A_1263 = tpu.memref_slice %arg17[%mul3A_630] : memref<1024xi32, #tpu.memory_space<vmem_shared>> -> memref<16xi32, #tpu.memory_space<vmem_shared>>
      %dma_wait3A_1264 = tpu.memref_slice %arg17[%mul3A_630] : memref<1024xi32, #tpu.memory_space<vmem_shared>> -> memref<16xi32, #tpu.memory_space<vmem_shared>>
      tpu.wait_dma2 semaphore(%run_scoped3A : memref<!tpu.dma_semaphore, #tpu.memory_space<semaphore_mem>>) src(%arg10 : memref<16xi32, #tpu.memory_space<vmem>>) dst(%dma_wait3A_1264 : memref<16xi32, #tpu.memory_space<vmem_shared>>)
      tpu.yield
    }) : () -> ()
    %mul3A_631 = arith.constant 4 : i32
    %mul3A_632 = arith.muli %arg1, %mul3A_631 : i32
    %add3A_633 = arith.constant 2 : i32
    %add3A_634 = arith.addi %mul3A_632, %add3A_633 : i32
    %swap3A_635 = arith.constant 0 : index
    %swap3A_636 = tpu.vector_load %arg13[%swap3A_635] {strides = array<i32>} : memref<96xi32, #tpu.memory_space<vmem>>, vector<16xi32>,
    tpu.vector_store %arg13[%swap3A_635], %broadcast_in_dim3A_20 {strides = array<i32>} : memref<96xi32, #tpu.memory_space<vmem>>, vector<16xi32>,
    %swap3A_637 = arith.constant 0 : index
    %swap3A_638 = tpu.vector_load %arg11[%swap3A_637] {strides = array<i32>} : memref<96xf32, #tpu.memory_space<vmem>>, vector<16xf32>,
    tpu.vector_store %arg11[%swap3A_637], %broadcast_in_dim3A_22 {strides = array<i32>} : memref<96xf32, #tpu.memory_space<vmem>>, vector<16xf32>,
    %swap3A_639 = arith.constant 0 : index
    %swap3A_640 = tpu.vector_load %arg12[%swap3A_639] {strides = array<i32>} : memref<96xf32, #tpu.memory_space<vmem>>, vector<16xf32>,
    tpu.vector_store %arg12[%swap3A_639], %broadcast_in_dim3A_24 {strides = array<i32>} : memref<96xf32, #tpu.memory_space<vmem>>, vector<16xf32>,
    %swap3A_641 = arith.constant 16 : index
    %swap3A_642 = tpu.vector_load %arg13[%swap3A_641] {strides = array<i32>} : memref<96xi32, #tpu.memory_space<vmem>>, vector<16xi32>,
    tpu.vector_store %arg13[%swap3A_641], %broadcast_in_dim3A_20 {strides = array<i32>} : memref<96xi32, #tpu.memory_space<vmem>>, vector<16xi32>,
    %swap3A_643 = arith.constant 16 : index
    %swap3A_644 = tpu.vector_load %arg11[%swap3A_643] {strides = array<i32>} : memref<96xf32, #tpu.memory_space<vmem>>, vector<16xf32>,
    tpu.vector_store %arg11[%swap3A_643], %broadcast_in_dim3A_22 {strides = array<i32>} : memref<96xf32, #tpu.memory_space<vmem>>, vector<16xf32>,
    %swap3A_645 = arith.constant 16 : index
    %swap3A_646 = tpu.vector_load %arg12[%swap3A_645] {strides = array<i32>} : memref<96xf32, #tpu.memory_space<vmem>>, vector<16xf32>,
    tpu.vector_store %arg12[%swap3A_645], %broadcast_in_dim3A_24 {strides = array<i32>} : memref<96xf32, #tpu.memory_space<vmem>>, vector<16xf32>,
    %swap3A_647 = arith.constant 32 : index
    %swap3A_648 = tpu.vector_load %arg13[%swap3A_647] {strides = array<i32>} : memref<96xi32, #tpu.memory_space<vmem>>, vector<16xi32>,
    tpu.vector_store %arg13[%swap3A_647], %broadcast_in_dim3A_20 {strides = array<i32>} : memref<96xi32, #tpu.memory_space<vmem>>, vector<16xi32>,
    %swap3A_649 = arith.constant 32 : index
    %swap3A_650 = tpu.vector_load %arg11[%swap3A_649] {strides = array<i32>} : memref<96xf32, #tpu.memory_space<vmem>>, vector<16xf32>,
    tpu.vector_store %arg11[%swap3A_649], %broadcast_in_dim3A_22 {strides = array<i32>} : memref<96xf32, #tpu.memory_space<vmem>>, vector<16xf32>,
    %swap3A_651 = arith.constant 32 : index
    %swap3A_652 = tpu.vector_load %arg12[%swap3A_651] {strides = array<i32>} : memref<96xf32, #tpu.memory_space<vmem>>, vector<16xf32>,
    tpu.vector_store %arg12[%swap3A_651], %broadcast_in_dim3A_24 {strides = array<i32>} : memref<96xf32, #tpu.memory_space<vmem>>, vector<16xf32>,
    %swap3A_653 = arith.constant 48 : index
    %swap3A_654 = tpu.vector_load %arg13[%swap3A_653] {strides = array<i32>} : memref<96xi32, #tpu.memory_space<vmem>>, vector<16xi32>,
    tpu.vector_store %arg13[%swap3A_653], %broadcast_in_dim3A_20 {strides = array<i32>} : memref<96xi32, #tpu.memory_space<vmem>>, vector<16xi32>,
    %swap3A_655 = arith.constant 48 : index
    %swap3A_656 = tpu.vector_load %arg11[%swap3A_655] {strides = array<i32>} : memref<96xf32, #tpu.memory_space<vmem>>, vector<16xf32>,
    tpu.vector_store %arg11[%swap3A_655], %broadcast_in_dim3A_22 {strides = array<i32>} : memref<96xf32, #tpu.memory_space<vmem>>, vector<16xf32>,
    %swap3A_657 = arith.constant 48 : index
    %swap3A_658 = tpu.vector_load %arg12[%swap3A_657] {strides = array<i32>} : memref<96xf32, #tpu.memory_space<vmem>>, vector<16xf32>,
    tpu.vector_store %arg12[%swap3A_657], %broadcast_in_dim3A_24 {strides = array<i32>} : memref<96xf32, #tpu.memory_space<vmem>>, vector<16xf32>,
    %swap3A_659 = arith.constant 64 : index
    %swap3A_660 = tpu.vector_load %arg13[%swap3A_659] {strides = array<i32>} : memref<96xi32, #tpu.memory_space<vmem>>, vector<16xi32>,
    tpu.vector_store %arg13[%swap3A_659], %broadcast_in_dim3A_20 {strides = array<i32>} : memref<96xi32, #tpu.memory_space<vmem>>, vector<16xi32>,
    %swap3A_661 = arith.constant 64 : index
    %swap3A_662 = tpu.vector_load %arg11[%swap3A_661] {strides = array<i32>} : memref<96xf32, #tpu.memory_space<vmem>>, vector<16xf32>,
    tpu.vector_store %arg11[%swap3A_661], %broadcast_in_dim3A_22 {strides = array<i32>} : memref<96xf32, #tpu.memory_space<vmem>>, vector<16xf32>,
    %swap3A_663 = arith.constant 64 : index
    %swap3A_664 = tpu.vector_load %arg12[%swap3A_663] {strides = array<i32>} : memref<96xf32, #tpu.memory_space<vmem>>, vector<16xf32>,
    tpu.vector_store %arg12[%swap3A_663], %broadcast_in_dim3A_24 {strides = array<i32>} : memref<96xf32, #tpu.memory_space<vmem>>, vector<16xf32>,
    %swap3A_665 = arith.constant 80 : index
    %swap3A_666 = tpu.vector_load %arg13[%swap3A_665] {strides = array<i32>} : memref<96xi32, #tpu.memory_space<vmem>>, vector<16xi32>,
    tpu.vector_store %arg13[%swap3A_665], %broadcast_in_dim3A_20 {strides = array<i32>} : memref<96xi32, #tpu.memory_space<vmem>>, vector<16xi32>,
    %swap3A_667 = arith.constant 80 : index
    %swap3A_668 = tpu.vector_load %arg11[%swap3A_667] {strides = array<i32>} : memref<96xf32, #tpu.memory_space<vmem>>, vector<16xf32>,
    tpu.vector_store %arg11[%swap3A_667], %broadcast_in_dim3A_22 {strides = array<i32>} : memref<96xf32, #tpu.memory_space<vmem>>, vector<16xf32>,
    %swap3A_669 = arith.constant 80 : index
    %swap3A_670 = tpu.vector_load %arg12[%swap3A_669] {strides = array<i32>} : memref<96xf32, #tpu.memory_space<vmem>>, vector<16xf32>,
    tpu.vector_store %arg12[%swap3A_669], %broadcast_in_dim3A_24 {strides = array<i32>} : memref<96xf32, #tpu.memory_space<vmem>>, vector<16xf32>,
    %parallel_loop3A_671 = arith.constant 0 : i32
    %parallel_loop3A_672 = arith.constant 32 : i32
    %parallel_loop3A_673 = arith.constant 1 : i32
    %parallel_loop3A_674 = scf.for %parallel_loop3A_1261 = %parallel_loop3A_671 to %parallel_loop3A_672 step %parallel_loop3A_673 iter_args(%parallel_loop3A_1262 = %broadcast_in_dim3A_22) -> (vector<16xf32>)  : i32 {
      %parallel_loop3A_1263 = arith.constant 16 : i32
      %parallel_loop3A_1264 = arith.muli %parallel_loop3A_1261, %parallel_loop3A_1263 : i32
      %parallel_loop3A_1265 = arith.constant 2 : i32
      %parallel_loop3A_1266 = arith.index_cast %parallel_loop3A_1265 : i32 to index
      %parallel_loop3A_1267 = arith.index_cast %parallel_loop3A_1264 : i32 to index
      %parallel_loop3A_1268 = tpu.vector_load %arg7[%parallel_loop3A_1266, %parallel_loop3A_1267] {strides = array<i32>} : memref<4x512xf32, #tpu.memory_space<vmem>>, vector<16xf32>,
      %parallel_loop3A_1269 = arith.constant 3.000000e+00 : f32
      %parallel_loop3A_1270 = vector.broadcast %parallel_loop3A_1269 : f32 to vector<16xf32>
      %parallel_loop3A_1271 = arith.addf %parallel_loop3A_1270, %parallel_loop3A_1268 : vector<16xf32>
      %parallel_loop3A_1272 = arith.constant 0.000000e+00 : f32
      %parallel_loop3A_1273 = vector.broadcast %parallel_loop3A_1272 : f32 to vector<16xf32>
      %parallel_loop3A_1274 = arith.maximumf %parallel_loop3A_1271, %parallel_loop3A_1273 : vector<16xf32>
      %parallel_loop3A_1275 = arith.minimumf %parallel_loop3A_1262, %parallel_loop3A_1274 : vector<16xf32>
      %parallel_loop3A_1276 = arith.constant 3.000000e+00 : f32
      %parallel_loop3A_1277 = vector.broadcast %parallel_loop3A_1276 : f32 to vector<16xf32>
      %parallel_loop3A_1278 = arith.subf %parallel_loop3A_1277, %parallel_loop3A_1268 : vector<16xf32>
      %parallel_loop3A_1279 = arith.constant 0.000000e+00 : f32
      %parallel_loop3A_1280 = vector.broadcast %parallel_loop3A_1279 : f32 to vector<16xf32>
      %parallel_loop3A_1281 = arith.maximumf %parallel_loop3A_1278, %parallel_loop3A_1280 : vector<16xf32>
      %parallel_loop3A_1282 = arith.minimumf %parallel_loop3A_1275, %parallel_loop3A_1281 : vector<16xf32>
      scf.yield %parallel_loop3A_1282 : vector<16xf32>
    } {sc.loop_unroll_factor = 2 : i64, sc.parallel_access}
    %iota3A_675 = tpu.iota {dimensions = array<i32: 0>} : vector<16xi32>
    %xor3A_676 = arith.constant 1 : i32
    %xor3A_677 = vector.broadcast %xor3A_676 : i32 to vector<16xi32>
    %xor3A_678 = arith.xori %iota3A_675, %xor3A_677 : vector<16xi32>
    %swap3A_679 = arith.constant 0 : index
    %swap3A_680 = tpu.vector_load %arg9[%swap3A_679] {strides = array<i32>} : memref<16xf32, #tpu.memory_space<vmem>>, vector<16xf32>,
    tpu.vector_store %arg9[%swap3A_679], %parallel_loop3A_674 {strides = array<i32>} : memref<16xf32, #tpu.memory_space<vmem>>, vector<16xf32>,
    %gather3A_681 = tpu.vector_load_idx %arg9[%xor3A_678] : memref<16xf32, #tpu.memory_space<vmem>>[vector<16xi32>], vector<16xf32>,
    %and3A_682 = arith.constant 2 : i32
    %and3A_683 = vector.broadcast %and3A_682 : i32 to vector<16xi32>
    %and3A_684 = arith.andi %iota3A_675, %and3A_683 : vector<16xi32>
    %eq3A_685 = arith.constant 0 : i32
    %eq3A_686 = vector.broadcast %eq3A_685 : i32 to vector<16xi32>
    %eq3A_687 = arith.cmpi eq, %and3A_684, %eq3A_686 : vector<16xi32>
    %and3A_688 = arith.constant 1 : i32
    %and3A_689 = vector.broadcast %and3A_688 : i32 to vector<16xi32>
    %and3A_690 = arith.andi %iota3A_675, %and3A_689 : vector<16xi32>
    %eq3A_691 = arith.constant 0 : i32
    %eq3A_692 = vector.broadcast %eq3A_691 : i32 to vector<16xi32>
    %eq3A_693 = arith.cmpi eq, %and3A_690, %eq3A_692 : vector<16xi32>
    %eq3A_694 = arith.xori %eq3A_687, %eq3A_693 : vector<16xi1>
    %eq3A_695 = arith.constant dense<true> : vector<16xi1>
    %eq3A_696 = arith.xori %eq3A_694, %eq3A_695 : vector<16xi1>
    %min3A_697 = arith.minimumf %parallel_loop3A_674, %gather3A_681 : vector<16xf32>
    %max3A_698 = arith.maximumf %parallel_loop3A_674, %gather3A_681 : vector<16xf32>
    %select_n3A_699 = arith.select %eq3A_696, %min3A_697, %max3A_698 : vector<16xi1>, vector<16xf32>
    %xor3A_700 = arith.constant 2 : i32
    %xor3A_701 = vector.broadcast %xor3A_700 : i32 to vector<16xi32>
    %xor3A_702 = arith.xori %iota3A_675, %xor3A_701 : vector<16xi32>
    %swap3A_703 = arith.constant 0 : index
    %swap3A_704 = tpu.vector_load %arg9[%swap3A_703] {strides = array<i32>} : memref<16xf32, #tpu.memory_space<vmem>>, vector<16xf32>,
    tpu.vector_store %arg9[%swap3A_703], %select_n3A_699 {strides = array<i32>} : memref<16xf32, #tpu.memory_space<vmem>>, vector<16xf32>,
    %gather3A_705 = tpu.vector_load_idx %arg9[%xor3A_702] : memref<16xf32, #tpu.memory_space<vmem>>[vector<16xi32>], vector<16xf32>,
    %and3A_706 = arith.constant 4 : i32
    %and3A_707 = vector.broadcast %and3A_706 : i32 to vector<16xi32>
    %and3A_708 = arith.andi %iota3A_675, %and3A_707 : vector<16xi32>
    %eq3A_709 = arith.constant 0 : i32
    %eq3A_710 = vector.broadcast %eq3A_709 : i32 to vector<16xi32>
    %eq3A_711 = arith.cmpi eq, %and3A_708, %eq3A_710 : vector<16xi32>
    %and3A_712 = arith.constant 2 : i32
    %and3A_713 = vector.broadcast %and3A_712 : i32 to vector<16xi32>
    %and3A_714 = arith.andi %iota3A_675, %and3A_713 : vector<16xi32>
    %eq3A_715 = arith.constant 0 : i32
    %eq3A_716 = vector.broadcast %eq3A_715 : i32 to vector<16xi32>
    %eq3A_717 = arith.cmpi eq, %and3A_714, %eq3A_716 : vector<16xi32>
    %eq3A_718 = arith.xori %eq3A_711, %eq3A_717 : vector<16xi1>
    %eq3A_719 = arith.constant dense<true> : vector<16xi1>
    %eq3A_720 = arith.xori %eq3A_718, %eq3A_719 : vector<16xi1>
    %min3A_721 = arith.minimumf %select_n3A_699, %gather3A_705 : vector<16xf32>
    %max3A_722 = arith.maximumf %select_n3A_699, %gather3A_705 : vector<16xf32>
    %select_n3A_723 = arith.select %eq3A_720, %min3A_721, %max3A_722 : vector<16xi1>, vector<16xf32>
    %xor3A_724 = arith.constant 1 : i32
    %xor3A_725 = vector.broadcast %xor3A_724 : i32 to vector<16xi32>
    %xor3A_726 = arith.xori %iota3A_675, %xor3A_725 : vector<16xi32>
    %swap3A_727 = arith.constant 0 : index
    %swap3A_728 = tpu.vector_load %arg9[%swap3A_727] {strides = array<i32>} : memref<16xf32, #tpu.memory_space<vmem>>, vector<16xf32>,
    tpu.vector_store %arg9[%swap3A_727], %select_n3A_723 {strides = array<i32>} : memref<16xf32, #tpu.memory_space<vmem>>, vector<16xf32>,
    %gather3A_729 = tpu.vector_load_idx %arg9[%xor3A_726] : memref<16xf32, #tpu.memory_space<vmem>>[vector<16xi32>], vector<16xf32>,
    %and3A_730 = arith.constant 4 : i32
    %and3A_731 = vector.broadcast %and3A_730 : i32 to vector<16xi32>
    %and3A_732 = arith.andi %iota3A_675, %and3A_731 : vector<16xi32>
    %eq3A_733 = arith.constant 0 : i32
    %eq3A_734 = vector.broadcast %eq3A_733 : i32 to vector<16xi32>
    %eq3A_735 = arith.cmpi eq, %and3A_732, %eq3A_734 : vector<16xi32>
    %and3A_736 = arith.constant 1 : i32
    %and3A_737 = vector.broadcast %and3A_736 : i32 to vector<16xi32>
    %and3A_738 = arith.andi %iota3A_675, %and3A_737 : vector<16xi32>
    %eq3A_739 = arith.constant 0 : i32
    %eq3A_740 = vector.broadcast %eq3A_739 : i32 to vector<16xi32>
    %eq3A_741 = arith.cmpi eq, %and3A_738, %eq3A_740 : vector<16xi32>
    %eq3A_742 = arith.xori %eq3A_735, %eq3A_741 : vector<16xi1>
    %eq3A_743 = arith.constant dense<true> : vector<16xi1>
    %eq3A_744 = arith.xori %eq3A_742, %eq3A_743 : vector<16xi1>
    %min3A_745 = arith.minimumf %select_n3A_723, %gather3A_729 : vector<16xf32>
    %max3A_746 = arith.maximumf %select_n3A_723, %gather3A_729 : vector<16xf32>
    %select_n3A_747 = arith.select %eq3A_744, %min3A_745, %max3A_746 : vector<16xi1>, vector<16xf32>
    %xor3A_748 = arith.constant 4 : i32
    %xor3A_749 = vector.broadcast %xor3A_748 : i32 to vector<16xi32>
    %xor3A_750 = arith.xori %iota3A_675, %xor3A_749 : vector<16xi32>
    %swap3A_751 = arith.constant 0 : index
    %swap3A_752 = tpu.vector_load %arg9[%swap3A_751] {strides = array<i32>} : memref<16xf32, #tpu.memory_space<vmem>>, vector<16xf32>,
    tpu.vector_store %arg9[%swap3A_751], %select_n3A_747 {strides = array<i32>} : memref<16xf32, #tpu.memory_space<vmem>>, vector<16xf32>,
    %gather3A_753 = tpu.vector_load_idx %arg9[%xor3A_750] : memref<16xf32, #tpu.memory_space<vmem>>[vector<16xi32>], vector<16xf32>,
    %and3A_754 = arith.constant 8 : i32
    %and3A_755 = vector.broadcast %and3A_754 : i32 to vector<16xi32>
    %and3A_756 = arith.andi %iota3A_675, %and3A_755 : vector<16xi32>
    %eq3A_757 = arith.constant 0 : i32
    %eq3A_758 = vector.broadcast %eq3A_757 : i32 to vector<16xi32>
    %eq3A_759 = arith.cmpi eq, %and3A_756, %eq3A_758 : vector<16xi32>
    %and3A_760 = arith.constant 4 : i32
    %and3A_761 = vector.broadcast %and3A_760 : i32 to vector<16xi32>
    %and3A_762 = arith.andi %iota3A_675, %and3A_761 : vector<16xi32>
    %eq3A_763 = arith.constant 0 : i32
    %eq3A_764 = vector.broadcast %eq3A_763 : i32 to vector<16xi32>
    %eq3A_765 = arith.cmpi eq, %and3A_762, %eq3A_764 : vector<16xi32>
    %eq3A_766 = arith.xori %eq3A_759, %eq3A_765 : vector<16xi1>
    %eq3A_767 = arith.constant dense<true> : vector<16xi1>
    %eq3A_768 = arith.xori %eq3A_766, %eq3A_767 : vector<16xi1>
    %min3A_769 = arith.minimumf %select_n3A_747, %gather3A_753 : vector<16xf32>
    %max3A_770 = arith.maximumf %select_n3A_747, %gather3A_753 : vector<16xf32>
    %select_n3A_771 = arith.select %eq3A_768, %min3A_769, %max3A_770 : vector<16xi1>, vector<16xf32>
    %xor3A_772 = arith.constant 2 : i32
    %xor3A_773 = vector.broadcast %xor3A_772 : i32 to vector<16xi32>
    %xor3A_774 = arith.xori %iota3A_675, %xor3A_773 : vector<16xi32>
    %swap3A_775 = arith.constant 0 : index
    %swap3A_776 = tpu.vector_load %arg9[%swap3A_775] {strides = array<i32>} : memref<16xf32, #tpu.memory_space<vmem>>, vector<16xf32>,
    tpu.vector_store %arg9[%swap3A_775], %select_n3A_771 {strides = array<i32>} : memref<16xf32, #tpu.memory_space<vmem>>, vector<16xf32>,
    %gather3A_777 = tpu.vector_load_idx %arg9[%xor3A_774] : memref<16xf32, #tpu.memory_space<vmem>>[vector<16xi32>], vector<16xf32>,
    %and3A_778 = arith.constant 8 : i32
    %and3A_779 = vector.broadcast %and3A_778 : i32 to vector<16xi32>
    %and3A_780 = arith.andi %iota3A_675, %and3A_779 : vector<16xi32>
    %eq3A_781 = arith.constant 0 : i32
    %eq3A_782 = vector.broadcast %eq3A_781 : i32 to vector<16xi32>
    %eq3A_783 = arith.cmpi eq, %and3A_780, %eq3A_782 : vector<16xi32>
    %and3A_784 = arith.constant 2 : i32
    %and3A_785 = vector.broadcast %and3A_784 : i32 to vector<16xi32>
    %and3A_786 = arith.andi %iota3A_675, %and3A_785 : vector<16xi32>
    %eq3A_787 = arith.constant 0 : i32
    %eq3A_788 = vector.broadcast %eq3A_787 : i32 to vector<16xi32>
    %eq3A_789 = arith.cmpi eq, %and3A_786, %eq3A_788 : vector<16xi32>
    %eq3A_790 = arith.xori %eq3A_783, %eq3A_789 : vector<16xi1>
    %eq3A_791 = arith.constant dense<true> : vector<16xi1>
    %eq3A_792 = arith.xori %eq3A_790, %eq3A_791 : vector<16xi1>
    %min3A_793 = arith.minimumf %select_n3A_771, %gather3A_777 : vector<16xf32>
    %max3A_794 = arith.maximumf %select_n3A_771, %gather3A_777 : vector<16xf32>
    %select_n3A_795 = arith.select %eq3A_792, %min3A_793, %max3A_794 : vector<16xi1>, vector<16xf32>
    %xor3A_796 = arith.constant 1 : i32
    %xor3A_797 = vector.broadcast %xor3A_796 : i32 to vector<16xi32>
    %xor3A_798 = arith.xori %iota3A_675, %xor3A_797 : vector<16xi32>
    %swap3A_799 = arith.constant 0 : index
    %swap3A_800 = tpu.vector_load %arg9[%swap3A_799] {strides = array<i32>} : memref<16xf32, #tpu.memory_space<vmem>>, vector<16xf32>,
    tpu.vector_store %arg9[%swap3A_799], %select_n3A_795 {strides = array<i32>} : memref<16xf32, #tpu.memory_space<vmem>>, vector<16xf32>,
    %gather3A_801 = tpu.vector_load_idx %arg9[%xor3A_798] : memref<16xf32, #tpu.memory_space<vmem>>[vector<16xi32>], vector<16xf32>,
    %and3A_802 = arith.constant 8 : i32
    %and3A_803 = vector.broadcast %and3A_802 : i32 to vector<16xi32>
    %and3A_804 = arith.andi %iota3A_675, %and3A_803 : vector<16xi32>
    %eq3A_805 = arith.constant 0 : i32
    %eq3A_806 = vector.broadcast %eq3A_805 : i32 to vector<16xi32>
    %eq3A_807 = arith.cmpi eq, %and3A_804, %eq3A_806 : vector<16xi32>
    %and3A_808 = arith.constant 1 : i32
    %and3A_809 = vector.broadcast %and3A_808 : i32 to vector<16xi32>
    %and3A_810 = arith.andi %iota3A_675, %and3A_809 : vector<16xi32>
    %eq3A_811 = arith.constant 0 : i32
    %eq3A_812 = vector.broadcast %eq3A_811 : i32 to vector<16xi32>
    %eq3A_813 = arith.cmpi eq, %and3A_810, %eq3A_812 : vector<16xi32>
    %eq3A_814 = arith.xori %eq3A_807, %eq3A_813 : vector<16xi1>
    %eq3A_815 = arith.constant dense<true> : vector<16xi1>
    %eq3A_816 = arith.xori %eq3A_814, %eq3A_815 : vector<16xi1>
    %min3A_817 = arith.minimumf %select_n3A_795, %gather3A_801 : vector<16xf32>
    %max3A_818 = arith.maximumf %select_n3A_795, %gather3A_801 : vector<16xf32>
    %select_n3A_819 = arith.select %eq3A_816, %min3A_817, %max3A_818 : vector<16xi1>, vector<16xf32>
    %xor3A_820 = arith.constant 8 : i32
    %xor3A_821 = vector.broadcast %xor3A_820 : i32 to vector<16xi32>
    %xor3A_822 = arith.xori %iota3A_675, %xor3A_821 : vector<16xi32>
    %swap3A_823 = arith.constant 0 : index
    %swap3A_824 = tpu.vector_load %arg9[%swap3A_823] {strides = array<i32>} : memref<16xf32, #tpu.memory_space<vmem>>, vector<16xf32>,
    tpu.vector_store %arg9[%swap3A_823], %select_n3A_819 {strides = array<i32>} : memref<16xf32, #tpu.memory_space<vmem>>, vector<16xf32>,
    %gather3A_825 = tpu.vector_load_idx %arg9[%xor3A_822] : memref<16xf32, #tpu.memory_space<vmem>>[vector<16xi32>], vector<16xf32>,
    %and3A_826 = arith.constant 16 : i32
    %and3A_827 = vector.broadcast %and3A_826 : i32 to vector<16xi32>
    %and3A_828 = arith.andi %iota3A_675, %and3A_827 : vector<16xi32>
    %eq3A_829 = arith.constant 0 : i32
    %eq3A_830 = vector.broadcast %eq3A_829 : i32 to vector<16xi32>
    %eq3A_831 = arith.cmpi eq, %and3A_828, %eq3A_830 : vector<16xi32>
    %and3A_832 = arith.constant 8 : i32
    %and3A_833 = vector.broadcast %and3A_832 : i32 to vector<16xi32>
    %and3A_834 = arith.andi %iota3A_675, %and3A_833 : vector<16xi32>
    %eq3A_835 = arith.constant 0 : i32
    %eq3A_836 = vector.broadcast %eq3A_835 : i32 to vector<16xi32>
    %eq3A_837 = arith.cmpi eq, %and3A_834, %eq3A_836 : vector<16xi32>
    %eq3A_838 = arith.xori %eq3A_831, %eq3A_837 : vector<16xi1>
    %eq3A_839 = arith.constant dense<true> : vector<16xi1>
    %eq3A_840 = arith.xori %eq3A_838, %eq3A_839 : vector<16xi1>
    %min3A_841 = arith.minimumf %select_n3A_819, %gather3A_825 : vector<16xf32>
    %max3A_842 = arith.maximumf %select_n3A_819, %gather3A_825 : vector<16xf32>
    %select_n3A_843 = arith.select %eq3A_840, %min3A_841, %max3A_842 : vector<16xi1>, vector<16xf32>
    %xor3A_844 = arith.constant 4 : i32
    %xor3A_845 = vector.broadcast %xor3A_844 : i32 to vector<16xi32>
    %xor3A_846 = arith.xori %iota3A_675, %xor3A_845 : vector<16xi32>
    %swap3A_847 = arith.constant 0 : index
    %swap3A_848 = tpu.vector_load %arg9[%swap3A_847] {strides = array<i32>} : memref<16xf32, #tpu.memory_space<vmem>>, vector<16xf32>,
    tpu.vector_store %arg9[%swap3A_847], %select_n3A_843 {strides = array<i32>} : memref<16xf32, #tpu.memory_space<vmem>>, vector<16xf32>,
    %gather3A_849 = tpu.vector_load_idx %arg9[%xor3A_846] : memref<16xf32, #tpu.memory_space<vmem>>[vector<16xi32>], vector<16xf32>,
    %and3A_850 = arith.constant 16 : i32
    %and3A_851 = vector.broadcast %and3A_850 : i32 to vector<16xi32>
    %and3A_852 = arith.andi %iota3A_675, %and3A_851 : vector<16xi32>
    %eq3A_853 = arith.constant 0 : i32
    %eq3A_854 = vector.broadcast %eq3A_853 : i32 to vector<16xi32>
    %eq3A_855 = arith.cmpi eq, %and3A_852, %eq3A_854 : vector<16xi32>
    %and3A_856 = arith.constant 4 : i32
    %and3A_857 = vector.broadcast %and3A_856 : i32 to vector<16xi32>
    %and3A_858 = arith.andi %iota3A_675, %and3A_857 : vector<16xi32>
    %eq3A_859 = arith.constant 0 : i32
    %eq3A_860 = vector.broadcast %eq3A_859 : i32 to vector<16xi32>
    %eq3A_861 = arith.cmpi eq, %and3A_858, %eq3A_860 : vector<16xi32>
    %eq3A_862 = arith.xori %eq3A_855, %eq3A_861 : vector<16xi1>
    %eq3A_863 = arith.constant dense<true> : vector<16xi1>
    %eq3A_864 = arith.xori %eq3A_862, %eq3A_863 : vector<16xi1>
    %min3A_865 = arith.minimumf %select_n3A_843, %gather3A_849 : vector<16xf32>
    %max3A_866 = arith.maximumf %select_n3A_843, %gather3A_849 : vector<16xf32>
    %select_n3A_867 = arith.select %eq3A_864, %min3A_865, %max3A_866 : vector<16xi1>, vector<16xf32>
    %xor3A_868 = arith.constant 2 : i32
    %xor3A_869 = vector.broadcast %xor3A_868 : i32 to vector<16xi32>
    %xor3A_870 = arith.xori %iota3A_675, %xor3A_869 : vector<16xi32>
    %swap3A_871 = arith.constant 0 : index
    %swap3A_872 = tpu.vector_load %arg9[%swap3A_871] {strides = array<i32>} : memref<16xf32, #tpu.memory_space<vmem>>, vector<16xf32>,
    tpu.vector_store %arg9[%swap3A_871], %select_n3A_867 {strides = array<i32>} : memref<16xf32, #tpu.memory_space<vmem>>, vector<16xf32>,
    %gather3A_873 = tpu.vector_load_idx %arg9[%xor3A_870] : memref<16xf32, #tpu.memory_space<vmem>>[vector<16xi32>], vector<16xf32>,
    %and3A_874 = arith.constant 16 : i32
    %and3A_875 = vector.broadcast %and3A_874 : i32 to vector<16xi32>
    %and3A_876 = arith.andi %iota3A_675, %and3A_875 : vector<16xi32>
    %eq3A_877 = arith.constant 0 : i32
    %eq3A_878 = vector.broadcast %eq3A_877 : i32 to vector<16xi32>
    %eq3A_879 = arith.cmpi eq, %and3A_876, %eq3A_878 : vector<16xi32>
    %and3A_880 = arith.constant 2 : i32
    %and3A_881 = vector.broadcast %and3A_880 : i32 to vector<16xi32>
    %and3A_882 = arith.andi %iota3A_675, %and3A_881 : vector<16xi32>
    %eq3A_883 = arith.constant 0 : i32
    %eq3A_884 = vector.broadcast %eq3A_883 : i32 to vector<16xi32>
    %eq3A_885 = arith.cmpi eq, %and3A_882, %eq3A_884 : vector<16xi32>
    %eq3A_886 = arith.xori %eq3A_879, %eq3A_885 : vector<16xi1>
    %eq3A_887 = arith.constant dense<true> : vector<16xi1>
    %eq3A_888 = arith.xori %eq3A_886, %eq3A_887 : vector<16xi1>
    %min3A_889 = arith.minimumf %select_n3A_867, %gather3A_873 : vector<16xf32>
    %max3A_890 = arith.maximumf %select_n3A_867, %gather3A_873 : vector<16xf32>
    %select_n3A_891 = arith.select %eq3A_888, %min3A_889, %max3A_890 : vector<16xi1>, vector<16xf32>
    %xor3A_892 = arith.constant 1 : i32
    %xor3A_893 = vector.broadcast %xor3A_892 : i32 to vector<16xi32>
    %xor3A_894 = arith.xori %iota3A_675, %xor3A_893 : vector<16xi32>
    %swap3A_895 = arith.constant 0 : index
    %swap3A_896 = tpu.vector_load %arg9[%swap3A_895] {strides = array<i32>} : memref<16xf32, #tpu.memory_space<vmem>>, vector<16xf32>,
    tpu.vector_store %arg9[%swap3A_895], %select_n3A_891 {strides = array<i32>} : memref<16xf32, #tpu.memory_space<vmem>>, vector<16xf32>,
    %gather3A_897 = tpu.vector_load_idx %arg9[%xor3A_894] : memref<16xf32, #tpu.memory_space<vmem>>[vector<16xi32>], vector<16xf32>,
    %and3A_898 = arith.constant 16 : i32
    %and3A_899 = vector.broadcast %and3A_898 : i32 to vector<16xi32>
    %and3A_900 = arith.andi %iota3A_675, %and3A_899 : vector<16xi32>
    %eq3A_901 = arith.constant 0 : i32
    %eq3A_902 = vector.broadcast %eq3A_901 : i32 to vector<16xi32>
    %eq3A_903 = arith.cmpi eq, %and3A_900, %eq3A_902 : vector<16xi32>
    %and3A_904 = arith.constant 1 : i32
    %and3A_905 = vector.broadcast %and3A_904 : i32 to vector<16xi32>
    %and3A_906 = arith.andi %iota3A_675, %and3A_905 : vector<16xi32>
    %eq3A_907 = arith.constant 0 : i32
    %eq3A_908 = vector.broadcast %eq3A_907 : i32 to vector<16xi32>
    %eq3A_909 = arith.cmpi eq, %and3A_906, %eq3A_908 : vector<16xi32>
    %eq3A_910 = arith.xori %eq3A_903, %eq3A_909 : vector<16xi1>
    %eq3A_911 = arith.constant dense<true> : vector<16xi1>
    %eq3A_912 = arith.xori %eq3A_910, %eq3A_911 : vector<16xi1>
    %min3A_913 = arith.minimumf %select_n3A_891, %gather3A_897 : vector<16xf32>
    %max3A_914 = arith.maximumf %select_n3A_891, %gather3A_897 : vector<16xf32>
    %select_n3A_915 = arith.select %eq3A_912, %min3A_913, %max3A_914 : vector<16xi1>, vector<16xf32>
    %swap3A_916 = arith.constant 0 : index
    %swap3A_917 = tpu.vector_load %arg9[%swap3A_916] {strides = array<i32>} : memref<16xf32, #tpu.memory_space<vmem>>, vector<16xf32>,
    tpu.vector_store %arg9[%swap3A_916], %select_n3A_915 {strides = array<i32>} : memref<16xf32, #tpu.memory_space<vmem>>, vector<16xf32>,
    %gather3A_918 = tpu.vector_load_idx %arg9[%broadcast_in_dim3A_16] : memref<16xf32, #tpu.memory_space<vmem>>[vector<16xi32>], vector<16xf32>,
    %add3A_919 = arith.addf %gather3A_918, %mul3A_15 : vector<16xf32>
    %parallel_loop3A_920 = arith.constant 0 : i32
    %parallel_loop3A_921 = arith.constant 32 : i32
    %parallel_loop3A_922 = arith.constant 1 : i32
    %parallel_loop3A_923 = scf.for %parallel_loop3A_1261 = %parallel_loop3A_920 to %parallel_loop3A_921 step %parallel_loop3A_922 iter_args(%parallel_loop3A_1262 = %broadcast_in_dim3A_20) -> (vector<16xi32>)  : i32 {
      %parallel_loop3A_1263 = arith.constant 16 : i32
      %parallel_loop3A_1264 = arith.muli %parallel_loop3A_1261, %parallel_loop3A_1263 : i32
      %parallel_loop3A_1265 = arith.constant 2 : i32
      %parallel_loop3A_1266 = arith.index_cast %parallel_loop3A_1265 : i32 to index
      %parallel_loop3A_1267 = arith.index_cast %parallel_loop3A_1264 : i32 to index
      %parallel_loop3A_1268 = tpu.vector_load %arg7[%parallel_loop3A_1266, %parallel_loop3A_1267] {strides = array<i32>} : memref<4x512xf32, #tpu.memory_space<vmem>>, vector<16xf32>,
      %parallel_loop3A_1269 = arith.constant 16 : i32
      %parallel_loop3A_1270 = arith.muli %parallel_loop3A_1261, %parallel_loop3A_1269 : i32
      %parallel_loop3A_1271 = vector.broadcast %parallel_loop3A_1270 : i32 to vector<16xi32>
      %parallel_loop3A_1272 = arith.addi %iota3A, %parallel_loop3A_1271 : vector<16xi32>
      %parallel_loop3A_1273 = arith.constant 1.000000e+00 : f32
      %parallel_loop3A_1274 = vector.broadcast %parallel_loop3A_1273 : f32 to vector<16xf32>
      %parallel_loop3A_1275 = arith.mulf %parallel_loop3A_1274, %parallel_loop3A_1268 : vector<16xf32>
      %parallel_loop3A_1276 = arith.constant 3.000000e+00 : f32
      %parallel_loop3A_1277 = vector.broadcast %parallel_loop3A_1276 : f32 to vector<16xf32>
      %parallel_loop3A_1278 = arith.addf %parallel_loop3A_1277, %parallel_loop3A_1275 : vector<16xf32>
      %parallel_loop3A_1279 = arith.constant 0.000000e+00 : f32
      %parallel_loop3A_1280 = vector.broadcast %parallel_loop3A_1279 : f32 to vector<16xf32>
      %parallel_loop3A_1281 = arith.maximumf %parallel_loop3A_1278, %parallel_loop3A_1280 : vector<16xf32>
      %parallel_loop3A_1282 = arith.cmpf ole, %parallel_loop3A_1281, %add3A_919 : vector<16xf32>
      %parallel_loop3A_1283 = arith.extui %parallel_loop3A_1282 : vector<16xi1> to vector<16xi32>
      %parallel_loop3A_1284 = tpu.iota {dimensions = array<i32: 0>} : vector<16xi32>
      %parallel_loop3A_1285 = arith.constant 1 : i32
      %parallel_loop3A_1286 = vector.broadcast %parallel_loop3A_1285 : i32 to vector<16xi32>
      %parallel_loop3A_1287 = arith.subi %parallel_loop3A_1284, %parallel_loop3A_1286 : vector<16xi32>
      %parallel_loop3A_1288 = arith.constant 0 : i32
      %parallel_loop3A_1289 = vector.broadcast %parallel_loop3A_1288 : i32 to vector<16xi32>
      %parallel_loop3A_1290 = arith.maxsi %parallel_loop3A_1287, %parallel_loop3A_1289 : vector<16xi32>
      %parallel_loop3A_1291 = arith.constant 0 : index
      %parallel_loop3A_1292 = tpu.vector_load %arg10[%parallel_loop3A_1291] {strides = array<i32>} : memref<16xi32, #tpu.memory_space<vmem>>, vector<16xi32>,
      tpu.vector_store %arg10[%parallel_loop3A_1291], %parallel_loop3A_1283 {strides = array<i32>} : memref<16xi32, #tpu.memory_space<vmem>>, vector<16xi32>,
      %parallel_loop3A_1293 = tpu.vector_load_idx %arg10[%parallel_loop3A_1290] : memref<16xi32, #tpu.memory_space<vmem>>[vector<16xi32>], vector<16xi32>,
      %parallel_loop3A_1294 = arith.constant 1 : i32
      %parallel_loop3A_1295 = vector.broadcast %parallel_loop3A_1294 : i32 to vector<16xi32>
      %parallel_loop3A_1296 = arith.cmpi sge, %parallel_loop3A_1284, %parallel_loop3A_1295 : vector<16xi32>
      %parallel_loop3A_1297 = arith.constant 0 : i32
      %parallel_loop3A_1298 = vector.broadcast %parallel_loop3A_1297 : i32 to vector<16xi32>
      %parallel_loop3A_1299 = arith.select %parallel_loop3A_1296, %parallel_loop3A_1293, %parallel_loop3A_1298 : vector<16xi1>, vector<16xi32>
      %parallel_loop3A_1300 = arith.addi %parallel_loop3A_1283, %parallel_loop3A_1299 : vector<16xi32>
      %parallel_loop3A_1301 = arith.constant 2 : i32
      %parallel_loop3A_1302 = vector.broadcast %parallel_loop3A_1301 : i32 to vector<16xi32>
      %parallel_loop3A_1303 = arith.subi %parallel_loop3A_1284, %parallel_loop3A_1302 : vector<16xi32>
      %parallel_loop3A_1304 = arith.constant 0 : i32
      %parallel_loop3A_1305 = vector.broadcast %parallel_loop3A_1304 : i32 to vector<16xi32>
      %parallel_loop3A_1306 = arith.maxsi %parallel_loop3A_1303, %parallel_loop3A_1305 : vector<16xi32>
      %parallel_loop3A_1307 = arith.constant 0 : index
      %parallel_loop3A_1308 = tpu.vector_load %arg10[%parallel_loop3A_1307] {strides = array<i32>} : memref<16xi32, #tpu.memory_space<vmem>>, vector<16xi32>,
      tpu.vector_store %arg10[%parallel_loop3A_1307], %parallel_loop3A_1300 {strides = array<i32>} : memref<16xi32, #tpu.memory_space<vmem>>, vector<16xi32>,
      %parallel_loop3A_1309 = tpu.vector_load_idx %arg10[%parallel_loop3A_1306] : memref<16xi32, #tpu.memory_space<vmem>>[vector<16xi32>], vector<16xi32>,
      %parallel_loop3A_1310 = arith.constant 2 : i32
      %parallel_loop3A_1311 = vector.broadcast %parallel_loop3A_1310 : i32 to vector<16xi32>
      %parallel_loop3A_1312 = arith.cmpi sge, %parallel_loop3A_1284, %parallel_loop3A_1311 : vector<16xi32>
      %parallel_loop3A_1313 = arith.constant 0 : i32
      %parallel_loop3A_1314 = vector.broadcast %parallel_loop3A_1313 : i32 to vector<16xi32>
      %parallel_loop3A_1315 = arith.select %parallel_loop3A_1312, %parallel_loop3A_1309, %parallel_loop3A_1314 : vector<16xi1>, vector<16xi32>
      %parallel_loop3A_1316 = arith.addi %parallel_loop3A_1300, %parallel_loop3A_1315 : vector<16xi32>
      %parallel_loop3A_1317 = arith.constant 4 : i32
      %parallel_loop3A_1318 = vector.broadcast %parallel_loop3A_1317 : i32 to vector<16xi32>
      %parallel_loop3A_1319 = arith.subi %parallel_loop3A_1284, %parallel_loop3A_1318 : vector<16xi32>
      %parallel_loop3A_1320 = arith.constant 0 : i32
      %parallel_loop3A_1321 = vector.broadcast %parallel_loop3A_1320 : i32 to vector<16xi32>
      %parallel_loop3A_1322 = arith.maxsi %parallel_loop3A_1319, %parallel_loop3A_1321 : vector<16xi32>
      %parallel_loop3A_1323 = arith.constant 0 : index
      %parallel_loop3A_1324 = tpu.vector_load %arg10[%parallel_loop3A_1323] {strides = array<i32>} : memref<16xi32, #tpu.memory_space<vmem>>, vector<16xi32>,
      tpu.vector_store %arg10[%parallel_loop3A_1323], %parallel_loop3A_1316 {strides = array<i32>} : memref<16xi32, #tpu.memory_space<vmem>>, vector<16xi32>,
      %parallel_loop3A_1325 = tpu.vector_load_idx %arg10[%parallel_loop3A_1322] : memref<16xi32, #tpu.memory_space<vmem>>[vector<16xi32>], vector<16xi32>,
      %parallel_loop3A_1326 = arith.constant 4 : i32
      %parallel_loop3A_1327 = vector.broadcast %parallel_loop3A_1326 : i32 to vector<16xi32>
      %parallel_loop3A_1328 = arith.cmpi sge, %parallel_loop3A_1284, %parallel_loop3A_1327 : vector<16xi32>
      %parallel_loop3A_1329 = arith.constant 0 : i32
      %parallel_loop3A_1330 = vector.broadcast %parallel_loop3A_1329 : i32 to vector<16xi32>
      %parallel_loop3A_1331 = arith.select %parallel_loop3A_1328, %parallel_loop3A_1325, %parallel_loop3A_1330 : vector<16xi1>, vector<16xi32>
      %parallel_loop3A_1332 = arith.addi %parallel_loop3A_1316, %parallel_loop3A_1331 : vector<16xi32>
      %parallel_loop3A_1333 = arith.constant 8 : i32
      %parallel_loop3A_1334 = vector.broadcast %parallel_loop3A_1333 : i32 to vector<16xi32>
      %parallel_loop3A_1335 = arith.subi %parallel_loop3A_1284, %parallel_loop3A_1334 : vector<16xi32>
      %parallel_loop3A_1336 = arith.constant 0 : i32
      %parallel_loop3A_1337 = vector.broadcast %parallel_loop3A_1336 : i32 to vector<16xi32>
      %parallel_loop3A_1338 = arith.maxsi %parallel_loop3A_1335, %parallel_loop3A_1337 : vector<16xi32>
      %parallel_loop3A_1339 = arith.constant 0 : index
      %parallel_loop3A_1340 = tpu.vector_load %arg10[%parallel_loop3A_1339] {strides = array<i32>} : memref<16xi32, #tpu.memory_space<vmem>>, vector<16xi32>,
      tpu.vector_store %arg10[%parallel_loop3A_1339], %parallel_loop3A_1332 {strides = array<i32>} : memref<16xi32, #tpu.memory_space<vmem>>, vector<16xi32>,
      %parallel_loop3A_1341 = tpu.vector_load_idx %arg10[%parallel_loop3A_1338] : memref<16xi32, #tpu.memory_space<vmem>>[vector<16xi32>], vector<16xi32>,
      %parallel_loop3A_1342 = arith.constant 8 : i32
      %parallel_loop3A_1343 = vector.broadcast %parallel_loop3A_1342 : i32 to vector<16xi32>
      %parallel_loop3A_1344 = arith.cmpi sge, %parallel_loop3A_1284, %parallel_loop3A_1343 : vector<16xi32>
      %parallel_loop3A_1345 = arith.constant 0 : i32
      %parallel_loop3A_1346 = vector.broadcast %parallel_loop3A_1345 : i32 to vector<16xi32>
      %parallel_loop3A_1347 = arith.select %parallel_loop3A_1344, %parallel_loop3A_1341, %parallel_loop3A_1346 : vector<16xi1>, vector<16xi32>
      %parallel_loop3A_1348 = arith.addi %parallel_loop3A_1332, %parallel_loop3A_1347 : vector<16xi32>
      %parallel_loop3A_1349 = arith.addi %parallel_loop3A_1262, %parallel_loop3A_1348 : vector<16xi32>
      %parallel_loop3A_1350 = arith.subi %parallel_loop3A_1349, %parallel_loop3A_1283 : vector<16xi32>
      %parallel_loop3A_1351 = arith.constant 96 : i32
      %parallel_loop3A_1352 = vector.broadcast %parallel_loop3A_1351 : i32 to vector<16xi32>
      %parallel_loop3A_1353 = arith.cmpi slt, %parallel_loop3A_1350, %parallel_loop3A_1352 : vector<16xi32>
      %parallel_loop3A_1354 = arith.andi %parallel_loop3A_1282, %parallel_loop3A_1353 : vector<16xi1>
      tpu.vector_store_idx %arg11[%parallel_loop3A_1350], %parallel_loop3A_1281 masked %parallel_loop3A_1354 : memref<96xf32, #tpu.memory_space<vmem>>[vector<16xi32>], vector<16xf32>, vector<16xi1>
      %parallel_loop3A_1355 = arith.constant 1.000000e+00 : f32
      %parallel_loop3A_1356 = vector.broadcast %parallel_loop3A_1355 : f32 to vector<16xf32>
      tpu.vector_store_idx %arg12[%parallel_loop3A_1350], %parallel_loop3A_1356 masked %parallel_loop3A_1354 : memref<96xf32, #tpu.memory_space<vmem>>[vector<16xi32>], vector<16xf32>, vector<16xi1>
      tpu.vector_store_idx %arg13[%parallel_loop3A_1350], %parallel_loop3A_1272 masked %parallel_loop3A_1354 : memref<96xi32, #tpu.memory_space<vmem>>[vector<16xi32>], vector<16xi32>, vector<16xi1>
      %parallel_loop3A_1357 = arith.constant 0 : index
      %parallel_loop3A_1358 = tpu.vector_load %arg10[%parallel_loop3A_1357] {strides = array<i32>} : memref<16xi32, #tpu.memory_space<vmem>>, vector<16xi32>,
      tpu.vector_store %arg10[%parallel_loop3A_1357], %parallel_loop3A_1348 {strides = array<i32>} : memref<16xi32, #tpu.memory_space<vmem>>, vector<16xi32>,
      %parallel_loop3A_1359 = tpu.vector_load_idx %arg10[%broadcast_in_dim3A_18] : memref<16xi32, #tpu.memory_space<vmem>>[vector<16xi32>], vector<16xi32>,
      %parallel_loop3A_1360 = arith.addi %parallel_loop3A_1262, %parallel_loop3A_1359 : vector<16xi32>
      %parallel_loop3A_1361 = arith.constant -1.000000e+00 : f32
      %parallel_loop3A_1362 = vector.broadcast %parallel_loop3A_1361 : f32 to vector<16xf32>
      %parallel_loop3A_1363 = arith.mulf %parallel_loop3A_1362, %parallel_loop3A_1268 : vector<16xf32>
      %parallel_loop3A_1364 = arith.constant 3.000000e+00 : f32
      %parallel_loop3A_1365 = vector.broadcast %parallel_loop3A_1364 : f32 to vector<16xf32>
      %parallel_loop3A_1366 = arith.addf %parallel_loop3A_1365, %parallel_loop3A_1363 : vector<16xf32>
      %parallel_loop3A_1367 = arith.constant 0.000000e+00 : f32
      %parallel_loop3A_1368 = vector.broadcast %parallel_loop3A_1367 : f32 to vector<16xf32>
      %parallel_loop3A_1369 = arith.maximumf %parallel_loop3A_1366, %parallel_loop3A_1368 : vector<16xf32>
      %parallel_loop3A_1370 = arith.cmpf ole, %parallel_loop3A_1369, %add3A_919 : vector<16xf32>
      %parallel_loop3A_1371 = arith.extui %parallel_loop3A_1370 : vector<16xi1> to vector<16xi32>
      %parallel_loop3A_1372 = tpu.iota {dimensions = array<i32: 0>} : vector<16xi32>
      %parallel_loop3A_1373 = arith.constant 1 : i32
      %parallel_loop3A_1374 = vector.broadcast %parallel_loop3A_1373 : i32 to vector<16xi32>
      %parallel_loop3A_1375 = arith.subi %parallel_loop3A_1372, %parallel_loop3A_1374 : vector<16xi32>
      %parallel_loop3A_1376 = arith.constant 0 : i32
      %parallel_loop3A_1377 = vector.broadcast %parallel_loop3A_1376 : i32 to vector<16xi32>
      %parallel_loop3A_1378 = arith.maxsi %parallel_loop3A_1375, %parallel_loop3A_1377 : vector<16xi32>
      %parallel_loop3A_1379 = arith.constant 0 : index
      %parallel_loop3A_1380 = tpu.vector_load %arg10[%parallel_loop3A_1379] {strides = array<i32>} : memref<16xi32, #tpu.memory_space<vmem>>, vector<16xi32>,
      tpu.vector_store %arg10[%parallel_loop3A_1379], %parallel_loop3A_1371 {strides = array<i32>} : memref<16xi32, #tpu.memory_space<vmem>>, vector<16xi32>,
      %parallel_loop3A_1381 = tpu.vector_load_idx %arg10[%parallel_loop3A_1378] : memref<16xi32, #tpu.memory_space<vmem>>[vector<16xi32>], vector<16xi32>,
      %parallel_loop3A_1382 = arith.constant 1 : i32
      %parallel_loop3A_1383 = vector.broadcast %parallel_loop3A_1382 : i32 to vector<16xi32>
      %parallel_loop3A_1384 = arith.cmpi sge, %parallel_loop3A_1372, %parallel_loop3A_1383 : vector<16xi32>
      %parallel_loop3A_1385 = arith.constant 0 : i32
      %parallel_loop3A_1386 = vector.broadcast %parallel_loop3A_1385 : i32 to vector<16xi32>
      %parallel_loop3A_1387 = arith.select %parallel_loop3A_1384, %parallel_loop3A_1381, %parallel_loop3A_1386 : vector<16xi1>, vector<16xi32>
      %parallel_loop3A_1388 = arith.addi %parallel_loop3A_1371, %parallel_loop3A_1387 : vector<16xi32>
      %parallel_loop3A_1389 = arith.constant 2 : i32
      %parallel_loop3A_1390 = vector.broadcast %parallel_loop3A_1389 : i32 to vector<16xi32>
      %parallel_loop3A_1391 = arith.subi %parallel_loop3A_1372, %parallel_loop3A_1390 : vector<16xi32>
      %parallel_loop3A_1392 = arith.constant 0 : i32
      %parallel_loop3A_1393 = vector.broadcast %parallel_loop3A_1392 : i32 to vector<16xi32>
      %parallel_loop3A_1394 = arith.maxsi %parallel_loop3A_1391, %parallel_loop3A_1393 : vector<16xi32>
      %parallel_loop3A_1395 = arith.constant 0 : index
      %parallel_loop3A_1396 = tpu.vector_load %arg10[%parallel_loop3A_1395] {strides = array<i32>} : memref<16xi32, #tpu.memory_space<vmem>>, vector<16xi32>,
      tpu.vector_store %arg10[%parallel_loop3A_1395], %parallel_loop3A_1388 {strides = array<i32>} : memref<16xi32, #tpu.memory_space<vmem>>, vector<16xi32>,
      %parallel_loop3A_1397 = tpu.vector_load_idx %arg10[%parallel_loop3A_1394] : memref<16xi32, #tpu.memory_space<vmem>>[vector<16xi32>], vector<16xi32>,
      %parallel_loop3A_1398 = arith.constant 2 : i32
      %parallel_loop3A_1399 = vector.broadcast %parallel_loop3A_1398 : i32 to vector<16xi32>
      %parallel_loop3A_1400 = arith.cmpi sge, %parallel_loop3A_1372, %parallel_loop3A_1399 : vector<16xi32>
      %parallel_loop3A_1401 = arith.constant 0 : i32
      %parallel_loop3A_1402 = vector.broadcast %parallel_loop3A_1401 : i32 to vector<16xi32>
      %parallel_loop3A_1403 = arith.select %parallel_loop3A_1400, %parallel_loop3A_1397, %parallel_loop3A_1402 : vector<16xi1>, vector<16xi32>
      %parallel_loop3A_1404 = arith.addi %parallel_loop3A_1388, %parallel_loop3A_1403 : vector<16xi32>
      %parallel_loop3A_1405 = arith.constant 4 : i32
      %parallel_loop3A_1406 = vector.broadcast %parallel_loop3A_1405 : i32 to vector<16xi32>
      %parallel_loop3A_1407 = arith.subi %parallel_loop3A_1372, %parallel_loop3A_1406 : vector<16xi32>
      %parallel_loop3A_1408 = arith.constant 0 : i32
      %parallel_loop3A_1409 = vector.broadcast %parallel_loop3A_1408 : i32 to vector<16xi32>
      %parallel_loop3A_1410 = arith.maxsi %parallel_loop3A_1407, %parallel_loop3A_1409 : vector<16xi32>
      %parallel_loop3A_1411 = arith.constant 0 : index
      %parallel_loop3A_1412 = tpu.vector_load %arg10[%parallel_loop3A_1411] {strides = array<i32>} : memref<16xi32, #tpu.memory_space<vmem>>, vector<16xi32>,
      tpu.vector_store %arg10[%parallel_loop3A_1411], %parallel_loop3A_1404 {strides = array<i32>} : memref<16xi32, #tpu.memory_space<vmem>>, vector<16xi32>,
      %parallel_loop3A_1413 = tpu.vector_load_idx %arg10[%parallel_loop3A_1410] : memref<16xi32, #tpu.memory_space<vmem>>[vector<16xi32>], vector<16xi32>,
      %parallel_loop3A_1414 = arith.constant 4 : i32
      %parallel_loop3A_1415 = vector.broadcast %parallel_loop3A_1414 : i32 to vector<16xi32>
      %parallel_loop3A_1416 = arith.cmpi sge, %parallel_loop3A_1372, %parallel_loop3A_1415 : vector<16xi32>
      %parallel_loop3A_1417 = arith.constant 0 : i32
      %parallel_loop3A_1418 = vector.broadcast %parallel_loop3A_1417 : i32 to vector<16xi32>
      %parallel_loop3A_1419 = arith.select %parallel_loop3A_1416, %parallel_loop3A_1413, %parallel_loop3A_1418 : vector<16xi1>, vector<16xi32>
      %parallel_loop3A_1420 = arith.addi %parallel_loop3A_1404, %parallel_loop3A_1419 : vector<16xi32>
      %parallel_loop3A_1421 = arith.constant 8 : i32
      %parallel_loop3A_1422 = vector.broadcast %parallel_loop3A_1421 : i32 to vector<16xi32>
      %parallel_loop3A_1423 = arith.subi %parallel_loop3A_1372, %parallel_loop3A_1422 : vector<16xi32>
      %parallel_loop3A_1424 = arith.constant 0 : i32
      %parallel_loop3A_1425 = vector.broadcast %parallel_loop3A_1424 : i32 to vector<16xi32>
      %parallel_loop3A_1426 = arith.maxsi %parallel_loop3A_1423, %parallel_loop3A_1425 : vector<16xi32>
      %parallel_loop3A_1427 = arith.constant 0 : index
      %parallel_loop3A_1428 = tpu.vector_load %arg10[%parallel_loop3A_1427] {strides = array<i32>} : memref<16xi32, #tpu.memory_space<vmem>>, vector<16xi32>,
      tpu.vector_store %arg10[%parallel_loop3A_1427], %parallel_loop3A_1420 {strides = array<i32>} : memref<16xi32, #tpu.memory_space<vmem>>, vector<16xi32>,
      %parallel_loop3A_1429 = tpu.vector_load_idx %arg10[%parallel_loop3A_1426] : memref<16xi32, #tpu.memory_space<vmem>>[vector<16xi32>], vector<16xi32>,
      %parallel_loop3A_1430 = arith.constant 8 : i32
      %parallel_loop3A_1431 = vector.broadcast %parallel_loop3A_1430 : i32 to vector<16xi32>
      %parallel_loop3A_1432 = arith.cmpi sge, %parallel_loop3A_1372, %parallel_loop3A_1431 : vector<16xi32>
      %parallel_loop3A_1433 = arith.constant 0 : i32
      %parallel_loop3A_1434 = vector.broadcast %parallel_loop3A_1433 : i32 to vector<16xi32>
      %parallel_loop3A_1435 = arith.select %parallel_loop3A_1432, %parallel_loop3A_1429, %parallel_loop3A_1434 : vector<16xi1>, vector<16xi32>
      %parallel_loop3A_1436 = arith.addi %parallel_loop3A_1420, %parallel_loop3A_1435 : vector<16xi32>
      %parallel_loop3A_1437 = arith.addi %parallel_loop3A_1360, %parallel_loop3A_1436 : vector<16xi32>
      %parallel_loop3A_1438 = arith.subi %parallel_loop3A_1437, %parallel_loop3A_1371 : vector<16xi32>
      %parallel_loop3A_1439 = arith.constant 96 : i32
      %parallel_loop3A_1440 = vector.broadcast %parallel_loop3A_1439 : i32 to vector<16xi32>
      %parallel_loop3A_1441 = arith.cmpi slt, %parallel_loop3A_1438, %parallel_loop3A_1440 : vector<16xi32>
      %parallel_loop3A_1442 = arith.andi %parallel_loop3A_1370, %parallel_loop3A_1441 : vector<16xi1>
      tpu.vector_store_idx %arg11[%parallel_loop3A_1438], %parallel_loop3A_1369 masked %parallel_loop3A_1442 : memref<96xf32, #tpu.memory_space<vmem>>[vector<16xi32>], vector<16xf32>, vector<16xi1>
      %parallel_loop3A_1443 = arith.constant -1.000000e+00 : f32
      %parallel_loop3A_1444 = vector.broadcast %parallel_loop3A_1443 : f32 to vector<16xf32>
      tpu.vector_store_idx %arg12[%parallel_loop3A_1438], %parallel_loop3A_1444 masked %parallel_loop3A_1442 : memref<96xf32, #tpu.memory_space<vmem>>[vector<16xi32>], vector<16xf32>, vector<16xi1>
      tpu.vector_store_idx %arg13[%parallel_loop3A_1438], %parallel_loop3A_1272 masked %parallel_loop3A_1442 : memref<96xi32, #tpu.memory_space<vmem>>[vector<16xi32>], vector<16xi32>, vector<16xi1>
      %parallel_loop3A_1445 = arith.constant 0 : index
      %parallel_loop3A_1446 = tpu.vector_load %arg10[%parallel_loop3A_1445] {strides = array<i32>} : memref<16xi32, #tpu.memory_space<vmem>>, vector<16xi32>,
      tpu.vector_store %arg10[%parallel_loop3A_1445], %parallel_loop3A_1436 {strides = array<i32>} : memref<16xi32, #tpu.memory_space<vmem>>, vector<16xi32>,
      %parallel_loop3A_1447 = tpu.vector_load_idx %arg10[%broadcast_in_dim3A_18] : memref<16xi32, #tpu.memory_space<vmem>>[vector<16xi32>], vector<16xi32>,
      %parallel_loop3A_1448 = arith.addi %parallel_loop3A_1360, %parallel_loop3A_1447 : vector<16xi32>
      scf.yield %parallel_loop3A_1448 : vector<16xi32>
    } {sc.loop_unroll_factor = 2 : i64, sc.parallel_access}
    %min3A_924 = arith.constant 96 : i32
    %min3A_925 = vector.broadcast %min3A_924 : i32 to vector<16xi32>
    %min3A_926 = arith.minsi %parallel_loop3A_923, %min3A_925 : vector<16xi32>
    %swap3A_927 = arith.constant 0 : index
    %swap3A_928 = tpu.vector_load %arg10[%swap3A_927] {strides = array<i32>} : memref<16xi32, #tpu.memory_space<vmem>>, vector<16xi32>,
    tpu.vector_store %arg10[%swap3A_927], %min3A_926 {strides = array<i32>} : memref<16xi32, #tpu.memory_space<vmem>>, vector<16xi32>,
    %mul3A_929 = arith.constant 96 : i32
    %mul3A_930 = arith.muli %add3A_634, %mul3A_929 : i32
    "tpu.region"() ({
      %run_scoped3A = tpu.sem_alloc : memref<!tpu.dma_semaphore, #tpu.memory_space<semaphore_mem>>
      %dma_start3A_1261 = tpu.memref_slice %arg14[%mul3A_930] : memref<6144xf32, #tpu.memory_space<vmem_shared>> -> memref<96xf32, #tpu.memory_space<vmem_shared>>
      %dma_start3A_1262 = tpu.memref_slice %arg14[%mul3A_930] : memref<6144xf32, #tpu.memory_space<vmem_shared>> -> memref<96xf32, #tpu.memory_space<vmem_shared>>
      tpu.enqueue_dma source(%arg11 : memref<96xf32, #tpu.memory_space<vmem>>) target(%dma_start3A_1262 : memref<96xf32, #tpu.memory_space<vmem_shared>>) target_semaphore(%run_scoped3A : memref<!tpu.dma_semaphore, #tpu.memory_space<semaphore_mem>>)
      %dma_wait3A_1263 = tpu.memref_slice %arg14[%mul3A_930] : memref<6144xf32, #tpu.memory_space<vmem_shared>> -> memref<96xf32, #tpu.memory_space<vmem_shared>>
      %dma_wait3A_1264 = tpu.memref_slice %arg14[%mul3A_930] : memref<6144xf32, #tpu.memory_space<vmem_shared>> -> memref<96xf32, #tpu.memory_space<vmem_shared>>
      tpu.wait_dma2 semaphore(%run_scoped3A : memref<!tpu.dma_semaphore, #tpu.memory_space<semaphore_mem>>) src(%arg11 : memref<96xf32, #tpu.memory_space<vmem>>) dst(%dma_wait3A_1264 : memref<96xf32, #tpu.memory_space<vmem_shared>>)
      tpu.yield
    }) : () -> ()
    %mul3A_931 = arith.constant 96 : i32
    %mul3A_932 = arith.muli %add3A_634, %mul3A_931 : i32
    "tpu.region"() ({
      %run_scoped3A = tpu.sem_alloc : memref<!tpu.dma_semaphore, #tpu.memory_space<semaphore_mem>>
      %dma_start3A_1261 = tpu.memref_slice %arg15[%mul3A_932] : memref<6144xf32, #tpu.memory_space<vmem_shared>> -> memref<96xf32, #tpu.memory_space<vmem_shared>>
      %dma_start3A_1262 = tpu.memref_slice %arg15[%mul3A_932] : memref<6144xf32, #tpu.memory_space<vmem_shared>> -> memref<96xf32, #tpu.memory_space<vmem_shared>>
      tpu.enqueue_dma source(%arg12 : memref<96xf32, #tpu.memory_space<vmem>>) target(%dma_start3A_1262 : memref<96xf32, #tpu.memory_space<vmem_shared>>) target_semaphore(%run_scoped3A : memref<!tpu.dma_semaphore, #tpu.memory_space<semaphore_mem>>)
      %dma_wait3A_1263 = tpu.memref_slice %arg15[%mul3A_932] : memref<6144xf32, #tpu.memory_space<vmem_shared>> -> memref<96xf32, #tpu.memory_space<vmem_shared>>
      %dma_wait3A_1264 = tpu.memref_slice %arg15[%mul3A_932] : memref<6144xf32, #tpu.memory_space<vmem_shared>> -> memref<96xf32, #tpu.memory_space<vmem_shared>>
      tpu.wait_dma2 semaphore(%run_scoped3A : memref<!tpu.dma_semaphore, #tpu.memory_space<semaphore_mem>>) src(%arg12 : memref<96xf32, #tpu.memory_space<vmem>>) dst(%dma_wait3A_1264 : memref<96xf32, #tpu.memory_space<vmem_shared>>)
      tpu.yield
    }) : () -> ()
    %mul3A_933 = arith.constant 96 : i32
    %mul3A_934 = arith.muli %add3A_634, %mul3A_933 : i32
    "tpu.region"() ({
      %run_scoped3A = tpu.sem_alloc : memref<!tpu.dma_semaphore, #tpu.memory_space<semaphore_mem>>
      %dma_start3A_1261 = tpu.memref_slice %arg16[%mul3A_934] : memref<6144xi32, #tpu.memory_space<vmem_shared>> -> memref<96xi32, #tpu.memory_space<vmem_shared>>
      %dma_start3A_1262 = tpu.memref_slice %arg16[%mul3A_934] : memref<6144xi32, #tpu.memory_space<vmem_shared>> -> memref<96xi32, #tpu.memory_space<vmem_shared>>
      tpu.enqueue_dma source(%arg13 : memref<96xi32, #tpu.memory_space<vmem>>) target(%dma_start3A_1262 : memref<96xi32, #tpu.memory_space<vmem_shared>>) target_semaphore(%run_scoped3A : memref<!tpu.dma_semaphore, #tpu.memory_space<semaphore_mem>>)
      %dma_wait3A_1263 = tpu.memref_slice %arg16[%mul3A_934] : memref<6144xi32, #tpu.memory_space<vmem_shared>> -> memref<96xi32, #tpu.memory_space<vmem_shared>>
      %dma_wait3A_1264 = tpu.memref_slice %arg16[%mul3A_934] : memref<6144xi32, #tpu.memory_space<vmem_shared>> -> memref<96xi32, #tpu.memory_space<vmem_shared>>
      tpu.wait_dma2 semaphore(%run_scoped3A : memref<!tpu.dma_semaphore, #tpu.memory_space<semaphore_mem>>) src(%arg13 : memref<96xi32, #tpu.memory_space<vmem>>) dst(%dma_wait3A_1264 : memref<96xi32, #tpu.memory_space<vmem_shared>>)
      tpu.yield
    }) : () -> ()
    %mul3A_935 = arith.constant 16 : i32
    %mul3A_936 = arith.muli %add3A_634, %mul3A_935 : i32
    "tpu.region"() ({
      %run_scoped3A = tpu.sem_alloc : memref<!tpu.dma_semaphore, #tpu.memory_space<semaphore_mem>>
      %dma_start3A_1261 = tpu.memref_slice %arg17[%mul3A_936] : memref<1024xi32, #tpu.memory_space<vmem_shared>> -> memref<16xi32, #tpu.memory_space<vmem_shared>>
      %dma_start3A_1262 = tpu.memref_slice %arg17[%mul3A_936] : memref<1024xi32, #tpu.memory_space<vmem_shared>> -> memref<16xi32, #tpu.memory_space<vmem_shared>>
      tpu.enqueue_dma source(%arg10 : memref<16xi32, #tpu.memory_space<vmem>>) target(%dma_start3A_1262 : memref<16xi32, #tpu.memory_space<vmem_shared>>) target_semaphore(%run_scoped3A : memref<!tpu.dma_semaphore, #tpu.memory_space<semaphore_mem>>)
      %dma_wait3A_1263 = tpu.memref_slice %arg17[%mul3A_936] : memref<1024xi32, #tpu.memory_space<vmem_shared>> -> memref<16xi32, #tpu.memory_space<vmem_shared>>
      %dma_wait3A_1264 = tpu.memref_slice %arg17[%mul3A_936] : memref<1024xi32, #tpu.memory_space<vmem_shared>> -> memref<16xi32, #tpu.memory_space<vmem_shared>>
      tpu.wait_dma2 semaphore(%run_scoped3A : memref<!tpu.dma_semaphore, #tpu.memory_space<semaphore_mem>>) src(%arg10 : memref<16xi32, #tpu.memory_space<vmem>>) dst(%dma_wait3A_1264 : memref<16xi32, #tpu.memory_space<vmem_shared>>)
      tpu.yield
    }) : () -> ()
    %mul3A_937 = arith.constant 4 : i32
    %mul3A_938 = arith.muli %arg1, %mul3A_937 : i32
    %add3A_939 = arith.constant 3 : i32
    %add3A_940 = arith.addi %mul3A_938, %add3A_939 : i32
    %swap3A_941 = arith.constant 0 : index
    %swap3A_942 = tpu.vector_load %arg13[%swap3A_941] {strides = array<i32>} : memref<96xi32, #tpu.memory_space<vmem>>, vector<16xi32>,
    tpu.vector_store %arg13[%swap3A_941], %broadcast_in_dim3A_20 {strides = array<i32>} : memref<96xi32, #tpu.memory_space<vmem>>, vector<16xi32>,
    %swap3A_943 = arith.constant 0 : index
    %swap3A_944 = tpu.vector_load %arg11[%swap3A_943] {strides = array<i32>} : memref<96xf32, #tpu.memory_space<vmem>>, vector<16xf32>,
    tpu.vector_store %arg11[%swap3A_943], %broadcast_in_dim3A_22 {strides = array<i32>} : memref<96xf32, #tpu.memory_space<vmem>>, vector<16xf32>,
    %swap3A_945 = arith.constant 0 : index
    %swap3A_946 = tpu.vector_load %arg12[%swap3A_945] {strides = array<i32>} : memref<96xf32, #tpu.memory_space<vmem>>, vector<16xf32>,
    tpu.vector_store %arg12[%swap3A_945], %broadcast_in_dim3A_24 {strides = array<i32>} : memref<96xf32, #tpu.memory_space<vmem>>, vector<16xf32>,
    %swap3A_947 = arith.constant 16 : index
    %swap3A_948 = tpu.vector_load %arg13[%swap3A_947] {strides = array<i32>} : memref<96xi32, #tpu.memory_space<vmem>>, vector<16xi32>,
    tpu.vector_store %arg13[%swap3A_947], %broadcast_in_dim3A_20 {strides = array<i32>} : memref<96xi32, #tpu.memory_space<vmem>>, vector<16xi32>,
    %swap3A_949 = arith.constant 16 : index
    %swap3A_950 = tpu.vector_load %arg11[%swap3A_949] {strides = array<i32>} : memref<96xf32, #tpu.memory_space<vmem>>, vector<16xf32>,
    tpu.vector_store %arg11[%swap3A_949], %broadcast_in_dim3A_22 {strides = array<i32>} : memref<96xf32, #tpu.memory_space<vmem>>, vector<16xf32>,
    %swap3A_951 = arith.constant 16 : index
    %swap3A_952 = tpu.vector_load %arg12[%swap3A_951] {strides = array<i32>} : memref<96xf32, #tpu.memory_space<vmem>>, vector<16xf32>,
    tpu.vector_store %arg12[%swap3A_951], %broadcast_in_dim3A_24 {strides = array<i32>} : memref<96xf32, #tpu.memory_space<vmem>>, vector<16xf32>,
    %swap3A_953 = arith.constant 32 : index
    %swap3A_954 = tpu.vector_load %arg13[%swap3A_953] {strides = array<i32>} : memref<96xi32, #tpu.memory_space<vmem>>, vector<16xi32>,
    tpu.vector_store %arg13[%swap3A_953], %broadcast_in_dim3A_20 {strides = array<i32>} : memref<96xi32, #tpu.memory_space<vmem>>, vector<16xi32>,
    %swap3A_955 = arith.constant 32 : index
    %swap3A_956 = tpu.vector_load %arg11[%swap3A_955] {strides = array<i32>} : memref<96xf32, #tpu.memory_space<vmem>>, vector<16xf32>,
    tpu.vector_store %arg11[%swap3A_955], %broadcast_in_dim3A_22 {strides = array<i32>} : memref<96xf32, #tpu.memory_space<vmem>>, vector<16xf32>,
    %swap3A_957 = arith.constant 32 : index
    %swap3A_958 = tpu.vector_load %arg12[%swap3A_957] {strides = array<i32>} : memref<96xf32, #tpu.memory_space<vmem>>, vector<16xf32>,
    tpu.vector_store %arg12[%swap3A_957], %broadcast_in_dim3A_24 {strides = array<i32>} : memref<96xf32, #tpu.memory_space<vmem>>, vector<16xf32>,
    %swap3A_959 = arith.constant 48 : index
    %swap3A_960 = tpu.vector_load %arg13[%swap3A_959] {strides = array<i32>} : memref<96xi32, #tpu.memory_space<vmem>>, vector<16xi32>,
    tpu.vector_store %arg13[%swap3A_959], %broadcast_in_dim3A_20 {strides = array<i32>} : memref<96xi32, #tpu.memory_space<vmem>>, vector<16xi32>,
    %swap3A_961 = arith.constant 48 : index
    %swap3A_962 = tpu.vector_load %arg11[%swap3A_961] {strides = array<i32>} : memref<96xf32, #tpu.memory_space<vmem>>, vector<16xf32>,
    tpu.vector_store %arg11[%swap3A_961], %broadcast_in_dim3A_22 {strides = array<i32>} : memref<96xf32, #tpu.memory_space<vmem>>, vector<16xf32>,
    %swap3A_963 = arith.constant 48 : index
    %swap3A_964 = tpu.vector_load %arg12[%swap3A_963] {strides = array<i32>} : memref<96xf32, #tpu.memory_space<vmem>>, vector<16xf32>,
    tpu.vector_store %arg12[%swap3A_963], %broadcast_in_dim3A_24 {strides = array<i32>} : memref<96xf32, #tpu.memory_space<vmem>>, vector<16xf32>,
    %swap3A_965 = arith.constant 64 : index
    %swap3A_966 = tpu.vector_load %arg13[%swap3A_965] {strides = array<i32>} : memref<96xi32, #tpu.memory_space<vmem>>, vector<16xi32>,
    tpu.vector_store %arg13[%swap3A_965], %broadcast_in_dim3A_20 {strides = array<i32>} : memref<96xi32, #tpu.memory_space<vmem>>, vector<16xi32>,
    %swap3A_967 = arith.constant 64 : index
    %swap3A_968 = tpu.vector_load %arg11[%swap3A_967] {strides = array<i32>} : memref<96xf32, #tpu.memory_space<vmem>>, vector<16xf32>,
    tpu.vector_store %arg11[%swap3A_967], %broadcast_in_dim3A_22 {strides = array<i32>} : memref<96xf32, #tpu.memory_space<vmem>>, vector<16xf32>,
    %swap3A_969 = arith.constant 64 : index
    %swap3A_970 = tpu.vector_load %arg12[%swap3A_969] {strides = array<i32>} : memref<96xf32, #tpu.memory_space<vmem>>, vector<16xf32>,
    tpu.vector_store %arg12[%swap3A_969], %broadcast_in_dim3A_24 {strides = array<i32>} : memref<96xf32, #tpu.memory_space<vmem>>, vector<16xf32>,
    %swap3A_971 = arith.constant 80 : index
    %swap3A_972 = tpu.vector_load %arg13[%swap3A_971] {strides = array<i32>} : memref<96xi32, #tpu.memory_space<vmem>>, vector<16xi32>,
    tpu.vector_store %arg13[%swap3A_971], %broadcast_in_dim3A_20 {strides = array<i32>} : memref<96xi32, #tpu.memory_space<vmem>>, vector<16xi32>,
    %swap3A_973 = arith.constant 80 : index
    %swap3A_974 = tpu.vector_load %arg11[%swap3A_973] {strides = array<i32>} : memref<96xf32, #tpu.memory_space<vmem>>, vector<16xf32>,
    tpu.vector_store %arg11[%swap3A_973], %broadcast_in_dim3A_22 {strides = array<i32>} : memref<96xf32, #tpu.memory_space<vmem>>, vector<16xf32>,
    %swap3A_975 = arith.constant 80 : index
    %swap3A_976 = tpu.vector_load %arg12[%swap3A_975] {strides = array<i32>} : memref<96xf32, #tpu.memory_space<vmem>>, vector<16xf32>,
    tpu.vector_store %arg12[%swap3A_975], %broadcast_in_dim3A_24 {strides = array<i32>} : memref<96xf32, #tpu.memory_space<vmem>>, vector<16xf32>,
    %parallel_loop3A_977 = arith.constant 0 : i32
    %parallel_loop3A_978 = arith.constant 32 : i32
    %parallel_loop3A_979 = arith.constant 1 : i32
    %parallel_loop3A_980 = scf.for %parallel_loop3A_1261 = %parallel_loop3A_977 to %parallel_loop3A_978 step %parallel_loop3A_979 iter_args(%parallel_loop3A_1262 = %broadcast_in_dim3A_22) -> (vector<16xf32>)  : i32 {
      %parallel_loop3A_1263 = arith.constant 16 : i32
      %parallel_loop3A_1264 = arith.muli %parallel_loop3A_1261, %parallel_loop3A_1263 : i32
      %parallel_loop3A_1265 = arith.constant 3 : i32
      %parallel_loop3A_1266 = arith.index_cast %parallel_loop3A_1265 : i32 to index
      %parallel_loop3A_1267 = arith.index_cast %parallel_loop3A_1264 : i32 to index
      %parallel_loop3A_1268 = tpu.vector_load %arg7[%parallel_loop3A_1266, %parallel_loop3A_1267] {strides = array<i32>} : memref<4x512xf32, #tpu.memory_space<vmem>>, vector<16xf32>,
      %parallel_loop3A_1269 = arith.constant 3.000000e+00 : f32
      %parallel_loop3A_1270 = vector.broadcast %parallel_loop3A_1269 : f32 to vector<16xf32>
      %parallel_loop3A_1271 = arith.addf %parallel_loop3A_1270, %parallel_loop3A_1268 : vector<16xf32>
      %parallel_loop3A_1272 = arith.constant 0.000000e+00 : f32
      %parallel_loop3A_1273 = vector.broadcast %parallel_loop3A_1272 : f32 to vector<16xf32>
      %parallel_loop3A_1274 = arith.maximumf %parallel_loop3A_1271, %parallel_loop3A_1273 : vector<16xf32>
      %parallel_loop3A_1275 = arith.minimumf %parallel_loop3A_1262, %parallel_loop3A_1274 : vector<16xf32>
      %parallel_loop3A_1276 = arith.constant 3.000000e+00 : f32
      %parallel_loop3A_1277 = vector.broadcast %parallel_loop3A_1276 : f32 to vector<16xf32>
      %parallel_loop3A_1278 = arith.subf %parallel_loop3A_1277, %parallel_loop3A_1268 : vector<16xf32>
      %parallel_loop3A_1279 = arith.constant 0.000000e+00 : f32
      %parallel_loop3A_1280 = vector.broadcast %parallel_loop3A_1279 : f32 to vector<16xf32>
      %parallel_loop3A_1281 = arith.maximumf %parallel_loop3A_1278, %parallel_loop3A_1280 : vector<16xf32>
      %parallel_loop3A_1282 = arith.minimumf %parallel_loop3A_1275, %parallel_loop3A_1281 : vector<16xf32>
      scf.yield %parallel_loop3A_1282 : vector<16xf32>
    } {sc.loop_unroll_factor = 2 : i64, sc.parallel_access}
    %iota3A_981 = tpu.iota {dimensions = array<i32: 0>} : vector<16xi32>
    %xor3A_982 = arith.constant 1 : i32
    %xor3A_983 = vector.broadcast %xor3A_982 : i32 to vector<16xi32>
    %xor3A_984 = arith.xori %iota3A_981, %xor3A_983 : vector<16xi32>
    %swap3A_985 = arith.constant 0 : index
    %swap3A_986 = tpu.vector_load %arg9[%swap3A_985] {strides = array<i32>} : memref<16xf32, #tpu.memory_space<vmem>>, vector<16xf32>,
    tpu.vector_store %arg9[%swap3A_985], %parallel_loop3A_980 {strides = array<i32>} : memref<16xf32, #tpu.memory_space<vmem>>, vector<16xf32>,
    %gather3A_987 = tpu.vector_load_idx %arg9[%xor3A_984] : memref<16xf32, #tpu.memory_space<vmem>>[vector<16xi32>], vector<16xf32>,
    %and3A_988 = arith.constant 2 : i32
    %and3A_989 = vector.broadcast %and3A_988 : i32 to vector<16xi32>
    %and3A_990 = arith.andi %iota3A_981, %and3A_989 : vector<16xi32>
    %eq3A_991 = arith.constant 0 : i32
    %eq3A_992 = vector.broadcast %eq3A_991 : i32 to vector<16xi32>
    %eq3A_993 = arith.cmpi eq, %and3A_990, %eq3A_992 : vector<16xi32>
    %and3A_994 = arith.constant 1 : i32
    %and3A_995 = vector.broadcast %and3A_994 : i32 to vector<16xi32>
    %and3A_996 = arith.andi %iota3A_981, %and3A_995 : vector<16xi32>
    %eq3A_997 = arith.constant 0 : i32
    %eq3A_998 = vector.broadcast %eq3A_997 : i32 to vector<16xi32>
    %eq3A_999 = arith.cmpi eq, %and3A_996, %eq3A_998 : vector<16xi32>
    %eq3A_1000 = arith.xori %eq3A_993, %eq3A_999 : vector<16xi1>
    %eq3A_1001 = arith.constant dense<true> : vector<16xi1>
    %eq3A_1002 = arith.xori %eq3A_1000, %eq3A_1001 : vector<16xi1>
    %min3A_1003 = arith.minimumf %parallel_loop3A_980, %gather3A_987 : vector<16xf32>
    %max3A_1004 = arith.maximumf %parallel_loop3A_980, %gather3A_987 : vector<16xf32>
    %select_n3A_1005 = arith.select %eq3A_1002, %min3A_1003, %max3A_1004 : vector<16xi1>, vector<16xf32>
    %xor3A_1006 = arith.constant 2 : i32
    %xor3A_1007 = vector.broadcast %xor3A_1006 : i32 to vector<16xi32>
    %xor3A_1008 = arith.xori %iota3A_981, %xor3A_1007 : vector<16xi32>
    %swap3A_1009 = arith.constant 0 : index
    %swap3A_1010 = tpu.vector_load %arg9[%swap3A_1009] {strides = array<i32>} : memref<16xf32, #tpu.memory_space<vmem>>, vector<16xf32>,
    tpu.vector_store %arg9[%swap3A_1009], %select_n3A_1005 {strides = array<i32>} : memref<16xf32, #tpu.memory_space<vmem>>, vector<16xf32>,
    %gather3A_1011 = tpu.vector_load_idx %arg9[%xor3A_1008] : memref<16xf32, #tpu.memory_space<vmem>>[vector<16xi32>], vector<16xf32>,
    %and3A_1012 = arith.constant 4 : i32
    %and3A_1013 = vector.broadcast %and3A_1012 : i32 to vector<16xi32>
    %and3A_1014 = arith.andi %iota3A_981, %and3A_1013 : vector<16xi32>
    %eq3A_1015 = arith.constant 0 : i32
    %eq3A_1016 = vector.broadcast %eq3A_1015 : i32 to vector<16xi32>
    %eq3A_1017 = arith.cmpi eq, %and3A_1014, %eq3A_1016 : vector<16xi32>
    %and3A_1018 = arith.constant 2 : i32
    %and3A_1019 = vector.broadcast %and3A_1018 : i32 to vector<16xi32>
    %and3A_1020 = arith.andi %iota3A_981, %and3A_1019 : vector<16xi32>
    %eq3A_1021 = arith.constant 0 : i32
    %eq3A_1022 = vector.broadcast %eq3A_1021 : i32 to vector<16xi32>
    %eq3A_1023 = arith.cmpi eq, %and3A_1020, %eq3A_1022 : vector<16xi32>
    %eq3A_1024 = arith.xori %eq3A_1017, %eq3A_1023 : vector<16xi1>
    %eq3A_1025 = arith.constant dense<true> : vector<16xi1>
    %eq3A_1026 = arith.xori %eq3A_1024, %eq3A_1025 : vector<16xi1>
    %min3A_1027 = arith.minimumf %select_n3A_1005, %gather3A_1011 : vector<16xf32>
    %max3A_1028 = arith.maximumf %select_n3A_1005, %gather3A_1011 : vector<16xf32>
    %select_n3A_1029 = arith.select %eq3A_1026, %min3A_1027, %max3A_1028 : vector<16xi1>, vector<16xf32>
    %xor3A_1030 = arith.constant 1 : i32
    %xor3A_1031 = vector.broadcast %xor3A_1030 : i32 to vector<16xi32>
    %xor3A_1032 = arith.xori %iota3A_981, %xor3A_1031 : vector<16xi32>
    %swap3A_1033 = arith.constant 0 : index
    %swap3A_1034 = tpu.vector_load %arg9[%swap3A_1033] {strides = array<i32>} : memref<16xf32, #tpu.memory_space<vmem>>, vector<16xf32>,
    tpu.vector_store %arg9[%swap3A_1033], %select_n3A_1029 {strides = array<i32>} : memref<16xf32, #tpu.memory_space<vmem>>, vector<16xf32>,
    %gather3A_1035 = tpu.vector_load_idx %arg9[%xor3A_1032] : memref<16xf32, #tpu.memory_space<vmem>>[vector<16xi32>], vector<16xf32>,
    %and3A_1036 = arith.constant 4 : i32
    %and3A_1037 = vector.broadcast %and3A_1036 : i32 to vector<16xi32>
    %and3A_1038 = arith.andi %iota3A_981, %and3A_1037 : vector<16xi32>
    %eq3A_1039 = arith.constant 0 : i32
    %eq3A_1040 = vector.broadcast %eq3A_1039 : i32 to vector<16xi32>
    %eq3A_1041 = arith.cmpi eq, %and3A_1038, %eq3A_1040 : vector<16xi32>
    %and3A_1042 = arith.constant 1 : i32
    %and3A_1043 = vector.broadcast %and3A_1042 : i32 to vector<16xi32>
    %and3A_1044 = arith.andi %iota3A_981, %and3A_1043 : vector<16xi32>
    %eq3A_1045 = arith.constant 0 : i32
    %eq3A_1046 = vector.broadcast %eq3A_1045 : i32 to vector<16xi32>
    %eq3A_1047 = arith.cmpi eq, %and3A_1044, %eq3A_1046 : vector<16xi32>
    %eq3A_1048 = arith.xori %eq3A_1041, %eq3A_1047 : vector<16xi1>
    %eq3A_1049 = arith.constant dense<true> : vector<16xi1>
    %eq3A_1050 = arith.xori %eq3A_1048, %eq3A_1049 : vector<16xi1>
    %min3A_1051 = arith.minimumf %select_n3A_1029, %gather3A_1035 : vector<16xf32>
    %max3A_1052 = arith.maximumf %select_n3A_1029, %gather3A_1035 : vector<16xf32>
    %select_n3A_1053 = arith.select %eq3A_1050, %min3A_1051, %max3A_1052 : vector<16xi1>, vector<16xf32>
    %xor3A_1054 = arith.constant 4 : i32
    %xor3A_1055 = vector.broadcast %xor3A_1054 : i32 to vector<16xi32>
    %xor3A_1056 = arith.xori %iota3A_981, %xor3A_1055 : vector<16xi32>
    %swap3A_1057 = arith.constant 0 : index
    %swap3A_1058 = tpu.vector_load %arg9[%swap3A_1057] {strides = array<i32>} : memref<16xf32, #tpu.memory_space<vmem>>, vector<16xf32>,
    tpu.vector_store %arg9[%swap3A_1057], %select_n3A_1053 {strides = array<i32>} : memref<16xf32, #tpu.memory_space<vmem>>, vector<16xf32>,
    %gather3A_1059 = tpu.vector_load_idx %arg9[%xor3A_1056] : memref<16xf32, #tpu.memory_space<vmem>>[vector<16xi32>], vector<16xf32>,
    %and3A_1060 = arith.constant 8 : i32
    %and3A_1061 = vector.broadcast %and3A_1060 : i32 to vector<16xi32>
    %and3A_1062 = arith.andi %iota3A_981, %and3A_1061 : vector<16xi32>
    %eq3A_1063 = arith.constant 0 : i32
    %eq3A_1064 = vector.broadcast %eq3A_1063 : i32 to vector<16xi32>
    %eq3A_1065 = arith.cmpi eq, %and3A_1062, %eq3A_1064 : vector<16xi32>
    %and3A_1066 = arith.constant 4 : i32
    %and3A_1067 = vector.broadcast %and3A_1066 : i32 to vector<16xi32>
    %and3A_1068 = arith.andi %iota3A_981, %and3A_1067 : vector<16xi32>
    %eq3A_1069 = arith.constant 0 : i32
    %eq3A_1070 = vector.broadcast %eq3A_1069 : i32 to vector<16xi32>
    %eq3A_1071 = arith.cmpi eq, %and3A_1068, %eq3A_1070 : vector<16xi32>
    %eq3A_1072 = arith.xori %eq3A_1065, %eq3A_1071 : vector<16xi1>
    %eq3A_1073 = arith.constant dense<true> : vector<16xi1>
    %eq3A_1074 = arith.xori %eq3A_1072, %eq3A_1073 : vector<16xi1>
    %min3A_1075 = arith.minimumf %select_n3A_1053, %gather3A_1059 : vector<16xf32>
    %max3A_1076 = arith.maximumf %select_n3A_1053, %gather3A_1059 : vector<16xf32>
    %select_n3A_1077 = arith.select %eq3A_1074, %min3A_1075, %max3A_1076 : vector<16xi1>, vector<16xf32>
    %xor3A_1078 = arith.constant 2 : i32
    %xor3A_1079 = vector.broadcast %xor3A_1078 : i32 to vector<16xi32>
    %xor3A_1080 = arith.xori %iota3A_981, %xor3A_1079 : vector<16xi32>
    %swap3A_1081 = arith.constant 0 : index
    %swap3A_1082 = tpu.vector_load %arg9[%swap3A_1081] {strides = array<i32>} : memref<16xf32, #tpu.memory_space<vmem>>, vector<16xf32>,
    tpu.vector_store %arg9[%swap3A_1081], %select_n3A_1077 {strides = array<i32>} : memref<16xf32, #tpu.memory_space<vmem>>, vector<16xf32>,
    %gather3A_1083 = tpu.vector_load_idx %arg9[%xor3A_1080] : memref<16xf32, #tpu.memory_space<vmem>>[vector<16xi32>], vector<16xf32>,
    %and3A_1084 = arith.constant 8 : i32
    %and3A_1085 = vector.broadcast %and3A_1084 : i32 to vector<16xi32>
    %and3A_1086 = arith.andi %iota3A_981, %and3A_1085 : vector<16xi32>
    %eq3A_1087 = arith.constant 0 : i32
    %eq3A_1088 = vector.broadcast %eq3A_1087 : i32 to vector<16xi32>
    %eq3A_1089 = arith.cmpi eq, %and3A_1086, %eq3A_1088 : vector<16xi32>
    %and3A_1090 = arith.constant 2 : i32
    %and3A_1091 = vector.broadcast %and3A_1090 : i32 to vector<16xi32>
    %and3A_1092 = arith.andi %iota3A_981, %and3A_1091 : vector<16xi32>
    %eq3A_1093 = arith.constant 0 : i32
    %eq3A_1094 = vector.broadcast %eq3A_1093 : i32 to vector<16xi32>
    %eq3A_1095 = arith.cmpi eq, %and3A_1092, %eq3A_1094 : vector<16xi32>
    %eq3A_1096 = arith.xori %eq3A_1089, %eq3A_1095 : vector<16xi1>
    %eq3A_1097 = arith.constant dense<true> : vector<16xi1>
    %eq3A_1098 = arith.xori %eq3A_1096, %eq3A_1097 : vector<16xi1>
    %min3A_1099 = arith.minimumf %select_n3A_1077, %gather3A_1083 : vector<16xf32>
    %max3A_1100 = arith.maximumf %select_n3A_1077, %gather3A_1083 : vector<16xf32>
    %select_n3A_1101 = arith.select %eq3A_1098, %min3A_1099, %max3A_1100 : vector<16xi1>, vector<16xf32>
    %xor3A_1102 = arith.constant 1 : i32
    %xor3A_1103 = vector.broadcast %xor3A_1102 : i32 to vector<16xi32>
    %xor3A_1104 = arith.xori %iota3A_981, %xor3A_1103 : vector<16xi32>
    %swap3A_1105 = arith.constant 0 : index
    %swap3A_1106 = tpu.vector_load %arg9[%swap3A_1105] {strides = array<i32>} : memref<16xf32, #tpu.memory_space<vmem>>, vector<16xf32>,
    tpu.vector_store %arg9[%swap3A_1105], %select_n3A_1101 {strides = array<i32>} : memref<16xf32, #tpu.memory_space<vmem>>, vector<16xf32>,
    %gather3A_1107 = tpu.vector_load_idx %arg9[%xor3A_1104] : memref<16xf32, #tpu.memory_space<vmem>>[vector<16xi32>], vector<16xf32>,
    %and3A_1108 = arith.constant 8 : i32
    %and3A_1109 = vector.broadcast %and3A_1108 : i32 to vector<16xi32>
    %and3A_1110 = arith.andi %iota3A_981, %and3A_1109 : vector<16xi32>
    %eq3A_1111 = arith.constant 0 : i32
    %eq3A_1112 = vector.broadcast %eq3A_1111 : i32 to vector<16xi32>
    %eq3A_1113 = arith.cmpi eq, %and3A_1110, %eq3A_1112 : vector<16xi32>
    %and3A_1114 = arith.constant 1 : i32
    %and3A_1115 = vector.broadcast %and3A_1114 : i32 to vector<16xi32>
    %and3A_1116 = arith.andi %iota3A_981, %and3A_1115 : vector<16xi32>
    %eq3A_1117 = arith.constant 0 : i32
    %eq3A_1118 = vector.broadcast %eq3A_1117 : i32 to vector<16xi32>
    %eq3A_1119 = arith.cmpi eq, %and3A_1116, %eq3A_1118 : vector<16xi32>
    %eq3A_1120 = arith.xori %eq3A_1113, %eq3A_1119 : vector<16xi1>
    %eq3A_1121 = arith.constant dense<true> : vector<16xi1>
    %eq3A_1122 = arith.xori %eq3A_1120, %eq3A_1121 : vector<16xi1>
    %min3A_1123 = arith.minimumf %select_n3A_1101, %gather3A_1107 : vector<16xf32>
    %max3A_1124 = arith.maximumf %select_n3A_1101, %gather3A_1107 : vector<16xf32>
    %select_n3A_1125 = arith.select %eq3A_1122, %min3A_1123, %max3A_1124 : vector<16xi1>, vector<16xf32>
    %xor3A_1126 = arith.constant 8 : i32
    %xor3A_1127 = vector.broadcast %xor3A_1126 : i32 to vector<16xi32>
    %xor3A_1128 = arith.xori %iota3A_981, %xor3A_1127 : vector<16xi32>
    %swap3A_1129 = arith.constant 0 : index
    %swap3A_1130 = tpu.vector_load %arg9[%swap3A_1129] {strides = array<i32>} : memref<16xf32, #tpu.memory_space<vmem>>, vector<16xf32>,
    tpu.vector_store %arg9[%swap3A_1129], %select_n3A_1125 {strides = array<i32>} : memref<16xf32, #tpu.memory_space<vmem>>, vector<16xf32>,
    %gather3A_1131 = tpu.vector_load_idx %arg9[%xor3A_1128] : memref<16xf32, #tpu.memory_space<vmem>>[vector<16xi32>], vector<16xf32>,
    %and3A_1132 = arith.constant 16 : i32
    %and3A_1133 = vector.broadcast %and3A_1132 : i32 to vector<16xi32>
    %and3A_1134 = arith.andi %iota3A_981, %and3A_1133 : vector<16xi32>
    %eq3A_1135 = arith.constant 0 : i32
    %eq3A_1136 = vector.broadcast %eq3A_1135 : i32 to vector<16xi32>
    %eq3A_1137 = arith.cmpi eq, %and3A_1134, %eq3A_1136 : vector<16xi32>
    %and3A_1138 = arith.constant 8 : i32
    %and3A_1139 = vector.broadcast %and3A_1138 : i32 to vector<16xi32>
    %and3A_1140 = arith.andi %iota3A_981, %and3A_1139 : vector<16xi32>
    %eq3A_1141 = arith.constant 0 : i32
    %eq3A_1142 = vector.broadcast %eq3A_1141 : i32 to vector<16xi32>
    %eq3A_1143 = arith.cmpi eq, %and3A_1140, %eq3A_1142 : vector<16xi32>
    %eq3A_1144 = arith.xori %eq3A_1137, %eq3A_1143 : vector<16xi1>
    %eq3A_1145 = arith.constant dense<true> : vector<16xi1>
    %eq3A_1146 = arith.xori %eq3A_1144, %eq3A_1145 : vector<16xi1>
    %min3A_1147 = arith.minimumf %select_n3A_1125, %gather3A_1131 : vector<16xf32>
    %max3A_1148 = arith.maximumf %select_n3A_1125, %gather3A_1131 : vector<16xf32>
    %select_n3A_1149 = arith.select %eq3A_1146, %min3A_1147, %max3A_1148 : vector<16xi1>, vector<16xf32>
    %xor3A_1150 = arith.constant 4 : i32
    %xor3A_1151 = vector.broadcast %xor3A_1150 : i32 to vector<16xi32>
    %xor3A_1152 = arith.xori %iota3A_981, %xor3A_1151 : vector<16xi32>
    %swap3A_1153 = arith.constant 0 : index
    %swap3A_1154 = tpu.vector_load %arg9[%swap3A_1153] {strides = array<i32>} : memref<16xf32, #tpu.memory_space<vmem>>, vector<16xf32>,
    tpu.vector_store %arg9[%swap3A_1153], %select_n3A_1149 {strides = array<i32>} : memref<16xf32, #tpu.memory_space<vmem>>, vector<16xf32>,
    %gather3A_1155 = tpu.vector_load_idx %arg9[%xor3A_1152] : memref<16xf32, #tpu.memory_space<vmem>>[vector<16xi32>], vector<16xf32>,
    %and3A_1156 = arith.constant 16 : i32
    %and3A_1157 = vector.broadcast %and3A_1156 : i32 to vector<16xi32>
    %and3A_1158 = arith.andi %iota3A_981, %and3A_1157 : vector<16xi32>
    %eq3A_1159 = arith.constant 0 : i32
    %eq3A_1160 = vector.broadcast %eq3A_1159 : i32 to vector<16xi32>
    %eq3A_1161 = arith.cmpi eq, %and3A_1158, %eq3A_1160 : vector<16xi32>
    %and3A_1162 = arith.constant 4 : i32
    %and3A_1163 = vector.broadcast %and3A_1162 : i32 to vector<16xi32>
    %and3A_1164 = arith.andi %iota3A_981, %and3A_1163 : vector<16xi32>
    %eq3A_1165 = arith.constant 0 : i32
    %eq3A_1166 = vector.broadcast %eq3A_1165 : i32 to vector<16xi32>
    %eq3A_1167 = arith.cmpi eq, %and3A_1164, %eq3A_1166 : vector<16xi32>
    %eq3A_1168 = arith.xori %eq3A_1161, %eq3A_1167 : vector<16xi1>
    %eq3A_1169 = arith.constant dense<true> : vector<16xi1>
    %eq3A_1170 = arith.xori %eq3A_1168, %eq3A_1169 : vector<16xi1>
    %min3A_1171 = arith.minimumf %select_n3A_1149, %gather3A_1155 : vector<16xf32>
    %max3A_1172 = arith.maximumf %select_n3A_1149, %gather3A_1155 : vector<16xf32>
    %select_n3A_1173 = arith.select %eq3A_1170, %min3A_1171, %max3A_1172 : vector<16xi1>, vector<16xf32>
    %xor3A_1174 = arith.constant 2 : i32
    %xor3A_1175 = vector.broadcast %xor3A_1174 : i32 to vector<16xi32>
    %xor3A_1176 = arith.xori %iota3A_981, %xor3A_1175 : vector<16xi32>
    %swap3A_1177 = arith.constant 0 : index
    %swap3A_1178 = tpu.vector_load %arg9[%swap3A_1177] {strides = array<i32>} : memref<16xf32, #tpu.memory_space<vmem>>, vector<16xf32>,
    tpu.vector_store %arg9[%swap3A_1177], %select_n3A_1173 {strides = array<i32>} : memref<16xf32, #tpu.memory_space<vmem>>, vector<16xf32>,
    %gather3A_1179 = tpu.vector_load_idx %arg9[%xor3A_1176] : memref<16xf32, #tpu.memory_space<vmem>>[vector<16xi32>], vector<16xf32>,
    %and3A_1180 = arith.constant 16 : i32
    %and3A_1181 = vector.broadcast %and3A_1180 : i32 to vector<16xi32>
    %and3A_1182 = arith.andi %iota3A_981, %and3A_1181 : vector<16xi32>
    %eq3A_1183 = arith.constant 0 : i32
    %eq3A_1184 = vector.broadcast %eq3A_1183 : i32 to vector<16xi32>
    %eq3A_1185 = arith.cmpi eq, %and3A_1182, %eq3A_1184 : vector<16xi32>
    %and3A_1186 = arith.constant 2 : i32
    %and3A_1187 = vector.broadcast %and3A_1186 : i32 to vector<16xi32>
    %and3A_1188 = arith.andi %iota3A_981, %and3A_1187 : vector<16xi32>
    %eq3A_1189 = arith.constant 0 : i32
    %eq3A_1190 = vector.broadcast %eq3A_1189 : i32 to vector<16xi32>
    %eq3A_1191 = arith.cmpi eq, %and3A_1188, %eq3A_1190 : vector<16xi32>
    %eq3A_1192 = arith.xori %eq3A_1185, %eq3A_1191 : vector<16xi1>
    %eq3A_1193 = arith.constant dense<true> : vector<16xi1>
    %eq3A_1194 = arith.xori %eq3A_1192, %eq3A_1193 : vector<16xi1>
    %min3A_1195 = arith.minimumf %select_n3A_1173, %gather3A_1179 : vector<16xf32>
    %max3A_1196 = arith.maximumf %select_n3A_1173, %gather3A_1179 : vector<16xf32>
    %select_n3A_1197 = arith.select %eq3A_1194, %min3A_1195, %max3A_1196 : vector<16xi1>, vector<16xf32>
    %xor3A_1198 = arith.constant 1 : i32
    %xor3A_1199 = vector.broadcast %xor3A_1198 : i32 to vector<16xi32>
    %xor3A_1200 = arith.xori %iota3A_981, %xor3A_1199 : vector<16xi32>
    %swap3A_1201 = arith.constant 0 : index
    %swap3A_1202 = tpu.vector_load %arg9[%swap3A_1201] {strides = array<i32>} : memref<16xf32, #tpu.memory_space<vmem>>, vector<16xf32>,
    tpu.vector_store %arg9[%swap3A_1201], %select_n3A_1197 {strides = array<i32>} : memref<16xf32, #tpu.memory_space<vmem>>, vector<16xf32>,
    %gather3A_1203 = tpu.vector_load_idx %arg9[%xor3A_1200] : memref<16xf32, #tpu.memory_space<vmem>>[vector<16xi32>], vector<16xf32>,
    %and3A_1204 = arith.constant 16 : i32
    %and3A_1205 = vector.broadcast %and3A_1204 : i32 to vector<16xi32>
    %and3A_1206 = arith.andi %iota3A_981, %and3A_1205 : vector<16xi32>
    %eq3A_1207 = arith.constant 0 : i32
    %eq3A_1208 = vector.broadcast %eq3A_1207 : i32 to vector<16xi32>
    %eq3A_1209 = arith.cmpi eq, %and3A_1206, %eq3A_1208 : vector<16xi32>
    %and3A_1210 = arith.constant 1 : i32
    %and3A_1211 = vector.broadcast %and3A_1210 : i32 to vector<16xi32>
    %and3A_1212 = arith.andi %iota3A_981, %and3A_1211 : vector<16xi32>
    %eq3A_1213 = arith.constant 0 : i32
    %eq3A_1214 = vector.broadcast %eq3A_1213 : i32 to vector<16xi32>
    %eq3A_1215 = arith.cmpi eq, %and3A_1212, %eq3A_1214 : vector<16xi32>
    %eq3A_1216 = arith.xori %eq3A_1209, %eq3A_1215 : vector<16xi1>
    %eq3A_1217 = arith.constant dense<true> : vector<16xi1>
    %eq3A_1218 = arith.xori %eq3A_1216, %eq3A_1217 : vector<16xi1>
    %min3A_1219 = arith.minimumf %select_n3A_1197, %gather3A_1203 : vector<16xf32>
    %max3A_1220 = arith.maximumf %select_n3A_1197, %gather3A_1203 : vector<16xf32>
    %select_n3A_1221 = arith.select %eq3A_1218, %min3A_1219, %max3A_1220 : vector<16xi1>, vector<16xf32>
    %swap3A_1222 = arith.constant 0 : index
    %swap3A_1223 = tpu.vector_load %arg9[%swap3A_1222] {strides = array<i32>} : memref<16xf32, #tpu.memory_space<vmem>>, vector<16xf32>,
    tpu.vector_store %arg9[%swap3A_1222], %select_n3A_1221 {strides = array<i32>} : memref<16xf32, #tpu.memory_space<vmem>>, vector<16xf32>,
    %gather3A_1224 = tpu.vector_load_idx %arg9[%broadcast_in_dim3A_16] : memref<16xf32, #tpu.memory_space<vmem>>[vector<16xi32>], vector<16xf32>,
    %add3A_1225 = arith.addf %gather3A_1224, %mul3A_15 : vector<16xf32>
    %parallel_loop3A_1226 = arith.constant 0 : i32
    %parallel_loop3A_1227 = arith.constant 32 : i32
    %parallel_loop3A_1228 = arith.constant 1 : i32
    %parallel_loop3A_1229 = scf.for %parallel_loop3A_1261 = %parallel_loop3A_1226 to %parallel_loop3A_1227 step %parallel_loop3A_1228 iter_args(%parallel_loop3A_1262 = %broadcast_in_dim3A_20) -> (vector<16xi32>)  : i32 {
      %parallel_loop3A_1263 = arith.constant 16 : i32
      %parallel_loop3A_1264 = arith.muli %parallel_loop3A_1261, %parallel_loop3A_1263 : i32
      %parallel_loop3A_1265 = arith.constant 3 : i32
      %parallel_loop3A_1266 = arith.index_cast %parallel_loop3A_1265 : i32 to index
      %parallel_loop3A_1267 = arith.index_cast %parallel_loop3A_1264 : i32 to index
      %parallel_loop3A_1268 = tpu.vector_load %arg7[%parallel_loop3A_1266, %parallel_loop3A_1267] {strides = array<i32>} : memref<4x512xf32, #tpu.memory_space<vmem>>, vector<16xf32>,
      %parallel_loop3A_1269 = arith.constant 16 : i32
      %parallel_loop3A_1270 = arith.muli %parallel_loop3A_1261, %parallel_loop3A_1269 : i32
      %parallel_loop3A_1271 = vector.broadcast %parallel_loop3A_1270 : i32 to vector<16xi32>
      %parallel_loop3A_1272 = arith.addi %iota3A, %parallel_loop3A_1271 : vector<16xi32>
      %parallel_loop3A_1273 = arith.constant 1.000000e+00 : f32
      %parallel_loop3A_1274 = vector.broadcast %parallel_loop3A_1273 : f32 to vector<16xf32>
      %parallel_loop3A_1275 = arith.mulf %parallel_loop3A_1274, %parallel_loop3A_1268 : vector<16xf32>
      %parallel_loop3A_1276 = arith.constant 3.000000e+00 : f32
      %parallel_loop3A_1277 = vector.broadcast %parallel_loop3A_1276 : f32 to vector<16xf32>
      %parallel_loop3A_1278 = arith.addf %parallel_loop3A_1277, %parallel_loop3A_1275 : vector<16xf32>
      %parallel_loop3A_1279 = arith.constant 0.000000e+00 : f32
      %parallel_loop3A_1280 = vector.broadcast %parallel_loop3A_1279 : f32 to vector<16xf32>
      %parallel_loop3A_1281 = arith.maximumf %parallel_loop3A_1278, %parallel_loop3A_1280 : vector<16xf32>
      %parallel_loop3A_1282 = arith.cmpf ole, %parallel_loop3A_1281, %add3A_1225 : vector<16xf32>
      %parallel_loop3A_1283 = arith.extui %parallel_loop3A_1282 : vector<16xi1> to vector<16xi32>
      %parallel_loop3A_1284 = tpu.iota {dimensions = array<i32: 0>} : vector<16xi32>
      %parallel_loop3A_1285 = arith.constant 1 : i32
      %parallel_loop3A_1286 = vector.broadcast %parallel_loop3A_1285 : i32 to vector<16xi32>
      %parallel_loop3A_1287 = arith.subi %parallel_loop3A_1284, %parallel_loop3A_1286 : vector<16xi32>
      %parallel_loop3A_1288 = arith.constant 0 : i32
      %parallel_loop3A_1289 = vector.broadcast %parallel_loop3A_1288 : i32 to vector<16xi32>
      %parallel_loop3A_1290 = arith.maxsi %parallel_loop3A_1287, %parallel_loop3A_1289 : vector<16xi32>
      %parallel_loop3A_1291 = arith.constant 0 : index
      %parallel_loop3A_1292 = tpu.vector_load %arg10[%parallel_loop3A_1291] {strides = array<i32>} : memref<16xi32, #tpu.memory_space<vmem>>, vector<16xi32>,
      tpu.vector_store %arg10[%parallel_loop3A_1291], %parallel_loop3A_1283 {strides = array<i32>} : memref<16xi32, #tpu.memory_space<vmem>>, vector<16xi32>,
      %parallel_loop3A_1293 = tpu.vector_load_idx %arg10[%parallel_loop3A_1290] : memref<16xi32, #tpu.memory_space<vmem>>[vector<16xi32>], vector<16xi32>,
      %parallel_loop3A_1294 = arith.constant 1 : i32
      %parallel_loop3A_1295 = vector.broadcast %parallel_loop3A_1294 : i32 to vector<16xi32>
      %parallel_loop3A_1296 = arith.cmpi sge, %parallel_loop3A_1284, %parallel_loop3A_1295 : vector<16xi32>
      %parallel_loop3A_1297 = arith.constant 0 : i32
      %parallel_loop3A_1298 = vector.broadcast %parallel_loop3A_1297 : i32 to vector<16xi32>
      %parallel_loop3A_1299 = arith.select %parallel_loop3A_1296, %parallel_loop3A_1293, %parallel_loop3A_1298 : vector<16xi1>, vector<16xi32>
      %parallel_loop3A_1300 = arith.addi %parallel_loop3A_1283, %parallel_loop3A_1299 : vector<16xi32>
      %parallel_loop3A_1301 = arith.constant 2 : i32
      %parallel_loop3A_1302 = vector.broadcast %parallel_loop3A_1301 : i32 to vector<16xi32>
      %parallel_loop3A_1303 = arith.subi %parallel_loop3A_1284, %parallel_loop3A_1302 : vector<16xi32>
      %parallel_loop3A_1304 = arith.constant 0 : i32
      %parallel_loop3A_1305 = vector.broadcast %parallel_loop3A_1304 : i32 to vector<16xi32>
      %parallel_loop3A_1306 = arith.maxsi %parallel_loop3A_1303, %parallel_loop3A_1305 : vector<16xi32>
      %parallel_loop3A_1307 = arith.constant 0 : index
      %parallel_loop3A_1308 = tpu.vector_load %arg10[%parallel_loop3A_1307] {strides = array<i32>} : memref<16xi32, #tpu.memory_space<vmem>>, vector<16xi32>,
      tpu.vector_store %arg10[%parallel_loop3A_1307], %parallel_loop3A_1300 {strides = array<i32>} : memref<16xi32, #tpu.memory_space<vmem>>, vector<16xi32>,
      %parallel_loop3A_1309 = tpu.vector_load_idx %arg10[%parallel_loop3A_1306] : memref<16xi32, #tpu.memory_space<vmem>>[vector<16xi32>], vector<16xi32>,
      %parallel_loop3A_1310 = arith.constant 2 : i32
      %parallel_loop3A_1311 = vector.broadcast %parallel_loop3A_1310 : i32 to vector<16xi32>
      %parallel_loop3A_1312 = arith.cmpi sge, %parallel_loop3A_1284, %parallel_loop3A_1311 : vector<16xi32>
      %parallel_loop3A_1313 = arith.constant 0 : i32
      %parallel_loop3A_1314 = vector.broadcast %parallel_loop3A_1313 : i32 to vector<16xi32>
      %parallel_loop3A_1315 = arith.select %parallel_loop3A_1312, %parallel_loop3A_1309, %parallel_loop3A_1314 : vector<16xi1>, vector<16xi32>
      %parallel_loop3A_1316 = arith.addi %parallel_loop3A_1300, %parallel_loop3A_1315 : vector<16xi32>
      %parallel_loop3A_1317 = arith.constant 4 : i32
      %parallel_loop3A_1318 = vector.broadcast %parallel_loop3A_1317 : i32 to vector<16xi32>
      %parallel_loop3A_1319 = arith.subi %parallel_loop3A_1284, %parallel_loop3A_1318 : vector<16xi32>
      %parallel_loop3A_1320 = arith.constant 0 : i32
      %parallel_loop3A_1321 = vector.broadcast %parallel_loop3A_1320 : i32 to vector<16xi32>
      %parallel_loop3A_1322 = arith.maxsi %parallel_loop3A_1319, %parallel_loop3A_1321 : vector<16xi32>
      %parallel_loop3A_1323 = arith.constant 0 : index
      %parallel_loop3A_1324 = tpu.vector_load %arg10[%parallel_loop3A_1323] {strides = array<i32>} : memref<16xi32, #tpu.memory_space<vmem>>, vector<16xi32>,
      tpu.vector_store %arg10[%parallel_loop3A_1323], %parallel_loop3A_1316 {strides = array<i32>} : memref<16xi32, #tpu.memory_space<vmem>>, vector<16xi32>,
      %parallel_loop3A_1325 = tpu.vector_load_idx %arg10[%parallel_loop3A_1322] : memref<16xi32, #tpu.memory_space<vmem>>[vector<16xi32>], vector<16xi32>,
      %parallel_loop3A_1326 = arith.constant 4 : i32
      %parallel_loop3A_1327 = vector.broadcast %parallel_loop3A_1326 : i32 to vector<16xi32>
      %parallel_loop3A_1328 = arith.cmpi sge, %parallel_loop3A_1284, %parallel_loop3A_1327 : vector<16xi32>
      %parallel_loop3A_1329 = arith.constant 0 : i32
      %parallel_loop3A_1330 = vector.broadcast %parallel_loop3A_1329 : i32 to vector<16xi32>
      %parallel_loop3A_1331 = arith.select %parallel_loop3A_1328, %parallel_loop3A_1325, %parallel_loop3A_1330 : vector<16xi1>, vector<16xi32>
      %parallel_loop3A_1332 = arith.addi %parallel_loop3A_1316, %parallel_loop3A_1331 : vector<16xi32>
      %parallel_loop3A_1333 = arith.constant 8 : i32
      %parallel_loop3A_1334 = vector.broadcast %parallel_loop3A_1333 : i32 to vector<16xi32>
      %parallel_loop3A_1335 = arith.subi %parallel_loop3A_1284, %parallel_loop3A_1334 : vector<16xi32>
      %parallel_loop3A_1336 = arith.constant 0 : i32
      %parallel_loop3A_1337 = vector.broadcast %parallel_loop3A_1336 : i32 to vector<16xi32>
      %parallel_loop3A_1338 = arith.maxsi %parallel_loop3A_1335, %parallel_loop3A_1337 : vector<16xi32>
      %parallel_loop3A_1339 = arith.constant 0 : index
      %parallel_loop3A_1340 = tpu.vector_load %arg10[%parallel_loop3A_1339] {strides = array<i32>} : memref<16xi32, #tpu.memory_space<vmem>>, vector<16xi32>,
      tpu.vector_store %arg10[%parallel_loop3A_1339], %parallel_loop3A_1332 {strides = array<i32>} : memref<16xi32, #tpu.memory_space<vmem>>, vector<16xi32>,
      %parallel_loop3A_1341 = tpu.vector_load_idx %arg10[%parallel_loop3A_1338] : memref<16xi32, #tpu.memory_space<vmem>>[vector<16xi32>], vector<16xi32>,
      %parallel_loop3A_1342 = arith.constant 8 : i32
      %parallel_loop3A_1343 = vector.broadcast %parallel_loop3A_1342 : i32 to vector<16xi32>
      %parallel_loop3A_1344 = arith.cmpi sge, %parallel_loop3A_1284, %parallel_loop3A_1343 : vector<16xi32>
      %parallel_loop3A_1345 = arith.constant 0 : i32
      %parallel_loop3A_1346 = vector.broadcast %parallel_loop3A_1345 : i32 to vector<16xi32>
      %parallel_loop3A_1347 = arith.select %parallel_loop3A_1344, %parallel_loop3A_1341, %parallel_loop3A_1346 : vector<16xi1>, vector<16xi32>
      %parallel_loop3A_1348 = arith.addi %parallel_loop3A_1332, %parallel_loop3A_1347 : vector<16xi32>
      %parallel_loop3A_1349 = arith.addi %parallel_loop3A_1262, %parallel_loop3A_1348 : vector<16xi32>
      %parallel_loop3A_1350 = arith.subi %parallel_loop3A_1349, %parallel_loop3A_1283 : vector<16xi32>
      %parallel_loop3A_1351 = arith.constant 96 : i32
      %parallel_loop3A_1352 = vector.broadcast %parallel_loop3A_1351 : i32 to vector<16xi32>
      %parallel_loop3A_1353 = arith.cmpi slt, %parallel_loop3A_1350, %parallel_loop3A_1352 : vector<16xi32>
      %parallel_loop3A_1354 = arith.andi %parallel_loop3A_1282, %parallel_loop3A_1353 : vector<16xi1>
      tpu.vector_store_idx %arg11[%parallel_loop3A_1350], %parallel_loop3A_1281 masked %parallel_loop3A_1354 : memref<96xf32, #tpu.memory_space<vmem>>[vector<16xi32>], vector<16xf32>, vector<16xi1>
      %parallel_loop3A_1355 = arith.constant 1.000000e+00 : f32
      %parallel_loop3A_1356 = vector.broadcast %parallel_loop3A_1355 : f32 to vector<16xf32>
      tpu.vector_store_idx %arg12[%parallel_loop3A_1350], %parallel_loop3A_1356 masked %parallel_loop3A_1354 : memref<96xf32, #tpu.memory_space<vmem>>[vector<16xi32>], vector<16xf32>, vector<16xi1>
      tpu.vector_store_idx %arg13[%parallel_loop3A_1350], %parallel_loop3A_1272 masked %parallel_loop3A_1354 : memref<96xi32, #tpu.memory_space<vmem>>[vector<16xi32>], vector<16xi32>, vector<16xi1>
      %parallel_loop3A_1357 = arith.constant 0 : index
      %parallel_loop3A_1358 = tpu.vector_load %arg10[%parallel_loop3A_1357] {strides = array<i32>} : memref<16xi32, #tpu.memory_space<vmem>>, vector<16xi32>,
      tpu.vector_store %arg10[%parallel_loop3A_1357], %parallel_loop3A_1348 {strides = array<i32>} : memref<16xi32, #tpu.memory_space<vmem>>, vector<16xi32>,
      %parallel_loop3A_1359 = tpu.vector_load_idx %arg10[%broadcast_in_dim3A_18] : memref<16xi32, #tpu.memory_space<vmem>>[vector<16xi32>], vector<16xi32>,
      %parallel_loop3A_1360 = arith.addi %parallel_loop3A_1262, %parallel_loop3A_1359 : vector<16xi32>
      %parallel_loop3A_1361 = arith.constant -1.000000e+00 : f32
      %parallel_loop3A_1362 = vector.broadcast %parallel_loop3A_1361 : f32 to vector<16xf32>
      %parallel_loop3A_1363 = arith.mulf %parallel_loop3A_1362, %parallel_loop3A_1268 : vector<16xf32>
      %parallel_loop3A_1364 = arith.constant 3.000000e+00 : f32
      %parallel_loop3A_1365 = vector.broadcast %parallel_loop3A_1364 : f32 to vector<16xf32>
      %parallel_loop3A_1366 = arith.addf %parallel_loop3A_1365, %parallel_loop3A_1363 : vector<16xf32>
      %parallel_loop3A_1367 = arith.constant 0.000000e+00 : f32
      %parallel_loop3A_1368 = vector.broadcast %parallel_loop3A_1367 : f32 to vector<16xf32>
      %parallel_loop3A_1369 = arith.maximumf %parallel_loop3A_1366, %parallel_loop3A_1368 : vector<16xf32>
      %parallel_loop3A_1370 = arith.cmpf ole, %parallel_loop3A_1369, %add3A_1225 : vector<16xf32>
      %parallel_loop3A_1371 = arith.extui %parallel_loop3A_1370 : vector<16xi1> to vector<16xi32>
      %parallel_loop3A_1372 = tpu.iota {dimensions = array<i32: 0>} : vector<16xi32>
      %parallel_loop3A_1373 = arith.constant 1 : i32
      %parallel_loop3A_1374 = vector.broadcast %parallel_loop3A_1373 : i32 to vector<16xi32>
      %parallel_loop3A_1375 = arith.subi %parallel_loop3A_1372, %parallel_loop3A_1374 : vector<16xi32>
      %parallel_loop3A_1376 = arith.constant 0 : i32
      %parallel_loop3A_1377 = vector.broadcast %parallel_loop3A_1376 : i32 to vector<16xi32>
      %parallel_loop3A_1378 = arith.maxsi %parallel_loop3A_1375, %parallel_loop3A_1377 : vector<16xi32>
      %parallel_loop3A_1379 = arith.constant 0 : index
      %parallel_loop3A_1380 = tpu.vector_load %arg10[%parallel_loop3A_1379] {strides = array<i32>} : memref<16xi32, #tpu.memory_space<vmem>>, vector<16xi32>,
      tpu.vector_store %arg10[%parallel_loop3A_1379], %parallel_loop3A_1371 {strides = array<i32>} : memref<16xi32, #tpu.memory_space<vmem>>, vector<16xi32>,
      %parallel_loop3A_1381 = tpu.vector_load_idx %arg10[%parallel_loop3A_1378] : memref<16xi32, #tpu.memory_space<vmem>>[vector<16xi32>], vector<16xi32>,
      %parallel_loop3A_1382 = arith.constant 1 : i32
      %parallel_loop3A_1383 = vector.broadcast %parallel_loop3A_1382 : i32 to vector<16xi32>
      %parallel_loop3A_1384 = arith.cmpi sge, %parallel_loop3A_1372, %parallel_loop3A_1383 : vector<16xi32>
      %parallel_loop3A_1385 = arith.constant 0 : i32
      %parallel_loop3A_1386 = vector.broadcast %parallel_loop3A_1385 : i32 to vector<16xi32>
      %parallel_loop3A_1387 = arith.select %parallel_loop3A_1384, %parallel_loop3A_1381, %parallel_loop3A_1386 : vector<16xi1>, vector<16xi32>
      %parallel_loop3A_1388 = arith.addi %parallel_loop3A_1371, %parallel_loop3A_1387 : vector<16xi32>
      %parallel_loop3A_1389 = arith.constant 2 : i32
      %parallel_loop3A_1390 = vector.broadcast %parallel_loop3A_1389 : i32 to vector<16xi32>
      %parallel_loop3A_1391 = arith.subi %parallel_loop3A_1372, %parallel_loop3A_1390 : vector<16xi32>
      %parallel_loop3A_1392 = arith.constant 0 : i32
      %parallel_loop3A_1393 = vector.broadcast %parallel_loop3A_1392 : i32 to vector<16xi32>
      %parallel_loop3A_1394 = arith.maxsi %parallel_loop3A_1391, %parallel_loop3A_1393 : vector<16xi32>
      %parallel_loop3A_1395 = arith.constant 0 : index
      %parallel_loop3A_1396 = tpu.vector_load %arg10[%parallel_loop3A_1395] {strides = array<i32>} : memref<16xi32, #tpu.memory_space<vmem>>, vector<16xi32>,
      tpu.vector_store %arg10[%parallel_loop3A_1395], %parallel_loop3A_1388 {strides = array<i32>} : memref<16xi32, #tpu.memory_space<vmem>>, vector<16xi32>,
      %parallel_loop3A_1397 = tpu.vector_load_idx %arg10[%parallel_loop3A_1394] : memref<16xi32, #tpu.memory_space<vmem>>[vector<16xi32>], vector<16xi32>,
      %parallel_loop3A_1398 = arith.constant 2 : i32
      %parallel_loop3A_1399 = vector.broadcast %parallel_loop3A_1398 : i32 to vector<16xi32>
      %parallel_loop3A_1400 = arith.cmpi sge, %parallel_loop3A_1372, %parallel_loop3A_1399 : vector<16xi32>
      %parallel_loop3A_1401 = arith.constant 0 : i32
      %parallel_loop3A_1402 = vector.broadcast %parallel_loop3A_1401 : i32 to vector<16xi32>
      %parallel_loop3A_1403 = arith.select %parallel_loop3A_1400, %parallel_loop3A_1397, %parallel_loop3A_1402 : vector<16xi1>, vector<16xi32>
      %parallel_loop3A_1404 = arith.addi %parallel_loop3A_1388, %parallel_loop3A_1403 : vector<16xi32>
      %parallel_loop3A_1405 = arith.constant 4 : i32
      %parallel_loop3A_1406 = vector.broadcast %parallel_loop3A_1405 : i32 to vector<16xi32>
      %parallel_loop3A_1407 = arith.subi %parallel_loop3A_1372, %parallel_loop3A_1406 : vector<16xi32>
      %parallel_loop3A_1408 = arith.constant 0 : i32
      %parallel_loop3A_1409 = vector.broadcast %parallel_loop3A_1408 : i32 to vector<16xi32>
      %parallel_loop3A_1410 = arith.maxsi %parallel_loop3A_1407, %parallel_loop3A_1409 : vector<16xi32>
      %parallel_loop3A_1411 = arith.constant 0 : index
      %parallel_loop3A_1412 = tpu.vector_load %arg10[%parallel_loop3A_1411] {strides = array<i32>} : memref<16xi32, #tpu.memory_space<vmem>>, vector<16xi32>,
      tpu.vector_store %arg10[%parallel_loop3A_1411], %parallel_loop3A_1404 {strides = array<i32>} : memref<16xi32, #tpu.memory_space<vmem>>, vector<16xi32>,
      %parallel_loop3A_1413 = tpu.vector_load_idx %arg10[%parallel_loop3A_1410] : memref<16xi32, #tpu.memory_space<vmem>>[vector<16xi32>], vector<16xi32>,
      %parallel_loop3A_1414 = arith.constant 4 : i32
      %parallel_loop3A_1415 = vector.broadcast %parallel_loop3A_1414 : i32 to vector<16xi32>
      %parallel_loop3A_1416 = arith.cmpi sge, %parallel_loop3A_1372, %parallel_loop3A_1415 : vector<16xi32>
      %parallel_loop3A_1417 = arith.constant 0 : i32
      %parallel_loop3A_1418 = vector.broadcast %parallel_loop3A_1417 : i32 to vector<16xi32>
      %parallel_loop3A_1419 = arith.select %parallel_loop3A_1416, %parallel_loop3A_1413, %parallel_loop3A_1418 : vector<16xi1>, vector<16xi32>
      %parallel_loop3A_1420 = arith.addi %parallel_loop3A_1404, %parallel_loop3A_1419 : vector<16xi32>
      %parallel_loop3A_1421 = arith.constant 8 : i32
      %parallel_loop3A_1422 = vector.broadcast %parallel_loop3A_1421 : i32 to vector<16xi32>
      %parallel_loop3A_1423 = arith.subi %parallel_loop3A_1372, %parallel_loop3A_1422 : vector<16xi32>
      %parallel_loop3A_1424 = arith.constant 0 : i32
      %parallel_loop3A_1425 = vector.broadcast %parallel_loop3A_1424 : i32 to vector<16xi32>
      %parallel_loop3A_1426 = arith.maxsi %parallel_loop3A_1423, %parallel_loop3A_1425 : vector<16xi32>
      %parallel_loop3A_1427 = arith.constant 0 : index
      %parallel_loop3A_1428 = tpu.vector_load %arg10[%parallel_loop3A_1427] {strides = array<i32>} : memref<16xi32, #tpu.memory_space<vmem>>, vector<16xi32>,
      tpu.vector_store %arg10[%parallel_loop3A_1427], %parallel_loop3A_1420 {strides = array<i32>} : memref<16xi32, #tpu.memory_space<vmem>>, vector<16xi32>,
      %parallel_loop3A_1429 = tpu.vector_load_idx %arg10[%parallel_loop3A_1426] : memref<16xi32, #tpu.memory_space<vmem>>[vector<16xi32>], vector<16xi32>,
      %parallel_loop3A_1430 = arith.constant 8 : i32
      %parallel_loop3A_1431 = vector.broadcast %parallel_loop3A_1430 : i32 to vector<16xi32>
      %parallel_loop3A_1432 = arith.cmpi sge, %parallel_loop3A_1372, %parallel_loop3A_1431 : vector<16xi32>
      %parallel_loop3A_1433 = arith.constant 0 : i32
      %parallel_loop3A_1434 = vector.broadcast %parallel_loop3A_1433 : i32 to vector<16xi32>
      %parallel_loop3A_1435 = arith.select %parallel_loop3A_1432, %parallel_loop3A_1429, %parallel_loop3A_1434 : vector<16xi1>, vector<16xi32>
      %parallel_loop3A_1436 = arith.addi %parallel_loop3A_1420, %parallel_loop3A_1435 : vector<16xi32>
      %parallel_loop3A_1437 = arith.addi %parallel_loop3A_1360, %parallel_loop3A_1436 : vector<16xi32>
      %parallel_loop3A_1438 = arith.subi %parallel_loop3A_1437, %parallel_loop3A_1371 : vector<16xi32>
      %parallel_loop3A_1439 = arith.constant 96 : i32
      %parallel_loop3A_1440 = vector.broadcast %parallel_loop3A_1439 : i32 to vector<16xi32>
      %parallel_loop3A_1441 = arith.cmpi slt, %parallel_loop3A_1438, %parallel_loop3A_1440 : vector<16xi32>
      %parallel_loop3A_1442 = arith.andi %parallel_loop3A_1370, %parallel_loop3A_1441 : vector<16xi1>
      tpu.vector_store_idx %arg11[%parallel_loop3A_1438], %parallel_loop3A_1369 masked %parallel_loop3A_1442 : memref<96xf32, #tpu.memory_space<vmem>>[vector<16xi32>], vector<16xf32>, vector<16xi1>
      %parallel_loop3A_1443 = arith.constant -1.000000e+00 : f32
      %parallel_loop3A_1444 = vector.broadcast %parallel_loop3A_1443 : f32 to vector<16xf32>
      tpu.vector_store_idx %arg12[%parallel_loop3A_1438], %parallel_loop3A_1444 masked %parallel_loop3A_1442 : memref<96xf32, #tpu.memory_space<vmem>>[vector<16xi32>], vector<16xf32>, vector<16xi1>
      tpu.vector_store_idx %arg13[%parallel_loop3A_1438], %parallel_loop3A_1272 masked %parallel_loop3A_1442 : memref<96xi32, #tpu.memory_space<vmem>>[vector<16xi32>], vector<16xi32>, vector<16xi1>
      %parallel_loop3A_1445 = arith.constant 0 : index
      %parallel_loop3A_1446 = tpu.vector_load %arg10[%parallel_loop3A_1445] {strides = array<i32>} : memref<16xi32, #tpu.memory_space<vmem>>, vector<16xi32>,
      tpu.vector_store %arg10[%parallel_loop3A_1445], %parallel_loop3A_1436 {strides = array<i32>} : memref<16xi32, #tpu.memory_space<vmem>>, vector<16xi32>,
      %parallel_loop3A_1447 = tpu.vector_load_idx %arg10[%broadcast_in_dim3A_18] : memref<16xi32, #tpu.memory_space<vmem>>[vector<16xi32>], vector<16xi32>,
      %parallel_loop3A_1448 = arith.addi %parallel_loop3A_1360, %parallel_loop3A_1447 : vector<16xi32>
      scf.yield %parallel_loop3A_1448 : vector<16xi32>
    } {sc.loop_unroll_factor = 2 : i64, sc.parallel_access}
    %min3A_1230 = arith.constant 96 : i32
    %min3A_1231 = vector.broadcast %min3A_1230 : i32 to vector<16xi32>
    %min3A_1232 = arith.minsi %parallel_loop3A_1229, %min3A_1231 : vector<16xi32>
    %swap3A_1233 = arith.constant 0 : index
    %swap3A_1234 = tpu.vector_load %arg10[%swap3A_1233] {strides = array<i32>} : memref<16xi32, #tpu.memory_space<vmem>>, vector<16xi32>,
    tpu.vector_store %arg10[%swap3A_1233], %min3A_1232 {strides = array<i32>} : memref<16xi32, #tpu.memory_space<vmem>>, vector<16xi32>,
    %mul3A_1235 = arith.constant 96 : i32
    %mul3A_1236 = arith.muli %add3A_940, %mul3A_1235 : i32
    "tpu.region"() ({
      %run_scoped3A = tpu.sem_alloc : memref<!tpu.dma_semaphore, #tpu.memory_space<semaphore_mem>>
      %dma_start3A_1261 = tpu.memref_slice %arg14[%mul3A_1236] : memref<6144xf32, #tpu.memory_space<vmem_shared>> -> memref<96xf32, #tpu.memory_space<vmem_shared>>
      %dma_start3A_1262 = tpu.memref_slice %arg14[%mul3A_1236] : memref<6144xf32, #tpu.memory_space<vmem_shared>> -> memref<96xf32, #tpu.memory_space<vmem_shared>>
      tpu.enqueue_dma source(%arg11 : memref<96xf32, #tpu.memory_space<vmem>>) target(%dma_start3A_1262 : memref<96xf32, #tpu.memory_space<vmem_shared>>) target_semaphore(%run_scoped3A : memref<!tpu.dma_semaphore, #tpu.memory_space<semaphore_mem>>)
      %dma_wait3A_1263 = tpu.memref_slice %arg14[%mul3A_1236] : memref<6144xf32, #tpu.memory_space<vmem_shared>> -> memref<96xf32, #tpu.memory_space<vmem_shared>>
      %dma_wait3A_1264 = tpu.memref_slice %arg14[%mul3A_1236] : memref<6144xf32, #tpu.memory_space<vmem_shared>> -> memref<96xf32, #tpu.memory_space<vmem_shared>>
      tpu.wait_dma2 semaphore(%run_scoped3A : memref<!tpu.dma_semaphore, #tpu.memory_space<semaphore_mem>>) src(%arg11 : memref<96xf32, #tpu.memory_space<vmem>>) dst(%dma_wait3A_1264 : memref<96xf32, #tpu.memory_space<vmem_shared>>)
      tpu.yield
    }) : () -> ()
    %mul3A_1237 = arith.constant 96 : i32
    %mul3A_1238 = arith.muli %add3A_940, %mul3A_1237 : i32
    "tpu.region"() ({
      %run_scoped3A = tpu.sem_alloc : memref<!tpu.dma_semaphore, #tpu.memory_space<semaphore_mem>>
      %dma_start3A_1261 = tpu.memref_slice %arg15[%mul3A_1238] : memref<6144xf32, #tpu.memory_space<vmem_shared>> -> memref<96xf32, #tpu.memory_space<vmem_shared>>
      %dma_start3A_1262 = tpu.memref_slice %arg15[%mul3A_1238] : memref<6144xf32, #tpu.memory_space<vmem_shared>> -> memref<96xf32, #tpu.memory_space<vmem_shared>>
      tpu.enqueue_dma source(%arg12 : memref<96xf32, #tpu.memory_space<vmem>>) target(%dma_start3A_1262 : memref<96xf32, #tpu.memory_space<vmem_shared>>) target_semaphore(%run_scoped3A : memref<!tpu.dma_semaphore, #tpu.memory_space<semaphore_mem>>)
      %dma_wait3A_1263 = tpu.memref_slice %arg15[%mul3A_1238] : memref<6144xf32, #tpu.memory_space<vmem_shared>> -> memref<96xf32, #tpu.memory_space<vmem_shared>>
      %dma_wait3A_1264 = tpu.memref_slice %arg15[%mul3A_1238] : memref<6144xf32, #tpu.memory_space<vmem_shared>> -> memref<96xf32, #tpu.memory_space<vmem_shared>>
      tpu.wait_dma2 semaphore(%run_scoped3A : memref<!tpu.dma_semaphore, #tpu.memory_space<semaphore_mem>>) src(%arg12 : memref<96xf32, #tpu.memory_space<vmem>>) dst(%dma_wait3A_1264 : memref<96xf32, #tpu.memory_space<vmem_shared>>)
      tpu.yield
    }) : () -> ()
    %mul3A_1239 = arith.constant 96 : i32
    %mul3A_1240 = arith.muli %add3A_940, %mul3A_1239 : i32
    "tpu.region"() ({
      %run_scoped3A = tpu.sem_alloc : memref<!tpu.dma_semaphore, #tpu.memory_space<semaphore_mem>>
      %dma_start3A_1261 = tpu.memref_slice %arg16[%mul3A_1240] : memref<6144xi32, #tpu.memory_space<vmem_shared>> -> memref<96xi32, #tpu.memory_space<vmem_shared>>
      %dma_start3A_1262 = tpu.memref_slice %arg16[%mul3A_1240] : memref<6144xi32, #tpu.memory_space<vmem_shared>> -> memref<96xi32, #tpu.memory_space<vmem_shared>>
      tpu.enqueue_dma source(%arg13 : memref<96xi32, #tpu.memory_space<vmem>>) target(%dma_start3A_1262 : memref<96xi32, #tpu.memory_space<vmem_shared>>) target_semaphore(%run_scoped3A : memref<!tpu.dma_semaphore, #tpu.memory_space<semaphore_mem>>)
      %dma_wait3A_1263 = tpu.memref_slice %arg16[%mul3A_1240] : memref<6144xi32, #tpu.memory_space<vmem_shared>> -> memref<96xi32, #tpu.memory_space<vmem_shared>>
      %dma_wait3A_1264 = tpu.memref_slice %arg16[%mul3A_1240] : memref<6144xi32, #tpu.memory_space<vmem_shared>> -> memref<96xi32, #tpu.memory_space<vmem_shared>>
      tpu.wait_dma2 semaphore(%run_scoped3A : memref<!tpu.dma_semaphore, #tpu.memory_space<semaphore_mem>>) src(%arg13 : memref<96xi32, #tpu.memory_space<vmem>>) dst(%dma_wait3A_1264 : memref<96xi32, #tpu.memory_space<vmem_shared>>)
      tpu.yield
    }) : () -> ()
    %mul3A_1241 = arith.constant 16 : i32
    %mul3A_1242 = arith.muli %add3A_940, %mul3A_1241 : i32
    "tpu.region"() ({
      %run_scoped3A = tpu.sem_alloc : memref<!tpu.dma_semaphore, #tpu.memory_space<semaphore_mem>>
      %dma_start3A_1261 = tpu.memref_slice %arg17[%mul3A_1242] : memref<1024xi32, #tpu.memory_space<vmem_shared>> -> memref<16xi32, #tpu.memory_space<vmem_shared>>
      %dma_start3A_1262 = tpu.memref_slice %arg17[%mul3A_1242] : memref<1024xi32, #tpu.memory_space<vmem_shared>> -> memref<16xi32, #tpu.memory_space<vmem_shared>>
      tpu.enqueue_dma source(%arg10 : memref<16xi32, #tpu.memory_space<vmem>>) target(%dma_start3A_1262 : memref<16xi32, #tpu.memory_space<vmem_shared>>) target_semaphore(%run_scoped3A : memref<!tpu.dma_semaphore, #tpu.memory_space<semaphore_mem>>)
      %dma_wait3A_1263 = tpu.memref_slice %arg17[%mul3A_1242] : memref<1024xi32, #tpu.memory_space<vmem_shared>> -> memref<16xi32, #tpu.memory_space<vmem_shared>>
      %dma_wait3A_1264 = tpu.memref_slice %arg17[%mul3A_1242] : memref<1024xi32, #tpu.memory_space<vmem_shared>> -> memref<16xi32, #tpu.memory_space<vmem_shared>>
      tpu.wait_dma2 semaphore(%run_scoped3A : memref<!tpu.dma_semaphore, #tpu.memory_space<semaphore_mem>>) src(%arg10 : memref<16xi32, #tpu.memory_space<vmem>>) dst(%dma_wait3A_1264 : memref<16xi32, #tpu.memory_space<vmem_shared>>)
      tpu.yield
    }) : () -> ()
    %barrier3A = arith.constant 0 : index
    tpu.barrier barrier_id(%barrier3A)
    "tpu.region"() ({
      %run_scoped3A = tpu.sem_alloc : memref<!tpu.dma_semaphore, #tpu.memory_space<semaphore_mem>>
      tpu.enqueue_dma source(%arg14 : memref<6144xf32, #tpu.memory_space<vmem_shared>>) target(%arg19 : memref<6144xf32, #tpu.memory_space<vmem>>) target_semaphore(%run_scoped3A : memref<!tpu.dma_semaphore, #tpu.memory_space<semaphore_mem>>)
      tpu.wait_dma2 semaphore(%run_scoped3A : memref<!tpu.dma_semaphore, #tpu.memory_space<semaphore_mem>>) src(%arg14 : memref<6144xf32, #tpu.memory_space<vmem_shared>>) dst(%arg19 : memref<6144xf32, #tpu.memory_space<vmem>>)
      tpu.yield
    }) : () -> ()
    "tpu.region"() ({
      %run_scoped3A = tpu.sem_alloc : memref<!tpu.dma_semaphore, #tpu.memory_space<semaphore_mem>>
      tpu.enqueue_dma source(%arg15 : memref<6144xf32, #tpu.memory_space<vmem_shared>>) target(%arg20 : memref<6144xf32, #tpu.memory_space<vmem>>) target_semaphore(%run_scoped3A : memref<!tpu.dma_semaphore, #tpu.memory_space<semaphore_mem>>)
      tpu.wait_dma2 semaphore(%run_scoped3A : memref<!tpu.dma_semaphore, #tpu.memory_space<semaphore_mem>>) src(%arg15 : memref<6144xf32, #tpu.memory_space<vmem_shared>>) dst(%arg20 : memref<6144xf32, #tpu.memory_space<vmem>>)
      tpu.yield
    }) : () -> ()
    "tpu.region"() ({
      %run_scoped3A = tpu.sem_alloc : memref<!tpu.dma_semaphore, #tpu.memory_space<semaphore_mem>>
      tpu.enqueue_dma source(%arg16 : memref<6144xi32, #tpu.memory_space<vmem_shared>>) target(%arg21 : memref<6144xi32, #tpu.memory_space<vmem>>) target_semaphore(%run_scoped3A : memref<!tpu.dma_semaphore, #tpu.memory_space<semaphore_mem>>)
      tpu.wait_dma2 semaphore(%run_scoped3A : memref<!tpu.dma_semaphore, #tpu.memory_space<semaphore_mem>>) src(%arg16 : memref<6144xi32, #tpu.memory_space<vmem_shared>>) dst(%arg21 : memref<6144xi32, #tpu.memory_space<vmem>>)
      tpu.yield
    }) : () -> ()
    "tpu.region"() ({
      %run_scoped3A = tpu.sem_alloc : memref<!tpu.dma_semaphore, #tpu.memory_space<semaphore_mem>>
      tpu.enqueue_dma source(%arg17 : memref<1024xi32, #tpu.memory_space<vmem_shared>>) target(%arg22 : memref<1024xi32, #tpu.memory_space<vmem>>) target_semaphore(%run_scoped3A : memref<!tpu.dma_semaphore, #tpu.memory_space<semaphore_mem>>)
      tpu.wait_dma2 semaphore(%run_scoped3A : memref<!tpu.dma_semaphore, #tpu.memory_space<semaphore_mem>>) src(%arg17 : memref<1024xi32, #tpu.memory_space<vmem_shared>>) dst(%arg22 : memref<1024xi32, #tpu.memory_space<vmem>>)
      tpu.yield
    }) : () -> ()
    %dma_wait3A_1243 = tpu.memref_slice %arg3[%mul3A_6] : memref<262144xf32, #tpu.memory_space<hbm>> -> memref<16384xf32, #tpu.memory_space<hbm>>
    %dma_wait3A_1244 = tpu.memref_slice %arg3[%mul3A_6] : memref<262144xf32, #tpu.memory_space<hbm>> -> memref<16384xf32, #tpu.memory_space<hbm>>
    tpu.wait_dma2 semaphore(%arg25 : memref<!tpu.dma_semaphore, #tpu.memory_space<semaphore_mem>>) src(%dma_wait3A_1244 : memref<16384xf32, #tpu.memory_space<hbm>>) dst(%arg18 : memref<16384xf32, #tpu.memory_space<vmem>>)
    %mul3A_1245 = arith.constant 512 : i32
    %mul3A_1246 = vector.broadcast %mul3A_1245 : i32 to vector<16xi32>
    %mul3A_1247 = arith.muli %iota3A, %mul3A_1246 : vector<16xi32>
    %add3A_1248 = arith.constant 16 : i32
    %add3A_1249 = vector.broadcast %add3A_1248 : i32 to vector<16xi32>
    %add3A_1250 = arith.addi %iota3A, %add3A_1249 : vector<16xi32>
    %mul3A_1251 = arith.constant 512 : i32
    %mul3A_1252 = vector.broadcast %mul3A_1251 : i32 to vector<16xi32>
    %mul3A_1253 = arith.muli %add3A_1250, %mul3A_1252 : vector<16xi32>
    %parallel_loop3A_1254 = arith.constant 0 : i32
    %parallel_loop3A_1255 = arith.constant 64 : i32
    %parallel_loop3A_1256 = arith.constant 1 : i32
    scf.for %parallel_loop3A_1261 = %parallel_loop3A_1254 to %parallel_loop3A_1255 step %parallel_loop3A_1256  : i32 {
      %parallel_loop3A_1262 = arith.constant 16 : i32
      %parallel_loop3A_1263 = arith.muli %parallel_loop3A_1261, %parallel_loop3A_1262 : i32
      %parallel_loop3A_1264 = arith.index_cast %parallel_loop3A_1263 : i32 to index
      %parallel_loop3A_1265 = tpu.vector_load %arg22[%parallel_loop3A_1264] {strides = array<i32>} : memref<1024xi32, #tpu.memory_space<vmem>>, vector<16xi32>,
      %parallel_loop3A_1266 = vector.extract_strided_slice %parallel_loop3A_1265 {offsets = [0], sizes = [1], strides = [1]} : vector<16xi32> to vector<1xi32>
      %parallel_loop3A_1267 = vector.extract %parallel_loop3A_1266[0] : i32 from vector<1xi32>
      %parallel_loop3A_1268 = arith.constant 96 : i32
      %parallel_loop3A_1269 = arith.minsi %parallel_loop3A_1267, %parallel_loop3A_1268 : i32
      %parallel_loop3A_1270 = arith.constant 0 : i32
      %parallel_loop3A_1271 = arith.constant 1 : i32
      %parallel_loop3A_1272:32 = scf.for %parallel_loop3A_1325 = %parallel_loop3A_1270 to %parallel_loop3A_1269 step %parallel_loop3A_1271 iter_args(%parallel_loop3A_1326 = %broadcast_in_dim3A_22, %parallel_loop3A_1327 = %broadcast_in_dim3A_22, %parallel_loop3A_1328 = %broadcast_in_dim3A_22, %parallel_loop3A_1329 = %broadcast_in_dim3A_22, %parallel_loop3A_1330 = %broadcast_in_dim3A_22, %parallel_loop3A_1331 = %broadcast_in_dim3A_22, %parallel_loop3A_1332 = %broadcast_in_dim3A_22, %parallel_loop3A_1333 = %broadcast_in_dim3A_22, %parallel_loop3A_1334 = %broadcast_in_dim3A_22, %parallel_loop3A_1335 = %broadcast_in_dim3A_22, %parallel_loop3A_1336 = %broadcast_in_dim3A_22, %parallel_loop3A_1337 = %broadcast_in_dim3A_22, %parallel_loop3A_1338 = %broadcast_in_dim3A_22, %parallel_loop3A_1339 = %broadcast_in_dim3A_22, %parallel_loop3A_1340 = %broadcast_in_dim3A_22, %parallel_loop3A_1341 = %broadcast_in_dim3A_22, %parallel_loop3A_1342 = %broadcast_in_dim3A_22, %parallel_loop3A_1343 = %broadcast_in_dim3A_22, %parallel_loop3A_1344 = %broadcast_in_dim3A_22, %parallel_loop3A_1345 = %broadcast_in_dim3A_22, %parallel_loop3A_1346 = %broadcast_in_dim3A_22, %parallel_loop3A_1347 = %broadcast_in_dim3A_22, %parallel_loop3A_1348 = %broadcast_in_dim3A_22, %parallel_loop3A_1349 = %broadcast_in_dim3A_22, %parallel_loop3A_1350 = %broadcast_in_dim3A_22, %parallel_loop3A_1351 = %broadcast_in_dim3A_22, %parallel_loop3A_1352 = %broadcast_in_dim3A_22, %parallel_loop3A_1353 = %broadcast_in_dim3A_22, %parallel_loop3A_1354 = %broadcast_in_dim3A_22, %parallel_loop3A_1355 = %broadcast_in_dim3A_22, %parallel_loop3A_1356 = %broadcast_in_dim3A_22, %parallel_loop3A_1357 = %broadcast_in_dim3A_22) -> (vector<16xf32>, vector<16xf32>, vector<16xf32>, vector<16xf32>, vector<16xf32>, vector<16xf32>, vector<16xf32>, vector<16xf32>, vector<16xf32>, vector<16xf32>, vector<16xf32>, vector<16xf32>, vector<16xf32>, vector<16xf32>, vector<16xf32>, vector<16xf32>, vector<16xf32>, vector<16xf32>, vector<16xf32>, vector<16xf32>, vector<16xf32>, vector<16xf32>, vector<16xf32>, vector<16xf32>, vector<16xf32>, vector<16xf32>, vector<16xf32>, vector<16xf32>, vector<16xf32>, vector<16xf32>, vector<16xf32>, vector<16xf32>)  : i32 {
        %parallel_loop3A_1358 = arith.constant 96 : i32
        %parallel_loop3A_1359 = arith.muli %parallel_loop3A_1261, %parallel_loop3A_1358 : i32
        %parallel_loop3A_1360 = arith.addi %parallel_loop3A_1359, %parallel_loop3A_1325 : i32
        %parallel_loop3A_1361 = vector.broadcast %parallel_loop3A_1360 : i32 to vector<16xi32>
        %parallel_loop3A_1362 = tpu.vector_load_idx %arg19[%parallel_loop3A_1361] : memref<6144xf32, #tpu.memory_space<vmem>>[vector<16xi32>], vector<16xf32>,
        %parallel_loop3A_1363 = tpu.vector_load_idx %arg20[%parallel_loop3A_1361] : memref<6144xf32, #tpu.memory_space<vmem>>[vector<16xi32>], vector<16xf32>,
        %parallel_loop3A_1364 = tpu.vector_load_idx %arg21[%parallel_loop3A_1361] : memref<6144xi32, #tpu.memory_space<vmem>>[vector<16xi32>], vector<16xi32>,
        %parallel_loop3A_1365 = arith.addi %mul3A_1247, %parallel_loop3A_1364 : vector<16xi32>
        %parallel_loop3A_1366 = tpu.vector_load_idx %arg18[%parallel_loop3A_1365] : memref<16384xf32, #tpu.memory_space<vmem>>[vector<16xi32>], vector<16xf32>,
        %parallel_loop3A_1367 = arith.addi %mul3A_1253, %parallel_loop3A_1364 : vector<16xi32>
        %parallel_loop3A_1368 = tpu.vector_load_idx %arg18[%parallel_loop3A_1367] : memref<16384xf32, #tpu.memory_space<vmem>>[vector<16xi32>], vector<16xf32>,
        %parallel_loop3A_1369 = arith.mulf %parallel_loop3A_1363, %parallel_loop3A_1366 : vector<16xf32>
        %parallel_loop3A_1370 = arith.mulf %parallel_loop3A_1363, %parallel_loop3A_1368 : vector<16xf32>
        %parallel_loop3A_1371 = arith.constant 3.000000e+00 : f32
        %parallel_loop3A_1372 = vector.broadcast %parallel_loop3A_1371 : f32 to vector<16xf32>
        %parallel_loop3A_1373 = arith.addf %parallel_loop3A_1372, %parallel_loop3A_1369 : vector<16xf32>
        %parallel_loop3A_1374 = arith.constant 0.000000e+00 : f32
        %parallel_loop3A_1375 = vector.broadcast %parallel_loop3A_1374 : f32 to vector<16xf32>
        %parallel_loop3A_1376 = arith.maximumf %parallel_loop3A_1373, %parallel_loop3A_1375 : vector<16xf32>
        %parallel_loop3A_1377 = arith.addf %parallel_loop3A_1362, %parallel_loop3A_1376 : vector<16xf32>
        %parallel_loop3A_1378 = arith.constant 3.000000e+00 : f32
        %parallel_loop3A_1379 = vector.broadcast %parallel_loop3A_1378 : f32 to vector<16xf32>
        %parallel_loop3A_1380 = arith.subf %parallel_loop3A_1379, %parallel_loop3A_1369 : vector<16xf32>
        %parallel_loop3A_1381 = arith.constant 0.000000e+00 : f32
        %parallel_loop3A_1382 = vector.broadcast %parallel_loop3A_1381 : f32 to vector<16xf32>
        %parallel_loop3A_1383 = arith.maximumf %parallel_loop3A_1380, %parallel_loop3A_1382 : vector<16xf32>
        %parallel_loop3A_1384 = arith.addf %parallel_loop3A_1362, %parallel_loop3A_1383 : vector<16xf32>
        %parallel_loop3A_1385 = arith.constant 3.000000e+00 : f32
        %parallel_loop3A_1386 = vector.broadcast %parallel_loop3A_1385 : f32 to vector<16xf32>
        %parallel_loop3A_1387 = arith.addf %parallel_loop3A_1386, %parallel_loop3A_1370 : vector<16xf32>
        %parallel_loop3A_1388 = arith.constant 0.000000e+00 : f32
        %parallel_loop3A_1389 = vector.broadcast %parallel_loop3A_1388 : f32 to vector<16xf32>
        %parallel_loop3A_1390 = arith.maximumf %parallel_loop3A_1387, %parallel_loop3A_1389 : vector<16xf32>
        %parallel_loop3A_1391 = arith.addf %parallel_loop3A_1362, %parallel_loop3A_1390 : vector<16xf32>
        %parallel_loop3A_1392 = arith.constant 3.000000e+00 : f32
        %parallel_loop3A_1393 = vector.broadcast %parallel_loop3A_1392 : f32 to vector<16xf32>
        %parallel_loop3A_1394 = arith.subf %parallel_loop3A_1393, %parallel_loop3A_1370 : vector<16xf32>
        %parallel_loop3A_1395 = arith.constant 0.000000e+00 : f32
        %parallel_loop3A_1396 = vector.broadcast %parallel_loop3A_1395 : f32 to vector<16xf32>
        %parallel_loop3A_1397 = arith.maximumf %parallel_loop3A_1394, %parallel_loop3A_1396 : vector<16xf32>
        %parallel_loop3A_1398 = arith.addf %parallel_loop3A_1362, %parallel_loop3A_1397 : vector<16xf32>
        %parallel_loop3A_1399 = arith.minimumf %parallel_loop3A_1326, %parallel_loop3A_1377 : vector<16xf32>
        %parallel_loop3A_1400 = arith.maximumf %parallel_loop3A_1326, %parallel_loop3A_1377 : vector<16xf32>
        %parallel_loop3A_1401 = arith.minimumf %parallel_loop3A_1327, %parallel_loop3A_1400 : vector<16xf32>
        %parallel_loop3A_1402 = arith.maximumf %parallel_loop3A_1327, %parallel_loop3A_1400 : vector<16xf32>
        %parallel_loop3A_1403 = arith.minimumf %parallel_loop3A_1328, %parallel_loop3A_1402 : vector<16xf32>
        %parallel_loop3A_1404 = arith.maximumf %parallel_loop3A_1328, %parallel_loop3A_1402 : vector<16xf32>
        %parallel_loop3A_1405 = arith.minimumf %parallel_loop3A_1329, %parallel_loop3A_1404 : vector<16xf32>
        %parallel_loop3A_1406 = arith.maximumf %parallel_loop3A_1329, %parallel_loop3A_1404 : vector<16xf32>
        %parallel_loop3A_1407 = arith.minimumf %parallel_loop3A_1330, %parallel_loop3A_1406 : vector<16xf32>
        %parallel_loop3A_1408 = arith.maximumf %parallel_loop3A_1330, %parallel_loop3A_1406 : vector<16xf32>
        %parallel_loop3A_1409 = arith.minimumf %parallel_loop3A_1331, %parallel_loop3A_1408 : vector<16xf32>
        %parallel_loop3A_1410 = arith.maximumf %parallel_loop3A_1331, %parallel_loop3A_1408 : vector<16xf32>
        %parallel_loop3A_1411 = arith.minimumf %parallel_loop3A_1332, %parallel_loop3A_1410 : vector<16xf32>
        %parallel_loop3A_1412 = arith.maximumf %parallel_loop3A_1332, %parallel_loop3A_1410 : vector<16xf32>
        %parallel_loop3A_1413 = arith.minimumf %parallel_loop3A_1333, %parallel_loop3A_1412 : vector<16xf32>
        %parallel_loop3A_1414 = arith.maximumf %parallel_loop3A_1333, %parallel_loop3A_1412 : vector<16xf32>
        %parallel_loop3A_1415 = arith.minimumf %parallel_loop3A_1334, %parallel_loop3A_1384 : vector<16xf32>
        %parallel_loop3A_1416 = arith.maximumf %parallel_loop3A_1334, %parallel_loop3A_1384 : vector<16xf32>
        %parallel_loop3A_1417 = arith.minimumf %parallel_loop3A_1335, %parallel_loop3A_1416 : vector<16xf32>
        %parallel_loop3A_1418 = arith.maximumf %parallel_loop3A_1335, %parallel_loop3A_1416 : vector<16xf32>
        %parallel_loop3A_1419 = arith.minimumf %parallel_loop3A_1336, %parallel_loop3A_1418 : vector<16xf32>
        %parallel_loop3A_1420 = arith.maximumf %parallel_loop3A_1336, %parallel_loop3A_1418 : vector<16xf32>
        %parallel_loop3A_1421 = arith.minimumf %parallel_loop3A_1337, %parallel_loop3A_1420 : vector<16xf32>
        %parallel_loop3A_1422 = arith.maximumf %parallel_loop3A_1337, %parallel_loop3A_1420 : vector<16xf32>
        %parallel_loop3A_1423 = arith.minimumf %parallel_loop3A_1338, %parallel_loop3A_1422 : vector<16xf32>
        %parallel_loop3A_1424 = arith.maximumf %parallel_loop3A_1338, %parallel_loop3A_1422 : vector<16xf32>
        %parallel_loop3A_1425 = arith.minimumf %parallel_loop3A_1339, %parallel_loop3A_1424 : vector<16xf32>
        %parallel_loop3A_1426 = arith.maximumf %parallel_loop3A_1339, %parallel_loop3A_1424 : vector<16xf32>
        %parallel_loop3A_1427 = arith.minimumf %parallel_loop3A_1340, %parallel_loop3A_1426 : vector<16xf32>
        %parallel_loop3A_1428 = arith.maximumf %parallel_loop3A_1340, %parallel_loop3A_1426 : vector<16xf32>
        %parallel_loop3A_1429 = arith.minimumf %parallel_loop3A_1341, %parallel_loop3A_1428 : vector<16xf32>
        %parallel_loop3A_1430 = arith.maximumf %parallel_loop3A_1341, %parallel_loop3A_1428 : vector<16xf32>
        %parallel_loop3A_1431 = arith.minimumf %parallel_loop3A_1342, %parallel_loop3A_1391 : vector<16xf32>
        %parallel_loop3A_1432 = arith.maximumf %parallel_loop3A_1342, %parallel_loop3A_1391 : vector<16xf32>
        %parallel_loop3A_1433 = arith.minimumf %parallel_loop3A_1343, %parallel_loop3A_1432 : vector<16xf32>
        %parallel_loop3A_1434 = arith.maximumf %parallel_loop3A_1343, %parallel_loop3A_1432 : vector<16xf32>
        %parallel_loop3A_1435 = arith.minimumf %parallel_loop3A_1344, %parallel_loop3A_1434 : vector<16xf32>
        %parallel_loop3A_1436 = arith.maximumf %parallel_loop3A_1344, %parallel_loop3A_1434 : vector<16xf32>
        %parallel_loop3A_1437 = arith.minimumf %parallel_loop3A_1345, %parallel_loop3A_1436 : vector<16xf32>
        %parallel_loop3A_1438 = arith.maximumf %parallel_loop3A_1345, %parallel_loop3A_1436 : vector<16xf32>
        %parallel_loop3A_1439 = arith.minimumf %parallel_loop3A_1346, %parallel_loop3A_1438 : vector<16xf32>
        %parallel_loop3A_1440 = arith.maximumf %parallel_loop3A_1346, %parallel_loop3A_1438 : vector<16xf32>
        %parallel_loop3A_1441 = arith.minimumf %parallel_loop3A_1347, %parallel_loop3A_1440 : vector<16xf32>
        %parallel_loop3A_1442 = arith.maximumf %parallel_loop3A_1347, %parallel_loop3A_1440 : vector<16xf32>
        %parallel_loop3A_1443 = arith.minimumf %parallel_loop3A_1348, %parallel_loop3A_1442 : vector<16xf32>
        %parallel_loop3A_1444 = arith.maximumf %parallel_loop3A_1348, %parallel_loop3A_1442 : vector<16xf32>
        %parallel_loop3A_1445 = arith.minimumf %parallel_loop3A_1349, %parallel_loop3A_1444 : vector<16xf32>
        %parallel_loop3A_1446 = arith.maximumf %parallel_loop3A_1349, %parallel_loop3A_1444 : vector<16xf32>
        %parallel_loop3A_1447 = arith.minimumf %parallel_loop3A_1350, %parallel_loop3A_1398 : vector<16xf32>
        %parallel_loop3A_1448 = arith.maximumf %parallel_loop3A_1350, %parallel_loop3A_1398 : vector<16xf32>
        %parallel_loop3A_1449 = arith.minimumf %parallel_loop3A_1351, %parallel_loop3A_1448 : vector<16xf32>
        %parallel_loop3A_1450 = arith.maximumf %parallel_loop3A_1351, %parallel_loop3A_1448 : vector<16xf32>
        %parallel_loop3A_1451 = arith.minimumf %parallel_loop3A_1352, %parallel_loop3A_1450 : vector<16xf32>
        %parallel_loop3A_1452 = arith.maximumf %parallel_loop3A_1352, %parallel_loop3A_1450 : vector<16xf32>
        %parallel_loop3A_1453 = arith.minimumf %parallel_loop3A_1353, %parallel_loop3A_1452 : vector<16xf32>
        %parallel_loop3A_1454 = arith.maximumf %parallel_loop3A_1353, %parallel_loop3A_1452 : vector<16xf32>
        %parallel_loop3A_1455 = arith.minimumf %parallel_loop3A_1354, %parallel_loop3A_1454 : vector<16xf32>
        %parallel_loop3A_1456 = arith.maximumf %parallel_loop3A_1354, %parallel_loop3A_1454 : vector<16xf32>
        %parallel_loop3A_1457 = arith.minimumf %parallel_loop3A_1355, %parallel_loop3A_1456 : vector<16xf32>
        %parallel_loop3A_1458 = arith.maximumf %parallel_loop3A_1355, %parallel_loop3A_1456 : vector<16xf32>
        %parallel_loop3A_1459 = arith.minimumf %parallel_loop3A_1356, %parallel_loop3A_1458 : vector<16xf32>
        %parallel_loop3A_1460 = arith.maximumf %parallel_loop3A_1356, %parallel_loop3A_1458 : vector<16xf32>
        %parallel_loop3A_1461 = arith.minimumf %parallel_loop3A_1357, %parallel_loop3A_1460 : vector<16xf32>
        %parallel_loop3A_1462 = arith.maximumf %parallel_loop3A_1357, %parallel_loop3A_1460 : vector<16xf32>
        scf.yield %parallel_loop3A_1399, %parallel_loop3A_1401, %parallel_loop3A_1403, %parallel_loop3A_1405, %parallel_loop3A_1407, %parallel_loop3A_1409, %parallel_loop3A_1411, %parallel_loop3A_1413, %parallel_loop3A_1415, %parallel_loop3A_1417, %parallel_loop3A_1419, %parallel_loop3A_1421, %parallel_loop3A_1423, %parallel_loop3A_1425, %parallel_loop3A_1427, %parallel_loop3A_1429, %parallel_loop3A_1431, %parallel_loop3A_1433, %parallel_loop3A_1435, %parallel_loop3A_1437, %parallel_loop3A_1439, %parallel_loop3A_1441, %parallel_loop3A_1443, %parallel_loop3A_1445, %parallel_loop3A_1447, %parallel_loop3A_1449, %parallel_loop3A_1451, %parallel_loop3A_1453, %parallel_loop3A_1455, %parallel_loop3A_1457, %parallel_loop3A_1459, %parallel_loop3A_1461 : vector<16xf32>, vector<16xf32>, vector<16xf32>, vector<16xf32>, vector<16xf32>, vector<16xf32>, vector<16xf32>, vector<16xf32>, vector<16xf32>, vector<16xf32>, vector<16xf32>, vector<16xf32>, vector<16xf32>, vector<16xf32>, vector<16xf32>, vector<16xf32>, vector<16xf32>, vector<16xf32>, vector<16xf32>, vector<16xf32>, vector<16xf32>, vector<16xf32>, vector<16xf32>, vector<16xf32>, vector<16xf32>, vector<16xf32>, vector<16xf32>, vector<16xf32>, vector<16xf32>, vector<16xf32>, vector<16xf32>, vector<16xf32>
      } {sc.loop_unroll_factor = 2 : i64, sc.parallel_access}
      %parallel_loop3A_1273 = arith.addf %parallel_loop3A_1272#0, %parallel_loop3A_1272#1 : vector<16xf32>
      %parallel_loop3A_1274 = arith.addf %parallel_loop3A_1273, %parallel_loop3A_1272#2 : vector<16xf32>
      %parallel_loop3A_1275 = arith.addf %parallel_loop3A_1274, %parallel_loop3A_1272#3 : vector<16xf32>
      %parallel_loop3A_1276 = arith.addf %parallel_loop3A_1275, %parallel_loop3A_1272#4 : vector<16xf32>
      %parallel_loop3A_1277 = arith.addf %parallel_loop3A_1276, %parallel_loop3A_1272#5 : vector<16xf32>
      %parallel_loop3A_1278 = arith.addf %parallel_loop3A_1277, %parallel_loop3A_1272#6 : vector<16xf32>
      %parallel_loop3A_1279 = arith.addf %parallel_loop3A_1278, %parallel_loop3A_1272#7 : vector<16xf32>
      %parallel_loop3A_1280 = arith.constant 1.250000e-01 : f32
      %parallel_loop3A_1281 = vector.broadcast %parallel_loop3A_1280 : f32 to vector<16xf32>
      %parallel_loop3A_1282 = arith.mulf %parallel_loop3A_1279, %parallel_loop3A_1281 : vector<16xf32>
      %parallel_loop3A_1283 = arith.index_cast %parallel_loop3A_1261 : i32 to index
      %parallel_loop3A_1284 = arith.constant 0 : index
      %parallel_loop3A_1285 = tpu.vector_load %arg23[%parallel_loop3A_1283, %parallel_loop3A_1284] {strides = array<i32>} : memref<64x128xf32, #tpu.memory_space<vmem>>, vector<16xf32>,
      tpu.vector_store %arg23[%parallel_loop3A_1283, %parallel_loop3A_1284], %parallel_loop3A_1282 {strides = array<i32>} : memref<64x128xf32, #tpu.memory_space<vmem>>, vector<16xf32>,
      %parallel_loop3A_1286 = arith.addf %parallel_loop3A_1272#8, %parallel_loop3A_1272#9 : vector<16xf32>
      %parallel_loop3A_1287 = arith.addf %parallel_loop3A_1286, %parallel_loop3A_1272#10 : vector<16xf32>
      %parallel_loop3A_1288 = arith.addf %parallel_loop3A_1287, %parallel_loop3A_1272#11 : vector<16xf32>
      %parallel_loop3A_1289 = arith.addf %parallel_loop3A_1288, %parallel_loop3A_1272#12 : vector<16xf32>
      %parallel_loop3A_1290 = arith.addf %parallel_loop3A_1289, %parallel_loop3A_1272#13 : vector<16xf32>
      %parallel_loop3A_1291 = arith.addf %parallel_loop3A_1290, %parallel_loop3A_1272#14 : vector<16xf32>
      %parallel_loop3A_1292 = arith.addf %parallel_loop3A_1291, %parallel_loop3A_1272#15 : vector<16xf32>
      %parallel_loop3A_1293 = arith.constant 1.250000e-01 : f32
      %parallel_loop3A_1294 = vector.broadcast %parallel_loop3A_1293 : f32 to vector<16xf32>
      %parallel_loop3A_1295 = arith.mulf %parallel_loop3A_1292, %parallel_loop3A_1294 : vector<16xf32>
      %parallel_loop3A_1296 = arith.index_cast %parallel_loop3A_1261 : i32 to index
      %parallel_loop3A_1297 = arith.constant 0 : index
      %parallel_loop3A_1298 = tpu.vector_load %arg24[%parallel_loop3A_1296, %parallel_loop3A_1297] {strides = array<i32>} : memref<64x128xf32, #tpu.memory_space<vmem>>, vector<16xf32>,
      tpu.vector_store %arg24[%parallel_loop3A_1296, %parallel_loop3A_1297], %parallel_loop3A_1295 {strides = array<i32>} : memref<64x128xf32, #tpu.memory_space<vmem>>, vector<16xf32>,
      %parallel_loop3A_1299 = arith.addf %parallel_loop3A_1272#16, %parallel_loop3A_1272#17 : vector<16xf32>
      %parallel_loop3A_1300 = arith.addf %parallel_loop3A_1299, %parallel_loop3A_1272#18 : vector<16xf32>
      %parallel_loop3A_1301 = arith.addf %parallel_loop3A_1300, %parallel_loop3A_1272#19 : vector<16xf32>
      %parallel_loop3A_1302 = arith.addf %parallel_loop3A_1301, %parallel_loop3A_1272#20 : vector<16xf32>
      %parallel_loop3A_1303 = arith.addf %parallel_loop3A_1302, %parallel_loop3A_1272#21 : vector<16xf32>
      %parallel_loop3A_1304 = arith.addf %parallel_loop3A_1303, %parallel_loop3A_1272#22 : vector<16xf32>
      %parallel_loop3A_1305 = arith.addf %parallel_loop3A_1304, %parallel_loop3A_1272#23 : vector<16xf32>
      %parallel_loop3A_1306 = arith.constant 1.250000e-01 : f32
      %parallel_loop3A_1307 = vector.broadcast %parallel_loop3A_1306 : f32 to vector<16xf32>
      %parallel_loop3A_1308 = arith.mulf %parallel_loop3A_1305, %parallel_loop3A_1307 : vector<16xf32>
      %parallel_loop3A_1309 = arith.index_cast %parallel_loop3A_1261 : i32 to index
      %parallel_loop3A_1310 = arith.constant 16 : index
      %parallel_loop3A_1311 = tpu.vector_load %arg23[%parallel_loop3A_1309, %parallel_loop3A_1310] {strides = array<i32>} : memref<64x128xf32, #tpu.memory_space<vmem>>, vector<16xf32>,
      tpu.vector_store %arg23[%parallel_loop3A_1309, %parallel_loop3A_1310], %parallel_loop3A_1308 {strides = array<i32>} : memref<64x128xf32, #tpu.memory_space<vmem>>, vector<16xf32>,
      %parallel_loop3A_1312 = arith.addf %parallel_loop3A_1272#24, %parallel_loop3A_1272#25 : vector<16xf32>
      %parallel_loop3A_1313 = arith.addf %parallel_loop3A_1312, %parallel_loop3A_1272#26 : vector<16xf32>
      %parallel_loop3A_1314 = arith.addf %parallel_loop3A_1313, %parallel_loop3A_1272#27 : vector<16xf32>
      %parallel_loop3A_1315 = arith.addf %parallel_loop3A_1314, %parallel_loop3A_1272#28 : vector<16xf32>
      %parallel_loop3A_1316 = arith.addf %parallel_loop3A_1315, %parallel_loop3A_1272#29 : vector<16xf32>
      %parallel_loop3A_1317 = arith.addf %parallel_loop3A_1316, %parallel_loop3A_1272#30 : vector<16xf32>
      %parallel_loop3A_1318 = arith.addf %parallel_loop3A_1317, %parallel_loop3A_1272#31 : vector<16xf32>
      %parallel_loop3A_1319 = arith.constant 1.250000e-01 : f32
      %parallel_loop3A_1320 = vector.broadcast %parallel_loop3A_1319 : f32 to vector<16xf32>
      %parallel_loop3A_1321 = arith.mulf %parallel_loop3A_1318, %parallel_loop3A_1320 : vector<16xf32>
      %parallel_loop3A_1322 = arith.index_cast %parallel_loop3A_1261 : i32 to index
      %parallel_loop3A_1323 = arith.constant 16 : index
      %parallel_loop3A_1324 = tpu.vector_load %arg24[%parallel_loop3A_1322, %parallel_loop3A_1323] {strides = array<i32>} : memref<64x128xf32, #tpu.memory_space<vmem>>, vector<16xf32>,
      tpu.vector_store %arg24[%parallel_loop3A_1322, %parallel_loop3A_1323], %parallel_loop3A_1321 {strides = array<i32>} : memref<64x128xf32, #tpu.memory_space<vmem>>, vector<16xf32>,
    } {sc.loop_unroll_factor = 1 : i64, sc.parallel_access}
    %mul3A_1257 = arith.constant 64 : i32
    %mul3A_1258 = arith.muli %arg0, %mul3A_1257 : i32
    %mul3A_1259 = arith.constant 128 : i32
    %mul3A_1260 = arith.muli %arg1, %mul3A_1259 : i32
    "tpu.region"() ({
      %run_scoped3A = tpu.sem_alloc : memref<!tpu.dma_semaphore, #tpu.memory_space<semaphore_mem>>
      %dma_start3A_1261 = tpu.memref_slice %arg5[%mul3A_1258, %mul3A_1260] : memref<128x2048xf32, #tpu.memory_space<hbm>> -> memref<64x128xf32, #tpu.memory_space<hbm>>
      %dma_start3A_1262 = tpu.memref_slice %arg5[%mul3A_1258, %mul3A_1260] : memref<128x2048xf32, #tpu.memory_space<hbm>> -> memref<64x128xf32, #tpu.memory_space<hbm>>
      tpu.enqueue_dma source(%arg23 : memref<64x128xf32, #tpu.memory_space<vmem>>) target(%dma_start3A_1262 : memref<64x128xf32, #tpu.memory_space<hbm>>) target_semaphore(%run_scoped3A : memref<!tpu.dma_semaphore, #tpu.memory_space<semaphore_mem>>)
      %dma_wait3A_1263 = tpu.memref_slice %arg5[%mul3A_1258, %mul3A_1260] : memref<128x2048xf32, #tpu.memory_space<hbm>> -> memref<64x128xf32, #tpu.memory_space<hbm>>
      %dma_wait3A_1264 = tpu.memref_slice %arg5[%mul3A_1258, %mul3A_1260] : memref<128x2048xf32, #tpu.memory_space<hbm>> -> memref<64x128xf32, #tpu.memory_space<hbm>>
      tpu.wait_dma2 semaphore(%run_scoped3A : memref<!tpu.dma_semaphore, #tpu.memory_space<semaphore_mem>>) src(%arg23 : memref<64x128xf32, #tpu.memory_space<vmem>>) dst(%dma_wait3A_1264 : memref<64x128xf32, #tpu.memory_space<hbm>>)
      tpu.yield
    }) : () -> ()
    "tpu.region"() ({
      %run_scoped3A = tpu.sem_alloc : memref<!tpu.dma_semaphore, #tpu.memory_space<semaphore_mem>>
      %dma_start3A_1261 = tpu.memref_slice %arg6[%mul3A_1258, %mul3A_1260] : memref<128x2048xf32, #tpu.memory_space<hbm>> -> memref<64x128xf32, #tpu.memory_space<hbm>>
      %dma_start3A_1262 = tpu.memref_slice %arg6[%mul3A_1258, %mul3A_1260] : memref<128x2048xf32, #tpu.memory_space<hbm>> -> memref<64x128xf32, #tpu.memory_space<hbm>>
      tpu.enqueue_dma source(%arg24 : memref<64x128xf32, #tpu.memory_space<vmem>>) target(%dma_start3A_1262 : memref<64x128xf32, #tpu.memory_space<hbm>>) target_semaphore(%run_scoped3A : memref<!tpu.dma_semaphore, #tpu.memory_space<semaphore_mem>>)
      %dma_wait3A_1263 = tpu.memref_slice %arg6[%mul3A_1258, %mul3A_1260] : memref<128x2048xf32, #tpu.memory_space<hbm>> -> memref<64x128xf32, #tpu.memory_space<hbm>>
      %dma_wait3A_1264 = tpu.memref_slice %arg6[%mul3A_1258, %mul3A_1260] : memref<128x2048xf32, #tpu.memory_space<hbm>> -> memref<64x128xf32, #tpu.memory_space<hbm>>
      tpu.wait_dma2 semaphore(%run_scoped3A : memref<!tpu.dma_semaphore, #tpu.memory_space<semaphore_mem>>) src(%arg24 : memref<64x128xf32, #tpu.memory_space<vmem>>) dst(%dma_wait3A_1264 : memref<64x128xf32, #tpu.memory_space<hbm>>)
      tpu.yield
    }) : () -> ()
    return
  }
}

module attributes {stable_mosaic.version = 14 : i64} {
  func.func @_prep_body(%arg0: memref<512x512xf32, #tpu.memory_space<vmem>>, %arg1: memref<8x128xf32, #tpu.memory_space<vmem>>) attributes {dimension_semantics = [], scalar_prefetch = 0 : i64, scratch_operands = 0 : i64, tpu.core_type = #tpu.core_type<tc>} {
    %get3A = arith.constant 0 : index
    %get3A_0 = arith.constant 0 : index
    %get3A_1 = vector.load %arg0[%get3A, %get3A_0] : memref<512x512xf32, #tpu.memory_space<vmem>>, vector<512x512xf32>
    %abs3A = math.absf %get3A_1 : vector<512x512xf32>
    %reduce_max3A = vector.shape_cast %abs3A : vector<512x512xf32> to vector<1x512x512xf32>
    %reduce_max3A_2 = arith.constant dense<0xFF800000> : vector<1xf32>
    %reduce_max3A_3 = vector.multi_reduction <maximumf>, %reduce_max3A, %reduce_max3A_2 [1, 2] : vector<1x512x512xf32> to vector<1xf32>
    %reduce_max3A_4 = vector.shape_cast %reduce_max3A_3 : vector<1xf32> to vector<1x1x1xf32>
    %reduce_max3A_5 = vector.extract %reduce_max3A_4[0, 0, 0] : f32 from vector<1x1x1xf32>
    %broadcast_in_dim3A = vector.broadcast %reduce_max3A_5 : f32 to vector<8x128xf32>
    %swap3A = arith.constant 0 : index
    %swap3A_6 = arith.constant 0 : index
    %swap3A_7 = vector.load %arg1[%swap3A, %swap3A_6] : memref<8x128xf32, #tpu.memory_space<vmem>>, vector<8x128xf32>
    tpu.vector_store %arg1[%swap3A, %swap3A_6], %broadcast_in_dim3A {strides = array<i32>} : memref<8x128xf32, #tpu.memory_space<vmem>>, vector<8x128xf32>,
    return
  }
}

</mosaic_0001>

<sc_bundles>
// kernel: kernel.4.cloned.1.call-start
scs
__scs_entry_jumppad:
0x0: {  	(pc) =	sbr.rel $0x88, $3  }
0x1: {  	(tag) =	ssettag $0x0;
	lr =	simm.s32 $0x1  }
0x2: {  	[smem:$0x3F9F] =	sst lr;
	_ =	strace $0xD0000000  }
0x3: {  	_ = 	snop  }
0x4: {  	_ = 	snop  }
0x5: {  	_ = 	snop  }
0x6: {  	_ = 	snop  }
0x7: {  	_ = 	snop  }
__scs_overlays_trampoline_lowered:
0x8: {  	[smem:$0x3FAE] =	sst s0  }
0x9: {  	[smem:$0x3FAF] =	sst s1  }
0xa: {  	[smem:$0x3FB0] =	sst s2  }
0xb: {  	[smem:$0x3FB1] =	sst s3  }
0xc: {  	[smem:$0x3FB2] =	sst s4  }
0xd: {  	[smem:$0x3FB3] =	sst s5  }
0xe: {  	[smem:$0x3FB4] =	sst s6  }
0xf: {  	[smem:$0x3FB5] =	sst s7  }
0x10: {  	[smem:$0x3FB6] =	sst s8  }
0x11: {  	[smem:$0x3FB7] =	sst s9;
	s0 =	simm.s32 @!p0 $0x0  }
0x12: {  	s1 =	sld [smem:$0x3F9D];
	s0 =	simm.s32 @p0 $0x1  }
0x13: {  	[smem:$0x3FB8] =	sst s0;
	s0 =	simm.s32 @!p1 $0x0  }
0x14: {  	s2 =	sld [smem:$0x3F9C];
	s0 =	simm.s32 @p1 $0x1  }
0x15: {  	[smem:$0x3FB9] =	sst s0;
	s0 =	simm.s32 @!p2 $0x0  }
0x16: {  	s3 =	sld [smem:$0x3FDB];
	s0 =	simm.s32 @p2 $0x1  }
0x17: {  	s4 =	simm.s32 $0x1BF5;
	[smem:$0x3FBB] =	sst s0  }
0x18: {  	s0 =	sld [smem:$0x3F9E];
	_ =	swait.ge [sflag:s4], $0x0  }
0x19: {  	s7 =	sld [smem:$0x3F9F]  }
0x1a: {  	s8 =	sadd.s32 $0xFFFFE003, lr  }
0x1b: {  	s9 =	sadd.s32 $0xFFFFFEF7, lr;
	s5 =	simm.s32 $0xFFFFFFFF;
	p2 =	slt.u32 s8, $0xFFFFF086  }
0x1c: {  	p1 =	slt.u32 s9, $0xF7A;
	s5 =	simm.s32 @!p2 $0x0  }
0x1d: {  	s5 =	simm.s32 @p1 $0x1;
	p0 =	seq.s32 s7, s2  }
0x1e: {  	s7 =	smul.u32 @!p0 $0xF7A, s2;
	p2 =	seq.s32 @!p0 s5, $0x0  }
0x1f: {  	s9 =	smul.u32 $0xF7A, s1;
	s8 =	simm.s32 @!p0 $0x1BF5;
	p2 =	por !p2, p0  }
0x20: {  	[sflag:s8] =	ssyncset.s32 @!p0 $0xFFFFF086;
	s6 =	sadd.s32 @!p0 s3, s7;
	s7 =	simm.s32 @!p0 $0x108  }
0x21: {  	s3 =	sadd.s32 s3, s9;
	s6 =	sadd.s32 @!p0 $0x88, s6;
	s7 =	simm.s32 @p2 $0x1082  }
0x22: {  	[simem:s7], [sflag:s8] =	dma.local @!p0 [hbm:s6], $0xF7A  }
0x23: {  	s9 =	sor.u32 $0xD0000000, s2;
	s6 =	simm.s32 $0x108;
	_ =	swait.ge @!p0 [sflag:s8], $0x0  }
0x24: {  	s3 =	sadd.s32 $0x88, s3;
	s6 =	simm.s32 @!p1 $0x1082;
	[sflag:s4] =	ssyncset.s32 $0xFFFFF086  }
0x25: {  	[simem:s6], [sflag:s4] =	dma.local [hbm:s3], $0xF7A  }
0x26: {  	[smem:$0x3F9F] =	sst s1;
	(tag) =	ssettag s2;
	_ =	strace s9  }
0x27: {  	s1 =	sld [smem:$0x3FAF]  }
0x28: {  	s2 =	sld [smem:$0x3FB0]  }
0x29: {  	s4 =	sld [smem:$0x3FB2]  }
0x2a: {  	p0 =	seq.s32 s5, $0x0;
	s5 =	sld [smem:$0x3FB3]  }
0x2b: {  	s6 =	sld [smem:$0x3FB4]  }
0x2c: {  	s7 =	sld [smem:$0x3FB5]  }
0x2d: {  	s3 =	simm.s32 $0x108;
	s8 =	sld [smem:$0x3FB6]  }
0x2e: {  	s3 =	simm.s32 @!p0 $0x1082;
	s9 =	sld [smem:$0x3FB7]  }
0x2f: {  	lr =	sadd.s32 s0, s3;
	s0 =	sld [smem:$0x3FAE]  }
0x30: {  	s3 =	sld [smem:$0x3FB1]  }
0x31: {  	[smem:$0x3FBA] =	sst s10  }
0x32: {  	s10 =	sld [smem:$0x3FB8];
	_ =	sdelay $0x3  }
0x33: {  	p0 =	seq.s32 s10, $0x1;
	s10 =	sld [smem:$0x3FBA];
	_ =	sdelay $0x3  }
0x34: {  	[smem:$0x3FBA] =	sst s10  }
0x35: {  	s10 =	sld [smem:$0x3FB9];
	_ =	sdelay $0x3  }
0x36: {  	p1 =	seq.s32 s10, $0x1;
	s10 =	sld [smem:$0x3FBA];
	_ =	sdelay $0x3  }
0x37: {  	[smem:$0x3FBA] =	sst s10  }
0x38: {  	s10 =	sld [smem:$0x3FBB]  }
0x39: {  	_ = 	snop;
	(pc) =	sbr.ind lr, $3  }
0x3a: {  	_ = 	snop  }
0x3b: {  	_ = 	snop  }
0x3c: {  	p2 =	seq.s32 s10, $0x1;
	s10 =	sld [smem:$0x3FBA]  }
0x3d: {  	_ =	shalt  }
0x3e: {  	_ =	shalt  }
0x3f: {  	_ =	shalt  }
0x40: {  	_ =	shalt  }
0x41: {  	_ =	shalt  }
0x42: {  	_ =	shalt  }
0x43: {  	_ =	shalt  }
0x44: {  	_ =	shalt  }
0x45: {  	_ =	shalt  }
0x46: {  	_ =	shalt  }
0x47: {  	_ =	shalt  }
0x48: {  	_ =	shalt  }
0x49: {  	_ =	shalt  }
0x4a: {  	_ =	shalt  }
0x4b: {  	_ =	shalt  }
0x4c: {  	_ =	shalt  }
0x4d: {  	_ =	shalt  }
0x4e: {  	_ =	shalt  }
0x4f: {  	_ =	shalt  }
0x50: {  	_ =	shalt  }
0x51: {  	_ =	shalt  }
0x52: {  	_ =	shalt  }
0x53: {  	_ =	shalt  }
0x54: {  	_ =	shalt  }
0x55: {  	_ =	shalt  }
0x56: {  	_ =	shalt  }
0x57: {  	_ =	shalt  }
0x58: {  	_ =	shalt  }
0x59: {  	_ =	shalt  }
0x5a: {  	_ =	shalt  }
0x5b: {  	_ =	shalt  }
0x5c: {  	_ =	shalt  }
0x5d: {  	_ =	shalt  }
0x5e: {  	_ =	shalt  }
0x5f: {  	_ =	shalt  }
0x60: {  	_ =	shalt  }
0x61: {  	_ =	shalt  }
0x62: {  	_ =	shalt  }
0x63: {  	_ =	shalt  }
0x64: {  	_ =	shalt  }
0x65: {  	_ =	shalt  }
0x66: {  	_ =	shalt  }
0x67: {  	_ =	shalt  }
0x68: {  	_ =	shalt  }
0x69: {  	_ =	shalt  }
0x6a: {  	_ =	shalt  }
0x6b: {  	_ =	shalt  }
0x6c: {  	_ =	shalt  }
0x6d: {  	_ =	shalt  }
0x6e: {  	_ =	shalt  }
0x6f: {  	_ =	shalt  }
0x70: {  	_ =	shalt  }
0x71: {  	_ =	shalt  }
0x72: {  	_ =	shalt  }
0x73: {  	_ =	shalt  }
0x74: {  	_ =	shalt  }
0x75: {  	_ =	shalt  }
0x76: {  	_ =	shalt  }
0x77: {  	_ =	shalt  }
0x78: {  	_ =	shalt  }
0x79: {  	_ =	shalt  }
0x7a: {  	_ =	shalt  }
0x7b: {  	_ =	shalt  }
0x7c: {  	_ =	shalt  }
0x7d: {  	_ =	shalt  }
0x7e: {  	_ =	shalt  }
0x7f: {  	_ =	shalt  }
0x80: {  	_ =	shalt  }
0x81: {  	_ =	shalt  }
0x82: {  	_ =	shalt  }
0x83: {  	_ =	shalt  }
0x84: {  	_ =	shalt  }
0x85: {  	_ =	shalt  }
0x86: {  	_ =	shalt  }
0x87: {  	_ =	shalt  }
.Lfunc_end0:
.L_simem_size_0:
called_computation_lowered:
.L_overlay_start_0:
0x88: {  	s2 =	sld [smem:$0x3FD9]  }
0x89: {  	s3 =	sld [smem:$0x3FFE];
	_ =	sdelay $0x1  }
0x8a: {  	s1 =	srdreg.scid  }
0x8b: {  	s0 =	sand.u32 $0x1, s1  }
0x8c: {  	s14 =	sshll.u32 s0, $0xA;
	s2 =	sadd.s32 s3, s2  }
0x8d: {  	s2 =	sadd.s32 s2, s14  }
0x8e: {  	[smem:$0x3FC6] =	sst s2  }
0x8f: {  	_ = 	snop  }
0x90: {  	s2 =	sld [smem:$0x3FD0];
	_ =	sdelay $0x2  }
0x91: {  	s4 =	simm.s32 $0xA;
	s5 =	simm.s32 $0x10;
	s15 =	sld [smem:$0x3FC9]  }
0x92: {  	[smem:s5], [sflag:s4] =	dma.local [hbm:s2], $0x1  }
0x93: {  	_ =	swait.eq [sflag:s4], $0x1  }
0x94: {  	[sflag:s4] =	ssyncset.done $0x0  }
0x95: {  	[sflag:s4] =	ssyncadd.s32 $0xFFFFFFFF  }
0x96: {  	s16 =	sld [smem:$0x11];
	(tm) =	ssettm $0x1  }
0x97: {  	s17 =	sld [smem:$0x3FFB];
	_ =	sdelay $0x3  }
0x98: {  	_ =	strace s17  }
0x99: {  	s4 =	sld [smem:$0x3FFC];
	_ =	sdelay $0x3  }
0x9a: {  	_ =	strace s4  }
0x9b: {  	s4 =	sld [smem:$0x3FFD];
	_ =	sdelay $0x3  }
0x9c: {  	_ =	strace s4  }
0x9d: {  	_ =	strace $0x8FFFFFFF  }
0x9e: {  	s18 =	sld [smem:$0x3FDB];
	_ =	sdelay $0x1  }
0x9f: {  	s19 =	simm.s32 $_scs_section_size  }
0xa0: {  	s6 =	simm.s32 $_size__tile_overlayer_lowered;
	s7 =	simm.s32 $_tile_overlayer_lowered  }
0xa1: {  	s22 =	simm.s32 $0x1BFF;
	s21 =	sshll.u32 s7, $0x1;
	s4 =	sadd.s32 s19, s18  }
0xa2: {  	s8 =	simm.s32 $0x0;
	s20 =	sshll.u32 s6, $0x1;
	s6 =	sadd.s32 s21, s4  }
0xa3: {  	[timem:s8], [sflag:s22] =	dma.local [hbm:s6], s20  }
0xa4: {  	_ =	swait.ge [sflag:s22], s20  }
0xa5: {  	s5 =	ssub.s32 $0x0, s20;
	[sflag:s22] =	ssyncset.done $0x0  }
0xa6: {  	[sflag:s22] =	ssyncadd.s32 s5;
	_ =	sdelay $0x1  }
0xa7: {  	s23 =	simm.s32 $0x1B8B  }
0xa8: {  	_ =	swait.ge [sflag:s23], $0x1  }
0xa9: {  	[sflag:s23] =	ssyncset.done $0x0  }
0xaa: {  	s25 =	simm.s32 $0x1B8E;
	s24 =	sld [smem:$0x3FFE];
	[sflag:s23] =	ssyncadd.s32 $0xFFFFFFFF  }
0xab: {  	s26 =	simm.s32 $execute0_lowered;
	[smem:$0x3FD2] =	sst s25  }
0xac: {  	s6 =	sshll.u32 s26, $0x1;
	_ =	strace $0x80000046;
	[dreg:$0x1] =	wrdreg $0xFFFFFFFF  }
0xad: {  	s28 =	simm.s32 $_size_execute0_lowered;
	s4 =	sadd.s32 s4, s6;
	[dreg:$0x0] =	wrdreg $0x0  }
0xae: {  	s6 =	sshll.u32 s28, $0x1;
	[dreg:$0x2] =	wrdreg s4  }
0xaf: {  	[dreg:$0x3] =	wrdreg s6  }
0xb0: {  	[dreg:$0x4] =	wrdreg $0xC0  }
0xb1: {  	_ =	task [dreg:s8], $0x5FFFF  }
0xb2: {  	[dreg:$0x1] =	wrdreg $0xFFFFFFFF  }
0xb3: {  	[dreg:$0x0] =	wrdreg $0x60  }
0xb4: {  	[dreg:$0x2] =	wrdreg s15  }
0xb5: {  	[dreg:$0x3] =	wrdreg s24  }
0xb6: {  	[dreg:$0x4] =	wrdreg s16  }
0xb7: {  	[dreg:$0x5] =	wrdreg $0xB000  }
0xb8: {  	[dreg:$0x6] =	wrdreg $0xC800  }
0xb9: {  	[dreg:$0x7] =	wrdreg $0xE000  }
0xba: {  	[dreg:$0x8] =	wrdreg $0xF800  }
0xbb: {  	[dreg:$0x9] =	wrdreg $0x9  }
0xbc: {  	_ =	task.clear_ibuf [dreg:s8], $0xAFFFF;
	_ =	strace $0x90000046  }
0xbd: {  	s29 =	simm.s32 $0x9;
	_ =	strace $0x80000048  }
0xbe: {  	_ =	swait.ge [sflag:s29], $0x1  }
0xbf: {  	[sflag:s29] =	ssyncadd.s32 $0xFFFFFFFF  }
0xc0: {  	_ =	strace $0x90000048  }
0xc1: {  	_ =	sfence  }
0xc2: {  	s30 =	sld [smem:$0x0];
	_ =	sdelay $0x2  }
0xc3: {  	s31 =	sshll.u32 s1, $0xD;
	s1 =	sshrl.u32 s1, $0x2  }
0xc4: {  	s3 =	sand.u32 $0x4000, s31;
	s1 =	sadd.s32 s1, s30  }
0xc5: {  	s0 =	sor.u32 s3, s0;
	s1 =	sshll.u32 s1, $0x11  }
0xc6: {  	s0 =	sor.u32 s1, s0  }
0xc7: {  	s0 =	sadd.s32 $0x8F2B, s0  }
0xc8: {  	[sflag:s0] =	ssyncadd.remote.s32 $0x1  }
0xc9: {  	_ =	sfence.sel $0xFFFF  }
0xca: {  	[dreg:$0x0] =	wrdreg $0xFFFFFFFF;
	(pc) =	sbr.abs _section_cstart, $3  }
0xcb: {  	[dreg:$0x1] =	wrdreg $0xFFFFFFFF  }
0xcc: {  	_ =	task.clear_ibuf [dreg:s8], $0x2FFFF;
	_ =	strace $0x9FFFFFFF  }
0xcd: {  	(tm) =	ssettm $0x7FFFFFFF  }
tec
execute0_lowered:
.L_overlay_start_1:
0x0: {  	(tag) =	ssettag $0x1  }
0x1: {  	v0 =	vimm.s32 $0xEFCDAB89;
	v1 =	vimm.s32 $0x67452301;
	vm0 =	vcmask $0x130C  }
0x2: {  	v4 =	vimm.s32 $0x54761032;
	vm1 =	vcmask $0x33C;
	v46 =	vimm.f32 $1.000000000e+00  }
0x3: {  	vm2 =	vcmask $0x231C;
	vm3 =	vcmask $0x332C;
	vm7 =	vcmask $0xB08  }
0x4: {  	vm4 =	vcmask $0x738;
	vm8 =	vcmask $0x2B28;
	vm5 =	vcmask $0x3734  }
0x5: {  	vm9 =	vcmask $0x1710;
	vm10 =	vcmask $0x1310;
	v6 =	vimm.s32 $0x76543210  }
0x6: {  	vm11 =	vcmask $0x1B18;
	vm12 =	vcmask $0x2724;
	vm13 =	vcmask $0x2F28  }
0x7: {  	v7 =	vimm.s32 $0x65432100;
	v9 =	vimm.s32 $0xDCBA9876;
	v10 =	vimm.s32 $0x54321000  }
0x8: {  	v11 =	vimm.s32 $0xBA987654;
	v12 =	vimm.s32 $0xE40000;
	v13 =	vimm.s32 $0x32100000  }
0x9: {  	v47 =	vlaneseq.u32;
	v2 =	vunpack.c.l.s4.s8 v0;
	v1 =	vunpack.c.l.s4.s8 v1  }
0xa: {  	s0 =	rddreg [dreg:$0x0];
	v0 =	vimm.s32 $0x0;
	v4 =	vunpack.c.l.s4.s8 v4;
	vm0 =	vmor vm1, vm0  }
0xb: {  	s1 =	rddreg [dreg:$0x1];
	vm6 =	vmor vm1, vm7;
	vm1 =	vcmask $0x1714;
	v6 =	vunpack.c.l.s4.s8 v6  }
0xc: {  	s10 =	rddreg [dreg:$0x3];
	v7 =	vunpack.c.l.s4.s8 v7;
	v3 =	vunpack.c.0.s8.s32 v1;
	v1 =	vimm.s32 $0xDCFE98BA  }
0xd: {  	s11 =	rddreg [dreg:$0x4];
	v9 =	vunpack.c.l.s4.s8 v9;
	v2 =	vunpack.c.0.s8.s32 v2;
	v5 =	vunpack.c.l.s4.s8 v1  }
0xe: {  	s12 =	rddreg [dreg:$0x5];
	v10 =	vunpack.c.l.s4.s8 v10;
	v11 =	vunpack.c.l.s4.s8 v11;
	v12 =	vunpack.c.l.s2.s4 v12  }
0xf: {  	s13 =	rddreg [dreg:$0x6];
	s6 =	simm.s32 $0x0;
	s2 =	srdreg.scid;
	v4 =	vunpack.c.0.s8.s32 v4;
	v2 =	vcombine.low v3, v2;
	v3 =	vunpack.c.0.s8.s32 v5  }
0x10: {  	s14 =	stileid.u32;
	s30 =	simm.s32 $0xFC0;
	s31 =	simm.s32 $0x2;
	v13 =	vunpack.c.l.s4.s8 v13;
	vm0 =	vmor vm0, vm2;
	vm1 =	vmor vm6, vm1  }
0x11: {  	[smem:$0x7FF] =	sst s6;
	s2 =	sand.u32 $0x1, s2;
	s3 =	sshll.u32 s14, $0xB;
	v5 =	vimm.s32 $0x32107654;
	v3 =	vcombine.low v4, v3;
	v4 =	vimm.s32 $0xBA98FEDC  }
0x12: {  	s5 =	sshll.u32 s14, $0x7;
	s8 =	sshll.u32 s14, $0x9;
	s21 =	sshll.u32 s14, $0x2;
	vm6 =	vmor vm6, vm10;
	v5 =	vunpack.c.l.s4.s8 v5;
	v4 =	vunpack.c.l.s4.s8 v4  }
0x13: {  	s22 =	smul.u32 $0x180, s14;
	s25 =	sshll.u32 s14, $0x6;
	s18 =	sshllo.u32 s14, $0x2;
	vm0 =	vmor vm0, vm3;
	vm3 =	vcmask $0x2718;
	vm2 =	vmor vm1, vm2  }
0x14: {  	s4 =	sshll.u32 s2, $0xE;
	s7 =	sadd.s32 s3, s1;
	s20 =	ssub.s32 $0x2, s2;
	vm6 =	vmor vm6, vm11;
	v5 =	vunpack.c.0.s8.s32 v5;
	v4 =	vunpack.c.0.s8.s32 v4  }
0x15: {  	s2 =	sshll.u32 s2, $0xF;
	s3 =	sand.u32 $0x7000, s3;
	s8 =	sand.u32 $0x200, s8;
	v6 =	vunpack.c.0.s8.s32 v6;
	v7 =	vunpack.c.0.s8.s32 v7;
	v9 =	vunpack.c.0.s8.s32 v9  }
0x16: {  	s23 =	sor.u32 $0x1, s21;
	s17 =	sor.u32 $0x2, s21;
	s19 =	smul.u32 $0x60, s18;
	v10 =	vunpack.c.0.s8.s32 v10;
	v1 =	vand.u32 $0xF, v2;
	v4 =	vcombine.low v5, v4  }
0x17: {  	s4 =	sor.u32 s5, s4;
	s9 =	sshrl.u32 s20, $0x1;
	s3 =	sor.u32 s2, s3;
	v11 =	vunpack.c.0.s8.s32 v11;
	v12 =	vunpack.c.l.s4.s8 v12;
	[tilespmem:$0x1FFC0] =	vst v1;
	v1 =	vand.u32 $0xF, v3  }
0x18: {  	s7 =	sadd.s32 $0xC00, s7;
	s24 =	sadd.s32 s22, s10;
	vm1 =	vmor vm4, vm3;
	vm2 =	vmor vm2, vm8;
	s3 =	sor.u32 s8, s3;
	[tilespmem:$0x1FFD0] =	vst v1;
	v1 =	vand.u32 $0xF, v4  }
0x19: {  	s26 =	smul.u32 $0x60, s23;
	s5 =	sadd.s32 s22, s12;
	vm3 =	vcmask $0xF30;
	vm6 =	vmor vm6, vm12;
	vm12 =	vcmask $0x2F2C;
	s3 =	sshrl.u32 s3, $0x3;
	[tilespmem:$0x1FFE0] =	vst v1  }
0x1a: {  	vm4 =	vmor vm4, vm9;
	vm2 =	vmor vm2, vm5;
	vm6 =	vmor vm6, vm12;
	s0 =	sadd.s32 s0, s3;
	_ =	strace $0x80000047;
	[dreg:$0x8] =	wrdreg s7  }
0x1b: {  	s2 =	sadd.s32 s4, s1;
	s1 =	ssub.s32 s20, s9;
	vm4 =	vmor vm4, vm13;
	vm12 =	vcmask $0xF00;
	vm13 =	vcmask $0x300;
	[dreg:$0x9] =	wrdreg s0  }
0x1c: {  	s9 =	sadd.s32 s22, s11;
	s4 =	smul.u32 $0x60, s17;
	v9 =	vand.u32 $0xF, v9;
	v11 =	vand.u32 $0xF, v11;
	v12 =	vunpack.c.0.s8.s32 v12;
	[dreg:$0xa] =	wrdreg s24  }
0x1d: {  	s22 =	sadd.s32 s19, s10;
	s8 =	simm.s32 $0x4FC0;
	vm5 =	vmor vm6, vm5;
	vm6 =	vcmask $0x2F20;
	vm13 =	vmor vm13, vm7;
	[dreg:$0xb] =	wrdreg s9  }
0x1e: {  	s15 =	sadd.s32 s26, s10;
	vm7 =	vmmov $0xff;
	s3 =	sadd.s32 s25, s13;
	v9 =	vcombine.low v10, v9;
	v5 =	vimm.s32 $0xFEDCBA98;
	[dreg:$0xc] =	wrdreg s5  }
0x1f: {  	s16 =	sadd.s32 s26, s11;
	s28 =	sadd.s32 $0x10C00, s2;
	v10 =	vunpack.c.0.s8.s32 v13;
	v13 =	vimm.s32 $0x7060504;
	v5 =	vunpack.c.l.s4.s8 v5;
	[dreg:$0xd] =	wrdreg s3  }
0x20: {  	s29 =	smax.u32 s1, $0x1;
	s1 =	simm.s32 $0x900;
	vm6 =	vmor vm12, vm6;
	vm12 =	vcmask $0x700;
	vm10 =	vmor vm13, vm10;
	[dreg:$0xe] =	wrdreg s15  }
0x21: {  	s25 =	sadd.s32 s4, s11;
	s20 =	sadd.s32 s4, s12;
	v12 =	vand.u32 $0x3, v12;
	vm9 =	vmor vm12, vm9;
	v5 =	vunpack.c.0.s8.s32 v5;
	[dreg:$0xf] =	wrdreg s16  }
0x22: {  	vm12 =	vcmask $0x2720;
	vm10 =	vmor vm10, vm11;
	vm11 =	vcmask $0x2320;
	s0 =	sshll.u32 s23, $0x4;
	s7 =	sadd.s32 s26, s12;
	s24 =	sadd.s32 s4, s10  }
0x23: {  	v10 =	vcombine.low v10, v11;
	v11 =	vunpack.c.0.s8.s32 v13;
	[dreg:$0x13] =	wrdreg s25;
	s3 =	sshll.u32 s17, $0x4;
	s23 =	sadd.s32 s19, s11;
	v5 =	vand.u32 $0xF, v5  }
0x24: {  	v13 =	vimm.f32 $-1.000000000e+00;
	s26 =	sshll.u32 s18, $0x4;
	s4 =	simm.s32 $0x400;
	s5 =	simm.s32 $0xA80;
	v1 =	vcombine.low v5, v6;
	v6 =	vimm.s32 $0xEDCBA987  }
0x25: {  	vm9 =	vmor vm9, vm12;
	vm10 =	vmor vm10, vm11;
	s9 =	simm.s32 $0x67C0;
	s10 =	simm.s32 $0x7FC0;
	s11 =	simm.s32 $0x1;
	v6 =	vunpack.c.l.s4.s8 v6  }
.Ltmp0:
0x26: {  	vm12 =	vcmask $0x3730;
	vm8 =	vmor vm10, vm8;
	vm10 =	vcmask $0x3330;
	[dreg:$0x10] =	wrdreg s7;
	s0 =	sadd.s32 s0, s13;
	(pc) =	sbr.rel .LBB2_1-.Ltmp0, $4  }
0x27: {  	vm11 =	vcmask $0x3B38;
	vm10 =	vmor vm8, vm10;
	[dreg:$0x12] =	wrdreg s24;
	s21 =	sadd.s32 s3, s13;
	s24 =	sadd.s32 s19, s12;
	v8 =	vunpack.c.0.s8.s32 v6  }
0x28: {  	vm8 =	vmor vm9, vm12;
	vm12 =	vcmask $0x3F30;
	vm9 =	vmor vm10, vm11;
	s25 =	sadd.s32 s26, s13;
	s26 =	sadd.s32 $0x8C00, s2;
	s7 =	simm.s32 $0x880  }
0x29: {  	vm10 =	vmmov $0x3;
	vm11 =	vmmov $0xf;
	s2 =	simm.s32 $0x980;
	s3 =	simm.s32 $0xA00;
	s12 =	simm.s32 $0x4000;
	v8 =	vand.u32 $0xF, v8  }
0x2a: {  	v11 =	vsel vm12, v11, v12;
	v12 =	vimm.s32 $0xF;
	s13 =	simm.s32 $0x0;
	[dreg:$0x11] =	wrdreg s0;
	s0 =	simm.s32 $0x3;
	[tilespmem:$0x1FFF0] =	vst v1;
	v7 =	vcombine.low v7, v8  }
.LBB2_24:
0x2b: {  	s14 =	simm.s32 $0x9BC0  }
0x2c: {  	[hbm4b:s26+s4] =	stream.strided.scatter [tilespmem:s14], [sflag:$0x3], $0x2000, s12, s4, $0x38;
	[tilespmem:$0xDBC0] =	vst v63  }
0x2d: {  	s13 =	sadd.s32 $0x1, s13;
	_ =	swait.ge [sflag:s0], $0x2000  }
0x2e: {  	p0 =	sne.s32 s13, s29;
	[sflag:s0] =	ssyncset.done $0x0  }
.Ltmp1:
0x2f: {  	s19 =	simm.s32 $0xBBC0;
	[sflag:s0] =	ssyncadd.s32 $0xFFFFE000;
	(pc) =	sbr.rel @!p0 .LBB2_25-.Ltmp1, $4  }
0x30: {  	[hbm4b:s28+s4] =	stream.strided.scatter [tilespmem:s19], [sflag:$0x3], $0x2000, s12, s4, $0x38;
	[tilespmem:$0xDBC0] =	vst v63  }
0x31: {  	_ =	swait.ge [sflag:s0], $0x2000  }
0x32: {  	[sflag:s0] =	ssyncset.done $0x0  }
0x33: {  	[sflag:s0] =	ssyncadd.s32 $0xFFFFE000  }
.LBB2_1:
0x34: {  	s14 =	rddreg [dreg:$0x8]  }
0x35: {  	[tilespmem:s30], [sflag:$0x1] =	stream.linear.gather [hbm4b:s14+s6], $0x4000, $0x38;
	[tilespmem:$0xDBC0] =	vst v63  }
0x36: {  	s17 =	rddreg [dreg:$0x9];
	s15 =	simm.s32 $0x200  }
0x37: {  	[tilespmem:s6], [sflag:$0x2] =	stream.strided.gather [hbm4b:s17+s15], $0x800, s4, s15, $0x38;
	[tilespmem:$0xDBC0] =	vst v63  }
0x38: {  	s18 =	rddreg [dreg:$0x2];
	s19 =	simm.s32 $0x800  }
0x39: {  	[tilespmem:s19], [sflag:$0x3] =	stream.linear.gather [hbm4b:s18+s6], $0x80, $0x38;
	[tilespmem:$0xDBC0] =	vst v63  }
0x3a: {  	_ =	swait.ge [sflag:s0], $0x80  }
0x3b: {  	[sflag:s0] =	ssyncset.done $0x0  }
0x3c: {  	[sflag:s0] =	ssyncadd.s32 $0xFFFFFF80  }
0x3d: {  	v14 =	vld [tilespmem:$0x800];
	_ =	swait.ge [sflag:s31], $0x800  }
0x3e: {  	[sflag:s31] =	ssyncset.done $0x0  }
0x3f: {  	[sflag:s31] =	ssyncadd.s32 $0xFFFFF800  }
0x40: {  	v15 =	vimm.f32 $1.000000020e+30;
	[tilespmem:$0xA80] =	vst v0  }
0x41: {  	[tilespmem:$0x980] =	vst v15  }
0x42: {  	[tilespmem:$0xA00] =	vst v46  }
0x43: {  	[tilespmem:$0xA90] =	vst v0  }
0x44: {  	[tilespmem:$0x990] =	vst v15  }
0x45: {  	[tilespmem:$0xA10] =	vst v46  }
0x46: {  	[tilespmem:$0xAA0] =	vst v0  }
0x47: {  	[tilespmem:$0x9A0] =	vst v15  }
0x48: {  	[tilespmem:$0xA20] =	vst v46  }
0x49: {  	[tilespmem:$0xAB0] =	vst v0  }
0x4a: {  	[tilespmem:$0x9B0] =	vst v15  }
0x4b: {  	[tilespmem:$0xA30] =	vst v46  }
0x4c: {  	[tilespmem:$0xAC0] =	vst v0  }
0x4d: {  	[tilespmem:$0x9C0] =	vst v15  }
0x4e: {  	[tilespmem:$0xA40] =	vst v46  }
0x4f: {  	[tilespmem:$0xAD0] =	vst v0  }
0x50: {  	s16 =	sand.u32 $0x60, s6;
	s17 =	sand.u32 $0x600, s6;
	[tilespmem:$0x9D0] =	vst v15  }
0x51: {  	s14 =	sor.u32 s16, s17;
	[tilespmem:$0xA50] =	vst v46  }
0x52: {  	v16 =	vld [tilespmem:s14+$0x0];
	_ =	sdelay $0x2  }
0x53: {  	v17 =	vld [tilespmem:s14+$0x10];
	_ =	sdelay $0x1  }
0x54: {  	s18 =	simm.s32 $0x80;
	s19 =	simm.s32 $0x20;
	v18 =	vadd.f32 $3.000000000e+00, v16  }
0x55: {  	s15 =	sand.u32 $0x60, s19;
	s14 =	sand.u32 $0x600, s18;
	v16 =	vsub.f32 $3.000000000e+00, v16  }
0x56: {  	s17 =	sor.u32 s15, s14;
	v18 =	vmax.f32 v18, $0.0e+00  }
0x57: {  	v19 =	vadd.f32 $3.000000000e+00, v17;
	v15 =	vmin.f32 v15, v18;
	v18 =	vmax.f32 v16, $0.0e+00;
	v16 =	vld [tilespmem:s17+$0x0]  }
0x58: {  	v20 =	vsub.f32 $3.000000000e+00, v17  }
0x59: {  	s14 =	simm.s32 $0x100;
	s15 =	simm.s32 $0x40;
	v17 =	vmin.f32 v15, v18;
	v18 =	vmax.f32 v19, $0.0e+00;
	v15 =	vld [tilespmem:s17+$0x10]  }
0x5a: {  	s16 =	simm.s32 $0x4;
	s18 =	sand.u32 $0x600, s14;
	s17 =	sand.u32 $0x60, s15;
	v17 =	vmin.f32 v17, v18;
	v18 =	vmax.f32 v20, $0.0e+00  }
.LBB2_2:
0x5b: {  	s16 =	sadd.s32 $0x2, s16  }
0x5c: {  	s17 =	sor.u32 s17, s18;
	v19 =	vadd.f32 $3.000000000e+00, v16;
	v17 =	vmin.f32 v17, v18;
	p0 =	slt.u32 s16, $0x1E  }
.Ltmp2:
0x5d: {  	v18 =	vsub.f32 $3.000000000e+00, v16;
	v16 =	vld [tilespmem:s17+$0x0];
	(pc) =	sbr.rel @p0 .LBB2_2-.Ltmp2, $4  }
0x5e: {  	v19 =	vmax.f32 v19, $0.0e+00;
	v20 =	vadd.f32 $3.000000000e+00, v15  }
0x5f: {  	v18 =	vmax.f32 v18, $0.0e+00;
	v17 =	vmin.f32 v17, v19;
	v19 =	vsub.f32 $3.000000000e+00, v15;
	v15 =	vld [tilespmem:s17+$0x10]  }
0x60: {  	s14 =	sadd.s32 $0x80, s14;
	s15 =	sadd.s32 $0x20, s15;
	v17 =	vmin.f32 v17, v18;
	v18 =	vmax.f32 v20, $0.0e+00  }
0x61: {  	s18 =	sand.u32 $0x600, s14;
	s17 =	sand.u32 $0x60, s15;
	v17 =	vmin.f32 v17, v18;
	v18 =	vmax.f32 v19, $0.0e+00  }
0x62: {  	s14 =	sor.u32 s17, s18  }
0x63: {  	v19 =	vld [tilespmem:s14+$0x0]  }
0x64: {  	v20 =	vadd.f32 $3.000000000e+00, v16  }
0x65: {  	v16 =	vsub.f32 $3.000000000e+00, v16;
	v21 =	vld [tilespmem:s14+$0x10]  }
0x66: {  	v17 =	vmin.f32 v17, v18;
	v18 =	vmax.f32 v20, $0.0e+00;
	v20 =	vadd.f32 $3.000000000e+00, v15  }
0x67: {  	v16 =	vmax.f32 v16, $0.0e+00;
	v15 =	vsub.f32 $3.000000000e+00, v15;
	v17 =	vmin.f32 v17, v18  }
0x68: {  	v1 =	vld [tilespmem:$0x1FFC0];
	v16 =	vmin.f32 v17, v16;
	v17 =	vmax.f32 v20, $0.0e+00;
	v18 =	vadd.f32 $3.000000000e+00, v19  }
0x69: {  	v15 =	vmax.f32 v15, $0.0e+00;
	v16 =	vmin.f32 v16, v17;
	v17 =	vsub.f32 $3.000000000e+00, v19  }
0x6a: {  	v15 =	vmin.f32 v16, v15;
	v16 =	vmax.f32 v18, $0.0e+00;
	v18 =	vadd.f32 $3.000000000e+00, v21  }
0x6b: {  	v15 =	vmin.f32 v15, v16;
	v16 =	vmax.f32 v17, $0.0e+00;
	v17 =	vsub.f32 $3.000000000e+00, v21  }
0x6c: {  	v15 =	vmin.f32 v15, v16;
	v16 =	vmax.f32 v18, $0.0e+00  }
0x6d: {  	v15 =	vmin.f32 v15, v16;
	v16 =	vmax.f32 v17, $0.0e+00  }
0x6e: {  	v15 =	vmin.f32 v15, v16  }
0x6f: {  	v2 =	vld [tilespmem:$0x1FFD0];
	[tilespmem:$0x880] =	vst v15  }
0x70: {  	v16 =	vld.idx.msk [tilespmem:v1+s7+$0x0], $0xffff;
	_ =	sdelay $0x4  }
0x71: {  	v17 =	vmin.f32 v15, v16;
	v15 =	vmax.f32 v15, v16  }
0x72: {  	v15 =	vsel vm0, v17, v15  }
0x73: {  	[tilespmem:$0x880] =	vst v15  }
0x74: {  	v16 =	vld.idx.msk [tilespmem:v2+s7+$0x0], $0xffff;
	_ =	sdelay $0x4  }
0x75: {  	v17 =	vmin.f32 v15, v16;
	v15 =	vmax.f32 v15, v16  }
0x76: {  	v15 =	vsel vm1, v17, v15  }
0x77: {  	v3 =	vld [tilespmem:$0x1FFE0];
	[tilespmem:$0x880] =	vst v15  }
0x78: {  	v16 =	vld.idx.msk [tilespmem:v1+s7+$0x0], $0xffff;
	_ =	sdelay $0x4  }
0x79: {  	v17 =	vmin.f32 v15, v16;
	v15 =	vmax.f32 v15, v16  }
0x7a: {  	v15 =	vsel vm2, v17, v15  }
0x7b: {  	[tilespmem:$0x880] =	vst v15  }
0x7c: {  	v16 =	vld.idx.msk [tilespmem:v3+s7+$0x0], $0xffff;
	_ =	sdelay $0x4  }
0x7d: {  	v17 =	vmin.f32 v15, v16;
	v15 =	vmax.f32 v15, v16  }
0x7e: {  	v15 =	vsel vm3, v17, v15  }
0x7f: {  	[tilespmem:$0x880] =	vst v15  }
0x80: {  	v16 =	vld.idx.msk [tilespmem:v2+s7+$0x0], $0xffff;
	_ =	sdelay $0x4  }
0x81: {  	v17 =	vmin.f32 v15, v16;
	v15 =	vmax.f32 v15, v16  }
0x82: {  	v15 =	vsel vm4, v17, v15  }
0x83: {  	v4 =	vld [tilespmem:$0x1FFF0];
	[tilespmem:$0x880] =	vst v15  }
0x84: {  	v16 =	vld.idx.msk [tilespmem:v1+s7+$0x0], $0xffff;
	_ =	sdelay $0x4  }
0x85: {  	v17 =	vmin.f32 v15, v16;
	v15 =	vmax.f32 v15, v16  }
0x86: {  	v15 =	vsel vm5, v17, v15  }
0x87: {  	[tilespmem:$0x880] =	vst v15  }
0x88: {  	v16 =	vld.idx.msk [tilespmem:v4+s7+$0x0], $0xffff;
	_ =	sdelay $0x4  }
0x89: {  	v17 =	vmin.f32 v15, v16;
	v15 =	vmax.f32 v15, v16  }
0x8a: {  	v15 =	vsel vm7, v17, v15  }
0x8b: {  	[tilespmem:$0x880] =	vst v15  }
0x8c: {  	v16 =	vld.idx.msk [tilespmem:v3+s7+$0x0], $0xffff;
	_ =	sdelay $0x4  }
0x8d: {  	v17 =	vmin.f32 v15, v16;
	v15 =	vmax.f32 v15, v16  }
0x8e: {  	v15 =	vsel vm6, v17, v15  }
0x8f: {  	[tilespmem:$0x880] =	vst v15  }
0x90: {  	v16 =	vld.idx.msk [tilespmem:v2+s7+$0x0], $0xffff;
	_ =	sdelay $0x4  }
0x91: {  	v17 =	vmin.f32 v15, v16;
	v15 =	vmax.f32 v15, v16  }
0x92: {  	v15 =	vsel vm8, v17, v15  }
0x93: {  	[tilespmem:$0x880] =	vst v15  }
0x94: {  	v16 =	vld.idx.msk [tilespmem:v1+s7+$0x0], $0xffff;
	_ =	sdelay $0x3  }
0x95: {  	v1 =	vimm.s32 $0x7  }
0x96: {  	s15 =	simm.s32 $0x0;
	s14 =	simm.s32 $0x0;
	v17 =	vmin.f32 v15, v16;
	v15 =	vmax.f32 v15, v16  }
0x97: {  	s16 =	sand.u32 $0x60, s15;
	s17 =	sand.u32 $0x600, s14;
	v15 =	vsel vm9, v17, v15  }
0x98: {  	s16 =	sor.u32 s16, s17;
	[tilespmem:$0x880] =	vst v15  }
0x99: {  	v16 =	vld [tilespmem:s16+$0x0]  }
0x9a: {  	v15 =	vld.idx.msk [tilespmem:v1+s7+$0x0], $0xffff;
	_ =	sdelay $0x2  }
0x9b: {  	v14 =	vadd.f32 v14, v14  }
0x9c: {  	v17 =	vadd.f32 $3.000000000e+00, v16  }
0x9d: {  	v15 =	vadd.f32 v15, v14  }
0x9e: {  	v17 =	vmax.f32 v17, $0.0e+00  }
0x9f: {  	vm13 =	vle.f32 v17, v15  }
0xa0: {  	v18 =	vsel vm13, $0x1, v0  }
0xa1: {  	[tilespmem:$0x900] =	vst v18  }
0xa2: {  	v19 =	vld.idx.msk [tilespmem:v7+s1+$0x0], $0xffff;
	_ =	sdelay $0x3  }
0xa3: {  	vm12 =	veq.s32 v47, $0x0  }
0xa4: {  	v19 =	vsel vm12, $0x0, v19  }
0xa5: {  	v18 =	vadd.s32 v18, v19  }
0xa6: {  	[tilespmem:$0x900] =	vst v18  }
0xa7: {  	v19 =	vld.idx.msk [tilespmem:v9+s1+$0x0], $0xffff;
	_ =	sdelay $0x4  }
0xa8: {  	v19 =	vsel vm10, $0x0, v19  }
0xa9: {  	v18 =	vadd.s32 v19, v18  }
0xaa: {  	[tilespmem:$0x900] =	vst v18  }
0xab: {  	v19 =	vld.idx.msk [tilespmem:v10+s1+$0x0], $0xffff;
	_ =	sdelay $0x4  }
0xac: {  	v19 =	vsel vm11, $0x0, v19  }
0xad: {  	v18 =	vadd.s32 v18, v19  }
0xae: {  	[tilespmem:$0x900] =	vst v18  }
0xaf: {  	v19 =	vld.idx.msk [tilespmem:v11+s1+$0x0], $0xffff;
	_ =	sdelay $0x4  }
0xb0: {  	v20 =	vimm.s32 $0x0;
	v21 =	vsel vm13, $0xFFFFFFFF, v0;
	v19 =	vsel vm7, $0x0, v19  }
0xb1: {  	v18 =	vadd.s32 v18, v19;
	v19 =	vadd.s32 v21, v20  }
0xb2: {  	v19 =	vadd.s32 v18, v19  }
0xb3: {  	vm14 =	vlt.s32 v19, $0x60  }
0xb4: {  	vm13 =	vmand vm13, vm14;
	_ =	sdelay $0x4  }
0xb5: {  	v16 =	vsub.f32 $3.000000000e+00, v16  }
0xb6: {  	[tilespmem:v19+s2+$0x0] =	vst.idx.msk vm13, v17  }
0xb7: {  	v16 =	vmax.f32 v16, $0.0e+00;
	v17 =	vor.u32 s15, v47;
	[tilespmem:v19+s3+$0x0] =	vst.idx.msk vm13, v46  }
0xb8: {  	vm14 =	vle.f32 v16, v15;
	[tilespmem:v19+s5+$0x0] =	vst.idx.msk vm13, v17  }
0xb9: {  	[tilespmem:$0x900] =	vst v18;
	v18 =	vsel vm14, $0x1, v0  }
0xba: {  	v19 =	vld.idx.msk [tilespmem:v12+s1+$0x0], $0xffff;
	[tilespmem:$0x900] =	vst v18  }
0xbb: {  	v21 =	vld.idx.msk [tilespmem:v7+s1+$0x0], $0xffff  }
0xbc: {  	s18 =	simm.s32 $0x10  }
0xbd: {  	s19 =	sand.u32 $0x70, s18  }
0xbe: {  	s16 =	sor.u32 s19, s17  }
0xbf: {  	v22 =	vld [tilespmem:s16+$0x0]  }
0xc0: {  	v21 =	vsel vm12, $0x0, v21  }
0xc1: {  	v18 =	vadd.s32 v18, v21  }
0xc2: {  	[tilespmem:$0x900] =	vst v18  }
0xc3: {  	v21 =	vld.idx.msk [tilespmem:v9+s1+$0x0], $0xffff  }
0xc4: {  	v23 =	vadd.f32 $3.000000000e+00, v22;
	_ =	sdelay $0x1  }
0xc5: {  	v23 =	vmax.f32 v23, $0.0e+00  }
0xc6: {  	vm13 =	vle.f32 v23, v15  }
0xc7: {  	v24 =	vsel vm13, $0x1, v0;
	v21 =	vsel vm10, $0x0, v21  }
0xc8: {  	[tilespmem:$0x900] =	vst v24;
	v18 =	vadd.s32 v18, v21  }
0xc9: {  	v21 =	vld.idx.msk [tilespmem:v7+s1+$0x0], $0xffff;
	[tilespmem:$0x900] =	vst v18  }
0xca: {  	v25 =	vld.idx.msk [tilespmem:v10+s1+$0x0], $0xffff;
	_ =	sdelay $0x3  }
0xcb: {  	v21 =	vsel vm12, $0x0, v21  }
0xcc: {  	v21 =	vadd.s32 v24, v21;
	v59 =	vsel vm11, $0x0, v25  }
0xcd: {  	[tilespmem:$0x900] =	vst v21;
	v18 =	vadd.s32 v18, v59  }
0xce: {  	v60 =	vld.idx.msk [tilespmem:v9+s1+$0x0], $0xffff;
	[tilespmem:$0x900] =	vst v18  }
0xcf: {  	v61 =	vld.idx.msk [tilespmem:v11+s1+$0x0], $0xffff;
	_ =	sdelay $0x3  }
0xd0: {  	v19 =	vadd.s32 v20, v19;
	v24 =	vsel vm10, $0x0, v60  }
0xd1: {  	v20 =	vsel vm14, $0xFFFFFFFF, v0;
	v21 =	vadd.s32 v24, v21;
	v62 =	vsel vm7, $0x0, v61  }
0xd2: {  	v20 =	vadd.s32 v20, v19;
	[tilespmem:$0x900] =	vst v21;
	v18 =	vadd.s32 v18, v62  }
0xd3: {  	v63 =	vld.idx.msk [tilespmem:v10+s1+$0x0], $0xffff;
	v20 =	vadd.s32 v18, v20  }
0xd4: {  	vm15 =	vlt.s32 v20, $0x60  }
0xd5: {  	vm14 =	vmand vm14, vm15;
	_ =	sdelay $0x2  }
0xd6: {  	v24 =	vsel vm11, $0x0, v63  }
0xd7: {  	v21 =	vadd.s32 v21, v24  }
0xd8: {  	[tilespmem:$0x900] =	vst v21  }
0xd9: {  	[tilespmem:v20+s2+$0x0] =	vst.idx.msk vm14, v16  }
0xda: {  	[tilespmem:v20+s3+$0x0] =	vst.idx.msk vm14, v13  }
0xdb: {  	[tilespmem:v20+s5+$0x0] =	vst.idx.msk vm14, v17  }
0xdc: {  	v16 =	vld.idx.msk [tilespmem:v11+s1+$0x0], $0xffff;
	[tilespmem:$0x900] =	vst v18  }
0xdd: {  	v17 =	vld.idx.msk [tilespmem:v12+s1+$0x0], $0xffff;
	_ =	sdelay $0x4  }
0xde: {  	v16 =	vsel vm7, $0x0, v16;
	v18 =	vadd.s32 v19, v17;
	v17 =	vsel vm13, $0xFFFFFFFF, v0  }
0xdf: {  	v19 =	vadd.s32 v21, v16;
	v16 =	vadd.s32 v17, v18  }
0xe0: {  	v20 =	vadd.s32 v19, v16  }
0xe1: {  	vm14 =	vlt.s32 v20, $0x60  }
0xe2: {  	vm13 =	vmand vm13, vm14;
	_ =	sdelay $0x4  }
0xe3: {  	v17 =	vsub.f32 $3.000000000e+00, v22  }
0xe4: {  	[tilespmem:v20+s2+$0x0] =	vst.idx.msk vm13, v23  }
0xe5: {  	v16 =	vor.u32 s18, v47;
	v17 =	vmax.f32 v17, $0.0e+00;
	[tilespmem:v20+s3+$0x0] =	vst.idx.msk vm13, v46  }
0xe6: {  	[tilespmem:v20+s5+$0x0] =	vst.idx.msk vm13, v16;
	vm13 =	vle.f32 v17, v15  }
0xe7: {  	[tilespmem:$0x900] =	vst v19;
	v20 =	vsel vm13, $0x1, v0  }
0xe8: {  	v19 =	vld.idx.msk [tilespmem:v12+s1+$0x0], $0xffff;
	[tilespmem:$0x900] =	vst v20  }
0xe9: {  	s16 =	simm.s32 $0x30;
	s15 =	simm.s32 $0x0;
	v21 =	vld.idx.msk [tilespmem:v7+s1+$0x0], $0xffff  }
.LBB2_4:
0xea: {  	s18 =	sadd.s32 $0xFFFFFFF0, s16;
	s14 =	sadd.s32 $0x80, s14  }
0xeb: {  	s19 =	sand.u32 $0x60, s18;
	s17 =	sand.u32 $0x600, s14  }
0xec: {  	s19 =	sor.u32 s19, s17  }
0xed: {  	v18 =	vadd.s32 v18, v19;
	v22 =	vld [tilespmem:s19+$0x0]  }
0xee: {  	v19 =	vsel vm12, $0x0, v21  }
0xef: {  	v19 =	vadd.s32 v20, v19  }
0xf0: {  	[tilespmem:$0x900] =	vst v19  }
0xf1: {  	v20 =	vld.idx.msk [tilespmem:v9+s1+$0x0], $0xffff  }
0xf2: {  	v21 =	vadd.f32 $3.000000000e+00, v22;
	_ =	sdelay $0x1  }
0xf3: {  	v21 =	vmax.f32 v21, $0.0e+00  }
0xf4: {  	vm14 =	vle.f32 v21, v15  }
0xf5: {  	v23 =	vsel vm14, $0x1, v0  }
0xf6: {  	v20 =	vsel vm10, $0x0, v20;
	[tilespmem:$0x900] =	vst v23  }
0xf7: {  	v19 =	vadd.s32 v19, v20;
	v24 =	vld.idx.msk [tilespmem:v7+s1+$0x0], $0xffff  }
0xf8: {  	[tilespmem:$0x900] =	vst v19  }
0xf9: {  	s15 =	sadd.s32 $0x2, s15;
	v20 =	vld.idx.msk [tilespmem:v10+s1+$0x0], $0xffff  }
0xfa: {  	p0 =	slt.u32 s15, $0x1E;
	_ =	sdelay $0x2  }
0xfb: {  	v24 =	vsel vm12, $0x0, v24  }
0xfc: {  	v23 =	vadd.s32 v23, v24  }
0xfd: {  	v20 =	vsel vm11, $0x0, v20;
	[tilespmem:$0x900] =	vst v23  }
0xfe: {  	v19 =	vadd.s32 v19, v20;
	v24 =	vld.idx.msk [tilespmem:v9+s1+$0x0], $0xffff  }
0xff: {  	[tilespmem:$0x900] =	vst v19  }
0x100: {  	v20 =	vld.idx.msk [tilespmem:v11+s1+$0x0], $0xffff;
	_ =	sdelay $0x3  }
0x101: {  	v24 =	vsel vm10, $0x0, v24  }
0x102: {  	v23 =	vadd.s32 v24, v23  }
0x103: {  	v24 =	vsel vm13, $0xFFFFFFFF, v0;
	v20 =	vsel vm7, $0x0, v20;
	[tilespmem:$0x900] =	vst v23  }
0x104: {  	v19 =	vadd.s32 v19, v20;
	v20 =	vadd.s32 v24, v18;
	v25 =	vld.idx.msk [tilespmem:v10+s1+$0x0], $0xffff  }
0x105: {  	v20 =	vadd.s32 v19, v20  }
0x106: {  	vm15 =	vlt.s32 v20, $0x60  }
0x107: {  	vm13 =	vmand vm13, vm15;
	_ =	sdelay $0x2  }
0x108: {  	v24 =	vsel vm11, $0x0, v25  }
0x109: {  	v23 =	vadd.s32 v23, v24  }
0x10a: {  	[tilespmem:$0x900] =	vst v23  }
0x10b: {  	[tilespmem:v20+s2+$0x0] =	vst.idx.msk vm13, v17  }
0x10c: {  	[tilespmem:v20+s3+$0x0] =	vst.idx.msk vm13, v13  }
0x10d: {  	[tilespmem:v20+s5+$0x0] =	vst.idx.msk vm13, v16  }
0x10e: {  	v16 =	vld.idx.msk [tilespmem:v11+s1+$0x0], $0xffff;
	[tilespmem:$0x900] =	vst v19  }
0x10f: {  	v17 =	vld.idx.msk [tilespmem:v12+s1+$0x0], $0xffff;
	_ =	sdelay $0x5  }
0x110: {  	v19 =	vsel vm14, $0xFFFFFFFF, v0;
	v16 =	vsel vm7, $0x0, v16;
	v17 =	vadd.s32 v18, v17  }
0x111: {  	v16 =	vadd.s32 v23, v16;
	v18 =	vadd.s32 v19, v17  }
0x112: {  	v18 =	vadd.s32 v16, v18  }
0x113: {  	vm13 =	vlt.s32 v18, $0x60  }
0x114: {  	vm13 =	vmand vm14, vm13;
	_ =	sdelay $0x4  }
0x115: {  	v19 =	vsub.f32 $3.000000000e+00, v22  }
0x116: {  	[tilespmem:v18+s2+$0x0] =	vst.idx.msk vm13, v21  }
0x117: {  	v20 =	vor.u32 s18, v47;
	v19 =	vmax.f32 v19, $0.0e+00;
	[tilespmem:v18+s3+$0x0] =	vst.idx.msk vm13, v46  }
0x118: {  	vm14 =	vle.f32 v19, v15;
	[tilespmem:v18+s5+$0x0] =	vst.idx.msk vm13, v20  }
0x119: {  	[tilespmem:$0x900] =	vst v16;
	v16 =	vsel vm14, $0x1, v0  }
0x11a: {  	v18 =	vld.idx.msk [tilespmem:v12+s1+$0x0], $0xffff;
	[tilespmem:$0x900] =	vst v16  }
0x11b: {  	v21 =	vld.idx.msk [tilespmem:v7+s1+$0x0], $0xffff;
	_ =	sdelay $0x2  }
0x11c: {  	s18 =	sand.u32 $0x70, s16  }
0x11d: {  	s17 =	sor.u32 s18, s17  }
0x11e: {  	v22 =	vld [tilespmem:s17+$0x0]  }
0x11f: {  	v21 =	vsel vm12, $0x0, v21  }
0x120: {  	v16 =	vadd.s32 v16, v21  }
0x121: {  	[tilespmem:$0x900] =	vst v16  }
0x122: {  	v21 =	vld.idx.msk [tilespmem:v9+s1+$0x0], $0xffff  }
0x123: {  	v23 =	vadd.f32 $3.000000000e+00, v22;
	_ =	sdelay $0x1  }
0x124: {  	v23 =	vmax.f32 v23, $0.0e+00  }
0x125: {  	vm13 =	vle.f32 v23, v15  }
0x126: {  	v24 =	vsel vm13, $0x1, v0  }
0x127: {  	v21 =	vsel vm10, $0x0, v21;
	[tilespmem:$0x900] =	vst v24  }
0x128: {  	v16 =	vadd.s32 v16, v21;
	v21 =	vld.idx.msk [tilespmem:v7+s1+$0x0], $0xffff  }
0x129: {  	[tilespmem:$0x900] =	vst v16  }
0x12a: {  	v25 =	vld.idx.msk [tilespmem:v10+s1+$0x0], $0xffff;
	_ =	sdelay $0x3  }
0x12b: {  	v21 =	vsel vm12, $0x0, v21  }
0x12c: {  	v21 =	vadd.s32 v24, v21  }
0x12d: {  	v24 =	vsel vm11, $0x0, v25;
	[tilespmem:$0x900] =	vst v21  }
0x12e: {  	v16 =	vadd.s32 v16, v24;
	v24 =	vld.idx.msk [tilespmem:v9+s1+$0x0], $0xffff  }
0x12f: {  	[tilespmem:$0x900] =	vst v16  }
0x130: {  	v25 =	vld.idx.msk [tilespmem:v11+s1+$0x0], $0xffff;
	_ =	sdelay $0x3  }
0x131: {  	v24 =	vsel vm10, $0x0, v24  }
0x132: {  	v21 =	vadd.s32 v24, v21  }
0x133: {  	v17 =	vadd.s32 v17, v18;
	v18 =	vsel vm14, $0xFFFFFFFF, v0;
	v24 =	vsel vm7, $0x0, v25;
	[tilespmem:$0x900] =	vst v21  }
0x134: {  	v18 =	vadd.s32 v18, v17;
	v16 =	vadd.s32 v16, v24;
	v24 =	vld.idx.msk [tilespmem:v10+s1+$0x0], $0xffff  }
0x135: {  	v18 =	vadd.s32 v16, v18  }
0x136: {  	vm15 =	vlt.s32 v18, $0x60  }
0x137: {  	vm14 =	vmand vm14, vm15;
	_ =	sdelay $0x2  }
0x138: {  	v24 =	vsel vm11, $0x0, v24  }
0x139: {  	v21 =	vadd.s32 v21, v24  }
0x13a: {  	[tilespmem:$0x900] =	vst v21  }
0x13b: {  	[tilespmem:v18+s2+$0x0] =	vst.idx.msk vm14, v19  }
0x13c: {  	[tilespmem:v18+s3+$0x0] =	vst.idx.msk vm14, v13  }
0x13d: {  	[tilespmem:v18+s5+$0x0] =	vst.idx.msk vm14, v20  }
0x13e: {  	[tilespmem:$0x900] =	vst v16;
	v16 =	vld.idx.msk [tilespmem:v11+s1+$0x0], $0xffff  }
0x13f: {  	v18 =	vld.idx.msk [tilespmem:v12+s1+$0x0], $0xffff;
	_ =	sdelay $0x5  }
0x140: {  	v16 =	vsel vm7, $0x0, v16;
	v18 =	vadd.s32 v17, v18;
	v17 =	vsel vm13, $0xFFFFFFFF, v0  }
0x141: {  	v19 =	vadd.s32 v21, v16;
	v16 =	vadd.s32 v17, v18  }
0x142: {  	v20 =	vadd.s32 v19, v16  }
0x143: {  	vm14 =	vlt.s32 v20, $0x60  }
0x144: {  	vm13 =	vmand vm13, vm14;
	_ =	sdelay $0x4  }
0x145: {  	v17 =	vsub.f32 $3.000000000e+00, v22  }
0x146: {  	[tilespmem:v20+s2+$0x0] =	vst.idx.msk vm13, v23  }
0x147: {  	v16 =	vor.u32 s16, v47;
	v17 =	vmax.f32 v17, $0.0e+00;
	[tilespmem:v20+s3+$0x0] =	vst.idx.msk vm13, v46  }
.Ltmp3:
0x148: {  	[tilespmem:v20+s5+$0x0] =	vst.idx.msk vm13, v16;
	vm13 =	vle.f32 v17, v15;
	(pc) =	sbr.rel @p0 .LBB2_4-.Ltmp3, $4  }
0x149: {  	[tilespmem:$0x900] =	vst v19;
	v20 =	vsel vm13, $0x1, v0  }
0x14a: {  	v19 =	vld.idx.msk [tilespmem:v12+s1+$0x0], $0xffff;
	[tilespmem:$0x900] =	vst v20  }
0x14b: {  	v21 =	vld.idx.msk [tilespmem:v7+s1+$0x0], $0xffff  }
0x14c: {  	s16 =	sadd.s32 $0x20, s16  }
0x14d: {  	_ =	sdelay $0x2  }
0x14e: {  	v15 =	vsel vm12, $0x0, v21  }
0x14f: {  	v15 =	vadd.s32 v20, v15  }
0x150: {  	[tilespmem:$0x900] =	vst v15  }
0x151: {  	v20 =	vld.idx.msk [tilespmem:v9+s1+$0x0], $0xffff;
	_ =	sdelay $0x4  }
0x152: {  	v20 =	vsel vm10, $0x0, v20  }
0x153: {  	v15 =	vadd.s32 v15, v20  }
0x154: {  	[tilespmem:$0x900] =	vst v15  }
0x155: {  	v20 =	vld.idx.msk [tilespmem:v10+s1+$0x0], $0xffff;
	_ =	sdelay $0x4  }
0x156: {  	v20 =	vsel vm11, $0x0, v20  }
0x157: {  	v15 =	vadd.s32 v15, v20  }
0x158: {  	[tilespmem:$0x900] =	vst v15  }
0x159: {  	v20 =	vld.idx.msk [tilespmem:v11+s1+$0x0], $0xffff;
	_ =	sdelay $0x4  }
0x15a: {  	v18 =	vadd.s32 v18, v19;
	v19 =	vsel vm13, $0xFFFFFFFF, v0;
	v20 =	vsel vm7, $0x0, v20  }
0x15b: {  	v19 =	vadd.s32 v19, v18;
	v15 =	vadd.s32 v15, v20  }
0x15c: {  	v19 =	vadd.s32 v15, v19  }
0x15d: {  	vm12 =	vlt.s32 v19, $0x60  }
0x15e: {  	vm12 =	vmand vm13, vm12;
	_ =	sdelay $0x5  }
0x15f: {  	[tilespmem:v19+s2+$0x0] =	vst.idx.msk vm12, v17  }
0x160: {  	[tilespmem:v19+s3+$0x0] =	vst.idx.msk vm12, v13  }
0x161: {  	[tilespmem:v19+s5+$0x0] =	vst.idx.msk vm12, v16  }
0x162: {  	[tilespmem:$0x900] =	vst v15  }
0x163: {  	v15 =	vld.idx.msk [tilespmem:v12+s1+$0x0], $0xffff;
	_ =	sdelay $0x4  }
0x164: {  	v15 =	vadd.s32 v18, v15  }
0x165: {  	vm12 =	vlt.s32 v15, $0x60  }
0x166: {  	v15 =	vnsel vm12, $0x60, v15  }
0x167: {  	s14 =	rddreg [dreg:$0xa];
	[tilespmem:$0x900] =	vst v15  }
0x168: {  	[spmem:s14] =	stream.linear.scatter [tilespmem:s2], [sflag:$0x3], $0x60, $0x38;
	[tilespmem:$0xDBC0] =	vst v63  }
0x169: {  	_ =	swait.ge [sflag:s0], $0x60  }
0x16a: {  	[sflag:s0] =	ssyncset.done $0x0  }
0x16b: {  	s19 =	rddreg [dreg:$0xb];
	[sflag:s0] =	ssyncadd.s32 $0xFFFFFFA0  }
0x16c: {  	[spmem:s19] =	stream.linear.scatter [tilespmem:s3], [sflag:$0x3], $0x60, $0x38;
	[tilespmem:$0xDBC0] =	vst v63  }
0x16d: {  	_ =	swait.ge [sflag:s0], $0x60  }
0x16e: {  	[sflag:s0] =	ssyncset.done $0x0  }
0x16f: {  	s15 =	rddreg [dreg:$0xc];
	[sflag:s0] =	ssyncadd.s32 $0xFFFFFFA0  }
0x170: {  	[spmem:s15] =	stream.linear.scatter [tilespmem:s5], [sflag:$0x3], $0x60, $0x38;
	[tilespmem:$0xDBC0] =	vst v63  }
0x171: {  	_ =	swait.ge [sflag:s0], $0x60  }
0x172: {  	[sflag:s0] =	ssyncset.done $0x0  }
0x173: {  	s16 =	rddreg [dreg:$0xd];
	[sflag:s0] =	ssyncadd.s32 $0xFFFFFFA0  }
0x174: {  	[spmem:s16] =	stream.linear.scatter [tilespmem:s1], [sflag:$0x3], $0x10, $0x38;
	[tilespmem:$0xDBC0] =	vst v63  }
0x175: {  	_ =	swait.ge [sflag:s0], $0x10  }
0x176: {  	[sflag:s0] =	ssyncset.done $0x0  }
0x177: {  	[sflag:s0] =	ssyncadd.s32 $0xFFFFFFF0  }
0x178: {  	v15 =	vimm.f32 $1.000000020e+30;
	[tilespmem:$0xA80] =	vst v0  }
0x179: {  	[tilespmem:$0x980] =	vst v15  }
0x17a: {  	[tilespmem:$0xA00] =	vst v46  }
0x17b: {  	[tilespmem:$0xA90] =	vst v0  }
0x17c: {  	[tilespmem:$0x990] =	vst v15  }
0x17d: {  	[tilespmem:$0xA10] =	vst v46  }
0x17e: {  	[tilespmem:$0xAA0] =	vst v0  }
0x17f: {  	[tilespmem:$0x9A0] =	vst v15  }
0x180: {  	[tilespmem:$0xA20] =	vst v46  }
0x181: {  	[tilespmem:$0xAB0] =	vst v0  }
0x182: {  	[tilespmem:$0x9B0] =	vst v15  }
0x183: {  	[tilespmem:$0xA30] =	vst v46  }
0x184: {  	[tilespmem:$0xAC0] =	vst v0  }
0x185: {  	[tilespmem:$0x9C0] =	vst v15  }
0x186: {  	[tilespmem:$0xA40] =	vst v46  }
0x187: {  	s17 =	simm.s32 $0x0;
	[tilespmem:$0xAD0] =	vst v0  }
0x188: {  	s14 =	sand.u32 $0x600, s17;
	s15 =	sand.u32 $0x60, s17;
	[tilespmem:$0x9D0] =	vst v15  }
0x189: {  	s14 =	sor.u32 s15, s14;
	[tilespmem:$0xA50] =	vst v46  }
0x18a: {  	v16 =	vld [tilespmem:s14+$0x80];
	_ =	sdelay $0x2  }
0x18b: {  	v17 =	vld [tilespmem:s14+$0x90];
	_ =	sdelay $0x1  }
0x18c: {  	s18 =	simm.s32 $0x80;
	s19 =	simm.s32 $0x20;
	v18 =	vadd.f32 $3.000000000e+00, v16  }
0x18d: {  	s15 =	sand.u32 $0x60, s19;
	s14 =	sand.u32 $0x600, s18;
	v16 =	vsub.f32 $3.000000000e+00, v16  }
0x18e: {  	s17 =	sor.u32 s15, s14;
	v18 =	vmax.f32 v18, $0.0e+00  }
0x18f: {  	v19 =	vadd.f32 $3.000000000e+00, v17;
	v15 =	vmin.f32 v15, v18;
	v18 =	vmax.f32 v16, $0.0e+00;
	v16 =	vld [tilespmem:s17+$0x80]  }
0x190: {  	v20 =	vsub.f32 $3.000000000e+00, v17  }
0x191: {  	s14 =	simm.s32 $0x100;
	s15 =	simm.s32 $0x40;
	v17 =	vmin.f32 v15, v18;
	v18 =	vmax.f32 v19, $0.0e+00;
	v15 =	vld [tilespmem:s17+$0x90]  }
0x192: {  	s16 =	simm.s32 $0x4;
	s18 =	sand.u32 $0x600, s14;
	s17 =	sand.u32 $0x60, s15;
	v17 =	vmin.f32 v17, v18;
	v18 =	vmax.f32 v20, $0.0e+00  }
.LBB2_6:
0x193: {  	s16 =	sadd.s32 $0x2, s16  }
0x194: {  	s17 =	sor.u32 s17, s18;
	v19 =	vadd.f32 $3.000000000e+00, v16;
	v17 =	vmin.f32 v17, v18;
	p0 =	slt.u32 s16, $0x1E  }
.Ltmp4:
0x195: {  	v18 =	vsub.f32 $3.000000000e+00, v16;
	v16 =	vld [tilespmem:s17+$0x80];
	(pc) =	sbr.rel @p0 .LBB2_6-.Ltmp4, $4  }
0x196: {  	v19 =	vmax.f32 v19, $0.0e+00;
	v20 =	vadd.f32 $3.000000000e+00, v15  }
0x197: {  	v18 =	vmax.f32 v18, $0.0e+00;
	v17 =	vmin.f32 v17, v19;
	v19 =	vsub.f32 $3.000000000e+00, v15;
	v15 =	vld [tilespmem:s17+$0x90]  }
0x198: {  	s14 =	sadd.s32 $0x80, s14;
	s15 =	sadd.s32 $0x20, s15;
	v17 =	vmin.f32 v17, v18;
	v18 =	vmax.f32 v20, $0.0e+00  }
0x199: {  	s18 =	sand.u32 $0x600, s14;
	s17 =	sand.u32 $0x60, s15;
	v17 =	vmin.f32 v17, v18;
	v18 =	vmax.f32 v19, $0.0e+00  }
0x19a: {  	s14 =	sor.u32 s17, s18  }
0x19b: {  	v19 =	vld [tilespmem:s14+$0x80]  }
0x19c: {  	v20 =	vadd.f32 $3.000000000e+00, v16  }
0x19d: {  	v16 =	vsub.f32 $3.000000000e+00, v16;
	v21 =	vld [tilespmem:s14+$0x90]  }
0x19e: {  	v17 =	vmin.f32 v17, v18;
	v18 =	vmax.f32 v20, $0.0e+00;
	v20 =	vadd.f32 $3.000000000e+00, v15  }
0x19f: {  	v16 =	vmax.f32 v16, $0.0e+00;
	v15 =	vsub.f32 $3.000000000e+00, v15;
	v17 =	vmin.f32 v17, v18  }
0x1a0: {  	v1 =	vld [tilespmem:$0x1FFC0];
	v16 =	vmin.f32 v17, v16;
	v17 =	vmax.f32 v20, $0.0e+00;
	v18 =	vadd.f32 $3.000000000e+00, v19  }
0x1a1: {  	v15 =	vmax.f32 v15, $0.0e+00;
	v16 =	vmin.f32 v16, v17;
	v17 =	vsub.f32 $3.000000000e+00, v19  }
0x1a2: {  	v15 =	vmin.f32 v16, v15;
	v16 =	vmax.f32 v18, $0.0e+00;
	v18 =	vadd.f32 $3.000000000e+00, v21  }
0x1a3: {  	v15 =	vmin.f32 v15, v16;
	v16 =	vmax.f32 v17, $0.0e+00;
	v17 =	vsub.f32 $3.000000000e+00, v21  }
0x1a4: {  	v15 =	vmin.f32 v15, v16;
	v16 =	vmax.f32 v18, $0.0e+00  }
0x1a5: {  	v15 =	vmin.f32 v15, v16;
	v16 =	vmax.f32 v17, $0.0e+00  }
0x1a6: {  	v15 =	vmin.f32 v15, v16  }
0x1a7: {  	v2 =	vld [tilespmem:$0x1FFD0];
	[tilespmem:$0x880] =	vst v15  }
0x1a8: {  	v16 =	vld.idx.msk [tilespmem:v1+s7+$0x0], $0xffff;
	_ =	sdelay $0x4  }
0x1a9: {  	v17 =	vmin.f32 v15, v16;
	v15 =	vmax.f32 v15, v16  }
0x1aa: {  	v15 =	vsel vm0, v17, v15  }
0x1ab: {  	[tilespmem:$0x880] =	vst v15  }
0x1ac: {  	v16 =	vld.idx.msk [tilespmem:v2+s7+$0x0], $0xffff;
	_ =	sdelay $0x4  }
0x1ad: {  	v17 =	vmin.f32 v15, v16;
	v15 =	vmax.f32 v15, v16  }
0x1ae: {  	v15 =	vsel vm1, v17, v15  }
0x1af: {  	v3 =	vld [tilespmem:$0x1FFE0];
	[tilespmem:$0x880] =	vst v15  }
0x1b0: {  	v16 =	vld.idx.msk [tilespmem:v1+s7+$0x0], $0xffff;
	_ =	sdelay $0x4  }
0x1b1: {  	v17 =	vmin.f32 v15, v16;
	v15 =	vmax.f32 v15, v16  }
0x1b2: {  	v15 =	vsel vm2, v17, v15  }
0x1b3: {  	[tilespmem:$0x880] =	vst v15  }
0x1b4: {  	v16 =	vld.idx.msk [tilespmem:v3+s7+$0x0], $0xffff;
	_ =	sdelay $0x4  }
0x1b5: {  	v17 =	vmin.f32 v15, v16;
	v15 =	vmax.f32 v15, v16  }
0x1b6: {  	v15 =	vsel vm3, v17, v15  }
0x1b7: {  	[tilespmem:$0x880] =	vst v15  }
0x1b8: {  	v16 =	vld.idx.msk [tilespmem:v2+s7+$0x0], $0xffff;
	_ =	sdelay $0x4  }
0x1b9: {  	v17 =	vmin.f32 v15, v16;
	v15 =	vmax.f32 v15, v16  }
0x1ba: {  	v15 =	vsel vm4, v17, v15  }
0x1bb: {  	v4 =	vld [tilespmem:$0x1FFF0];
	[tilespmem:$0x880] =	vst v15  }
0x1bc: {  	v16 =	vld.idx.msk [tilespmem:v1+s7+$0x0], $0xffff;
	_ =	sdelay $0x4  }
0x1bd: {  	v17 =	vmin.f32 v15, v16;
	v15 =	vmax.f32 v15, v16  }
0x1be: {  	v15 =	vsel vm5, v17, v15  }
0x1bf: {  	[tilespmem:$0x880] =	vst v15  }
0x1c0: {  	v16 =	vld.idx.msk [tilespmem:v4+s7+$0x0], $0xffff;
	_ =	sdelay $0x4  }
0x1c1: {  	v17 =	vmin.f32 v15, v16;
	v15 =	vmax.f32 v15, v16  }
0x1c2: {  	v15 =	vsel vm7, v17, v15  }
0x1c3: {  	[tilespmem:$0x880] =	vst v15  }
0x1c4: {  	v16 =	vld.idx.msk [tilespmem:v3+s7+$0x0], $0xffff;
	_ =	sdelay $0x4  }
0x1c5: {  	v17 =	vmin.f32 v15, v16;
	v15 =	vmax.f32 v15, v16  }
0x1c6: {  	v15 =	vsel vm6, v17, v15  }
0x1c7: {  	[tilespmem:$0x880] =	vst v15  }
0x1c8: {  	v16 =	vld.idx.msk [tilespmem:v2+s7+$0x0], $0xffff;
	_ =	sdelay $0x4  }
0x1c9: {  	v17 =	vmin.f32 v15, v16;
	v15 =	vmax.f32 v15, v16  }
0x1ca: {  	v15 =	vsel vm8, v17, v15  }
0x1cb: {  	[tilespmem:$0x880] =	vst v15  }
0x1cc: {  	v16 =	vld.idx.msk [tilespmem:v1+s7+$0x0], $0xffff;
	_ =	sdelay $0x3  }
0x1cd: {  	v1 =	vimm.s32 $0x7  }
0x1ce: {  	s15 =	simm.s32 $0x0;
	s14 =	simm.s32 $0x0;
	v17 =	vmin.f32 v15, v16;
	v15 =	vmax.f32 v15, v16  }
0x1cf: {  	s16 =	sand.u32 $0x60, s15;
	s17 =	sand.u32 $0x600, s14;
	v15 =	vsel vm9, v17, v15  }
0x1d0: {  	s16 =	sor.u32 s16, s17;
	[tilespmem:$0x880] =	vst v15  }
0x1d1: {  	v16 =	vld [tilespmem:s16+$0x80]  }
0x1d2: {  	v15 =	vld.idx.msk [tilespmem:v1+s7+$0x0], $0xffff;
	_ =	sdelay $0x3  }
0x1d3: {  	v17 =	vadd.f32 $3.000000000e+00, v16  }
0x1d4: {  	v15 =	vadd.f32 v15, v14  }
0x1d5: {  	v17 =	vmax.f32 v17, $0.0e+00  }
0x1d6: {  	vm13 =	vle.f32 v17, v15  }
0x1d7: {  	v18 =	vsel vm13, $0x1, v0  }
0x1d8: {  	[tilespmem:$0x900] =	vst v18  }
0x1d9: {  	v19 =	vld.idx.msk [tilespmem:v7+s1+$0x0], $0xffff;
	_ =	sdelay $0x3  }
0x1da: {  	vm12 =	veq.s32 v47, $0x0  }
0x1db: {  	v19 =	vsel vm12, $0x0, v19  }
0x1dc: {  	v18 =	vadd.s32 v18, v19  }
0x1dd: {  	[tilespmem:$0x900] =	vst v18  }
0x1de: {  	v19 =	vld.idx.msk [tilespmem:v9+s1+$0x0], $0xffff;
	_ =	sdelay $0x4  }
0x1df: {  	v19 =	vsel vm10, $0x0, v19  }
0x1e0: {  	v18 =	vadd.s32 v19, v18  }
0x1e1: {  	[tilespmem:$0x900] =	vst v18  }
0x1e2: {  	v19 =	vld.idx.msk [tilespmem:v10+s1+$0x0], $0xffff;
	_ =	sdelay $0x4  }
0x1e3: {  	v19 =	vsel vm11, $0x0, v19  }
0x1e4: {  	v18 =	vadd.s32 v18, v19  }
0x1e5: {  	[tilespmem:$0x900] =	vst v18  }
0x1e6: {  	v19 =	vld.idx.msk [tilespmem:v11+s1+$0x0], $0xffff;
	_ =	sdelay $0x4  }
0x1e7: {  	v20 =	vimm.s32 $0x0;
	v21 =	vsel vm13, $0xFFFFFFFF, v0;
	v19 =	vsel vm7, $0x0, v19  }
0x1e8: {  	v18 =	vadd.s32 v18, v19;
	v19 =	vadd.s32 v21, v20  }
0x1e9: {  	v19 =	vadd.s32 v18, v19  }
0x1ea: {  	vm14 =	vlt.s32 v19, $0x60  }
0x1eb: {  	vm13 =	vmand vm13, vm14;
	_ =	sdelay $0x4  }
0x1ec: {  	v16 =	vsub.f32 $3.000000000e+00, v16  }
0x1ed: {  	[tilespmem:v19+s2+$0x0] =	vst.idx.msk vm13, v17  }
0x1ee: {  	v16 =	vmax.f32 v16, $0.0e+00;
	v17 =	vor.u32 s15, v47;
	[tilespmem:v19+s3+$0x0] =	vst.idx.msk vm13, v46  }
0x1ef: {  	vm14 =	vle.f32 v16, v15;
	[tilespmem:v19+s5+$0x0] =	vst.idx.msk vm13, v17  }
0x1f0: {  	[tilespmem:$0x900] =	vst v18;
	v18 =	vsel vm14, $0x1, v0  }
0x1f1: {  	v19 =	vld.idx.msk [tilespmem:v12+s1+$0x0], $0xffff;
	[tilespmem:$0x900] =	vst v18  }
0x1f2: {  	v21 =	vld.idx.msk [tilespmem:v7+s1+$0x0], $0xffff  }
0x1f3: {  	s18 =	simm.s32 $0x10  }
0x1f4: {  	s19 =	sand.u32 $0x70, s18  }
0x1f5: {  	s16 =	sor.u32 s19, s17  }
0x1f6: {  	v22 =	vld [tilespmem:s16+$0x80]  }
0x1f7: {  	v21 =	vsel vm12, $0x0, v21  }
0x1f8: {  	v18 =	vadd.s32 v18, v21  }
0x1f9: {  	[tilespmem:$0x900] =	vst v18  }
0x1fa: {  	v21 =	vld.idx.msk [tilespmem:v9+s1+$0x0], $0xffff  }
0x1fb: {  	v23 =	vadd.f32 $3.000000000e+00, v22;
	_ =	sdelay $0x1  }
0x1fc: {  	v23 =	vmax.f32 v23, $0.0e+00  }
0x1fd: {  	vm13 =	vle.f32 v23, v15  }
0x1fe: {  	v24 =	vsel vm13, $0x1, v0;
	v21 =	vsel vm10, $0x0, v21  }
0x1ff: {  	[tilespmem:$0x900] =	vst v24;
	v18 =	vadd.s32 v18, v21  }
0x200: {  	v21 =	vld.idx.msk [tilespmem:v7+s1+$0x0], $0xffff;
	[tilespmem:$0x900] =	vst v18  }
0x201: {  	v25 =	vld.idx.msk [tilespmem:v10+s1+$0x0], $0xffff;
	_ =	sdelay $0x3  }
0x202: {  	v21 =	vsel vm12, $0x0, v21  }
0x203: {  	v21 =	vadd.s32 v24, v21;
	v59 =	vsel vm11, $0x0, v25  }
0x204: {  	[tilespmem:$0x900] =	vst v21;
	v18 =	vadd.s32 v18, v59  }
0x205: {  	v60 =	vld.idx.msk [tilespmem:v9+s1+$0x0], $0xffff;
	[tilespmem:$0x900] =	vst v18  }
0x206: {  	v61 =	vld.idx.msk [tilespmem:v11+s1+$0x0], $0xffff;
	_ =	sdelay $0x3  }
0x207: {  	v19 =	vadd.s32 v20, v19;
	v24 =	vsel vm10, $0x0, v60  }
0x208: {  	v20 =	vsel vm14, $0xFFFFFFFF, v0;
	v21 =	vadd.s32 v24, v21;
	v62 =	vsel vm7, $0x0, v61  }
0x209: {  	v20 =	vadd.s32 v20, v19;
	[tilespmem:$0x900] =	vst v21;
	v18 =	vadd.s32 v18, v62  }
0x20a: {  	v63 =	vld.idx.msk [tilespmem:v10+s1+$0x0], $0xffff;
	v20 =	vadd.s32 v18, v20  }
0x20b: {  	vm15 =	vlt.s32 v20, $0x60  }
0x20c: {  	vm14 =	vmand vm14, vm15;
	_ =	sdelay $0x2  }
0x20d: {  	v24 =	vsel vm11, $0x0, v63  }
0x20e: {  	v21 =	vadd.s32 v21, v24  }
0x20f: {  	[tilespmem:$0x900] =	vst v21  }
0x210: {  	[tilespmem:v20+s2+$0x0] =	vst.idx.msk vm14, v16  }
0x211: {  	[tilespmem:v20+s3+$0x0] =	vst.idx.msk vm14, v13  }
0x212: {  	[tilespmem:v20+s5+$0x0] =	vst.idx.msk vm14, v17  }
0x213: {  	v16 =	vld.idx.msk [tilespmem:v11+s1+$0x0], $0xffff;
	[tilespmem:$0x900] =	vst v18  }
0x214: {  	v17 =	vld.idx.msk [tilespmem:v12+s1+$0x0], $0xffff;
	_ =	sdelay $0x4  }
0x215: {  	v16 =	vsel vm7, $0x0, v16;
	v18 =	vadd.s32 v19, v17;
	v17 =	vsel vm13, $0xFFFFFFFF, v0  }
0x216: {  	v19 =	vadd.s32 v21, v16;
	v16 =	vadd.s32 v17, v18  }
0x217: {  	v20 =	vadd.s32 v19, v16  }
0x218: {  	vm14 =	vlt.s32 v20, $0x60  }
0x219: {  	vm13 =	vmand vm13, vm14;
	_ =	sdelay $0x4  }
0x21a: {  	v17 =	vsub.f32 $3.000000000e+00, v22  }
0x21b: {  	[tilespmem:v20+s2+$0x0] =	vst.idx.msk vm13, v23  }
0x21c: {  	v16 =	vor.u32 s18, v47;
	v17 =	vmax.f32 v17, $0.0e+00;
	[tilespmem:v20+s3+$0x0] =	vst.idx.msk vm13, v46  }
0x21d: {  	[tilespmem:v20+s5+$0x0] =	vst.idx.msk vm13, v16;
	vm13 =	vle.f32 v17, v15  }
0x21e: {  	[tilespmem:$0x900] =	vst v19;
	v20 =	vsel vm13, $0x1, v0  }
0x21f: {  	v19 =	vld.idx.msk [tilespmem:v12+s1+$0x0], $0xffff;
	[tilespmem:$0x900] =	vst v20  }
0x220: {  	s16 =	simm.s32 $0x30;
	s15 =	simm.s32 $0x0;
	v21 =	vld.idx.msk [tilespmem:v7+s1+$0x0], $0xffff  }
.LBB2_8:
0x221: {  	s18 =	sadd.s32 $0xFFFFFFF0, s16;
	s14 =	sadd.s32 $0x80, s14  }
0x222: {  	s19 =	sand.u32 $0x60, s18;
	s17 =	sand.u32 $0x600, s14  }
0x223: {  	s19 =	sor.u32 s19, s17  }
0x224: {  	v18 =	vadd.s32 v18, v19;
	v22 =	vld [tilespmem:s19+$0x80]  }
0x225: {  	v19 =	vsel vm12, $0x0, v21  }
0x226: {  	v19 =	vadd.s32 v20, v19  }
0x227: {  	[tilespmem:$0x900] =	vst v19  }
0x228: {  	v20 =	vld.idx.msk [tilespmem:v9+s1+$0x0], $0xffff  }
0x229: {  	v21 =	vadd.f32 $3.000000000e+00, v22;
	_ =	sdelay $0x1  }
0x22a: {  	v21 =	vmax.f32 v21, $0.0e+00  }
0x22b: {  	vm14 =	vle.f32 v21, v15  }
0x22c: {  	v23 =	vsel vm14, $0x1, v0  }
0x22d: {  	v20 =	vsel vm10, $0x0, v20;
	[tilespmem:$0x900] =	vst v23  }
0x22e: {  	v19 =	vadd.s32 v19, v20;
	v24 =	vld.idx.msk [tilespmem:v7+s1+$0x0], $0xffff  }
0x22f: {  	[tilespmem:$0x900] =	vst v19  }
0x230: {  	s15 =	sadd.s32 $0x2, s15;
	v20 =	vld.idx.msk [tilespmem:v10+s1+$0x0], $0xffff  }
0x231: {  	p0 =	slt.u32 s15, $0x1E;
	_ =	sdelay $0x2  }
0x232: {  	v24 =	vsel vm12, $0x0, v24  }
0x233: {  	v23 =	vadd.s32 v23, v24  }
0x234: {  	v20 =	vsel vm11, $0x0, v20;
	[tilespmem:$0x900] =	vst v23  }
0x235: {  	v19 =	vadd.s32 v19, v20;
	v24 =	vld.idx.msk [tilespmem:v9+s1+$0x0], $0xffff  }
0x236: {  	[tilespmem:$0x900] =	vst v19  }
0x237: {  	v20 =	vld.idx.msk [tilespmem:v11+s1+$0x0], $0xffff;
	_ =	sdelay $0x3  }
0x238: {  	v24 =	vsel vm10, $0x0, v24  }
0x239: {  	v23 =	vadd.s32 v24, v23  }
0x23a: {  	v24 =	vsel vm13, $0xFFFFFFFF, v0;
	v20 =	vsel vm7, $0x0, v20;
	[tilespmem:$0x900] =	vst v23  }
0x23b: {  	v19 =	vadd.s32 v19, v20;
	v20 =	vadd.s32 v24, v18;
	v25 =	vld.idx.msk [tilespmem:v10+s1+$0x0], $0xffff  }
0x23c: {  	v20 =	vadd.s32 v19, v20  }
0x23d: {  	vm15 =	vlt.s32 v20, $0x60  }
0x23e: {  	vm13 =	vmand vm13, vm15;
	_ =	sdelay $0x2  }
0x23f: {  	v24 =	vsel vm11, $0x0, v25  }
0x240: {  	v23 =	vadd.s32 v23, v24  }
0x241: {  	[tilespmem:$0x900] =	vst v23  }
0x242: {  	[tilespmem:v20+s2+$0x0] =	vst.idx.msk vm13, v17  }
0x243: {  	[tilespmem:v20+s3+$0x0] =	vst.idx.msk vm13, v13  }
0x244: {  	[tilespmem:v20+s5+$0x0] =	vst.idx.msk vm13, v16  }
0x245: {  	v16 =	vld.idx.msk [tilespmem:v11+s1+$0x0], $0xffff;
	[tilespmem:$0x900] =	vst v19  }
0x246: {  	v17 =	vld.idx.msk [tilespmem:v12+s1+$0x0], $0xffff;
	_ =	sdelay $0x5  }
0x247: {  	v19 =	vsel vm14, $0xFFFFFFFF, v0;
	v16 =	vsel vm7, $0x0, v16;
	v17 =	vadd.s32 v18, v17  }
0x248: {  	v16 =	vadd.s32 v23, v16;
	v18 =	vadd.s32 v19, v17  }
0x249: {  	v18 =	vadd.s32 v16, v18  }
0x24a: {  	vm13 =	vlt.s32 v18, $0x60  }
0x24b: {  	vm13 =	vmand vm14, vm13;
	_ =	sdelay $0x4  }
0x24c: {  	v19 =	vsub.f32 $3.000000000e+00, v22  }
0x24d: {  	[tilespmem:v18+s2+$0x0] =	vst.idx.msk vm13, v21  }
0x24e: {  	v20 =	vor.u32 s18, v47;
	v19 =	vmax.f32 v19, $0.0e+00;
	[tilespmem:v18+s3+$0x0] =	vst.idx.msk vm13, v46  }
0x24f: {  	vm14 =	vle.f32 v19, v15;
	[tilespmem:v18+s5+$0x0] =	vst.idx.msk vm13, v20  }
0x250: {  	[tilespmem:$0x900] =	vst v16;
	v16 =	vsel vm14, $0x1, v0  }
0x251: {  	v18 =	vld.idx.msk [tilespmem:v12+s1+$0x0], $0xffff;
	[tilespmem:$0x900] =	vst v16  }
0x252: {  	v21 =	vld.idx.msk [tilespmem:v7+s1+$0x0], $0xffff;
	_ =	sdelay $0x2  }
0x253: {  	s18 =	sand.u32 $0x70, s16  }
0x254: {  	s17 =	sor.u32 s18, s17  }
0x255: {  	v22 =	vld [tilespmem:s17+$0x80]  }
0x256: {  	v21 =	vsel vm12, $0x0, v21  }
0x257: {  	v16 =	vadd.s32 v16, v21  }
0x258: {  	[tilespmem:$0x900] =	vst v16  }
0x259: {  	v21 =	vld.idx.msk [tilespmem:v9+s1+$0x0], $0xffff  }
0x25a: {  	v23 =	vadd.f32 $3.000000000e+00, v22;
	_ =	sdelay $0x1  }
0x25b: {  	v23 =	vmax.f32 v23, $0.0e+00  }
0x25c: {  	vm13 =	vle.f32 v23, v15  }
0x25d: {  	v24 =	vsel vm13, $0x1, v0  }
0x25e: {  	v21 =	vsel vm10, $0x0, v21;
	[tilespmem:$0x900] =	vst v24  }
0x25f: {  	v16 =	vadd.s32 v16, v21;
	v21 =	vld.idx.msk [tilespmem:v7+s1+$0x0], $0xffff  }
0x260: {  	[tilespmem:$0x900] =	vst v16  }
0x261: {  	v25 =	vld.idx.msk [tilespmem:v10+s1+$0x0], $0xffff;
	_ =	sdelay $0x3  }
0x262: {  	v21 =	vsel vm12, $0x0, v21  }
0x263: {  	v21 =	vadd.s32 v24, v21  }
0x264: {  	v24 =	vsel vm11, $0x0, v25;
	[tilespmem:$0x900] =	vst v21  }
0x265: {  	v16 =	vadd.s32 v16, v24;
	v24 =	vld.idx.msk [tilespmem:v9+s1+$0x0], $0xffff  }
0x266: {  	[tilespmem:$0x900] =	vst v16  }
0x267: {  	v25 =	vld.idx.msk [tilespmem:v11+s1+$0x0], $0xffff;
	_ =	sdelay $0x3  }
0x268: {  	v24 =	vsel vm10, $0x0, v24  }
0x269: {  	v21 =	vadd.s32 v24, v21  }
0x26a: {  	v17 =	vadd.s32 v17, v18;
	v18 =	vsel vm14, $0xFFFFFFFF, v0;
	v24 =	vsel vm7, $0x0, v25;
	[tilespmem:$0x900] =	vst v21  }
0x26b: {  	v18 =	vadd.s32 v18, v17;
	v16 =	vadd.s32 v16, v24;
	v24 =	vld.idx.msk [tilespmem:v10+s1+$0x0], $0xffff  }
0x26c: {  	v18 =	vadd.s32 v16, v18  }
0x26d: {  	vm15 =	vlt.s32 v18, $0x60  }
0x26e: {  	vm14 =	vmand vm14, vm15;
	_ =	sdelay $0x2  }
0x26f: {  	v24 =	vsel vm11, $0x0, v24  }
0x270: {  	v21 =	vadd.s32 v21, v24  }
0x271: {  	[tilespmem:$0x900] =	vst v21  }
0x272: {  	[tilespmem:v18+s2+$0x0] =	vst.idx.msk vm14, v19  }
0x273: {  	[tilespmem:v18+s3+$0x0] =	vst.idx.msk vm14, v13  }
0x274: {  	[tilespmem:v18+s5+$0x0] =	vst.idx.msk vm14, v20  }
0x275: {  	[tilespmem:$0x900] =	vst v16;
	v16 =	vld.idx.msk [tilespmem:v11+s1+$0x0], $0xffff  }
0x276: {  	v18 =	vld.idx.msk [tilespmem:v12+s1+$0x0], $0xffff;
	_ =	sdelay $0x5  }
0x277: {  	v16 =	vsel vm7, $0x0, v16;
	v18 =	vadd.s32 v17, v18;
	v17 =	vsel vm13, $0xFFFFFFFF, v0  }
0x278: {  	v19 =	vadd.s32 v21, v16;
	v16 =	vadd.s32 v17, v18  }
0x279: {  	v20 =	vadd.s32 v19, v16  }
0x27a: {  	vm14 =	vlt.s32 v20, $0x60  }
0x27b: {  	vm13 =	vmand vm13, vm14;
	_ =	sdelay $0x4  }
0x27c: {  	v17 =	vsub.f32 $3.000000000e+00, v22  }
0x27d: {  	[tilespmem:v20+s2+$0x0] =	vst.idx.msk vm13, v23  }
0x27e: {  	v16 =	vor.u32 s16, v47;
	v17 =	vmax.f32 v17, $0.0e+00;
	[tilespmem:v20+s3+$0x0] =	vst.idx.msk vm13, v46  }
.Ltmp5:
0x27f: {  	[tilespmem:v20+s5+$0x0] =	vst.idx.msk vm13, v16;
	vm13 =	vle.f32 v17, v15;
	(pc) =	sbr.rel @p0 .LBB2_8-.Ltmp5, $4  }
0x280: {  	[tilespmem:$0x900] =	vst v19;
	v20 =	vsel vm13, $0x1, v0  }
0x281: {  	v19 =	vld.idx.msk [tilespmem:v12+s1+$0x0], $0xffff;
	[tilespmem:$0x900] =	vst v20  }
0x282: {  	v21 =	vld.idx.msk [tilespmem:v7+s1+$0x0], $0xffff  }
0x283: {  	s16 =	sadd.s32 $0x20, s16  }
0x284: {  	_ =	sdelay $0x2  }
0x285: {  	v15 =	vsel vm12, $0x0, v21  }
0x286: {  	v15 =	vadd.s32 v20, v15  }
0x287: {  	[tilespmem:$0x900] =	vst v15  }
0x288: {  	v20 =	vld.idx.msk [tilespmem:v9+s1+$0x0], $0xffff;
	_ =	sdelay $0x4  }
0x289: {  	v20 =	vsel vm10, $0x0, v20  }
0x28a: {  	v15 =	vadd.s32 v15, v20  }
0x28b: {  	[tilespmem:$0x900] =	vst v15  }
0x28c: {  	v20 =	vld.idx.msk [tilespmem:v10+s1+$0x0], $0xffff;
	_ =	sdelay $0x4  }
0x28d: {  	v20 =	vsel vm11, $0x0, v20  }
0x28e: {  	v15 =	vadd.s32 v15, v20  }
0x28f: {  	[tilespmem:$0x900] =	vst v15  }
0x290: {  	v20 =	vld.idx.msk [tilespmem:v11+s1+$0x0], $0xffff;
	_ =	sdelay $0x4  }
0x291: {  	v18 =	vadd.s32 v18, v19;
	v19 =	vsel vm13, $0xFFFFFFFF, v0;
	v20 =	vsel vm7, $0x0, v20  }
0x292: {  	v19 =	vadd.s32 v19, v18;
	v15 =	vadd.s32 v15, v20  }
0x293: {  	v19 =	vadd.s32 v15, v19  }
0x294: {  	vm12 =	vlt.s32 v19, $0x60  }
0x295: {  	vm12 =	vmand vm13, vm12;
	_ =	sdelay $0x5  }
0x296: {  	[tilespmem:v19+s2+$0x0] =	vst.idx.msk vm12, v17  }
0x297: {  	[tilespmem:v19+s3+$0x0] =	vst.idx.msk vm12, v13  }
0x298: {  	[tilespmem:v19+s5+$0x0] =	vst.idx.msk vm12, v16  }
0x299: {  	[tilespmem:$0x900] =	vst v15  }
0x29a: {  	v15 =	vld.idx.msk [tilespmem:v12+s1+$0x0], $0xffff;
	_ =	sdelay $0x4  }
0x29b: {  	v15 =	vadd.s32 v18, v15  }
0x29c: {  	vm12 =	vlt.s32 v15, $0x60  }
0x29d: {  	v15 =	vnsel vm12, $0x60, v15  }
0x29e: {  	s14 =	rddreg [dreg:$0xe];
	[tilespmem:$0x900] =	vst v15  }
0x29f: {  	[spmem:s14] =	stream.linear.scatter [tilespmem:s2], [sflag:$0x3], $0x60, $0x38;
	[tilespmem:$0xDBC0] =	vst v63  }
0x2a0: {  	_ =	swait.ge [sflag:s0], $0x60  }
0x2a1: {  	[sflag:s0] =	ssyncset.done $0x0  }
0x2a2: {  	s19 =	rddreg [dreg:$0xf];
	[sflag:s0] =	ssyncadd.s32 $0xFFFFFFA0  }
0x2a3: {  	[spmem:s19] =	stream.linear.scatter [tilespmem:s3], [sflag:$0x3], $0x60, $0x38;
	[tilespmem:$0xDBC0] =	vst v63  }
0x2a4: {  	_ =	swait.ge [sflag:s0], $0x60  }
0x2a5: {  	[sflag:s0] =	ssyncset.done $0x0  }
0x2a6: {  	s15 =	rddreg [dreg:$0x10];
	[sflag:s0] =	ssyncadd.s32 $0xFFFFFFA0  }
0x2a7: {  	[spmem:s15] =	stream.linear.scatter [tilespmem:s5], [sflag:$0x3], $0x60, $0x38;
	[tilespmem:$0xDBC0] =	vst v63  }
0x2a8: {  	_ =	swait.ge [sflag:s0], $0x60  }
0x2a9: {  	[sflag:s0] =	ssyncset.done $0x0  }
0x2aa: {  	s16 =	rddreg [dreg:$0x11];
	[sflag:s0] =	ssyncadd.s32 $0xFFFFFFA0  }
0x2ab: {  	[spmem:s16] =	stream.linear.scatter [tilespmem:s1], [sflag:$0x3], $0x10, $0x38;
	[tilespmem:$0xDBC0] =	vst v63  }
0x2ac: {  	_ =	swait.ge [sflag:s0], $0x10  }
0x2ad: {  	[sflag:s0] =	ssyncset.done $0x0  }
0x2ae: {  	[sflag:s0] =	ssyncadd.s32 $0xFFFFFFF0  }
0x2af: {  	v15 =	vimm.f32 $1.000000020e+30;
	[tilespmem:$0xA80] =	vst v0  }
0x2b0: {  	[tilespmem:$0x980] =	vst v15  }
0x2b1: {  	[tilespmem:$0xA00] =	vst v46  }
0x2b2: {  	[tilespmem:$0xA90] =	vst v0  }
0x2b3: {  	[tilespmem:$0x990] =	vst v15  }
0x2b4: {  	[tilespmem:$0xA10] =	vst v46  }
0x2b5: {  	[tilespmem:$0xAA0] =	vst v0  }
0x2b6: {  	[tilespmem:$0x9A0] =	vst v15  }
0x2b7: {  	[tilespmem:$0xA20] =	vst v46  }
0x2b8: {  	[tilespmem:$0xAB0] =	vst v0  }
0x2b9: {  	[tilespmem:$0x9B0] =	vst v15  }
0x2ba: {  	[tilespmem:$0xA30] =	vst v46  }
0x2bb: {  	[tilespmem:$0xAC0] =	vst v0  }
0x2bc: {  	[tilespmem:$0x9C0] =	vst v15  }
0x2bd: {  	[tilespmem:$0xA40] =	vst v46  }
0x2be: {  	s17 =	simm.s32 $0x0;
	[tilespmem:$0xAD0] =	vst v0  }
0x2bf: {  	s14 =	sand.u32 $0x600, s17;
	s15 =	sand.u32 $0x60, s17;
	[tilespmem:$0x9D0] =	vst v15  }
0x2c0: {  	s14 =	sor.u32 s15, s14;
	[tilespmem:$0xA50] =	vst v46  }
0x2c1: {  	v16 =	vld [tilespmem:s14+$0x100];
	_ =	sdelay $0x2  }
0x2c2: {  	v17 =	vld [tilespmem:s14+$0x110];
	_ =	sdelay $0x1  }
0x2c3: {  	s18 =	simm.s32 $0x80;
	s19 =	simm.s32 $0x20;
	v18 =	vadd.f32 $3.000000000e+00, v16  }
0x2c4: {  	s15 =	sand.u32 $0x60, s19;
	s14 =	sand.u32 $0x600, s18;
	v16 =	vsub.f32 $3.000000000e+00, v16  }
0x2c5: {  	s17 =	sor.u32 s15, s14;
	v18 =	vmax.f32 v18, $0.0e+00  }
0x2c6: {  	v19 =	vadd.f32 $3.000000000e+00, v17;
	v15 =	vmin.f32 v15, v18;
	v18 =	vmax.f32 v16, $0.0e+00;
	v16 =	vld [tilespmem:s17+$0x100]  }
0x2c7: {  	v20 =	vsub.f32 $3.000000000e+00, v17  }
0x2c8: {  	s14 =	simm.s32 $0x100;
	s15 =	simm.s32 $0x40;
	v17 =	vmin.f32 v15, v18;
	v18 =	vmax.f32 v19, $0.0e+00;
	v15 =	vld [tilespmem:s17+$0x110]  }
0x2c9: {  	s16 =	simm.s32 $0x4;
	s18 =	sand.u32 $0x600, s14;
	s17 =	sand.u32 $0x60, s15;
	v17 =	vmin.f32 v17, v18;
	v18 =	vmax.f32 v20, $0.0e+00  }
.LBB2_10:
0x2ca: {  	s16 =	sadd.s32 $0x2, s16  }
0x2cb: {  	s17 =	sor.u32 s17, s18;
	v19 =	vadd.f32 $3.000000000e+00, v16;
	v17 =	vmin.f32 v17, v18;
	p0 =	slt.u32 s16, $0x1E  }
.Ltmp6:
0x2cc: {  	v18 =	vsub.f32 $3.000000000e+00, v16;
	v16 =	vld [tilespmem:s17+$0x100];
	(pc) =	sbr.rel @p0 .LBB2_10-.Ltmp6, $4  }
0x2cd: {  	v19 =	vmax.f32 v19, $0.0e+00;
	v20 =	vadd.f32 $3.000000000e+00, v15  }
0x2ce: {  	v18 =	vmax.f32 v18, $0.0e+00;
	v17 =	vmin.f32 v17, v19;
	v19 =	vsub.f32 $3.000000000e+00, v15;
	v15 =	vld [tilespmem:s17+$0x110]  }
0x2cf: {  	s14 =	sadd.s32 $0x80, s14;
	s15 =	sadd.s32 $0x20, s15;
	v17 =	vmin.f32 v17, v18;
	v18 =	vmax.f32 v20, $0.0e+00  }
0x2d0: {  	s18 =	sand.u32 $0x600, s14;
	s17 =	sand.u32 $0x60, s15;
	v17 =	vmin.f32 v17, v18;
	v18 =	vmax.f32 v19, $0.0e+00  }
0x2d1: {  	s14 =	sor.u32 s17, s18  }
0x2d2: {  	v19 =	vld [tilespmem:s14+$0x100]  }
0x2d3: {  	v20 =	vadd.f32 $3.000000000e+00, v16  }
0x2d4: {  	v16 =	vsub.f32 $3.000000000e+00, v16;
	v21 =	vld [tilespmem:s14+$0x110]  }
0x2d5: {  	v17 =	vmin.f32 v17, v18;
	v18 =	vmax.f32 v20, $0.0e+00;
	v20 =	vadd.f32 $3.000000000e+00, v15  }
0x2d6: {  	v16 =	vmax.f32 v16, $0.0e+00;
	v15 =	vsub.f32 $3.000000000e+00, v15;
	v17 =	vmin.f32 v17, v18  }
0x2d7: {  	v1 =	vld [tilespmem:$0x1FFC0];
	v16 =	vmin.f32 v17, v16;
	v17 =	vmax.f32 v20, $0.0e+00;
	v18 =	vadd.f32 $3.000000000e+00, v19  }
0x2d8: {  	v15 =	vmax.f32 v15, $0.0e+00;
	v16 =	vmin.f32 v16, v17;
	v17 =	vsub.f32 $3.000000000e+00, v19  }
0x2d9: {  	v15 =	vmin.f32 v16, v15;
	v16 =	vmax.f32 v18, $0.0e+00;
	v18 =	vadd.f32 $3.000000000e+00, v21  }
0x2da: {  	v15 =	vmin.f32 v15, v16;
	v16 =	vmax.f32 v17, $0.0e+00;
	v17 =	vsub.f32 $3.000000000e+00, v21  }
0x2db: {  	v15 =	vmin.f32 v15, v16;
	v16 =	vmax.f32 v18, $0.0e+00  }
0x2dc: {  	v15 =	vmin.f32 v15, v16;
	v16 =	vmax.f32 v17, $0.0e+00  }
0x2dd: {  	v15 =	vmin.f32 v15, v16  }
0x2de: {  	v2 =	vld [tilespmem:$0x1FFD0];
	[tilespmem:$0x880] =	vst v15  }
0x2df: {  	v16 =	vld.idx.msk [tilespmem:v1+s7+$0x0], $0xffff;
	_ =	sdelay $0x4  }
0x2e0: {  	v17 =	vmin.f32 v15, v16;
	v15 =	vmax.f32 v15, v16  }
0x2e1: {  	v15 =	vsel vm0, v17, v15  }
0x2e2: {  	[tilespmem:$0x880] =	vst v15  }
0x2e3: {  	v16 =	vld.idx.msk [tilespmem:v2+s7+$0x0], $0xffff;
	_ =	sdelay $0x4  }
0x2e4: {  	v17 =	vmin.f32 v15, v16;
	v15 =	vmax.f32 v15, v16  }
0x2e5: {  	v15 =	vsel vm1, v17, v15  }
0x2e6: {  	v3 =	vld [tilespmem:$0x1FFE0];
	[tilespmem:$0x880] =	vst v15  }
0x2e7: {  	v16 =	vld.idx.msk [tilespmem:v1+s7+$0x0], $0xffff;
	_ =	sdelay $0x4  }
0x2e8: {  	v17 =	vmin.f32 v15, v16;
	v15 =	vmax.f32 v15, v16  }
0x2e9: {  	v15 =	vsel vm2, v17, v15  }
0x2ea: {  	[tilespmem:$0x880] =	vst v15  }
0x2eb: {  	v16 =	vld.idx.msk [tilespmem:v3+s7+$0x0], $0xffff;
	_ =	sdelay $0x4  }
0x2ec: {  	v17 =	vmin.f32 v15, v16;
	v15 =	vmax.f32 v15, v16  }
0x2ed: {  	v15 =	vsel vm3, v17, v15  }
0x2ee: {  	[tilespmem:$0x880] =	vst v15  }
0x2ef: {  	v16 =	vld.idx.msk [tilespmem:v2+s7+$0x0], $0xffff;
	_ =	sdelay $0x4  }
0x2f0: {  	v17 =	vmin.f32 v15, v16;
	v15 =	vmax.f32 v15, v16  }
0x2f1: {  	v15 =	vsel vm4, v17, v15  }
0x2f2: {  	v4 =	vld [tilespmem:$0x1FFF0];
	[tilespmem:$0x880] =	vst v15  }
0x2f3: {  	v16 =	vld.idx.msk [tilespmem:v1+s7+$0x0], $0xffff;
	_ =	sdelay $0x4  }
0x2f4: {  	v17 =	vmin.f32 v15, v16;
	v15 =	vmax.f32 v15, v16  }
0x2f5: {  	v15 =	vsel vm5, v17, v15  }
0x2f6: {  	[tilespmem:$0x880] =	vst v15  }
0x2f7: {  	v16 =	vld.idx.msk [tilespmem:v4+s7+$0x0], $0xffff;
	_ =	sdelay $0x4  }
0x2f8: {  	v17 =	vmin.f32 v15, v16;
	v15 =	vmax.f32 v15, v16  }
0x2f9: {  	v15 =	vsel vm7, v17, v15  }
0x2fa: {  	[tilespmem:$0x880] =	vst v15  }
0x2fb: {  	v16 =	vld.idx.msk [tilespmem:v3+s7+$0x0], $0xffff;
	_ =	sdelay $0x4  }
0x2fc: {  	v17 =	vmin.f32 v15, v16;
	v15 =	vmax.f32 v15, v16  }
0x2fd: {  	v15 =	vsel vm6, v17, v15  }
0x2fe: {  	[tilespmem:$0x880] =	vst v15  }
0x2ff: {  	v16 =	vld.idx.msk [tilespmem:v2+s7+$0x0], $0xffff;
	_ =	sdelay $0x4  }
0x300: {  	v17 =	vmin.f32 v15, v16;
	v15 =	vmax.f32 v15, v16  }
0x301: {  	v15 =	vsel vm8, v17, v15  }
0x302: {  	[tilespmem:$0x880] =	vst v15  }
0x303: {  	v16 =	vld.idx.msk [tilespmem:v1+s7+$0x0], $0xffff;
	_ =	sdelay $0x3  }
0x304: {  	v1 =	vimm.s32 $0x7  }
0x305: {  	s15 =	simm.s32 $0x0;
	s14 =	simm.s32 $0x0;
	v17 =	vmin.f32 v15, v16;
	v15 =	vmax.f32 v15, v16  }
0x306: {  	s16 =	sand.u32 $0x60, s15;
	s17 =	sand.u32 $0x600, s14;
	v15 =	vsel vm9, v17, v15  }
0x307: {  	s16 =	sor.u32 s16, s17;
	[tilespmem:$0x880] =	vst v15  }
0x308: {  	v16 =	vld [tilespmem:s16+$0x100]  }
0x309: {  	v15 =	vld.idx.msk [tilespmem:v1+s7+$0x0], $0xffff;
	_ =	sdelay $0x3  }
0x30a: {  	v17 =	vadd.f32 $3.000000000e+00, v16  }
0x30b: {  	v15 =	vadd.f32 v15, v14  }
0x30c: {  	v17 =	vmax.f32 v17, $0.0e+00  }
0x30d: {  	vm13 =	vle.f32 v17, v15  }
0x30e: {  	v18 =	vsel vm13, $0x1, v0  }
0x30f: {  	[tilespmem:$0x900] =	vst v18  }
0x310: {  	v19 =	vld.idx.msk [tilespmem:v7+s1+$0x0], $0xffff;
	_ =	sdelay $0x3  }
0x311: {  	vm12 =	veq.s32 v47, $0x0  }
0x312: {  	v19 =	vsel vm12, $0x0, v19  }
0x313: {  	v18 =	vadd.s32 v18, v19  }
0x314: {  	[tilespmem:$0x900] =	vst v18  }
0x315: {  	v19 =	vld.idx.msk [tilespmem:v9+s1+$0x0], $0xffff;
	_ =	sdelay $0x4  }
0x316: {  	v19 =	vsel vm10, $0x0, v19  }
0x317: {  	v18 =	vadd.s32 v19, v18  }
0x318: {  	[tilespmem:$0x900] =	vst v18  }
0x319: {  	v19 =	vld.idx.msk [tilespmem:v10+s1+$0x0], $0xffff;
	_ =	sdelay $0x4  }
0x31a: {  	v19 =	vsel vm11, $0x0, v19  }
0x31b: {  	v18 =	vadd.s32 v18, v19  }
0x31c: {  	[tilespmem:$0x900] =	vst v18  }
0x31d: {  	v19 =	vld.idx.msk [tilespmem:v11+s1+$0x0], $0xffff;
	_ =	sdelay $0x4  }
0x31e: {  	v20 =	vimm.s32 $0x0;
	v21 =	vsel vm13, $0xFFFFFFFF, v0;
	v19 =	vsel vm7, $0x0, v19  }
0x31f: {  	v18 =	vadd.s32 v18, v19;
	v19 =	vadd.s32 v21, v20  }
0x320: {  	v19 =	vadd.s32 v18, v19  }
0x321: {  	vm14 =	vlt.s32 v19, $0x60  }
0x322: {  	vm13 =	vmand vm13, vm14;
	_ =	sdelay $0x4  }
0x323: {  	v16 =	vsub.f32 $3.000000000e+00, v16  }
0x324: {  	[tilespmem:v19+s2+$0x0] =	vst.idx.msk vm13, v17  }
0x325: {  	v16 =	vmax.f32 v16, $0.0e+00;
	v17 =	vor.u32 s15, v47;
	[tilespmem:v19+s3+$0x0] =	vst.idx.msk vm13, v46  }
0x326: {  	vm14 =	vle.f32 v16, v15;
	[tilespmem:v19+s5+$0x0] =	vst.idx.msk vm13, v17  }
0x327: {  	[tilespmem:$0x900] =	vst v18;
	v18 =	vsel vm14, $0x1, v0  }
0x328: {  	v19 =	vld.idx.msk [tilespmem:v12+s1+$0x0], $0xffff;
	[tilespmem:$0x900] =	vst v18  }
0x329: {  	v21 =	vld.idx.msk [tilespmem:v7+s1+$0x0], $0xffff  }
0x32a: {  	s18 =	simm.s32 $0x10  }
0x32b: {  	s19 =	sand.u32 $0x70, s18  }
0x32c: {  	s16 =	sor.u32 s19, s17  }
0x32d: {  	v22 =	vld [tilespmem:s16+$0x100]  }
0x32e: {  	v21 =	vsel vm12, $0x0, v21  }
0x32f: {  	v18 =	vadd.s32 v18, v21  }
0x330: {  	[tilespmem:$0x900] =	vst v18  }
0x331: {  	v21 =	vld.idx.msk [tilespmem:v9+s1+$0x0], $0xffff  }
0x332: {  	v23 =	vadd.f32 $3.000000000e+00, v22;
	_ =	sdelay $0x1  }
0x333: {  	v23 =	vmax.f32 v23, $0.0e+00  }
0x334: {  	vm13 =	vle.f32 v23, v15  }
0x335: {  	v24 =	vsel vm13, $0x1, v0;
	v21 =	vsel vm10, $0x0, v21  }
0x336: {  	[tilespmem:$0x900] =	vst v24;
	v18 =	vadd.s32 v18, v21  }
0x337: {  	v21 =	vld.idx.msk [tilespmem:v7+s1+$0x0], $0xffff;
	[tilespmem:$0x900] =	vst v18  }
0x338: {  	v25 =	vld.idx.msk [tilespmem:v10+s1+$0x0], $0xffff;
	_ =	sdelay $0x3  }
0x339: {  	v21 =	vsel vm12, $0x0, v21  }
0x33a: {  	v21 =	vadd.s32 v24, v21;
	v59 =	vsel vm11, $0x0, v25  }
0x33b: {  	[tilespmem:$0x900] =	vst v21;
	v18 =	vadd.s32 v18, v59  }
0x33c: {  	v60 =	vld.idx.msk [tilespmem:v9+s1+$0x0], $0xffff;
	[tilespmem:$0x900] =	vst v18  }
0x33d: {  	v61 =	vld.idx.msk [tilespmem:v11+s1+$0x0], $0xffff;
	_ =	sdelay $0x3  }
0x33e: {  	v19 =	vadd.s32 v20, v19;
	v24 =	vsel vm10, $0x0, v60  }
0x33f: {  	v20 =	vsel vm14, $0xFFFFFFFF, v0;
	v21 =	vadd.s32 v24, v21;
	v62 =	vsel vm7, $0x0, v61  }
0x340: {  	v20 =	vadd.s32 v20, v19;
	[tilespmem:$0x900] =	vst v21;
	v18 =	vadd.s32 v18, v62  }
0x341: {  	v63 =	vld.idx.msk [tilespmem:v10+s1+$0x0], $0xffff;
	v20 =	vadd.s32 v18, v20  }
0x342: {  	vm15 =	vlt.s32 v20, $0x60  }
0x343: {  	vm14 =	vmand vm14, vm15;
	_ =	sdelay $0x2  }
0x344: {  	v24 =	vsel vm11, $0x0, v63  }
0x345: {  	v21 =	vadd.s32 v21, v24  }
0x346: {  	[tilespmem:$0x900] =	vst v21  }
0x347: {  	[tilespmem:v20+s2+$0x0] =	vst.idx.msk vm14, v16  }
0x348: {  	[tilespmem:v20+s3+$0x0] =	vst.idx.msk vm14, v13  }
0x349: {  	[tilespmem:v20+s5+$0x0] =	vst.idx.msk vm14, v17  }
0x34a: {  	v16 =	vld.idx.msk [tilespmem:v11+s1+$0x0], $0xffff;
	[tilespmem:$0x900] =	vst v18  }
0x34b: {  	v17 =	vld.idx.msk [tilespmem:v12+s1+$0x0], $0xffff;
	_ =	sdelay $0x4  }
0x34c: {  	v16 =	vsel vm7, $0x0, v16;
	v18 =	vadd.s32 v19, v17;
	v17 =	vsel vm13, $0xFFFFFFFF, v0  }
0x34d: {  	v19 =	vadd.s32 v21, v16;
	v16 =	vadd.s32 v17, v18  }
0x34e: {  	v20 =	vadd.s32 v19, v16  }
0x34f: {  	vm14 =	vlt.s32 v20, $0x60  }
0x350: {  	vm13 =	vmand vm13, vm14;
	_ =	sdelay $0x4  }
0x351: {  	v17 =	vsub.f32 $3.000000000e+00, v22  }
0x352: {  	[tilespmem:v20+s2+$0x0] =	vst.idx.msk vm13, v23  }
0x353: {  	v16 =	vor.u32 s18, v47;
	v17 =	vmax.f32 v17, $0.0e+00;
	[tilespmem:v20+s3+$0x0] =	vst.idx.msk vm13, v46  }
0x354: {  	[tilespmem:v20+s5+$0x0] =	vst.idx.msk vm13, v16;
	vm13 =	vle.f32 v17, v15  }
0x355: {  	[tilespmem:$0x900] =	vst v19;
	v20 =	vsel vm13, $0x1, v0  }
0x356: {  	v19 =	vld.idx.msk [tilespmem:v12+s1+$0x0], $0xffff;
	[tilespmem:$0x900] =	vst v20  }
0x357: {  	s16 =	simm.s32 $0x30;
	s15 =	simm.s32 $0x0;
	v21 =	vld.idx.msk [tilespmem:v7+s1+$0x0], $0xffff  }
.LBB2_12:
0x358: {  	s18 =	sadd.s32 $0xFFFFFFF0, s16;
	s14 =	sadd.s32 $0x80, s14  }
0x359: {  	s19 =	sand.u32 $0x60, s18;
	s17 =	sand.u32 $0x600, s14  }
0x35a: {  	s19 =	sor.u32 s19, s17  }
0x35b: {  	v18 =	vadd.s32 v18, v19;
	v22 =	vld [tilespmem:s19+$0x100]  }
0x35c: {  	v19 =	vsel vm12, $0x0, v21  }
0x35d: {  	v19 =	vadd.s32 v20, v19  }
0x35e: {  	[tilespmem:$0x900] =	vst v19  }
0x35f: {  	v20 =	vld.idx.msk [tilespmem:v9+s1+$0x0], $0xffff  }
0x360: {  	v21 =	vadd.f32 $3.000000000e+00, v22;
	_ =	sdelay $0x1  }
0x361: {  	v21 =	vmax.f32 v21, $0.0e+00  }
0x362: {  	vm14 =	vle.f32 v21, v15  }
0x363: {  	v23 =	vsel vm14, $0x1, v0  }
0x364: {  	v20 =	vsel vm10, $0x0, v20;
	[tilespmem:$0x900] =	vst v23  }
0x365: {  	v19 =	vadd.s32 v19, v20;
	v24 =	vld.idx.msk [tilespmem:v7+s1+$0x0], $0xffff  }
0x366: {  	[tilespmem:$0x900] =	vst v19  }
0x367: {  	s15 =	sadd.s32 $0x2, s15;
	v20 =	vld.idx.msk [tilespmem:v10+s1+$0x0], $0xffff  }
0x368: {  	p0 =	slt.u32 s15, $0x1E;
	_ =	sdelay $0x2  }
0x369: {  	v24 =	vsel vm12, $0x0, v24  }
0x36a: {  	v23 =	vadd.s32 v23, v24  }
0x36b: {  	v20 =	vsel vm11, $0x0, v20;
	[tilespmem:$0x900] =	vst v23  }
0x36c: {  	v19 =	vadd.s32 v19, v20;
	v24 =	vld.idx.msk [tilespmem:v9+s1+$0x0], $0xffff  }
0x36d: {  	[tilespmem:$0x900] =	vst v19  }
0x36e: {  	v20 =	vld.idx.msk [tilespmem:v11+s1+$0x0], $0xffff;
	_ =	sdelay $0x3  }
0x36f: {  	v24 =	vsel vm10, $0x0, v24  }
0x370: {  	v23 =	vadd.s32 v24, v23  }
0x371: {  	v24 =	vsel vm13, $0xFFFFFFFF, v0;
	v20 =	vsel vm7, $0x0, v20;
	[tilespmem:$0x900] =	vst v23  }
0x372: {  	v19 =	vadd.s32 v19, v20;
	v20 =	vadd.s32 v24, v18;
	v25 =	vld.idx.msk [tilespmem:v10+s1+$0x0], $0xffff  }
0x373: {  	v20 =	vadd.s32 v19, v20  }
0x374: {  	vm15 =	vlt.s32 v20, $0x60  }
0x375: {  	vm13 =	vmand vm13, vm15;
	_ =	sdelay $0x2  }
0x376: {  	v24 =	vsel vm11, $0x0, v25  }
0x377: {  	v23 =	vadd.s32 v23, v24  }
0x378: {  	[tilespmem:$0x900] =	vst v23  }
0x379: {  	[tilespmem:v20+s2+$0x0] =	vst.idx.msk vm13, v17  }
0x37a: {  	[tilespmem:v20+s3+$0x0] =	vst.idx.msk vm13, v13  }
0x37b: {  	[tilespmem:v20+s5+$0x0] =	vst.idx.msk vm13, v16  }
0x37c: {  	v16 =	vld.idx.msk [tilespmem:v11+s1+$0x0], $0xffff;
	[tilespmem:$0x900] =	vst v19  }
0x37d: {  	v17 =	vld.idx.msk [tilespmem:v12+s1+$0x0], $0xffff;
	_ =	sdelay $0x5  }
0x37e: {  	v19 =	vsel vm14, $0xFFFFFFFF, v0;
	v16 =	vsel vm7, $0x0, v16;
	v17 =	vadd.s32 v18, v17  }
0x37f: {  	v16 =	vadd.s32 v23, v16;
	v18 =	vadd.s32 v19, v17  }
0x380: {  	v18 =	vadd.s32 v16, v18  }
0x381: {  	vm13 =	vlt.s32 v18, $0x60  }
0x382: {  	vm13 =	vmand vm14, vm13;
	_ =	sdelay $0x4  }
0x383: {  	v19 =	vsub.f32 $3.000000000e+00, v22  }
0x384: {  	[tilespmem:v18+s2+$0x0] =	vst.idx.msk vm13, v21  }
0x385: {  	v20 =	vor.u32 s18, v47;
	v19 =	vmax.f32 v19, $0.0e+00;
	[tilespmem:v18+s3+$0x0] =	vst.idx.msk vm13, v46  }
0x386: {  	vm14 =	vle.f32 v19, v15;
	[tilespmem:v18+s5+$0x0] =	vst.idx.msk vm13, v20  }
0x387: {  	[tilespmem:$0x900] =	vst v16;
	v16 =	vsel vm14, $0x1, v0  }
0x388: {  	v18 =	vld.idx.msk [tilespmem:v12+s1+$0x0], $0xffff;
	[tilespmem:$0x900] =	vst v16  }
0x389: {  	v21 =	vld.idx.msk [tilespmem:v7+s1+$0x0], $0xffff;
	_ =	sdelay $0x2  }
0x38a: {  	s18 =	sand.u32 $0x70, s16  }
0x38b: {  	s17 =	sor.u32 s18, s17  }
0x38c: {  	v22 =	vld [tilespmem:s17+$0x100]  }
0x38d: {  	v21 =	vsel vm12, $0x0, v21  }
0x38e: {  	v16 =	vadd.s32 v16, v21  }
0x38f: {  	[tilespmem:$0x900] =	vst v16  }
0x390: {  	v21 =	vld.idx.msk [tilespmem:v9+s1+$0x0], $0xffff  }
0x391: {  	v23 =	vadd.f32 $3.000000000e+00, v22;
	_ =	sdelay $0x1  }
0x392: {  	v23 =	vmax.f32 v23, $0.0e+00  }
0x393: {  	vm13 =	vle.f32 v23, v15  }
0x394: {  	v24 =	vsel vm13, $0x1, v0  }
0x395: {  	v21 =	vsel vm10, $0x0, v21;
	[tilespmem:$0x900] =	vst v24  }
0x396: {  	v16 =	vadd.s32 v16, v21;
	v21 =	vld.idx.msk [tilespmem:v7+s1+$0x0], $0xffff  }
0x397: {  	[tilespmem:$0x900] =	vst v16  }
0x398: {  	v25 =	vld.idx.msk [tilespmem:v10+s1+$0x0], $0xffff;
	_ =	sdelay $0x3  }
0x399: {  	v21 =	vsel vm12, $0x0, v21  }
0x39a: {  	v21 =	vadd.s32 v24, v21  }
0x39b: {  	v24 =	vsel vm11, $0x0, v25;
	[tilespmem:$0x900] =	vst v21  }
0x39c: {  	v16 =	vadd.s32 v16, v24;
	v24 =	vld.idx.msk [tilespmem:v9+s1+$0x0], $0xffff  }
0x39d: {  	[tilespmem:$0x900] =	vst v16  }
0x39e: {  	v25 =	vld.idx.msk [tilespmem:v11+s1+$0x0], $0xffff;
	_ =	sdelay $0x3  }
0x39f: {  	v24 =	vsel vm10, $0x0, v24  }
0x3a0: {  	v21 =	vadd.s32 v24, v21  }
0x3a1: {  	v17 =	vadd.s32 v17, v18;
	v18 =	vsel vm14, $0xFFFFFFFF, v0;
	v24 =	vsel vm7, $0x0, v25;
	[tilespmem:$0x900] =	vst v21  }
0x3a2: {  	v18 =	vadd.s32 v18, v17;
	v16 =	vadd.s32 v16, v24;
	v24 =	vld.idx.msk [tilespmem:v10+s1+$0x0], $0xffff  }
0x3a3: {  	v18 =	vadd.s32 v16, v18  }
0x3a4: {  	vm15 =	vlt.s32 v18, $0x60  }
0x3a5: {  	vm14 =	vmand vm14, vm15;
	_ =	sdelay $0x2  }
0x3a6: {  	v24 =	vsel vm11, $0x0, v24  }
0x3a7: {  	v21 =	vadd.s32 v21, v24  }
0x3a8: {  	[tilespmem:$0x900] =	vst v21  }
0x3a9: {  	[tilespmem:v18+s2+$0x0] =	vst.idx.msk vm14, v19  }
0x3aa: {  	[tilespmem:v18+s3+$0x0] =	vst.idx.msk vm14, v13  }
0x3ab: {  	[tilespmem:v18+s5+$0x0] =	vst.idx.msk vm14, v20  }
0x3ac: {  	[tilespmem:$0x900] =	vst v16;
	v16 =	vld.idx.msk [tilespmem:v11+s1+$0x0], $0xffff  }
0x3ad: {  	v18 =	vld.idx.msk [tilespmem:v12+s1+$0x0], $0xffff;
	_ =	sdelay $0x5  }
0x3ae: {  	v16 =	vsel vm7, $0x0, v16;
	v18 =	vadd.s32 v17, v18;
	v17 =	vsel vm13, $0xFFFFFFFF, v0  }
0x3af: {  	v19 =	vadd.s32 v21, v16;
	v16 =	vadd.s32 v17, v18  }
0x3b0: {  	v20 =	vadd.s32 v19, v16  }
0x3b1: {  	vm14 =	vlt.s32 v20, $0x60  }
0x3b2: {  	vm13 =	vmand vm13, vm14;
	_ =	sdelay $0x4  }
0x3b3: {  	v17 =	vsub.f32 $3.000000000e+00, v22  }
0x3b4: {  	[tilespmem:v20+s2+$0x0] =	vst.idx.msk vm13, v23  }
0x3b5: {  	v16 =	vor.u32 s16, v47;
	v17 =	vmax.f32 v17, $0.0e+00;
	[tilespmem:v20+s3+$0x0] =	vst.idx.msk vm13, v46  }
.Ltmp7:
0x3b6: {  	[tilespmem:v20+s5+$0x0] =	vst.idx.msk vm13, v16;
	vm13 =	vle.f32 v17, v15;
	(pc) =	sbr.rel @p0 .LBB2_12-.Ltmp7, $4  }
0x3b7: {  	[tilespmem:$0x900] =	vst v19;
	v20 =	vsel vm13, $0x1, v0  }
0x3b8: {  	v19 =	vld.idx.msk [tilespmem:v12+s1+$0x0], $0xffff;
	[tilespmem:$0x900] =	vst v20  }
0x3b9: {  	v21 =	vld.idx.msk [tilespmem:v7+s1+$0x0], $0xffff  }
0x3ba: {  	s16 =	sadd.s32 $0x20, s16  }
0x3bb: {  	_ =	sdelay $0x2  }
0x3bc: {  	v15 =	vsel vm12, $0x0, v21  }
0x3bd: {  	v15 =	vadd.s32 v20, v15  }
0x3be: {  	[tilespmem:$0x900] =	vst v15  }
0x3bf: {  	v20 =	vld.idx.msk [tilespmem:v9+s1+$0x0], $0xffff;
	_ =	sdelay $0x4  }
0x3c0: {  	v20 =	vsel vm10, $0x0, v20  }
0x3c1: {  	v15 =	vadd.s32 v15, v20  }
0x3c2: {  	[tilespmem:$0x900] =	vst v15  }
0x3c3: {  	v20 =	vld.idx.msk [tilespmem:v10+s1+$0x0], $0xffff;
	_ =	sdelay $0x4  }
0x3c4: {  	v20 =	vsel vm11, $0x0, v20  }
0x3c5: {  	v15 =	vadd.s32 v15, v20  }
0x3c6: {  	[tilespmem:$0x900] =	vst v15  }
0x3c7: {  	v20 =	vld.idx.msk [tilespmem:v11+s1+$0x0], $0xffff;
	_ =	sdelay $0x4  }
0x3c8: {  	v18 =	vadd.s32 v18, v19;
	v19 =	vsel vm13, $0xFFFFFFFF, v0;
	v20 =	vsel vm7, $0x0, v20  }
0x3c9: {  	v19 =	vadd.s32 v19, v18;
	v15 =	vadd.s32 v15, v20  }
0x3ca: {  	v19 =	vadd.s32 v15, v19  }
0x3cb: {  	vm12 =	vlt.s32 v19, $0x60  }
0x3cc: {  	vm12 =	vmand vm13, vm12;
	_ =	sdelay $0x5  }
0x3cd: {  	[tilespmem:v19+s2+$0x0] =	vst.idx.msk vm12, v17  }
0x3ce: {  	[tilespmem:v19+s3+$0x0] =	vst.idx.msk vm12, v13  }
0x3cf: {  	[tilespmem:v19+s5+$0x0] =	vst.idx.msk vm12, v16  }
0x3d0: {  	[tilespmem:$0x900] =	vst v15  }
0x3d1: {  	v15 =	vld.idx.msk [tilespmem:v12+s1+$0x0], $0xffff;
	_ =	sdelay $0x4  }
0x3d2: {  	v15 =	vadd.s32 v18, v15  }
0x3d3: {  	vm12 =	vlt.s32 v15, $0x60  }
0x3d4: {  	v15 =	vnsel vm12, $0x60, v15  }
0x3d5: {  	s14 =	rddreg [dreg:$0x12];
	[tilespmem:$0x900] =	vst v15  }
0x3d6: {  	[spmem:s14] =	stream.linear.scatter [tilespmem:s2], [sflag:$0x3], $0x60, $0x38;
	[tilespmem:$0xDBC0] =	vst v63  }
0x3d7: {  	_ =	swait.ge [sflag:s0], $0x60  }
0x3d8: {  	[sflag:s0] =	ssyncset.done $0x0  }
0x3d9: {  	s16 =	rddreg [dreg:$0x13];
	[sflag:s0] =	ssyncadd.s32 $0xFFFFFFA0  }
0x3da: {  	[spmem:s16] =	stream.linear.scatter [tilespmem:s3], [sflag:$0x3], $0x60, $0x38;
	[tilespmem:$0xDBC0] =	vst v63  }
0x3db: {  	_ =	swait.ge [sflag:s0], $0x60  }
0x3dc: {  	[sflag:s0] =	ssyncset.done $0x0  }
0x3dd: {  	[sflag:s0] =	ssyncadd.s32 $0xFFFFFFA0  }
0x3de: {  	[spmem:s20] =	stream.linear.scatter [tilespmem:s5], [sflag:$0x3], $0x60, $0x38;
	[tilespmem:$0xDBC0] =	vst v63  }
0x3df: {  	_ =	swait.ge [sflag:s0], $0x60  }
0x3e0: {  	[sflag:s0] =	ssyncset.done $0x0  }
0x3e1: {  	[sflag:s0] =	ssyncadd.s32 $0xFFFFFFA0  }
0x3e2: {  	[spmem:s21] =	stream.linear.scatter [tilespmem:s1], [sflag:$0x3], $0x10, $0x38;
	[tilespmem:$0xDBC0] =	vst v63  }
0x3e3: {  	_ =	swait.ge [sflag:s0], $0x10  }
0x3e4: {  	[sflag:s0] =	ssyncset.done $0x0  }
0x3e5: {  	[sflag:s0] =	ssyncadd.s32 $0xFFFFFFF0  }
0x3e6: {  	v15 =	vimm.f32 $1.000000020e+30;
	[tilespmem:$0xA80] =	vst v0  }
0x3e7: {  	[tilespmem:$0x980] =	vst v15  }
0x3e8: {  	[tilespmem:$0xA00] =	vst v46  }
0x3e9: {  	[tilespmem:$0xA90] =	vst v0  }
0x3ea: {  	[tilespmem:$0x990] =	vst v15  }
0x3eb: {  	[tilespmem:$0xA10] =	vst v46  }
0x3ec: {  	[tilespmem:$0xAA0] =	vst v0  }
0x3ed: {  	[tilespmem:$0x9A0] =	vst v15  }
0x3ee: {  	[tilespmem:$0xA20] =	vst v46  }
0x3ef: {  	[tilespmem:$0xAB0] =	vst v0  }
0x3f0: {  	[tilespmem:$0x9B0] =	vst v15  }
0x3f1: {  	[tilespmem:$0xA30] =	vst v46  }
0x3f2: {  	[tilespmem:$0xAC0] =	vst v0  }
0x3f3: {  	[tilespmem:$0x9C0] =	vst v15  }
0x3f4: {  	[tilespmem:$0xA40] =	vst v46  }
0x3f5: {  	s17 =	simm.s32 $0x0;
	[tilespmem:$0xAD0] =	vst v0  }
0x3f6: {  	s14 =	sor.u32 s17, s17;
	[tilespmem:$0x9D0] =	vst v15  }
0x3f7: {  	s15 =	sor.u32 $0x180, s14;
	[tilespmem:$0xA50] =	vst v46  }
0x3f8: {  	v16 =	vld [tilespmem:s15+$0x0];
	_ =	sdelay $0x1  }
0x3f9: {  	s14 =	sor.u32 $0x190, s14  }
0x3fa: {  	v17 =	vld [tilespmem:s14+$0x0];
	_ =	sdelay $0x1  }
0x3fb: {  	s18 =	simm.s32 $0x80;
	s19 =	simm.s32 $0x20;
	v18 =	vadd.f32 $3.000000000e+00, v16  }
0x3fc: {  	s14 =	sor.u32 s19, s18  }
0x3fd: {  	s15 =	sor.u32 $0x180, s14;
	v16 =	vsub.f32 $3.000000000e+00, v16;
	v18 =	vmax.f32 v18, $0.0e+00  }
0x3fe: {  	v19 =	vadd.f32 $3.000000000e+00, v17;
	v20 =	vsub.f32 $3.000000000e+00, v17;
	v17 =	vmin.f32 v15, v18;
	v15 =	vld [tilespmem:s15+$0x0]  }
0x3ff: {  	s17 =	sor.u32 $0x190, s14;
	v16 =	vmax.f32 v16, $0.0e+00  }
0x400: {  	s14 =	simm.s32 $0x100;
	s15 =	simm.s32 $0x40;
	v18 =	vmax.f32 v19, $0.0e+00;
	v17 =	vmin.f32 v17, v16;
	v16 =	vld [tilespmem:s17+$0x0]  }
0x401: {  	s16 =	simm.s32 $0x4;
	s17 =	sor.u32 s15, s14;
	v17 =	vmin.f32 v17, v18;
	v18 =	vmax.f32 v20, $0.0e+00  }
.LBB2_14:
0x402: {  	s16 =	sadd.s32 $0x2, s16  }
0x403: {  	s18 =	sor.u32 $0x180, s17;
	v19 =	vadd.f32 $3.000000000e+00, v15;
	v17 =	vmin.f32 v17, v18;
	p0 =	slt.u32 s16, $0x1E  }
.Ltmp8:
0x404: {  	v18 =	vsub.f32 $3.000000000e+00, v15;
	v15 =	vld [tilespmem:s18+$0x0];
	(pc) =	sbr.rel @p0 .LBB2_14-.Ltmp8, $4  }
0x405: {  	s17 =	sor.u32 $0x190, s17;
	v19 =	vmax.f32 v19, $0.0e+00;
	v20 =	vadd.f32 $3.000000000e+00, v16;
	v21 =	vsub.f32 $3.000000000e+00, v16  }
0x406: {  	v18 =	vmax.f32 v18, $0.0e+00;
	v16 =	vld [tilespmem:s17+$0x0];
	v17 =	vmin.f32 v17, v19  }
0x407: {  	s14 =	sadd.s32 $0x80, s14;
	s15 =	sadd.s32 $0x20, s15;
	v17 =	vmin.f32 v17, v18;
	v18 =	vmax.f32 v20, $0.0e+00  }
0x408: {  	s17 =	sor.u32 s15, s14;
	v17 =	vmin.f32 v17, v18;
	v18 =	vmax.f32 v21, $0.0e+00  }
0x409: {  	s14 =	sor.u32 $0x180, s17  }
0x40a: {  	v19 =	vld [tilespmem:s14+$0x0]  }
0x40b: {  	v20 =	vadd.f32 $3.000000000e+00, v15;
	s17 =	sor.u32 $0x190, s17  }
0x40c: {  	v15 =	vsub.f32 $3.000000000e+00, v15;
	v21 =	vld [tilespmem:s17+$0x0]  }
0x40d: {  	v17 =	vmin.f32 v17, v18;
	v18 =	vmax.f32 v20, $0.0e+00;
	v20 =	vadd.f32 $3.000000000e+00, v16  }
0x40e: {  	v16 =	vsub.f32 $3.000000000e+00, v16;
	v15 =	vmax.f32 v15, $0.0e+00;
	v17 =	vmin.f32 v17, v18  }
0x40f: {  	v1 =	vld [tilespmem:$0x1FFC0];
	v15 =	vmin.f32 v17, v15;
	v17 =	vmax.f32 v20, $0.0e+00;
	v18 =	vadd.f32 $3.000000000e+00, v19  }
0x410: {  	v16 =	vmax.f32 v16, $0.0e+00;
	v15 =	vmin.f32 v15, v17;
	v17 =	vsub.f32 $3.000000000e+00, v19  }
0x411: {  	v15 =	vmin.f32 v15, v16;
	v16 =	vmax.f32 v18, $0.0e+00;
	v18 =	vadd.f32 $3.000000000e+00, v21  }
0x412: {  	v19 =	vsub.f32 $3.000000000e+00, v21;
	v15 =	vmin.f32 v15, v16;
	v16 =	vmax.f32 v17, $0.0e+00  }
0x413: {  	v15 =	vmin.f32 v15, v16;
	v16 =	vmax.f32 v18, $0.0e+00  }
0x414: {  	v15 =	vmin.f32 v15, v16;
	v16 =	vmax.f32 v19, $0.0e+00  }
0x415: {  	v15 =	vmin.f32 v15, v16  }
0x416: {  	v2 =	vld [tilespmem:$0x1FFD0];
	[tilespmem:$0x880] =	vst v15  }
0x417: {  	v16 =	vld.idx.msk [tilespmem:v1+s7+$0x0], $0xffff;
	_ =	sdelay $0x4  }
0x418: {  	v17 =	vmin.f32 v15, v16;
	v15 =	vmax.f32 v15, v16  }
0x419: {  	v15 =	vsel vm0, v17, v15  }
0x41a: {  	[tilespmem:$0x880] =	vst v15  }
0x41b: {  	v16 =	vld.idx.msk [tilespmem:v2+s7+$0x0], $0xffff;
	_ =	sdelay $0x4  }
0x41c: {  	v17 =	vmin.f32 v15, v16;
	v15 =	vmax.f32 v15, v16  }
0x41d: {  	v15 =	vsel vm1, v17, v15  }
0x41e: {  	v3 =	vld [tilespmem:$0x1FFE0];
	[tilespmem:$0x880] =	vst v15  }
0x41f: {  	v16 =	vld.idx.msk [tilespmem:v1+s7+$0x0], $0xffff;
	_ =	sdelay $0x4  }
0x420: {  	v17 =	vmin.f32 v15, v16;
	v15 =	vmax.f32 v15, v16  }
0x421: {  	v15 =	vsel vm2, v17, v15  }
0x422: {  	[tilespmem:$0x880] =	vst v15  }
0x423: {  	v16 =	vld.idx.msk [tilespmem:v3+s7+$0x0], $0xffff;
	_ =	sdelay $0x4  }
0x424: {  	v17 =	vmin.f32 v15, v16;
	v15 =	vmax.f32 v15, v16  }
0x425: {  	v15 =	vsel vm3, v17, v15  }
0x426: {  	[tilespmem:$0x880] =	vst v15  }
0x427: {  	v16 =	vld.idx.msk [tilespmem:v2+s7+$0x0], $0xffff;
	_ =	sdelay $0x4  }
0x428: {  	v17 =	vmin.f32 v15, v16;
	v15 =	vmax.f32 v15, v16  }
0x429: {  	v15 =	vsel vm4, v17, v15  }
0x42a: {  	v4 =	vld [tilespmem:$0x1FFF0];
	[tilespmem:$0x880] =	vst v15  }
0x42b: {  	v16 =	vld.idx.msk [tilespmem:v1+s7+$0x0], $0xffff;
	_ =	sdelay $0x4  }
0x42c: {  	v17 =	vmin.f32 v15, v16;
	v15 =	vmax.f32 v15, v16  }
0x42d: {  	v15 =	vsel vm5, v17, v15  }
0x42e: {  	[tilespmem:$0x880] =	vst v15  }
0x42f: {  	v16 =	vld.idx.msk [tilespmem:v4+s7+$0x0], $0xffff;
	_ =	sdelay $0x4  }
0x430: {  	v17 =	vmin.f32 v15, v16;
	v15 =	vmax.f32 v15, v16  }
0x431: {  	v15 =	vsel vm7, v17, v15  }
0x432: {  	[tilespmem:$0x880] =	vst v15  }
0x433: {  	v16 =	vld.idx.msk [tilespmem:v3+s7+$0x0], $0xffff;
	_ =	sdelay $0x4  }
0x434: {  	v17 =	vmin.f32 v15, v16;
	v15 =	vmax.f32 v15, v16  }
0x435: {  	v15 =	vsel vm6, v17, v15  }
0x436: {  	[tilespmem:$0x880] =	vst v15  }
0x437: {  	v16 =	vld.idx.msk [tilespmem:v2+s7+$0x0], $0xffff;
	_ =	sdelay $0x4  }
0x438: {  	v17 =	vmin.f32 v15, v16;
	v15 =	vmax.f32 v15, v16  }
0x439: {  	v15 =	vsel vm8, v17, v15  }
0x43a: {  	[tilespmem:$0x880] =	vst v15  }
0x43b: {  	v16 =	vld.idx.msk [tilespmem:v1+s7+$0x0], $0xffff;
	_ =	sdelay $0x3  }
0x43c: {  	v1 =	vimm.s32 $0x7  }
0x43d: {  	s18 =	simm.s32 $0x0;
	v17 =	vmin.f32 v15, v16;
	v15 =	vmax.f32 v15, v16  }
0x43e: {  	s15 =	sor.u32 s18, s18;
	v15 =	vsel vm9, v17, v15  }
0x43f: {  	s15 =	sor.u32 $0x180, s15;
	[tilespmem:$0x880] =	vst v15  }
0x440: {  	v15 =	vld [tilespmem:s15+$0x0]  }
0x441: {  	v16 =	vld.idx.msk [tilespmem:v1+s7+$0x0], $0xffff;
	_ =	sdelay $0x3  }
0x442: {  	v17 =	vadd.f32 $3.000000000e+00, v15  }
0x443: {  	v14 =	vadd.f32 v16, v14  }
0x444: {  	v16 =	vmax.f32 v17, $0.0e+00  }
0x445: {  	vm13 =	vle.f32 v16, v14  }
0x446: {  	v17 =	vsel vm13, $0x1, v0  }
0x447: {  	[tilespmem:$0x900] =	vst v17  }
0x448: {  	v18 =	vld.idx.msk [tilespmem:v7+s1+$0x0], $0xffff;
	_ =	sdelay $0x3  }
0x449: {  	vm12 =	veq.s32 v47, $0x0  }
0x44a: {  	v18 =	vsel vm12, $0x0, v18  }
0x44b: {  	v17 =	vadd.s32 v17, v18  }
0x44c: {  	[tilespmem:$0x900] =	vst v17  }
0x44d: {  	v18 =	vld.idx.msk [tilespmem:v9+s1+$0x0], $0xffff;
	_ =	sdelay $0x4  }
0x44e: {  	v18 =	vsel vm10, $0x0, v18  }
0x44f: {  	v17 =	vadd.s32 v18, v17  }
0x450: {  	[tilespmem:$0x900] =	vst v17  }
0x451: {  	v18 =	vld.idx.msk [tilespmem:v10+s1+$0x0], $0xffff;
	_ =	sdelay $0x4  }
0x452: {  	v18 =	vsel vm11, $0x0, v18  }
0x453: {  	v17 =	vadd.s32 v17, v18  }
0x454: {  	[tilespmem:$0x900] =	vst v17  }
0x455: {  	v18 =	vld.idx.msk [tilespmem:v11+s1+$0x0], $0xffff;
	_ =	sdelay $0x4  }
0x456: {  	v19 =	vimm.s32 $0x0;
	v20 =	vsel vm13, $0xFFFFFFFF, v0;
	v18 =	vsel vm7, $0x0, v18  }
0x457: {  	v17 =	vadd.s32 v17, v18;
	v18 =	vadd.s32 v20, v19  }
0x458: {  	v18 =	vadd.s32 v17, v18  }
0x459: {  	vm14 =	vlt.s32 v18, $0x60  }
0x45a: {  	vm13 =	vmand vm13, vm14;
	_ =	sdelay $0x4  }
0x45b: {  	v15 =	vsub.f32 $3.000000000e+00, v15  }
0x45c: {  	[tilespmem:v18+s2+$0x0] =	vst.idx.msk vm13, v16  }
0x45d: {  	v15 =	vmax.f32 v15, $0.0e+00;
	v16 =	vor.u32 s18, v47;
	[tilespmem:v18+s3+$0x0] =	vst.idx.msk vm13, v46  }
0x45e: {  	vm14 =	vle.f32 v15, v14;
	[tilespmem:v18+s5+$0x0] =	vst.idx.msk vm13, v16  }
0x45f: {  	[tilespmem:$0x900] =	vst v17;
	v17 =	vsel vm14, $0x1, v0  }
0x460: {  	v18 =	vld.idx.msk [tilespmem:v12+s1+$0x0], $0xffff;
	[tilespmem:$0x900] =	vst v17  }
0x461: {  	v20 =	vld.idx.msk [tilespmem:v7+s1+$0x0], $0xffff  }
0x462: {  	s19 =	simm.s32 $0x10  }
0x463: {  	s14 =	sor.u32 s19, s18  }
0x464: {  	s14 =	sor.u32 $0x180, s14  }
0x465: {  	v21 =	vld [tilespmem:s14+$0x0]  }
0x466: {  	v20 =	vsel vm12, $0x0, v20  }
0x467: {  	v17 =	vadd.s32 v17, v20  }
0x468: {  	[tilespmem:$0x900] =	vst v17  }
0x469: {  	v20 =	vld.idx.msk [tilespmem:v9+s1+$0x0], $0xffff  }
0x46a: {  	v22 =	vadd.f32 $3.000000000e+00, v21;
	_ =	sdelay $0x1  }
0x46b: {  	v22 =	vmax.f32 v22, $0.0e+00  }
0x46c: {  	vm13 =	vle.f32 v22, v14  }
0x46d: {  	v23 =	vsel vm13, $0x1, v0;
	v20 =	vsel vm10, $0x0, v20  }
0x46e: {  	[tilespmem:$0x900] =	vst v23;
	v17 =	vadd.s32 v17, v20  }
0x46f: {  	v20 =	vld.idx.msk [tilespmem:v7+s1+$0x0], $0xffff;
	[tilespmem:$0x900] =	vst v17  }
0x470: {  	v24 =	vld.idx.msk [tilespmem:v10+s1+$0x0], $0xffff;
	_ =	sdelay $0x3  }
0x471: {  	v20 =	vsel vm12, $0x0, v20  }
0x472: {  	v20 =	vadd.s32 v23, v20;
	v23 =	vsel vm11, $0x0, v24  }
0x473: {  	[tilespmem:$0x900] =	vst v20;
	v17 =	vadd.s32 v17, v23  }
0x474: {  	v23 =	vld.idx.msk [tilespmem:v9+s1+$0x0], $0xffff;
	[tilespmem:$0x900] =	vst v17  }
0x475: {  	v63 =	vld.idx.msk [tilespmem:v11+s1+$0x0], $0xffff;
	_ =	sdelay $0x3  }
0x476: {  	v18 =	vadd.s32 v19, v18;
	v23 =	vsel vm10, $0x0, v23  }
0x477: {  	v19 =	vsel vm14, $0xFFFFFFFF, v0;
	v20 =	vadd.s32 v23, v20;
	v23 =	vsel vm7, $0x0, v63  }
0x478: {  	v19 =	vadd.s32 v19, v18;
	[tilespmem:$0x900] =	vst v20;
	v17 =	vadd.s32 v17, v23  }
0x479: {  	v23 =	vld.idx.msk [tilespmem:v10+s1+$0x0], $0xffff;
	v19 =	vadd.s32 v17, v19  }
0x47a: {  	vm15 =	vlt.s32 v19, $0x60  }
0x47b: {  	vm14 =	vmand vm14, vm15;
	_ =	sdelay $0x2  }
0x47c: {  	v23 =	vsel vm11, $0x0, v23  }
0x47d: {  	v20 =	vadd.s32 v20, v23  }
0x47e: {  	[tilespmem:$0x900] =	vst v20  }
0x47f: {  	[tilespmem:v19+s2+$0x0] =	vst.idx.msk vm14, v15  }
0x480: {  	[tilespmem:v19+s3+$0x0] =	vst.idx.msk vm14, v13  }
0x481: {  	[tilespmem:v19+s5+$0x0] =	vst.idx.msk vm14, v16  }
0x482: {  	v15 =	vld.idx.msk [tilespmem:v11+s1+$0x0], $0xffff;
	[tilespmem:$0x900] =	vst v17  }
0x483: {  	v16 =	vld.idx.msk [tilespmem:v12+s1+$0x0], $0xffff;
	_ =	sdelay $0x4  }
0x484: {  	v15 =	vsel vm7, $0x0, v15;
	v17 =	vadd.s32 v18, v16;
	v16 =	vsel vm13, $0xFFFFFFFF, v0  }
0x485: {  	v18 =	vadd.s32 v20, v15;
	v15 =	vadd.s32 v16, v17  }
0x486: {  	v19 =	vadd.s32 v18, v15  }
0x487: {  	vm14 =	vlt.s32 v19, $0x60  }
0x488: {  	vm13 =	vmand vm13, vm14;
	_ =	sdelay $0x4  }
0x489: {  	v16 =	vsub.f32 $3.000000000e+00, v21  }
0x48a: {  	[tilespmem:v19+s2+$0x0] =	vst.idx.msk vm13, v22  }
0x48b: {  	v15 =	vor.u32 s19, v47;
	v16 =	vmax.f32 v16, $0.0e+00;
	[tilespmem:v19+s3+$0x0] =	vst.idx.msk vm13, v46  }
0x48c: {  	[tilespmem:v19+s5+$0x0] =	vst.idx.msk vm13, v15;
	vm13 =	vle.f32 v16, v14  }
0x48d: {  	[tilespmem:$0x900] =	vst v18;
	v19 =	vsel vm13, $0x1, v0  }
0x48e: {  	v18 =	vld.idx.msk [tilespmem:v12+s1+$0x0], $0xffff;
	[tilespmem:$0x900] =	vst v19  }
0x48f: {  	v20 =	vld.idx.msk [tilespmem:v7+s1+$0x0], $0xffff  }
0x490: {  	s16 =	simm.s32 $0x20;
	s14 =	simm.s32 $0x0;
	s15 =	simm.s32 $0x80  }
.LBB2_16:
0x491: {  	s17 =	sor.u32 s16, s15  }
0x492: {  	s17 =	sor.u32 $0x180, s17  }
0x493: {  	v17 =	vadd.s32 v17, v18;
	v21 =	vld [tilespmem:s17+$0x0]  }
0x494: {  	v18 =	vsel vm12, $0x0, v20  }
0x495: {  	v18 =	vadd.s32 v19, v18  }
0x496: {  	[tilespmem:$0x900] =	vst v18  }
0x497: {  	v19 =	vld.idx.msk [tilespmem:v9+s1+$0x0], $0xffff  }
0x498: {  	v20 =	vadd.f32 $3.000000000e+00, v21;
	_ =	sdelay $0x1  }
0x499: {  	v20 =	vmax.f32 v20, $0.0e+00  }
0x49a: {  	vm14 =	vle.f32 v20, v14  }
0x49b: {  	v22 =	vsel vm14, $0x1, v0  }
0x49c: {  	v19 =	vsel vm10, $0x0, v19;
	[tilespmem:$0x900] =	vst v22  }
0x49d: {  	v18 =	vadd.s32 v18, v19;
	v23 =	vld.idx.msk [tilespmem:v7+s1+$0x0], $0xffff  }
0x49e: {  	[tilespmem:$0x900] =	vst v18  }
0x49f: {  	v19 =	vld.idx.msk [tilespmem:v10+s1+$0x0], $0xffff  }
0x4a0: {  	s14 =	sadd.s32 $0x2, s14  }
0x4a1: {  	p0 =	slt.u32 s14, $0x1E;
	_ =	sdelay $0x1  }
0x4a2: {  	v23 =	vsel vm12, $0x0, v23  }
0x4a3: {  	v22 =	vadd.s32 v22, v23  }
0x4a4: {  	v19 =	vsel vm11, $0x0, v19;
	[tilespmem:$0x900] =	vst v22  }
0x4a5: {  	v18 =	vadd.s32 v18, v19;
	v23 =	vld.idx.msk [tilespmem:v9+s1+$0x0], $0xffff  }
0x4a6: {  	[tilespmem:$0x900] =	vst v18  }
0x4a7: {  	v19 =	vld.idx.msk [tilespmem:v11+s1+$0x0], $0xffff;
	_ =	sdelay $0x3  }
0x4a8: {  	v23 =	vsel vm10, $0x0, v23  }
0x4a9: {  	v22 =	vadd.s32 v23, v22  }
0x4aa: {  	v23 =	vsel vm13, $0xFFFFFFFF, v0;
	v19 =	vsel vm7, $0x0, v19;
	[tilespmem:$0x900] =	vst v22  }
0x4ab: {  	v18 =	vadd.s32 v18, v19;
	v19 =	vadd.s32 v23, v17;
	v24 =	vld.idx.msk [tilespmem:v10+s1+$0x0], $0xffff  }
0x4ac: {  	v19 =	vadd.s32 v18, v19  }
0x4ad: {  	vm15 =	vlt.s32 v19, $0x60  }
0x4ae: {  	vm13 =	vmand vm13, vm15;
	_ =	sdelay $0x2  }
0x4af: {  	v23 =	vsel vm11, $0x0, v24  }
0x4b0: {  	v22 =	vadd.s32 v22, v23  }
0x4b1: {  	[tilespmem:$0x900] =	vst v22  }
0x4b2: {  	[tilespmem:v19+s2+$0x0] =	vst.idx.msk vm13, v16  }
0x4b3: {  	[tilespmem:v19+s3+$0x0] =	vst.idx.msk vm13, v13  }
0x4b4: {  	[tilespmem:v19+s5+$0x0] =	vst.idx.msk vm13, v15  }
0x4b5: {  	v15 =	vld.idx.msk [tilespmem:v11+s1+$0x0], $0xffff;
	[tilespmem:$0x900] =	vst v18  }
0x4b6: {  	v16 =	vld.idx.msk [tilespmem:v12+s1+$0x0], $0xffff;
	_ =	sdelay $0x5  }
0x4b7: {  	v18 =	vsel vm14, $0xFFFFFFFF, v0;
	v15 =	vsel vm7, $0x0, v15;
	v16 =	vadd.s32 v17, v16  }
0x4b8: {  	v15 =	vadd.s32 v22, v15;
	v17 =	vadd.s32 v18, v16  }
0x4b9: {  	v17 =	vadd.s32 v15, v17  }
0x4ba: {  	vm13 =	vlt.s32 v17, $0x60  }
0x4bb: {  	vm13 =	vmand vm14, vm13;
	_ =	sdelay $0x4  }
0x4bc: {  	v18 =	vsub.f32 $3.000000000e+00, v21  }
0x4bd: {  	[tilespmem:v17+s2+$0x0] =	vst.idx.msk vm13, v20  }
0x4be: {  	v19 =	vor.u32 s16, v47;
	v18 =	vmax.f32 v18, $0.0e+00;
	[tilespmem:v17+s3+$0x0] =	vst.idx.msk vm13, v46  }
0x4bf: {  	vm14 =	vle.f32 v18, v14;
	[tilespmem:v17+s5+$0x0] =	vst.idx.msk vm13, v19  }
0x4c0: {  	[tilespmem:$0x900] =	vst v15;
	v15 =	vsel vm14, $0x1, v0  }
0x4c1: {  	v17 =	vld.idx.msk [tilespmem:v12+s1+$0x0], $0xffff;
	[tilespmem:$0x900] =	vst v15  }
0x4c2: {  	v20 =	vld.idx.msk [tilespmem:v7+s1+$0x0], $0xffff;
	_ =	sdelay $0x1  }
0x4c3: {  	s17 =	sadd.s32 $0x10, s16  }
0x4c4: {  	s18 =	sor.u32 s17, s15  }
0x4c5: {  	s18 =	sor.u32 $0x180, s18  }
0x4c6: {  	v21 =	vld [tilespmem:s18+$0x0]  }
0x4c7: {  	v20 =	vsel vm12, $0x0, v20  }
0x4c8: {  	v15 =	vadd.s32 v15, v20  }
0x4c9: {  	[tilespmem:$0x900] =	vst v15  }
0x4ca: {  	v20 =	vld.idx.msk [tilespmem:v9+s1+$0x0], $0xffff  }
0x4cb: {  	v22 =	vadd.f32 $3.000000000e+00, v21;
	_ =	sdelay $0x1  }
0x4cc: {  	v22 =	vmax.f32 v22, $0.0e+00  }
0x4cd: {  	vm13 =	vle.f32 v22, v14  }
0x4ce: {  	v23 =	vsel vm13, $0x1, v0  }
0x4cf: {  	v20 =	vsel vm10, $0x0, v20;
	[tilespmem:$0x900] =	vst v23  }
0x4d0: {  	v15 =	vadd.s32 v15, v20;
	v20 =	vld.idx.msk [tilespmem:v7+s1+$0x0], $0xffff  }
0x4d1: {  	[tilespmem:$0x900] =	vst v15  }
0x4d2: {  	v24 =	vld.idx.msk [tilespmem:v10+s1+$0x0], $0xffff;
	_ =	sdelay $0x3  }
0x4d3: {  	v20 =	vsel vm12, $0x0, v20  }
0x4d4: {  	v20 =	vadd.s32 v23, v20  }
0x4d5: {  	v23 =	vsel vm11, $0x0, v24;
	[tilespmem:$0x900] =	vst v20  }
0x4d6: {  	v15 =	vadd.s32 v15, v23;
	v23 =	vld.idx.msk [tilespmem:v9+s1+$0x0], $0xffff  }
0x4d7: {  	[tilespmem:$0x900] =	vst v15  }
0x4d8: {  	v24 =	vld.idx.msk [tilespmem:v11+s1+$0x0], $0xffff;
	_ =	sdelay $0x3  }
0x4d9: {  	v23 =	vsel vm10, $0x0, v23  }
0x4da: {  	v20 =	vadd.s32 v23, v20  }
0x4db: {  	v16 =	vadd.s32 v16, v17;
	v17 =	vsel vm14, $0xFFFFFFFF, v0;
	v23 =	vsel vm7, $0x0, v24;
	[tilespmem:$0x900] =	vst v20  }
0x4dc: {  	v17 =	vadd.s32 v17, v16;
	v15 =	vadd.s32 v15, v23;
	v23 =	vld.idx.msk [tilespmem:v10+s1+$0x0], $0xffff  }
0x4dd: {  	v17 =	vadd.s32 v15, v17  }
0x4de: {  	vm15 =	vlt.s32 v17, $0x60  }
0x4df: {  	vm14 =	vmand vm14, vm15;
	_ =	sdelay $0x2  }
0x4e0: {  	v23 =	vsel vm11, $0x0, v23  }
0x4e1: {  	v20 =	vadd.s32 v20, v23  }
0x4e2: {  	[tilespmem:$0x900] =	vst v20  }
0x4e3: {  	[tilespmem:v17+s2+$0x0] =	vst.idx.msk vm14, v18  }
0x4e4: {  	[tilespmem:v17+s3+$0x0] =	vst.idx.msk vm14, v13  }
0x4e5: {  	[tilespmem:v17+s5+$0x0] =	vst.idx.msk vm14, v19  }
0x4e6: {  	[tilespmem:$0x900] =	vst v15;
	v15 =	vld.idx.msk [tilespmem:v11+s1+$0x0], $0xffff  }
0x4e7: {  	v17 =	vld.idx.msk [tilespmem:v12+s1+$0x0], $0xffff;
	_ =	sdelay $0x5  }
0x4e8: {  	v15 =	vsel vm7, $0x0, v15;
	v17 =	vadd.s32 v16, v17;
	v16 =	vsel vm13, $0xFFFFFFFF, v0  }
0x4e9: {  	v18 =	vadd.s32 v20, v15;
	v15 =	vadd.s32 v16, v17  }
0x4ea: {  	v19 =	vadd.s32 v18, v15  }
0x4eb: {  	vm14 =	vlt.s32 v19, $0x60  }
0x4ec: {  	vm13 =	vmand vm13, vm14;
	_ =	sdelay $0x4  }
0x4ed: {  	v16 =	vsub.f32 $3.000000000e+00, v21  }
0x4ee: {  	[tilespmem:v19+s2+$0x0] =	vst.idx.msk vm13, v22  }
0x4ef: {  	v15 =	vor.u32 s17, v47;
	v16 =	vmax.f32 v16, $0.0e+00;
	[tilespmem:v19+s3+$0x0] =	vst.idx.msk vm13, v46  }
0x4f0: {  	[tilespmem:v19+s5+$0x0] =	vst.idx.msk vm13, v15;
	vm13 =	vle.f32 v16, v14  }
.Ltmp9:
0x4f1: {  	[tilespmem:$0x900] =	vst v18;
	v19 =	vsel vm13, $0x1, v0;
	(pc) =	sbr.rel @p0 .LBB2_16-.Ltmp9, $3  }
0x4f2: {  	v18 =	vld.idx.msk [tilespmem:v12+s1+$0x0], $0xffff;
	[tilespmem:$0x900] =	vst v19  }
0x4f3: {  	v20 =	vld.idx.msk [tilespmem:v7+s1+$0x0], $0xffff;
	_ =	sdelay $0x1  }
0x4f4: {  	s15 =	sadd.s32 $0x80, s15;
	s16 =	sadd.s32 $0x20, s16  }
0x4f5: {  	_ =	sdelay $0x1  }
0x4f6: {  	v14 =	vsel vm12, $0x0, v20  }
0x4f7: {  	v14 =	vadd.s32 v19, v14  }
0x4f8: {  	[tilespmem:$0x900] =	vst v14  }
0x4f9: {  	v60 =	vld.idx.msk [tilespmem:v9+s1+$0x0], $0xffff;
	_ =	sdelay $0x4  }
0x4fa: {  	v19 =	vsel vm10, $0x0, v60  }
0x4fb: {  	v14 =	vadd.s32 v14, v19  }
0x4fc: {  	[tilespmem:$0x900] =	vst v14  }
0x4fd: {  	v61 =	vld.idx.msk [tilespmem:v10+s1+$0x0], $0xffff;
	_ =	sdelay $0x4  }
0x4fe: {  	v19 =	vsel vm11, $0x0, v61  }
0x4ff: {  	v14 =	vadd.s32 v14, v19  }
0x500: {  	[tilespmem:$0x900] =	vst v14  }
0x501: {  	v62 =	vld.idx.msk [tilespmem:v11+s1+$0x0], $0xffff;
	_ =	sdelay $0x4  }
0x502: {  	v63 =	vsel vm13, $0xFFFFFFFF, v0;
	v17 =	vadd.s32 v17, v18;
	v19 =	vsel vm7, $0x0, v62  }
0x503: {  	v18 =	vadd.s32 v63, v17;
	v14 =	vadd.s32 v14, v19  }
0x504: {  	v18 =	vadd.s32 v14, v18  }
0x505: {  	vm12 =	vlt.s32 v18, $0x60  }
0x506: {  	vm12 =	vmand vm13, vm12;
	_ =	sdelay $0x5  }
0x507: {  	[tilespmem:v18+s2+$0x0] =	vst.idx.msk vm12, v16  }
0x508: {  	[tilespmem:v18+s3+$0x0] =	vst.idx.msk vm12, v13  }
0x509: {  	[tilespmem:v18+s5+$0x0] =	vst.idx.msk vm12, v15  }
0x50a: {  	[tilespmem:$0x900] =	vst v14  }
0x50b: {  	v14 =	vld.idx.msk [tilespmem:v12+s1+$0x0], $0xffff;
	_ =	sdelay $0x4  }
0x50c: {  	v14 =	vadd.s32 v17, v14  }
0x50d: {  	vm12 =	vlt.s32 v14, $0x60  }
0x50e: {  	v14 =	vnsel vm12, $0x60, v14  }
0x50f: {  	[tilespmem:$0x900] =	vst v14  }
0x510: {  	[spmem:s22] =	stream.linear.scatter [tilespmem:s2], [sflag:$0x3], $0x60, $0x38;
	[tilespmem:$0xDBC0] =	vst v63  }
0x511: {  	_ =	swait.ge [sflag:s0], $0x60  }
0x512: {  	[sflag:s0] =	ssyncset.done $0x0  }
0x513: {  	[sflag:s0] =	ssyncadd.s32 $0xFFFFFFA0  }
0x514: {  	[spmem:s23] =	stream.linear.scatter [tilespmem:s3], [sflag:$0x3], $0x60, $0x38;
	[tilespmem:$0xDBC0] =	vst v63  }
0x515: {  	_ =	swait.ge [sflag:s0], $0x60  }
0x516: {  	[sflag:s0] =	ssyncset.done $0x0  }
0x517: {  	[sflag:s0] =	ssyncadd.s32 $0xFFFFFFA0  }
0x518: {  	[spmem:s24] =	stream.linear.scatter [tilespmem:s5], [sflag:$0x3], $0x60, $0x38;
	[tilespmem:$0xDBC0] =	vst v63  }
0x519: {  	_ =	swait.ge [sflag:s0], $0x60  }
0x51a: {  	[sflag:s0] =	ssyncset.done $0x0  }
0x51b: {  	[sflag:s0] =	ssyncadd.s32 $0xFFFFFFA0  }
0x51c: {  	[spmem:s25] =	stream.linear.scatter [tilespmem:s1], [sflag:$0x3], $0x10, $0x38;
	[tilespmem:$0xDBC0] =	vst v63  }
0x51d: {  	_ =	swait.ge [sflag:s0], $0x10  }
0x51e: {  	[sflag:s0] =	ssyncset.done $0x0  }
0x51f: {  	[sflag:s0] =	ssyncadd.s32 $0xFFFFFFF0  }
0x520: {  	[bflag:$0x0] =	sbarrier.arrive $0xFFFF  }
0x521: {  	s14 =	rddreg [dreg:$0x3]  }
0x522: {  	[tilespmem:s8], [sflag:$0x3] =	stream.linear.gather [spmem:s14], $0x1800, $0x38;
	[tilespmem:$0xDBC0] =	vst v63  }
0x523: {  	_ =	swait.ge [sflag:s0], $0x1800  }
0x524: {  	[sflag:s0] =	ssyncset.done $0x0  }
0x525: {  	[sflag:s0] =	ssyncadd.s32 $0xFFFFE800  }
0x526: {  	s17 =	rddreg [dreg:$0x4]  }
0x527: {  	[tilespmem:s9], [sflag:$0x3] =	stream.linear.gather [spmem:s17], $0x1800, $0x38;
	[tilespmem:$0xDBC0] =	vst v63  }
0x528: {  	_ =	swait.ge [sflag:s0], $0x1800  }
0x529: {  	[sflag:s0] =	ssyncset.done $0x0  }
0x52a: {  	[sflag:s0] =	ssyncadd.s32 $0xFFFFE800  }
0x52b: {  	s18 =	rddreg [dreg:$0x5]  }
0x52c: {  	[tilespmem:s10], [sflag:$0x3] =	stream.linear.gather [spmem:s18], $0x1800, $0x38;
	[tilespmem:$0xDBC0] =	vst v63  }
0x52d: {  	_ =	swait.ge [sflag:s0], $0x1800  }
0x52e: {  	[sflag:s0] =	ssyncset.done $0x0  }
0x52f: {  	[sflag:s0] =	ssyncadd.s32 $0xFFFFE800  }
0x530: {  	s15 =	simm.s32 $0x97C0;
	s19 =	rddreg [dreg:$0x6]  }
0x531: {  	[tilespmem:s15], [sflag:$0x3] =	stream.linear.gather [spmem:s19], $0x400, $0x38;
	[tilespmem:$0xDBC0] =	vst v63  }
0x532: {  	_ =	swait.ge [sflag:s0], $0x400  }
.Ltmp10:
0x533: {  	[sflag:s0] =	ssyncset.done $0x0;
	(pc) =	sbr.rel .LBB2_18-.Ltmp10, $4  }
0x534: {  	[sflag:s0] =	ssyncadd.s32 $0xFFFFFC00  }
0x535: {  	_ =	swait.ge [sflag:s11], $0x4000  }
0x536: {  	[sflag:s11] =	ssyncset.done $0x0  }
0x537: {  	s14 =	simm.s32 $0x0;
	s15 =	simm.s32 $0x0;
	[sflag:s11] =	ssyncadd.s32 $0xFFFFC000  }
.LBB2_23:
0x538: {  	v1 =	vadd.f32 v43, v22  }
0x539: {  	v2 =	vadd.f32 v16, v15  }
0x53a: {  	v3 =	vadd.f32 v45, v39;
	v1 =	vadd.f32 v36, v1  }
0x53b: {  	v4 =	vadd.f32 v20, v21;
	v2 =	vadd.f32 v17, v2  }
0x53c: {  	v3 =	vadd.f32 v18, v3;
	v1 =	vadd.f32 v38, v1  }
0x53d: {  	v4 =	vadd.f32 v19, v4;
	v2 =	vadd.f32 v14, v2  }
0x53e: {  	v3 =	vadd.f32 v24, v3;
	v1 =	vadd.f32 v33, v1  }
0x53f: {  	v4 =	vadd.f32 v40, v4;
	v2 =	vadd.f32 v23, v2  }
0x540: {  	v3 =	vadd.f32 v42, v3;
	v1 =	vadd.f32 v37, v1  }
0x541: {  	v4 =	vadd.f32 v31, v4;
	v2 =	vadd.f32 v25, v2  }
0x542: {  	v3 =	vadd.f32 v34, v3;
	v1 =	vadd.f32 v35, v1  }
0x543: {  	v4 =	vadd.f32 v44, v4;
	v2 =	vadd.f32 v30, v2  }
0x544: {  	v3 =	vadd.f32 v27, v3;
	v1 =	vadd.f32 v26, v1  }
0x545: {  	s16 =	sshll.u32 s15, $0x7;
	s15 =	sadd.s32 $0x1, s15;
	v4 =	vadd.f32 v41, v4;
	v2 =	vadd.f32 v29, v2  }
0x546: {  	p0 =	sne.s32 s15, $0x40;
	v3 =	vadd.f32 v28, v3;
	v1 =	vmul.f32 $1.250000000e-01, v1  }
.Ltmp11:
0x547: {  	v4 =	vadd.f32 v32, v4;
	v2 =	vmul.f32 $1.250000000e-01, v2;
	(pc) =	sbr.rel @!p0 .LBB2_24-.Ltmp11, $4  }
0x548: {  	[tilespmem:s16+$0x9BC0] =	vst v1;
	v1 =	vmul.f32 $1.250000000e-01, v3  }
0x549: {  	[tilespmem:s16+$0xBBC0] =	vst v2;
	v2 =	vmul.f32 $1.250000000e-01, v4  }
0x54a: {  	[tilespmem:s16+$0x9BD0] =	vst v1  }
0x54b: {  	s14 =	sadd.s32 $0x60, s14;
	[tilespmem:s16+$0xBBD0] =	vst v2  }
.LBB2_18:
0x54c: {  	s16 =	sshll.u32 s15, $0x4  }
0x54d: {  	s16 =	sand.u32 $0x3FFFFFF0, s16  }
0x54e: {  	v14 =	vld [tilespmem:s16+$0x97C0];
	_ =	sdelay $0x4  }
0x54f: {  	(v2sf) =	vpush v14, $0x0;
	_ =	sdelay $0xe  }
0x550: {  	s16 =	spop (v2sf)  }
0x551: {  	p0 =	slt.s32 s16, $0x60  }
0x552: {  	s16 =	simm.s32 @!p0 $0x60  }
0x553: {  	s17 =	sshrl.u32 s16, $0x1F  }
0x554: {  	s17 =	sadd.s32 s17, s16  }
0x555: {  	s17 =	sand.u32 $0xFFFFFFFE, s17  }
0x556: {  	p0 =	slt.s32 s17, $0x1  }
.Ltmp12:
0x557: {  	_ = 	snop;
	(pc) =	sbr.rel @p0 .LBB2_19-.Ltmp12, $1  }
0x558: {  	_ =	sdelay $0x3  }
0x559: {  	s18 =	sadd.s32 $0x0, s14  }
0x55a: {  	v14 =	vmov s18;
	s18 =	sadd.s32 $0x1, s18  }
0x55b: {  	v14 =	vand.u32 $0xFFFFFFFE, v14;
	v15 =	vmov s18  }
0x55c: {  	v14 =	vbroadcast v14, $0x0;
	_ =	sdelay $0x3  }
0x55d: {  	v16 =	vld.idx.msk [tilespmem:v15+s10+$0x0], $0xffff;
	_ =	sdelay $0x1  }
0x55e: {  	v17 =	vld.idx.msk [tilespmem:v14+s10+$0x0], $0xffff  }
0x55f: {  	v23 =	vmul.u32 $0x200, v47;
	_ =	sdelay $0x1  }
0x560: {  	v24 =	vor.u32 $0x2000, v23;
	v18 =	vadd.s32 v23, v16  }
0x561: {  	v16 =	vadd.s32 v24, v16  }
0x562: {  	v19 =	vadd.s32 v23, v17  }
0x563: {  	v20 =	vld.idx.msk [tilespmem:v15+s9+$0x0], $0xffff;
	v17 =	vadd.s32 v24, v17  }
0x564: {  	v21 =	vld.idx.msk [tilespmem:v14+s9+$0x0], $0xffff  }
0x565: {  	v18 =	vld.idx.msk [tilespmem:v18+s30+$0x0], $0xffff  }
0x566: {  	v16 =	vld.idx.msk [tilespmem:v16+s30+$0x0], $0xffff  }
0x567: {  	v19 =	vld.idx.msk [tilespmem:v19+s30+$0x0], $0xffff  }
0x568: {  	v17 =	vld.idx.msk [tilespmem:v17+s30+$0x0], $0xffff;
	_ =	sdelay $0x1  }
0x569: {  	v25 =	vimm.f32 $1.000000020e+30;
	v49 =	vimm.f32 $1.000000020e+30;
	v18 =	vmul.f32 v18, v20  }
0x56a: {  	v50 =	vimm.f32 $1.000000020e+30;
	v52 =	vimm.f32 $1.000000020e+30;
	v16 =	vmul.f32 v16, v20  }
0x56b: {  	v44 =	vimm.f32 $1.000000020e+30;
	v15 =	vld.idx.msk [tilespmem:v15+s8+$0x0], $0xffff;
	v19 =	vmul.f32 v19, v21;
	v20 =	vadd.f32 $3.000000000e+00, v18  }
0x56c: {  	v17 =	vmul.f32 v17, v21;
	v18 =	vsub.f32 $3.000000000e+00, v18;
	v26 =	vadd.f32 $3.000000000e+00, v16  }
0x56d: {  	v45 =	vimm.f32 $1.000000020e+30;
	v16 =	vsub.f32 $3.000000000e+00, v16;
	v21 =	vsub.f32 $3.000000000e+00, v19  }
0x56e: {  	v43 =	vimm.f32 $1.000000020e+30;
	v14 =	vld.idx.msk [tilespmem:v14+s8+$0x0], $0xffff;
	v27 =	vadd.f32 $3.000000000e+00, v17;
	v17 =	vsub.f32 $3.000000000e+00, v17  }
0x56f: {  	v20 =	vmax.f32 v20, $0.0e+00;
	v16 =	vmax.f32 v16, $0.0e+00;
	v19 =	vadd.f32 $3.000000000e+00, v19  }
0x570: {  	v18 =	vmax.f32 v18, $0.0e+00;
	v22 =	vadd.f32 v20, v15;
	v20 =	vmax.f32 v26, $0.0e+00  }
0x571: {  	v16 =	vadd.f32 v16, v15;
	v18 =	vadd.f32 v18, v15;
	v21 =	vmax.f32 v21, $0.0e+00  }
0x572: {  	v17 =	vmax.f32 v17, $0.0e+00;
	v26 =	vmax.f32 v27, $0.0e+00;
	v37 =	vadd.f32 v20, v15  }
0x573: {  	v19 =	vmax.f32 v19, $0.0e+00;
	v21 =	vadd.f32 v21, v14;
	v17 =	vadd.f32 v17, v14  }
0x574: {  	v42 =	vimm.f32 $1.000000020e+30;
	v28 =	vadd.f32 v26, v14;
	v51 =	vadd.f32 v19, v14  }
0x575: {  	v27 =	vmax.f32 v25, v21;
	v29 =	vmin.f32 v25, v17;
	v17 =	vmax.f32 v25, v17  }
0x576: {  	v26 =	vmax.f32 v25, v28;
	v14 =	vmin.f32 v25, v21;
	v48 =	vmax.f32 v25, v51  }
0x577: {  	v47 =	vmin.f32 v25, v28;
	v30 =	vmin.f32 v25, v17;
	v17 =	vmax.f32 v25, v17  }
0x578: {  	v31 =	vmax.f32 v25, v26;
	v33 =	vmax.f32 v25, v27;
	v34 =	vmax.f32 v29, v16  }
0x579: {  	v27 =	vmin.f32 v25, v27;
	v36 =	vmax.f32 v14, v18;
	v26 =	vmin.f32 v25, v26  }
0x57a: {  	v15 =	vmin.f32 v14, v18;
	v21 =	vmin.f32 v29, v16;
	v29 =	vimm.f32 $1.000000020e+30  }
0x57b: {  	v32 =	vmin.f32 v25, v17;
	v35 =	vmin.f32 v25, v33;
	v17 =	vmax.f32 v25, v17  }
0x57c: {  	v33 =	vmax.f32 v25, v33;
	v38 =	vmax.f32 v27, v36;
	v40 =	vmax.f32 v30, v34  }
0x57d: {  	v20 =	vmin.f32 v30, v34;
	v14 =	vmax.f32 v25, v31;
	v16 =	vmin.f32 v27, v36  }
0x57e: {  	v27 =	vmin.f32 v25, v31;
	v31 =	vimm.f32 $1.000000020e+30;
	v36 =	vimm.f32 $1.000000020e+30  }
0x57f: {  	v34 =	vimm.f32 $1.000000020e+30;
	v53 =	vmin.f32 v25, v17;
	v39 =	vmax.f32 v35, v38  }
0x580: {  	v55 =	vmax.f32 v25, v17;
	v19 =	vmin.f32 v32, v40;
	v30 =	vmax.f32 v25, v33  }
0x581: {  	v46 =	vmax.f32 v32, v40;
	v18 =	vmin.f32 v25, v33;
	v17 =	vmin.f32 v35, v38  }
0x582: {  	p0 =	sgt.s32 s17, $0x2;
	v58 =	vmax.f32 v25, v14;
	v38 =	vmax.f32 v47, v37;
	v54 =	vmin.f32 v25, v14  }
.Ltmp13:
0x583: {  	v35 =	vimm.f32 $1.000000020e+30;
	v32 =	vimm.f32 $1.000000020e+30;
	v33 =	vimm.f32 $1.000000020e+30;
	(pc) =	sbr.rel @!p0 .LBB2_28-.Ltmp13, $4  }
0x584: {  	v59 =	vmin.f32 v25, v30;
	v57 =	vmax.f32 v53, v46;
	v60 =	vmax.f32 v18, v39  }
0x585: {  	v14 =	vmin.f32 v18, v39;
	v28 =	vmax.f32 v26, v38;
	v41 =	vmax.f32 v25, v30  }
0x586: {  	v39 =	vimm.f32 $1.000000020e+30;
	v30 =	vimm.f32 $1.000000020e+30;
	v18 =	vmin.f32 v27, v28  }
0x587: {  	s18 =	simm.s32 $0x2;
	v56 =	vmax.f32 v27, v28;
	v27 =	vimm.f32 $1.000000020e+30;
	v28 =	vimm.f32 $1.000000020e+30  }
.LBB2_27:
0x588: {  	s19 =	sadd.s32 s18, s14;
	s18 =	sadd.s32 $0x2, s18;
	v61 =	vmax.f32 v25, v41;
	v40 =	vmin.f32 v54, v56;
	v46 =	vmin.f32 v53, v46  }
0x589: {  	v62 =	vmin.f32 v25, v41;
	v25 =	vmin.f32 v31, v55;
	v53 =	vmov s19;
	s19 =	sadd.s32 $0x1, s19;
	p0 =	slt.s32 s18, s17  }
0x58a: {  	v41 =	vmin.f32 v59, v60;
	v53 =	vand.u32 $0xFFFFFFFE, v53;
	v63 =	vmov s19  }
0x58b: {  	v55 =	vmax.f32 v31, v55;
	v59 =	vmax.f32 v59, v60;
	v53 =	vbroadcast v53, $0x0  }
0x58c: {  	v60 =	vmin.f32 v49, v58;
	v6 =	vmin.f32 v50, v55;
	v31 =	vmin.f32 v25, v57  }
0x58d: {  	v51 =	vmin.f32 v52, v51;
	v49 =	vmax.f32 v49, v58;
	v50 =	vmax.f32 v50, v55  }
0x58e: {  	v52 =	vmin.f32 v44, v48;
	v55 =	vmin.f32 v45, v61;
	v57 =	vmax.f32 v25, v57  }
0x58f: {  	v25 =	vmax.f32 v45, v61;
	v45 =	vmin.f32 v35, v49;
	v61 =	vmax.f32 v51, v22;
	v58 =	vld.idx.msk [tilespmem:v63+s10+$0x0], $0xffff  }
0x590: {  	v5 =	vmin.f32 v43, v50;
	v43 =	vmax.f32 v43, v50;
	v50 =	vmax.f32 v52, v61  }
0x591: {  	v35 =	vmax.f32 v35, v49;
	v49 =	vmax.f32 v54, v56;
	v42 =	vmin.f32 v42, v25;
	v4 =	vld.idx.msk [tilespmem:v53+s10+$0x0], $0xffff  }
0x592: {  	v25 =	vmin.f32 v62, v59;
	v36 =	vmin.f32 v36, v43;
	v43 =	vmax.f32 v60, v49  }
0x593: {  	v54 =	vmax.f32 v62, v59;
	v56 =	vmax.f32 v45, v43  }
0x594: {  	v44 =	vmax.f32 v44, v48;
	v48 =	vmin.f32 v27, v35;
	v35 =	vmax.f32 v27, v35  }
0x595: {  	v62 =	vmin.f32 v32, v44;
	v27 =	vmin.f32 v48, v56;
	v59 =	vadd.s32 v23, v58  }
0x596: {  	v34 =	vmin.f32 v34, v35;
	v3 =	vmax.f32 v62, v50  }
0x597: {  	v32 =	vmax.f32 v32, v44;
	v2 =	vadd.s32 v23, v4;
	v4 =	vadd.s32 v24, v4  }
0x598: {  	v48 =	vmax.f32 v48, v56;
	v44 =	vadd.s32 v24, v58;
	v58 =	vmin.f32 v39, v32  }
0x599: {  	v35 =	vmin.f32 v45, v43;
	v32 =	vmax.f32 v39, v32;
	v39 =	vmax.f32 v6, v57;
	v56 =	vld.idx.msk [tilespmem:v63+s9+$0x0], $0xffff  }
0x59a: {  	v1 =	vmin.f32 v28, v32;
	v28 =	vmax.f32 v28, v32;
	v32 =	vmax.f32 v5, v39;
	v59 =	vld.idx.msk [tilespmem:v59+s30+$0x0], $0xffff  }
0x59b: {  	v47 =	vmin.f32 v47, v37;
	v8 =	vmax.f32 v58, v3;
	v36 =	vmin.f32 v36, v32;
	v13 =	vld.idx.msk [tilespmem:v53+s9+$0x0], $0xffff  }
0x59c: {  	v34 =	vmin.f32 v34, v48;
	v37 =	vmin.f32 v33, v28;
	v33 =	vmax.f32 v33, v28;
	v2 =	vld.idx.msk [tilespmem:v2+s30+$0x0], $0xffff  }
0x59d: {  	v32 =	vmin.f32 v62, v50;
	v28 =	vmin.f32 v1, v8;
	v43 =	vmax.f32 v29, v33;
	v44 =	vld.idx.msk [tilespmem:v44+s30+$0x0], $0xffff  }
0x59e: {  	v48 =	vmax.f32 v55, v54;
	v30 =	vmin.f32 v30, v43;
	v43 =	vmin.f32 v5, v39;
	v4 =	vld.idx.msk [tilespmem:v4+s30+$0x0], $0xffff  }
0x59f: {  	v45 =	vmin.f32 v55, v54;
	v42 =	vmin.f32 v42, v48;
	v5 =	vmin.f32 v29, v33  }
0x5a0: {  	v49 =	vmin.f32 v60, v49;
	v1 =	vmax.f32 v1, v8;
	v29 =	vmul.f32 v59, v56  }
0x5a1: {  	v26 =	vmin.f32 v26, v38;
	v50 =	vmin.f32 v6, v57;
	v39 =	vmax.f32 v37, v1;
	v8 =	vld.idx.msk [tilespmem:v63+s8+$0x0], $0xffff  }
0x5a2: {  	v33 =	vadd.f32 $3.000000000e+00, v29;
	v38 =	vsub.f32 $3.000000000e+00, v29;
	v29 =	vmax.f32 v5, v39;
	v6 =	vld.idx.msk [tilespmem:v53+s8+$0x0], $0xffff  }
0x5a3: {  	v2 =	vmul.f32 v2, v13;
	v44 =	vmul.f32 v44, v56;
	v30 =	vmin.f32 v30, v29  }
0x5a4: {  	v4 =	vmul.f32 v4, v13;
	v13 =	vmax.f32 v33, $0.0e+00;
	v33 =	vmin.f32 v37, v1  }
0x5a5: {  	v29 =	vmin.f32 v5, v39;
	v1 =	vsub.f32 $3.000000000e+00, v2;
	v37 =	vadd.f32 $3.000000000e+00, v44  }
0x5a6: {  	v39 =	vmin.f32 v58, v3;
	v48 =	vsub.f32 $3.000000000e+00, v44;
	v5 =	vadd.f32 $3.000000000e+00, v4  }
0x5a7: {  	v44 =	vmin.f32 v52, v61;
	v1 =	vmax.f32 v1, $0.0e+00;
	v3 =	vsub.f32 $3.000000000e+00, v4  }
0x5a8: {  	v4 =	vadd.f32 v13, v8;
	v13 =	vmax.f32 v37, $0.0e+00;
	v1 =	vadd.f32 v1, v6  }
0x5a9: {  	v37 =	vmax.f32 v48, $0.0e+00;
	v5 =	vmax.f32 v5, $0.0e+00;
	v3 =	vmax.f32 v3, $0.0e+00  }
0x5aa: {  	v52 =	vmin.f32 v51, v22;
	v3 =	vadd.f32 v3, v6;
	v22 =	vmovc v4;
	v48 =	vmax.f32 v15, v1  }
0x5ab: {  	v2 =	vadd.f32 $3.000000000e+00, v2;
	v4 =	vadd.f32 v5, v6  }
0x5ac: {  	v5 =	vmin.f32 v21, v3;
	v3 =	vmax.f32 v21, v3;
	v21 =	vadd.f32 v37, v8  }
0x5ad: {  	v37 =	vmax.f32 v47, v4;
	v54 =	vmin.f32 v20, v3;
	v3 =	vmax.f32 v20, v3  }
0x5ae: {  	v2 =	vmax.f32 v2, $0.0e+00;
	v56 =	vmax.f32 v26, v37;
	v57 =	vmin.f32 v19, v3  }
0x5af: {  	v38 =	vmax.f32 v38, $0.0e+00;
	v20 =	vmax.f32 v16, v48;
	v58 =	vmax.f32 v5, v21  }
0x5b0: {  	v38 =	vadd.f32 v38, v8;
	v59 =	vmin.f32 v17, v20;
	v3 =	vmax.f32 v19, v3  }
0x5b1: {  	v51 =	vadd.f32 v2, v6;
	v1 =	vmin.f32 v15, v1;
	v53 =	vmin.f32 v46, v3  }
0x5b2: {  	v2 =	vmin.f32 v16, v48;
	v16 =	vmax.f32 v1, v38;
	v6 =	vmax.f32 v17, v20  }
0x5b3: {  	v48 =	vmax.f32 v52, v51;
	v26 =	vmin.f32 v26, v37;
	v17 =	vmax.f32 v2, v16  }
0x5b4: {  	v37 =	vadd.f32 v13, v8;
	v8 =	vmax.f32 v59, v17;
	v13 =	vmax.f32 v54, v58  }
0x5b5: {  	v55 =	vmax.f32 v46, v3;
	v20 =	vmin.f32 v54, v58;
	v19 =	vmin.f32 v57, v13  }
0x5b6: {  	v15 =	vmin.f32 v1, v38;
	v21 =	vmin.f32 v5, v21;
	v3 =	vmax.f32 v14, v6  }
0x5b7: {  	v1 =	vmax.f32 v18, v56;
	v16 =	vmin.f32 v2, v16;
	v46 =	vmax.f32 v57, v13  }
.Ltmp14:
0x5b8: {  	v5 =	vmin.f32 v18, v56;
	v2 =	vmin.f32 v14, v6;
	v17 =	vmin.f32 v59, v17;
	(pc) =	sbr.rel @p0 .LBB2_27-.Ltmp14, $4  }
0x5b9: {  	v47 =	vmin.f32 v47, v4;
	v59 =	vmin.f32 v41, v3;
	v57 =	vmax.f32 v53, v46  }
0x5ba: {  	v58 =	vmax.f32 v40, v1;
	v38 =	vmax.f32 v47, v37;
	v60 =	vmax.f32 v2, v8  }
0x5bb: {  	v54 =	vmin.f32 v40, v1;
	v14 =	vmin.f32 v2, v8;
	v1 =	vmax.f32 v26, v38  }
0x5bc: {  	v41 =	vmax.f32 v41, v3;
	v18 =	vmin.f32 v5, v1;
	v56 =	vmax.f32 v5, v1  }
.LBB2_28:
0x5bd: {  	v1 =	vmax.f32 v25, v41;
	v24 =	vmin.f32 v54, v56  }
0x5be: {  	v40 =	vmin.f32 v53, v46;
	v2 =	vmin.f32 v25, v41;
	v3 =	vmin.f32 v31, v55  }
0x5bf: {  	v23 =	vmin.f32 v59, v60;
	v4 =	vmax.f32 v31, v55;
	v5 =	vmax.f32 v59, v60  }
0x5c0: {  	v6 =	vmin.f32 v49, v58;
	v13 =	vmin.f32 v52, v51;
	v25 =	vmax.f32 v49, v58  }
0x5c1: {  	v46 =	vmin.f32 v44, v48;
	v61 =	vmax.f32 v44, v48;
	v8 =	vmin.f32 v50, v4  }
0x5c2: {  	v31 =	vmin.f32 v3, v57;
	v4 =	vmax.f32 v50, v4;
	v49 =	vmin.f32 v45, v1  }
0x5c3: {  	v3 =	vmax.f32 v3, v57;
	v1 =	vmax.f32 v45, v1;
	v58 =	vmin.f32 v35, v25  }
0x5c4: {  	v50 =	vmax.f32 v13, v22;
	v59 =	vmax.f32 v35, v25;
	v25 =	vmin.f32 v2, v5  }
0x5c5: {  	v2 =	vmax.f32 v2, v5;
	v63 =	vmin.f32 v32, v61;
	v44 =	vmax.f32 v32, v61  }
0x5c6: {  	v22 =	vmin.f32 v13, v22;
	v13 =	vimm.f32 $-1.000000000e+00;
	v45 =	vmin.f32 v43, v4  }
0x5c7: {  	v4 =	vmax.f32 v43, v4;
	v43 =	vmax.f32 v46, v50;
	v1 =	vmin.f32 v42, v1  }
0x5c8: {  	v42 =	vmax.f32 v54, v56;
	v62 =	vmin.f32 v27, v59;
	v35 =	vmax.f32 v27, v59  }
0x5c9: {  	v56 =	vmin.f32 v39, v44;
	v32 =	vmax.f32 v39, v44;
	v57 =	vmax.f32 v8, v3  }
0x5ca: {  	v39 =	vmin.f32 v47, v37;
	v44 =	vmin.f32 v8, v3;
	v47 =	vlaneseq.u32  }
0x5cb: {  	v4 =	vmin.f32 v36, v4;
	v60 =	vmax.f32 v6, v42;
	v35 =	vmin.f32 v34, v35  }
0x5cc: {  	v52 =	vmax.f32 v63, v43;
	v59 =	vmax.f32 v45, v57;
	v36 =	vmin.f32 v63, v43  }
0x5cd: {  	v41 =	vmin.f32 v45, v57;
	v42 =	vmin.f32 v6, v42;
	v45 =	vmin.f32 v26, v38  }
0x5ce: {  	v43 =	vmin.f32 v46, v50;
	v46 =	vimm.f32 $1.000000000e+00;
	v5 =	vmax.f32 v58, v60  }
0x5cf: {  	v34 =	vmin.f32 v58, v60;
	v58 =	vmin.f32 v28, v32;
	v28 =	vmax.f32 v28, v32  }
0x5d0: {  	v60 =	vmax.f32 v56, v52;
	v32 =	vmin.f32 v4, v59;
	v27 =	vmin.f32 v62, v5  }
0x5d1: {  	v5 =	vmax.f32 v62, v5;
	v4 =	vmin.f32 v33, v28;
	v61 =	vmax.f32 v33, v28  }
.Ltmp15:
0x5d2: {  	v62 =	vmax.f32 v49, v2;
	v28 =	vmin.f32 v35, v5;
	v5 =	vmax.f32 v29, v61;
	(pc) =	sbr.rel .LBB2_20-.Ltmp15, $4  }
0x5d3: {  	v5 =	vmin.f32 v30, v5;
	v30 =	vmin.f32 v49, v2;
	v2 =	vmax.f32 v58, v60  }
0x5d4: {  	v63 =	vmin.f32 v29, v61;
	v29 =	vmin.f32 v1, v62;
	v1 =	vmax.f32 v4, v2  }
0x5d5: {  	v38 =	vmin.f32 v56, v52;
	v33 =	vmin.f32 v58, v60;
	v3 =	vmax.f32 v63, v1  }
0x5d6: {  	v37 =	vmin.f32 v4, v2;
	v35 =	vmin.f32 v63, v1;
	v26 =	vmin.f32 v5, v3  }
.LBB2_19:
0x5d7: {  	v22 =	vimm.f32 $1.000000020e+30;
	v43 =	vimm.f32 $1.000000020e+30  }
0x5d8: {  	v36 =	vimm.f32 $1.000000020e+30;
	v38 =	vimm.f32 $1.000000020e+30;
	v33 =	vimm.f32 $1.000000020e+30  }
0x5d9: {  	v37 =	vimm.f32 $1.000000020e+30;
	v35 =	vimm.f32 $1.000000020e+30;
	v26 =	vimm.f32 $1.000000020e+30  }
0x5da: {  	v15 =	vimm.f32 $1.000000020e+30;
	v16 =	vimm.f32 $1.000000020e+30;
	v17 =	vimm.f32 $1.000000020e+30  }
0x5db: {  	v14 =	vimm.f32 $1.000000020e+30;
	v23 =	vimm.f32 $1.000000020e+30;
	v25 =	vimm.f32 $1.000000020e+30  }
0x5dc: {  	v30 =	vimm.f32 $1.000000020e+30;
	v29 =	vimm.f32 $1.000000020e+30;
	v39 =	vimm.f32 $1.000000020e+30  }
0x5dd: {  	v45 =	vimm.f32 $1.000000020e+30;
	v18 =	vimm.f32 $1.000000020e+30;
	v24 =	vimm.f32 $1.000000020e+30  }
0x5de: {  	v42 =	vimm.f32 $1.000000020e+30;
	v34 =	vimm.f32 $1.000000020e+30;
	v27 =	vimm.f32 $1.000000020e+30  }
0x5df: {  	v28 =	vimm.f32 $1.000000020e+30;
	v21 =	vimm.f32 $1.000000020e+30;
	v20 =	vimm.f32 $1.000000020e+30  }
0x5e0: {  	v19 =	vimm.f32 $1.000000020e+30;
	v40 =	vimm.f32 $1.000000020e+30;
	v31 =	vimm.f32 $1.000000020e+30  }
0x5e1: {  	v44 =	vimm.f32 $1.000000020e+30;
	v41 =	vimm.f32 $1.000000020e+30;
	v32 =	vimm.f32 $1.000000020e+30  }
.LBB2_20:
0x5e2: {  	p0 =	sge.s32 s17, s16  }
.Ltmp16:
0x5e3: {  	_ = 	snop;
	(pc) =	sbr.rel @p0 .LBB2_23-.Ltmp16, $1  }
0x5e4: {  	_ =	sdelay $0x3  }
0x5e5: {  	s17 =	ssub.s32 s16, s17  }
0x5e6: {  	s16 =	sadd.s32 s14, s16;
	s17 =	ssub.s32 $0x0, s17  }
.LBB2_22:
0x5e7: {  	s18 =	sadd.s32 s17, s16  }
0x5e8: {  	v1 =	vmov s18;
	_ =	sdelay $0x4  }
0x5e9: {  	v2 =	vld.idx.msk [tilespmem:v1+s10+$0x0], $0xffff;
	_ =	sdelay $0x2  }
0x5ea: {  	v3 =	vmul.u32 $0x200, v47;
	_ =	sdelay $0x1  }
0x5eb: {  	v4 =	vadd.s32 v3, v2;
	_ =	sdelay $0x1  }
0x5ec: {  	v3 =	vor.u32 $0x2000, v3  }
0x5ed: {  	v2 =	vadd.s32 v3, v2  }
0x5ee: {  	v5 =	vld.idx.msk [tilespmem:v1+s9+$0x0], $0xffff  }
0x5ef: {  	v3 =	vld.idx.msk [tilespmem:v4+s30+$0x0], $0xffff;
	_ =	sdelay $0x2  }
0x5f0: {  	v2 =	vld.idx.msk [tilespmem:v2+s30+$0x0], $0xffff;
	_ =	sdelay $0x1  }
0x5f1: {  	v1 =	vld.idx.msk [tilespmem:v1+s8+$0x0], $0xffff;
	v3 =	vmul.f32 v3, v5;
	_ =	sdelay $0x1  }
0x5f2: {  	v4 =	vadd.f32 $3.000000000e+00, v3  }
0x5f3: {  	v2 =	vmul.f32 v2, v5  }
0x5f4: {  	v3 =	vsub.f32 $3.000000000e+00, v3;
	v4 =	vmax.f32 v4, $0.0e+00  }
0x5f5: {  	v5 =	vadd.f32 $3.000000000e+00, v2;
	v4 =	vadd.f32 v4, v1  }
0x5f6: {  	v2 =	vsub.f32 $3.000000000e+00, v2;
	v3 =	vmax.f32 v3, $0.0e+00  }
0x5f7: {  	v3 =	vadd.f32 v3, v1;
	v5 =	vmax.f32 v5, $0.0e+00;
	v6 =	vmax.f32 v22, v4  }
0x5f8: {  	v2 =	vmax.f32 v2, $0.0e+00;
	v5 =	vadd.f32 v5, v1;
	v8 =	vmax.f32 v43, v6  }
0x5f9: {  	v1 =	vadd.f32 v2, v1;
	v22 =	vmin.f32 v22, v4;
	v2 =	vmax.f32 v36, v8  }
0x5fa: {  	v43 =	vmin.f32 v43, v6;
	v6 =	vmax.f32 v15, v3;
	v4 =	vmax.f32 v38, v2  }
0x5fb: {  	v15 =	vmin.f32 v15, v3;
	v38 =	vmin.f32 v38, v2;
	v2 =	vmax.f32 v33, v4  }
0x5fc: {  	v36 =	vmin.f32 v36, v8;
	v33 =	vmin.f32 v33, v4;
	v4 =	vmax.f32 v37, v2  }
0x5fd: {  	v8 =	vmax.f32 v16, v6;
	v37 =	vmin.f32 v37, v2;
	v2 =	vmax.f32 v35, v4  }
0x5fe: {  	v16 =	vmin.f32 v16, v6;
	v26 =	vmin.f32 v26, v2;
	v2 =	vmax.f32 v17, v8  }
0x5ff: {  	v35 =	vmin.f32 v35, v4;
	v17 =	vmin.f32 v17, v8;
	v3 =	vmax.f32 v14, v2  }
0x600: {  	v4 =	vmovc v25;
	v14 =	vmin.f32 v14, v2;
	v2 =	vmax.f32 v23, v3;
	v23 =	vmin.f32 v23, v3  }
0x601: {  	v6 =	vmovc v30;
	v3 =	vmax.f32 v39, v5;
	v25 =	vmin.f32 v25, v2;
	v2 =	vmax.f32 v4, v2  }
0x602: {  	v39 =	vmin.f32 v39, v5;
	v30 =	vmin.f32 v30, v2;
	v2 =	vmax.f32 v6, v2  }
0x603: {  	v5 =	vmovc v24;
	v4 =	vmov v18;
	v29 =	vmin.f32 v29, v2;
	v2 =	vmax.f32 v45, v3  }
0x604: {  	v45 =	vmin.f32 v45, v3;
	v18 =	vmin.f32 v18, v2;
	v2 =	vmax.f32 v4, v2  }
0x605: {  	v3 =	vmovc v42;
	v4 =	vmax.f32 v21, v1;
	v24 =	vmin.f32 v24, v2;
	v2 =	vmax.f32 v5, v2  }
0x606: {  	s17 =	sadd.s32 $0x1, s17;
	v5 =	vmovc v34;
	v42 =	vmin.f32 v42, v2;
	v2 =	vmax.f32 v3, v2;
	v3 =	vmax.f32 v20, v4  }
0x607: {  	p0 =	seq.s32 s17, $0x0;
	v6 =	vmovc v27;
	v34 =	vmin.f32 v34, v2;
	v2 =	vmax.f32 v5, v2;
	v5 =	vmax.f32 v19, v3  }
.Ltmp17:
0x608: {  	v27 =	vmin.f32 v27, v2;
	v2 =	vmax.f32 v6, v2;
	v6 =	vmax.f32 v40, v5;
	(pc) =	sbr.rel @!p0 .LBB2_22-.Ltmp17, $4  }
0x609: {  	v21 =	vmin.f32 v21, v1;
	v20 =	vmin.f32 v20, v4;
	v1 =	vmax.f32 v31, v6  }
0x60a: {  	v19 =	vmin.f32 v19, v3;
	v28 =	vmin.f32 v28, v2;
	v2 =	vmax.f32 v44, v1  }
0x60b: {  	v40 =	vmin.f32 v40, v5;
	v31 =	vmin.f32 v31, v6;
	v3 =	vmax.f32 v41, v2  }
0x60c: {  	v44 =	vmin.f32 v44, v1;
	v41 =	vmin.f32 v41, v2;
	v32 =	vmin.f32 v32, v3  }
.Ltmp18:
0x60d: {  	_ = 	snop;
	(pc) =	sbr.rel .LBB2_23-.Ltmp18, $1  }
0x60e: {  	_ =	sdelay $0x3  }
.LBB2_25:
0x60f: {  	_ =	sfence.sel $0x180000  }
0x610: {  	[bflag:$0x0] =	sbarrier.arrive $0xFFFF  }
0x611: {  	_ =	strace $0x90000047  }
0x612: {  	s0 =	stileid.u32;
	[bflag:$0x2] =	sbarrier.arrive $0xFFFF  }
0x613: {  	p0 =	sne.s32 s0, $0x0;
	s0 =	rddreg [dreg:$0x7]  }
0x614: {  	s0 =	sadd.s32 @!p0 $0x100000, s0  }
0x615: {  	[sflag:s0] =	ssyncadd.tile.s32 @!p0 $0x1;
	_ =	shalt  }
.Lfunc_end2:
_tile_overlayer_lowered:
.L_overlay_start_2:
0x616: {  	(tag) =	ssettag $0x2  }
0x617: {  	s0 =	rddreg [dreg:$0x0];
	s2 =	stileid.u32  }
0x618: {  	s1 =	rddreg [dreg:$0x1];
	p0 =	sne.s32 s2, $0x0  }
0x619: {  	s3 =	rddreg [dreg:$0x2];
	[bflag:$0x3] =	sbarrier.arrive $0xFFFF;
	s2 =	simm.s32 @!p0 $0x1C03  }
0x61a: {  	[timem:s3], [sflag:s2] =	dma.local @!p0 [hbm:s0], s1  }
0x61b: {  	s0 =	simm.s32 @!p0 $0x3  }
0x61c: {  	_ =	swait.ge @!p0 [sflag:s0], s1  }
0x61d: {  	s1 =	ssub.s32 @!p0 $0x0, s1;
	[sflag:s0] =	ssyncset.done @!p0 $0x0  }
0x61e: {  	[sflag:s0] =	ssyncadd.s32 @!p0 s1  }
0x61f: {  	[bflag:$0x3] =	sbarrier.arrive $0xFFFF  }
0x620: {  	_ =	shalt  }

</sc_bundles>
